<compile_context>
chip_gen: v7x
topology: tpu7x:2x2x1
jax: 0.10.2.dev20260603
libtpu: 0.0.44.dev20260713+nightly
codegen_flags: <defaults>
</compile_context>

<pallas_src>
import functools

import jax
import jax.numpy as jnp
from jax import lax
from jax.experimental import pallas as pl
from jax.experimental.pallas import tpu as pltpu
from jax.experimental.pallas import tpu_sc as plsc

B, C, H, W = 16, 16, 384, 384
NUM_EMB = 100000
NC, NS = 2, 16
WCHUNK = 8
CHUNK = WCHUNK * H
NCHUNKS = W // WCHUNK
BPW = B // NC


def _sc_gather_body(tblT_hbm, feat_hbm, out_hbm, tbl_v, idx0, idx1, out0,
                    out1, shared, isem0, isem1, osem0, osem1, ssem):
    cid = lax.axis_index("c")
    sid = lax.axis_index("s")
    pltpu.sync_copy(tblT_hbm.at[sid], tbl_v)

    def stage_start(bi):
        pltpu.async_copy(feat_hbm.at[cid * BPW + bi], shared.at[bi % 2], ssem)

    def stage_wait():
        pltpu.make_async_copy(feat_hbm.at[0], shared.at[0], ssem).wait()

    def idx_start(nb, w0, iv, isem):
        pltpu.async_copy(shared.at[nb, pl.ds(w0, WCHUNK)], iv, isem)

    def idx_wait(iv, isem):
        pltpu.make_async_copy(
            shared.at[0, pl.ds(0, WCHUNK)], iv, isem).wait()

    def out_start(b, w0, ov, osem):
        pltpu.async_copy(ov, out_hbm.at[b, sid, pl.ds(w0, WCHUNK)], osem)

    def out_wait(ov, osem):
        pltpu.make_async_copy(ov, out_hbm.at[0, 0, pl.ds(0, WCHUNK)], osem).wait()

    def gather(iv, ov):
        @plsc.parallel_loop(0, WCHUNK, 1, unroll=2)
        def _(w):
            @plsc.parallel_loop(0, H, 16, unroll=8)
            def _(h):
                ix = (iv[w, pl.ds(h, 16)] * float(NUM_EMB)).astype(jnp.int32)
                ov[w, pl.ds(h, 16)] = plsc.load_gather(tbl_v, [ix])

    def _stage0():
        stage_start(0)
        stage_wait()

    pl.when(sid == 0)(_stage0)

    for bi in range(BPW):
        nb = bi % 2
        b = cid * BPW + bi
        plsc.subcore_barrier()
        if bi + 1 < BPW:
            pl.when(sid == 0)(lambda: stage_start(bi + 1))
        idx_start(nb, 0, idx0, isem0)
        idx_start(nb, WCHUNK, idx1, isem1)

        def pair(p, carry):
            w0 = 2 * p * WCHUNK
            idx_wait(idx0, isem0)
            pl.when(p > 0)(lambda: out_wait(out0, osem0))
            gather(idx0, out0)
            out_start(b, w0, out0, osem0)
            pl.when(p < NCHUNKS // 2 - 1)(
                lambda: idx_start(nb, w0 + 2 * WCHUNK, idx0, isem0))

            idx_wait(idx1, isem1)
            pl.when(p > 0)(lambda: out_wait(out1, osem1))
            gather(idx1, out1)
            out_start(b, w0 + WCHUNK, out1, osem1)
            pl.when(p < NCHUNKS // 2 - 1)(
                lambda: idx_start(nb, w0 + 3 * WCHUNK, idx1, isem1))
            return carry

        lax.fori_loop(0, NCHUNKS // 2, pair, 0)
        out_wait(out0, osem0)
        out_wait(out1, osem1)
        if bi + 1 < BPW:
            pl.when(sid == 0)(stage_wait)


@functools.cache
def _build_sc_gather():
    mesh = plsc.VectorSubcoreMesh(
        core_axis_name="c", subcore_axis_name="s", num_cores=NC, num_subcores=NS
    )
    return pl.kernel(
        _sc_gather_body,
        out_type=jax.ShapeDtypeStruct((B, C, W, H), jnp.float32),
        mesh=mesh,
        scratch_types=[
            pltpu.VMEM((NUM_EMB,), jnp.float32),
            pltpu.VMEM((WCHUNK, H), jnp.float32),
            pltpu.VMEM((WCHUNK, H), jnp.float32),
            pltpu.VMEM((WCHUNK, H), jnp.float32),
            pltpu.VMEM((WCHUNK, H), jnp.float32),
            pltpu.VMEM_SHARED((2, W, H), jnp.float32),
            pltpu.SemaphoreType.DMA,
            pltpu.SemaphoreType.DMA,
            pltpu.SemaphoreType.DMA,
            pltpu.SemaphoreType.DMA,
            pltpu.SemaphoreType.DMA,
        ],
        compiler_params=pltpu.CompilerParams(
            needs_layout_passes=False, use_tc_tiling_on_sc=True
        ),
    )


def kernel(feature, table):
    featT = jnp.transpose(feature[:, 0], (0, 2, 1))
    tblT = jnp.transpose(table)
    return _build_sc_gather()(tblT, featT)

# --- scband reference (transcript-rebuilt; emitter-appended) ---
"""Pipeline reference for scband-index-embedding-64321430225508 (READ-ONLY COPY).

The authoritative reference and input builder live on the scoring server;
editing this copy changes nothing except your own understanding.
"""

import jax, jax.numpy as jnp
import numpy as np

NUM_EMBEDDING = 100000
SIZE_EMBEDDING = 16


def setup_inputs(seed: int = 0) -> dict:
    key = jax.random.key(seed)
    k1, k2 = jax.random.split(key)
    feature = jax.random.uniform(k1, (16, 1, 384, 384), dtype=jnp.float32)
    table = jax.random.normal(k2, (NUM_EMBEDDING, SIZE_EMBEDDING), dtype=jnp.float32)
    return {"feature": feature, "table": table}


def reference(feature, table):
    # torch: feature.mul(num_embeddings).long().view(1, -1).detach()
    B = feature.shape[0]
    H = feature.shape[2]
    W = feature.shape[3]
    idx = (feature * NUM_EMBEDDING).astype(jnp.int32).reshape(-1)
    # init_jet=False so no min-subtraction branch
    x = jnp.take(table, idx, axis=0)  # embedding gather
    # torch: x.view(B, H, W, -1).transpose(1, 3)
    x = x.reshape(B, H, W, -1)
    x = jnp.transpose(x, (0, 3, 2, 1))
    return x

if __name__ == "__main__":
    import jax
    _d = setup_inputs()
    print(jax.jit(kernel)(*tuple(_d.values())))

</pallas_src>

<mosaic_0001>
#map = affine_map<(d0, d1) -> (0, 0)>
#map1 = affine_map<(d0, d1) -> (0, 0, 0)>
#map2 = affine_map<(d0, d1) -> (0, 0, 0, 0)>
module attributes {stable_mosaic.version = 14 : i64} {
  func.func @_sc_gather_body(%arg0: i32, %arg1: i32, %arg2: memref<16x100000xf32, #tpu.memory_space<hbm>>, %arg3: memref<16x384x384xf32, #tpu.memory_space<hbm>>, %arg4: memref<16x16x384x384xf32, #tpu.memory_space<hbm>>, %arg5: memref<100000xf32, #tpu.memory_space<vmem>>, %arg6: memref<8x384xf32, #tpu.memory_space<vmem>>, %arg7: memref<8x384xf32, #tpu.memory_space<vmem>>, %arg8: memref<8x384xf32, #tpu.memory_space<vmem>>, %arg9: memref<8x384xf32, #tpu.memory_space<vmem>>, %arg10: memref<2x384x384xf32, #tpu.memory_space<vmem_shared>>, %arg11: memref<!tpu.dma_semaphore, #tpu.memory_space<semaphore_mem>>, %arg12: memref<!tpu.dma_semaphore, #tpu.memory_space<semaphore_mem>>, %arg13: memref<!tpu.dma_semaphore, #tpu.memory_space<semaphore_mem>>, %arg14: memref<!tpu.dma_semaphore, #tpu.memory_space<semaphore_mem>>, %arg15: memref<!tpu.dma_semaphore, #tpu.memory_space<semaphore_mem>>) attributes {dimension_semantics = [#tpu.dimension_semantics<core_parallel>, #tpu.dimension_semantics<subcore_parallel>], iteration_bounds = array<i64: 2, 16>, scalar_prefetch = 0 : i64, scratch_operands = 11 : i64, tpu.core_type = #tpu.core_type<sc_vector_subcore>, window_params = [{transform_indices = #map}, {transform_indices = #map1}, {transform_indices = #map2}]} {
    "tpu.region"() ({
      %run_scoped3A = tpu.sem_alloc : memref<!tpu.dma_semaphore, #tpu.memory_space<semaphore_mem>>
      %dma_start3A_458 = arith.constant 0 : i32
      %dma_start3A_459 = tpu.memref_slice %arg2[%arg1, %dma_start3A_458] : memref<16x100000xf32, #tpu.memory_space<hbm>> -> memref<1x100000xf32, #tpu.memory_space<hbm>>
      %dma_start3A_460 = tpu.memref_squeeze %dma_start3A_459 : memref<1x100000xf32, #tpu.memory_space<hbm>> -> memref<100000xf32, #tpu.memory_space<hbm>>
      %dma_start3A_461 = arith.constant 0 : i32
      %dma_start3A_462 = tpu.memref_slice %arg2[%arg1, %dma_start3A_461] : memref<16x100000xf32, #tpu.memory_space<hbm>> -> memref<1x100000xf32, #tpu.memory_space<hbm>>
      %dma_start3A_463 = tpu.memref_squeeze %dma_start3A_462 : memref<1x100000xf32, #tpu.memory_space<hbm>> -> memref<100000xf32, #tpu.memory_space<hbm>>
      tpu.enqueue_dma source(%dma_start3A_463 : memref<100000xf32, #tpu.memory_space<hbm>>) target(%arg5 : memref<100000xf32, #tpu.memory_space<vmem>>) target_semaphore(%run_scoped3A : memref<!tpu.dma_semaphore, #tpu.memory_space<semaphore_mem>>)
      %dma_wait3A_464 = arith.constant 0 : i32
      %dma_wait3A_465 = tpu.memref_slice %arg2[%arg1, %dma_wait3A_464] : memref<16x100000xf32, #tpu.memory_space<hbm>> -> memref<1x100000xf32, #tpu.memory_space<hbm>>
      %dma_wait3A_466 = tpu.memref_squeeze %dma_wait3A_465 : memref<1x100000xf32, #tpu.memory_space<hbm>> -> memref<100000xf32, #tpu.memory_space<hbm>>
      %dma_wait3A_467 = arith.constant 0 : i32
      %dma_wait3A_468 = tpu.memref_slice %arg2[%arg1, %dma_wait3A_467] : memref<16x100000xf32, #tpu.memory_space<hbm>> -> memref<1x100000xf32, #tpu.memory_space<hbm>>
      %dma_wait3A_469 = tpu.memref_squeeze %dma_wait3A_468 : memref<1x100000xf32, #tpu.memory_space<hbm>> -> memref<100000xf32, #tpu.memory_space<hbm>>
      tpu.wait_dma2 semaphore(%run_scoped3A : memref<!tpu.dma_semaphore, #tpu.memory_space<semaphore_mem>>) src(%dma_wait3A_469 : memref<100000xf32, #tpu.memory_space<hbm>>) dst(%arg5 : memref<100000xf32, #tpu.memory_space<vmem>>)
      tpu.yield
    }) : () -> ()
    %eq3A = arith.constant 0 : i32
    %eq3A_0 = arith.cmpi eq, %arg1, %eq3A : i32
    %convert_element_type3A = arith.extui %eq3A_0 : i1 to i32
    %cond3A = arith.constant 0 : i32
    %cond3A_1 = arith.cmpi ne, %convert_element_type3A, %cond3A : i32
    scf.if %cond3A_1 {
      %mul3A_458 = arith.constant 8 : i32
      %mul3A_459 = arith.muli %arg0, %mul3A_458 : i32
      %add3A_460 = arith.constant 0 : i32
      %add3A_461 = arith.addi %mul3A_459, %add3A_460 : i32
      %dma_start3A_462 = arith.constant 0 : i32
      %dma_start3A_463 = arith.constant 0 : i32
      %dma_start3A_464 = arith.constant 0 : i32
      %dma_start3A_465 = tpu.memref_slice %arg10[%dma_start3A_462, %dma_start3A_463, %dma_start3A_464] : memref<2x384x384xf32, #tpu.memory_space<vmem_shared>> -> memref<1x384x384xf32, #tpu.memory_space<vmem_shared>>
      %dma_start3A_466 = tpu.memref_squeeze %dma_start3A_465 : memref<1x384x384xf32, #tpu.memory_space<vmem_shared>> -> memref<384x384xf32, #tpu.memory_space<vmem_shared>>
      %dma_start3A_467 = arith.constant 0 : i32
      %dma_start3A_468 = arith.constant 0 : i32
      %dma_start3A_469 = tpu.memref_slice %arg3[%add3A_461, %dma_start3A_467, %dma_start3A_468] : memref<16x384x384xf32, #tpu.memory_space<hbm>> -> memref<1x384x384xf32, #tpu.memory_space<hbm>>
      %dma_start3A_470 = tpu.memref_squeeze %dma_start3A_469 : memref<1x384x384xf32, #tpu.memory_space<hbm>> -> memref<384x384xf32, #tpu.memory_space<hbm>>
      tpu.enqueue_dma source(%dma_start3A_470 : memref<384x384xf32, #tpu.memory_space<hbm>>) target(%dma_start3A_466 : memref<384x384xf32, #tpu.memory_space<vmem_shared>>) target_semaphore(%arg15 : memref<!tpu.dma_semaphore, #tpu.memory_space<semaphore_mem>>)
      %dma_wait3A_471 = arith.constant 0 : i32
      %dma_wait3A_472 = arith.constant 0 : i32
      %dma_wait3A_473 = arith.constant 0 : i32
      %dma_wait3A_474 = arith.constant 0 : i32
      %dma_wait3A_475 = tpu.memref_slice %arg10[%dma_wait3A_472, %dma_wait3A_473, %dma_wait3A_474] : memref<2x384x384xf32, #tpu.memory_space<vmem_shared>> -> memref<1x384x384xf32, #tpu.memory_space<vmem_shared>>
      %dma_wait3A_476 = tpu.memref_squeeze %dma_wait3A_475 : memref<1x384x384xf32, #tpu.memory_space<vmem_shared>> -> memref<384x384xf32, #tpu.memory_space<vmem_shared>>
      %dma_wait3A_477 = arith.constant 0 : i32
      %dma_wait3A_478 = arith.constant 0 : i32
      %dma_wait3A_479 = tpu.memref_slice %arg3[%dma_wait3A_471, %dma_wait3A_477, %dma_wait3A_478] : memref<16x384x384xf32, #tpu.memory_space<hbm>> -> memref<1x384x384xf32, #tpu.memory_space<hbm>>
      %dma_wait3A_480 = tpu.memref_squeeze %dma_wait3A_479 : memref<1x384x384xf32, #tpu.memory_space<hbm>> -> memref<384x384xf32, #tpu.memory_space<hbm>>
      tpu.wait_dma2 semaphore(%arg15 : memref<!tpu.dma_semaphore, #tpu.memory_space<semaphore_mem>>) src(%dma_wait3A_480 : memref<384x384xf32, #tpu.memory_space<hbm>>) dst(%dma_wait3A_476 : memref<384x384xf32, #tpu.memory_space<vmem_shared>>)
    } else {
    }
    %mul3A = arith.constant 8 : i32
    %mul3A_2 = arith.muli %arg0, %mul3A : i32
    %add3A = arith.constant 0 : i32
    %add3A_3 = arith.addi %mul3A_2, %add3A : i32
    %barrier3A = arith.constant 0 : index
    tpu.barrier barrier_id(%barrier3A)
    %eq3A_4 = arith.constant 0 : i32
    %eq3A_5 = arith.cmpi eq, %arg1, %eq3A_4 : i32
    %convert_element_type3A_6 = arith.extui %eq3A_5 : i1 to i32
    %cond3A_7 = arith.constant 0 : i32
    %cond3A_8 = arith.cmpi ne, %convert_element_type3A_6, %cond3A_7 : i32
    scf.if %cond3A_8 {
      %mul3A_458 = arith.constant 8 : i32
      %mul3A_459 = arith.muli %arg0, %mul3A_458 : i32
      %add3A_460 = arith.constant 1 : i32
      %add3A_461 = arith.addi %mul3A_459, %add3A_460 : i32
      %dma_start3A_462 = arith.constant 1 : i32
      %dma_start3A_463 = arith.constant 0 : i32
      %dma_start3A_464 = arith.constant 0 : i32
      %dma_start3A_465 = tpu.memref_slice %arg10[%dma_start3A_462, %dma_start3A_463, %dma_start3A_464] : memref<2x384x384xf32, #tpu.memory_space<vmem_shared>> -> memref<1x384x384xf32, #tpu.memory_space<vmem_shared>>
      %dma_start3A_466 = tpu.memref_squeeze %dma_start3A_465 : memref<1x384x384xf32, #tpu.memory_space<vmem_shared>> -> memref<384x384xf32, #tpu.memory_space<vmem_shared>>
      %dma_start3A_467 = arith.constant 0 : i32
      %dma_start3A_468 = arith.constant 0 : i32
      %dma_start3A_469 = tpu.memref_slice %arg3[%add3A_461, %dma_start3A_467, %dma_start3A_468] : memref<16x384x384xf32, #tpu.memory_space<hbm>> -> memref<1x384x384xf32, #tpu.memory_space<hbm>>
      %dma_start3A_470 = tpu.memref_squeeze %dma_start3A_469 : memref<1x384x384xf32, #tpu.memory_space<hbm>> -> memref<384x384xf32, #tpu.memory_space<hbm>>
      tpu.enqueue_dma source(%dma_start3A_470 : memref<384x384xf32, #tpu.memory_space<hbm>>) target(%dma_start3A_466 : memref<384x384xf32, #tpu.memory_space<vmem_shared>>) target_semaphore(%arg15 : memref<!tpu.dma_semaphore, #tpu.memory_space<semaphore_mem>>)
    } else {
    }
    %dma_start3A = arith.constant 0 : i32
    %dma_start3A_9 = arith.constant 0 : i32
    %dma_start3A_10 = arith.constant 0 : i32
    %dma_start3A_11 = tpu.memref_slice %arg10[%dma_start3A, %dma_start3A_9, %dma_start3A_10] : memref<2x384x384xf32, #tpu.memory_space<vmem_shared>> -> memref<1x8x384xf32, #tpu.memory_space<vmem_shared>>
    %dma_start3A_12 = tpu.memref_squeeze %dma_start3A_11 : memref<1x8x384xf32, #tpu.memory_space<vmem_shared>> -> memref<8x384xf32, #tpu.memory_space<vmem_shared>>
    %dma_start3A_13 = arith.constant 0 : i32
    %dma_start3A_14 = arith.constant 0 : i32
    %dma_start3A_15 = tpu.memref_slice %arg10[%dma_start3A, %dma_start3A_13, %dma_start3A_14] : memref<2x384x384xf32, #tpu.memory_space<vmem_shared>> -> memref<1x8x384xf32, #tpu.memory_space<vmem_shared>>
    %dma_start3A_16 = tpu.memref_squeeze %dma_start3A_15 : memref<1x8x384xf32, #tpu.memory_space<vmem_shared>> -> memref<8x384xf32, #tpu.memory_space<vmem_shared>>
    tpu.enqueue_dma source(%dma_start3A_16 : memref<8x384xf32, #tpu.memory_space<vmem_shared>>) target(%arg6 : memref<8x384xf32, #tpu.memory_space<vmem>>) target_semaphore(%arg11 : memref<!tpu.dma_semaphore, #tpu.memory_space<semaphore_mem>>)
    %dma_start3A_17 = arith.constant 0 : i32
    %dma_start3A_18 = arith.constant 8 : i32
    %dma_start3A_19 = arith.constant 0 : i32
    %dma_start3A_20 = tpu.memref_slice %arg10[%dma_start3A_17, %dma_start3A_18, %dma_start3A_19] : memref<2x384x384xf32, #tpu.memory_space<vmem_shared>> -> memref<1x8x384xf32, #tpu.memory_space<vmem_shared>>
    %dma_start3A_21 = tpu.memref_squeeze %dma_start3A_20 : memref<1x8x384xf32, #tpu.memory_space<vmem_shared>> -> memref<8x384xf32, #tpu.memory_space<vmem_shared>>
    %dma_start3A_22 = arith.constant 8 : i32
    %dma_start3A_23 = arith.constant 0 : i32
    %dma_start3A_24 = tpu.memref_slice %arg10[%dma_start3A_17, %dma_start3A_22, %dma_start3A_23] : memref<2x384x384xf32, #tpu.memory_space<vmem_shared>> -> memref<1x8x384xf32, #tpu.memory_space<vmem_shared>>
    %dma_start3A_25 = tpu.memref_squeeze %dma_start3A_24 : memref<1x8x384xf32, #tpu.memory_space<vmem_shared>> -> memref<8x384xf32, #tpu.memory_space<vmem_shared>>
    tpu.enqueue_dma source(%dma_start3A_25 : memref<8x384xf32, #tpu.memory_space<vmem_shared>>) target(%arg7 : memref<8x384xf32, #tpu.memory_space<vmem>>) target_semaphore(%arg12 : memref<!tpu.dma_semaphore, #tpu.memory_space<semaphore_mem>>)
    %scan3A = arith.constant 0 : i32
    %scan3A_26 = arith.constant 0 : i32
    %scan3A_27 = arith.constant 24 : i32
    %scan3A_28 = arith.addi %scan3A_26, %scan3A_27 : i32
    %scan3A_29 = arith.constant 1 : i32
    scf.for %scan3A_458 = %scan3A_26 to %scan3A_28 step %scan3A_29  : i32 {
      %mul3A_459 = arith.constant 2 : i32
      %mul3A_460 = arith.muli %mul3A_459, %scan3A_458 : i32
      %mul3A_461 = arith.constant 8 : i32
      %mul3A_462 = arith.muli %mul3A_460, %mul3A_461 : i32
      %dma_wait3A_463 = arith.constant 0 : i32
      %dma_wait3A_464 = arith.constant 0 : i32
      %dma_wait3A_465 = arith.constant 0 : i32
      %dma_wait3A_466 = tpu.memref_slice %arg10[%dma_wait3A_463, %dma_wait3A_464, %dma_wait3A_465] : memref<2x384x384xf32, #tpu.memory_space<vmem_shared>> -> memref<1x8x384xf32, #tpu.memory_space<vmem_shared>>
      %dma_wait3A_467 = tpu.memref_squeeze %dma_wait3A_466 : memref<1x8x384xf32, #tpu.memory_space<vmem_shared>> -> memref<8x384xf32, #tpu.memory_space<vmem_shared>>
      %dma_wait3A_468 = arith.constant 0 : i32
      %dma_wait3A_469 = arith.constant 0 : i32
      %dma_wait3A_470 = tpu.memref_slice %arg10[%dma_wait3A_463, %dma_wait3A_468, %dma_wait3A_469] : memref<2x384x384xf32, #tpu.memory_space<vmem_shared>> -> memref<1x8x384xf32, #tpu.memory_space<vmem_shared>>
      %dma_wait3A_471 = tpu.memref_squeeze %dma_wait3A_470 : memref<1x8x384xf32, #tpu.memory_space<vmem_shared>> -> memref<8x384xf32, #tpu.memory_space<vmem_shared>>
      tpu.wait_dma2 semaphore(%arg11 : memref<!tpu.dma_semaphore, #tpu.memory_space<semaphore_mem>>) src(%dma_wait3A_471 : memref<8x384xf32, #tpu.memory_space<vmem_shared>>) dst(%arg6 : memref<8x384xf32, #tpu.memory_space<vmem>>)
      %gt3A = arith.constant 0 : i32
      %gt3A_472 = arith.cmpi sgt, %scan3A_458, %gt3A : i32
      %convert_element_type3A_473 = arith.extui %gt3A_472 : i1 to i32
      %cond3A_474 = arith.constant 0 : i32
      %cond3A_475 = arith.cmpi ne, %convert_element_type3A_473, %cond3A_474 : i32
      scf.if %cond3A_475 {
        %dma_wait3A_518 = arith.constant 0 : i32
        %dma_wait3A_519 = arith.constant 0 : i32
        %dma_wait3A_520 = arith.constant 0 : i32
        %dma_wait3A_521 = arith.constant 0 : i32
        %dma_wait3A_522 = tpu.memref_slice %arg4[%dma_wait3A_518, %dma_wait3A_519, %dma_wait3A_520, %dma_wait3A_521] : memref<16x16x384x384xf32, #tpu.memory_space<hbm>> -> memref<1x1x8x384xf32, #tpu.memory_space<hbm>>
        %dma_wait3A_523 = tpu.memref_squeeze %dma_wait3A_522 : memref<1x1x8x384xf32, #tpu.memory_space<hbm>> -> memref<8x384xf32, #tpu.memory_space<hbm>>
        %dma_wait3A_524 = arith.constant 0 : i32
        %dma_wait3A_525 = arith.constant 0 : i32
        %dma_wait3A_526 = tpu.memref_slice %arg4[%dma_wait3A_518, %dma_wait3A_519, %dma_wait3A_524, %dma_wait3A_525] : memref<16x16x384x384xf32, #tpu.memory_space<hbm>> -> memref<1x1x8x384xf32, #tpu.memory_space<hbm>>
        %dma_wait3A_527 = tpu.memref_squeeze %dma_wait3A_526 : memref<1x1x8x384xf32, #tpu.memory_space<hbm>> -> memref<8x384xf32, #tpu.memory_space<hbm>>
        tpu.wait_dma2 semaphore(%arg13 : memref<!tpu.dma_semaphore, #tpu.memory_space<semaphore_mem>>) src(%arg8 : memref<8x384xf32, #tpu.memory_space<vmem>>) dst(%dma_wait3A_527 : memref<8x384xf32, #tpu.memory_space<hbm>>)
      } else {
      }
      %parallel_loop3A = arith.constant 0 : i32
      %parallel_loop3A_476 = arith.constant 8 : i32
      %parallel_loop3A_477 = arith.constant 1 : i32
      scf.for %parallel_loop3A_518 = %parallel_loop3A to %parallel_loop3A_476 step %parallel_loop3A_477  : i32 {
        %parallel_loop3A_519 = arith.constant 0 : i32
        %parallel_loop3A_520 = arith.constant 384 : i32
        %parallel_loop3A_521 = arith.constant 16 : i32
        scf.for %parallel_loop3A_522 = %parallel_loop3A_519 to %parallel_loop3A_520 step %parallel_loop3A_521  : i32 {
          %parallel_loop3A_523 = arith.index_cast %parallel_loop3A_518 : i32 to index
          %parallel_loop3A_524 = arith.index_cast %parallel_loop3A_522 : i32 to index
          %parallel_loop3A_525 = tpu.vector_load %arg6[%parallel_loop3A_523, %parallel_loop3A_524] {strides = array<i32>} : memref<8x384xf32, #tpu.memory_space<vmem>>, vector<16xf32>,
          %parallel_loop3A_526 = arith.constant 1.000000e+05 : f32
          %parallel_loop3A_527 = vector.broadcast %parallel_loop3A_526 : f32 to vector<16xf32>
          %parallel_loop3A_528 = arith.mulf %parallel_loop3A_525, %parallel_loop3A_527 : vector<16xf32>
          %parallel_loop3A_529 = arith.fptosi %parallel_loop3A_528 : vector<16xf32> to vector<16xi32>
          %parallel_loop3A_530 = tpu.vector_load_idx %arg5[%parallel_loop3A_529] : memref<100000xf32, #tpu.memory_space<vmem>>[vector<16xi32>], vector<16xf32>,
          %parallel_loop3A_531 = arith.index_cast %parallel_loop3A_518 : i32 to index
          %parallel_loop3A_532 = arith.index_cast %parallel_loop3A_522 : i32 to index
          %parallel_loop3A_533 = tpu.vector_load %arg8[%parallel_loop3A_531, %parallel_loop3A_532] {strides = array<i32>} : memref<8x384xf32, #tpu.memory_space<vmem>>, vector<16xf32>,
          tpu.vector_store %arg8[%parallel_loop3A_531, %parallel_loop3A_532], %parallel_loop3A_530 {strides = array<i32>} : memref<8x384xf32, #tpu.memory_space<vmem>>, vector<16xf32>,
        } {sc.loop_unroll_factor = 8 : i64, sc.parallel_access}
      } {sc.loop_unroll_factor = 2 : i64, sc.parallel_access}
      %dma_start3A_478 = arith.constant 0 : i32
      %dma_start3A_479 = tpu.memref_slice %arg4[%add3A_3, %arg1, %mul3A_462, %dma_start3A_478] : memref<16x16x384x384xf32, #tpu.memory_space<hbm>> -> memref<1x1x8x384xf32, #tpu.memory_space<hbm>>
      %dma_start3A_480 = tpu.memref_squeeze %dma_start3A_479 : memref<1x1x8x384xf32, #tpu.memory_space<hbm>> -> memref<8x384xf32, #tpu.memory_space<hbm>>
      %dma_start3A_481 = arith.constant 0 : i32
      %dma_start3A_482 = tpu.memref_slice %arg4[%add3A_3, %arg1, %mul3A_462, %dma_start3A_481] : memref<16x16x384x384xf32, #tpu.memory_space<hbm>> -> memref<1x1x8x384xf32, #tpu.memory_space<hbm>>
      %dma_start3A_483 = tpu.memref_squeeze %dma_start3A_482 : memref<1x1x8x384xf32, #tpu.memory_space<hbm>> -> memref<8x384xf32, #tpu.memory_space<hbm>>
      tpu.enqueue_dma source(%arg8 : memref<8x384xf32, #tpu.memory_space<vmem>>) target(%dma_start3A_483 : memref<8x384xf32, #tpu.memory_space<hbm>>) target_semaphore(%arg13 : memref<!tpu.dma_semaphore, #tpu.memory_space<semaphore_mem>>)
      %lt3A = arith.constant 23 : i32
      %lt3A_484 = arith.cmpi slt, %scan3A_458, %lt3A : i32
      %convert_element_type3A_485 = arith.extui %lt3A_484 : i1 to i32
      %cond3A_486 = arith.constant 0 : i32
      %cond3A_487 = arith.cmpi ne, %convert_element_type3A_485, %cond3A_486 : i32
      scf.if %cond3A_487 {
        %add3A_518 = arith.constant 16 : i32
        %add3A_519 = arith.addi %mul3A_462, %add3A_518 : i32
        %dma_start3A_520 = arith.constant 0 : i32
        %dma_start3A_521 = arith.constant 0 : i32
        %dma_start3A_522 = tpu.memref_slice %arg10[%dma_start3A_520, %add3A_519, %dma_start3A_521] : memref<2x384x384xf32, #tpu.memory_space<vmem_shared>> -> memref<1x8x384xf32, #tpu.memory_space<vmem_shared>>
        %dma_start3A_523 = tpu.memref_squeeze %dma_start3A_522 : memref<1x8x384xf32, #tpu.memory_space<vmem_shared>> -> memref<8x384xf32, #tpu.memory_space<vmem_shared>>
        %dma_start3A_524 = arith.constant 0 : i32
        %dma_start3A_525 = tpu.memref_slice %arg10[%dma_start3A_520, %add3A_519, %dma_start3A_524] : memref<2x384x384xf32, #tpu.memory_space<vmem_shared>> -> memref<1x8x384xf32, #tpu.memory_space<vmem_shared>>
        %dma_start3A_526 = tpu.memref_squeeze %dma_start3A_525 : memref<1x8x384xf32, #tpu.memory_space<vmem_shared>> -> memref<8x384xf32, #tpu.memory_space<vmem_shared>>
        tpu.enqueue_dma source(%dma_start3A_526 : memref<8x384xf32, #tpu.memory_space<vmem_shared>>) target(%arg6 : memref<8x384xf32, #tpu.memory_space<vmem>>) target_semaphore(%arg11 : memref<!tpu.dma_semaphore, #tpu.memory_space<semaphore_mem>>)
      } else {
      }
      %dma_wait3A_488 = arith.constant 0 : i32
      %dma_wait3A_489 = arith.constant 0 : i32
      %dma_wait3A_490 = arith.constant 0 : i32
      %dma_wait3A_491 = tpu.memref_slice %arg10[%dma_wait3A_488, %dma_wait3A_489, %dma_wait3A_490] : memref<2x384x384xf32, #tpu.memory_space<vmem_shared>> -> memref<1x8x384xf32, #tpu.memory_space<vmem_shared>>
      %dma_wait3A_492 = tpu.memref_squeeze %dma_wait3A_491 : memref<1x8x384xf32, #tpu.memory_space<vmem_shared>> -> memref<8x384xf32, #tpu.memory_space<vmem_shared>>
      %dma_wait3A_493 = arith.constant 0 : i32
      %dma_wait3A_494 = arith.constant 0 : i32
      %dma_wait3A_495 = tpu.memref_slice %arg10[%dma_wait3A_488, %dma_wait3A_493, %dma_wait3A_494] : memref<2x384x384xf32, #tpu.memory_space<vmem_shared>> -> memref<1x8x384xf32, #tpu.memory_space<vmem_shared>>
      %dma_wait3A_496 = tpu.memref_squeeze %dma_wait3A_495 : memref<1x8x384xf32, #tpu.memory_space<vmem_shared>> -> memref<8x384xf32, #tpu.memory_space<vmem_shared>>
      tpu.wait_dma2 semaphore(%arg12 : memref<!tpu.dma_semaphore, #tpu.memory_space<semaphore_mem>>) src(%dma_wait3A_496 : memref<8x384xf32, #tpu.memory_space<vmem_shared>>) dst(%arg7 : memref<8x384xf32, #tpu.memory_space<vmem>>)
      %gt3A_497 = arith.constant 0 : i32
      %gt3A_498 = arith.cmpi sgt, %scan3A_458, %gt3A_497 : i32
      %convert_element_type3A_499 = arith.extui %gt3A_498 : i1 to i32
      %cond3A_500 = arith.constant 0 : i32
      %cond3A_501 = arith.cmpi ne, %convert_element_type3A_499, %cond3A_500 : i32
      scf.if %cond3A_501 {
        %dma_wait3A_518 = arith.constant 0 : i32
        %dma_wait3A_519 = arith.constant 0 : i32
        %dma_wait3A_520 = arith.constant 0 : i32
        %dma_wait3A_521 = arith.constant 0 : i32
        %dma_wait3A_522 = tpu.memref_slice %arg4[%dma_wait3A_518, %dma_wait3A_519, %dma_wait3A_520, %dma_wait3A_521] : memref<16x16x384x384xf32, #tpu.memory_space<hbm>> -> memref<1x1x8x384xf32, #tpu.memory_space<hbm>>
        %dma_wait3A_523 = tpu.memref_squeeze %dma_wait3A_522 : memref<1x1x8x384xf32, #tpu.memory_space<hbm>> -> memref<8x384xf32, #tpu.memory_space<hbm>>
        %dma_wait3A_524 = arith.constant 0 : i32
        %dma_wait3A_525 = arith.constant 0 : i32
        %dma_wait3A_526 = tpu.memref_slice %arg4[%dma_wait3A_518, %dma_wait3A_519, %dma_wait3A_524, %dma_wait3A_525] : memref<16x16x384x384xf32, #tpu.memory_space<hbm>> -> memref<1x1x8x384xf32, #tpu.memory_space<hbm>>
        %dma_wait3A_527 = tpu.memref_squeeze %dma_wait3A_526 : memref<1x1x8x384xf32, #tpu.memory_space<hbm>> -> memref<8x384xf32, #tpu.memory_space<hbm>>
        tpu.wait_dma2 semaphore(%arg14 : memref<!tpu.dma_semaphore, #tpu.memory_space<semaphore_mem>>) src(%arg9 : memref<8x384xf32, #tpu.memory_space<vmem>>) dst(%dma_wait3A_527 : memref<8x384xf32, #tpu.memory_space<hbm>>)
      } else {
      }
      %parallel_loop3A_502 = arith.constant 0 : i32
      %parallel_loop3A_503 = arith.constant 8 : i32
      %parallel_loop3A_504 = arith.constant 1 : i32
      scf.for %parallel_loop3A_518 = %parallel_loop3A_502 to %parallel_loop3A_503 step %parallel_loop3A_504  : i32 {
        %parallel_loop3A_519 = arith.constant 0 : i32
        %parallel_loop3A_520 = arith.constant 384 : i32
        %parallel_loop3A_521 = arith.constant 16 : i32
        scf.for %parallel_loop3A_522 = %parallel_loop3A_519 to %parallel_loop3A_520 step %parallel_loop3A_521  : i32 {
          %parallel_loop3A_523 = arith.index_cast %parallel_loop3A_518 : i32 to index
          %parallel_loop3A_524 = arith.index_cast %parallel_loop3A_522 : i32 to index
          %parallel_loop3A_525 = tpu.vector_load %arg7[%parallel_loop3A_523, %parallel_loop3A_524] {strides = array<i32>} : memref<8x384xf32, #tpu.memory_space<vmem>>, vector<16xf32>,
          %parallel_loop3A_526 = arith.constant 1.000000e+05 : f32
          %parallel_loop3A_527 = vector.broadcast %parallel_loop3A_526 : f32 to vector<16xf32>
          %parallel_loop3A_528 = arith.mulf %parallel_loop3A_525, %parallel_loop3A_527 : vector<16xf32>
          %parallel_loop3A_529 = arith.fptosi %parallel_loop3A_528 : vector<16xf32> to vector<16xi32>
          %parallel_loop3A_530 = tpu.vector_load_idx %arg5[%parallel_loop3A_529] : memref<100000xf32, #tpu.memory_space<vmem>>[vector<16xi32>], vector<16xf32>,
          %parallel_loop3A_531 = arith.index_cast %parallel_loop3A_518 : i32 to index
          %parallel_loop3A_532 = arith.index_cast %parallel_loop3A_522 : i32 to index
          %parallel_loop3A_533 = tpu.vector_load %arg9[%parallel_loop3A_531, %parallel_loop3A_532] {strides = array<i32>} : memref<8x384xf32, #tpu.memory_space<vmem>>, vector<16xf32>,
          tpu.vector_store %arg9[%parallel_loop3A_531, %parallel_loop3A_532], %parallel_loop3A_530 {strides = array<i32>} : memref<8x384xf32, #tpu.memory_space<vmem>>, vector<16xf32>,
        } {sc.loop_unroll_factor = 8 : i64, sc.parallel_access}
      } {sc.loop_unroll_factor = 2 : i64, sc.parallel_access}
      %add3A_505 = arith.constant 8 : i32
      %add3A_506 = arith.addi %mul3A_462, %add3A_505 : i32
      %dma_start3A_507 = arith.constant 0 : i32
      %dma_start3A_508 = tpu.memref_slice %arg4[%add3A_3, %arg1, %add3A_506, %dma_start3A_507] : memref<16x16x384x384xf32, #tpu.memory_space<hbm>> -> memref<1x1x8x384xf32, #tpu.memory_space<hbm>>
      %dma_start3A_509 = tpu.memref_squeeze %dma_start3A_508 : memref<1x1x8x384xf32, #tpu.memory_space<hbm>> -> memref<8x384xf32, #tpu.memory_space<hbm>>
      %dma_start3A_510 = arith.constant 0 : i32
      %dma_start3A_511 = tpu.memref_slice %arg4[%add3A_3, %arg1, %add3A_506, %dma_start3A_510] : memref<16x16x384x384xf32, #tpu.memory_space<hbm>> -> memref<1x1x8x384xf32, #tpu.memory_space<hbm>>
      %dma_start3A_512 = tpu.memref_squeeze %dma_start3A_511 : memref<1x1x8x384xf32, #tpu.memory_space<hbm>> -> memref<8x384xf32, #tpu.memory_space<hbm>>
      tpu.enqueue_dma source(%arg9 : memref<8x384xf32, #tpu.memory_space<vmem>>) target(%dma_start3A_512 : memref<8x384xf32, #tpu.memory_space<hbm>>) target_semaphore(%arg14 : memref<!tpu.dma_semaphore, #tpu.memory_space<semaphore_mem>>)
      %lt3A_513 = arith.constant 23 : i32
      %lt3A_514 = arith.cmpi slt, %scan3A_458, %lt3A_513 : i32
      %convert_element_type3A_515 = arith.extui %lt3A_514 : i1 to i32
      %cond3A_516 = arith.constant 0 : i32
      %cond3A_517 = arith.cmpi ne, %convert_element_type3A_515, %cond3A_516 : i32
      scf.if %cond3A_517 {
        %add3A_518 = arith.constant 24 : i32
        %add3A_519 = arith.addi %mul3A_462, %add3A_518 : i32
        %dma_start3A_520 = arith.constant 0 : i32
        %dma_start3A_521 = arith.constant 0 : i32
        %dma_start3A_522 = tpu.memref_slice %arg10[%dma_start3A_520, %add3A_519, %dma_start3A_521] : memref<2x384x384xf32, #tpu.memory_space<vmem_shared>> -> memref<1x8x384xf32, #tpu.memory_space<vmem_shared>>
        %dma_start3A_523 = tpu.memref_squeeze %dma_start3A_522 : memref<1x8x384xf32, #tpu.memory_space<vmem_shared>> -> memref<8x384xf32, #tpu.memory_space<vmem_shared>>
        %dma_start3A_524 = arith.constant 0 : i32
        %dma_start3A_525 = tpu.memref_slice %arg10[%dma_start3A_520, %add3A_519, %dma_start3A_524] : memref<2x384x384xf32, #tpu.memory_space<vmem_shared>> -> memref<1x8x384xf32, #tpu.memory_space<vmem_shared>>
        %dma_start3A_526 = tpu.memref_squeeze %dma_start3A_525 : memref<1x8x384xf32, #tpu.memory_space<vmem_shared>> -> memref<8x384xf32, #tpu.memory_space<vmem_shared>>
        tpu.enqueue_dma source(%dma_start3A_526 : memref<8x384xf32, #tpu.memory_space<vmem_shared>>) target(%arg7 : memref<8x384xf32, #tpu.memory_space<vmem>>) target_semaphore(%arg12 : memref<!tpu.dma_semaphore, #tpu.memory_space<semaphore_mem>>)
      } else {
      }
    }
    %scan3A_30 = arith.constant 24 : i32
    %dma_wait3A = arith.constant 0 : i32
    %dma_wait3A_31 = arith.constant 0 : i32
    %dma_wait3A_32 = arith.constant 0 : i32
    %dma_wait3A_33 = arith.constant 0 : i32
    %dma_wait3A_34 = tpu.memref_slice %arg4[%dma_wait3A, %dma_wait3A_31, %dma_wait3A_32, %dma_wait3A_33] : memref<16x16x384x384xf32, #tpu.memory_space<hbm>> -> memref<1x1x8x384xf32, #tpu.memory_space<hbm>>
    %dma_wait3A_35 = tpu.memref_squeeze %dma_wait3A_34 : memref<1x1x8x384xf32, #tpu.memory_space<hbm>> -> memref<8x384xf32, #tpu.memory_space<hbm>>
    %dma_wait3A_36 = arith.constant 0 : i32
    %dma_wait3A_37 = arith.constant 0 : i32
    %dma_wait3A_38 = tpu.memref_slice %arg4[%dma_wait3A, %dma_wait3A_31, %dma_wait3A_36, %dma_wait3A_37] : memref<16x16x384x384xf32, #tpu.memory_space<hbm>> -> memref<1x1x8x384xf32, #tpu.memory_space<hbm>>
    %dma_wait3A_39 = tpu.memref_squeeze %dma_wait3A_38 : memref<1x1x8x384xf32, #tpu.memory_space<hbm>> -> memref<8x384xf32, #tpu.memory_space<hbm>>
    tpu.wait_dma2 semaphore(%arg13 : memref<!tpu.dma_semaphore, #tpu.memory_space<semaphore_mem>>) src(%arg8 : memref<8x384xf32, #tpu.memory_space<vmem>>) dst(%dma_wait3A_39 : memref<8x384xf32, #tpu.memory_space<hbm>>)
    %dma_wait3A_40 = arith.constant 0 : i32
    %dma_wait3A_41 = arith.constant 0 : i32
    %dma_wait3A_42 = arith.constant 0 : i32
    %dma_wait3A_43 = arith.constant 0 : i32
    %dma_wait3A_44 = tpu.memref_slice %arg4[%dma_wait3A_40, %dma_wait3A_41, %dma_wait3A_42, %dma_wait3A_43] : memref<16x16x384x384xf32, #tpu.memory_space<hbm>> -> memref<1x1x8x384xf32, #tpu.memory_space<hbm>>
    %dma_wait3A_45 = tpu.memref_squeeze %dma_wait3A_44 : memref<1x1x8x384xf32, #tpu.memory_space<hbm>> -> memref<8x384xf32, #tpu.memory_space<hbm>>
    %dma_wait3A_46 = arith.constant 0 : i32
    %dma_wait3A_47 = arith.constant 0 : i32
    %dma_wait3A_48 = tpu.memref_slice %arg4[%dma_wait3A_40, %dma_wait3A_41, %dma_wait3A_46, %dma_wait3A_47] : memref<16x16x384x384xf32, #tpu.memory_space<hbm>> -> memref<1x1x8x384xf32, #tpu.memory_space<hbm>>
    %dma_wait3A_49 = tpu.memref_squeeze %dma_wait3A_48 : memref<1x1x8x384xf32, #tpu.memory_space<hbm>> -> memref<8x384xf32, #tpu.memory_space<hbm>>
    tpu.wait_dma2 semaphore(%arg14 : memref<!tpu.dma_semaphore, #tpu.memory_space<semaphore_mem>>) src(%arg9 : memref<8x384xf32, #tpu.memory_space<vmem>>) dst(%dma_wait3A_49 : memref<8x384xf32, #tpu.memory_space<hbm>>)
    %eq3A_50 = arith.constant 0 : i32
    %eq3A_51 = arith.cmpi eq, %arg1, %eq3A_50 : i32
    %convert_element_type3A_52 = arith.extui %eq3A_51 : i1 to i32
    %cond3A_53 = arith.constant 0 : i32
    %cond3A_54 = arith.cmpi ne, %convert_element_type3A_52, %cond3A_53 : i32
    scf.if %cond3A_54 {
      %dma_wait3A_458 = arith.constant 0 : i32
      %dma_wait3A_459 = arith.constant 0 : i32
      %dma_wait3A_460 = arith.constant 0 : i32
      %dma_wait3A_461 = arith.constant 0 : i32
      %dma_wait3A_462 = tpu.memref_slice %arg10[%dma_wait3A_459, %dma_wait3A_460, %dma_wait3A_461] : memref<2x384x384xf32, #tpu.memory_space<vmem_shared>> -> memref<1x384x384xf32, #tpu.memory_space<vmem_shared>>
      %dma_wait3A_463 = tpu.memref_squeeze %dma_wait3A_462 : memref<1x384x384xf32, #tpu.memory_space<vmem_shared>> -> memref<384x384xf32, #tpu.memory_space<vmem_shared>>
      %dma_wait3A_464 = arith.constant 0 : i32
      %dma_wait3A_465 = arith.constant 0 : i32
      %dma_wait3A_466 = tpu.memref_slice %arg3[%dma_wait3A_458, %dma_wait3A_464, %dma_wait3A_465] : memref<16x384x384xf32, #tpu.memory_space<hbm>> -> memref<1x384x384xf32, #tpu.memory_space<hbm>>
      %dma_wait3A_467 = tpu.memref_squeeze %dma_wait3A_466 : memref<1x384x384xf32, #tpu.memory_space<hbm>> -> memref<384x384xf32, #tpu.memory_space<hbm>>
      tpu.wait_dma2 semaphore(%arg15 : memref<!tpu.dma_semaphore, #tpu.memory_space<semaphore_mem>>) src(%dma_wait3A_467 : memref<384x384xf32, #tpu.memory_space<hbm>>) dst(%dma_wait3A_463 : memref<384x384xf32, #tpu.memory_space<vmem_shared>>)
    } else {
    }
    %mul3A_55 = arith.constant 8 : i32
    %mul3A_56 = arith.muli %arg0, %mul3A_55 : i32
    %add3A_57 = arith.constant 1 : i32
    %add3A_58 = arith.addi %mul3A_56, %add3A_57 : i32
    %barrier3A_59 = arith.constant 0 : index
    tpu.barrier barrier_id(%barrier3A_59)
    %eq3A_60 = arith.constant 0 : i32
    %eq3A_61 = arith.cmpi eq, %arg1, %eq3A_60 : i32
    %convert_element_type3A_62 = arith.extui %eq3A_61 : i1 to i32
    %cond3A_63 = arith.constant 0 : i32
    %cond3A_64 = arith.cmpi ne, %convert_element_type3A_62, %cond3A_63 : i32
    scf.if %cond3A_64 {
      %mul3A_458 = arith.constant 8 : i32
      %mul3A_459 = arith.muli %arg0, %mul3A_458 : i32
      %add3A_460 = arith.constant 2 : i32
      %add3A_461 = arith.addi %mul3A_459, %add3A_460 : i32
      %dma_start3A_462 = arith.constant 0 : i32
      %dma_start3A_463 = arith.constant 0 : i32
      %dma_start3A_464 = arith.constant 0 : i32
      %dma_start3A_465 = tpu.memref_slice %arg10[%dma_start3A_462, %dma_start3A_463, %dma_start3A_464] : memref<2x384x384xf32, #tpu.memory_space<vmem_shared>> -> memref<1x384x384xf32, #tpu.memory_space<vmem_shared>>
      %dma_start3A_466 = tpu.memref_squeeze %dma_start3A_465 : memref<1x384x384xf32, #tpu.memory_space<vmem_shared>> -> memref<384x384xf32, #tpu.memory_space<vmem_shared>>
      %dma_start3A_467 = arith.constant 0 : i32
      %dma_start3A_468 = arith.constant 0 : i32
      %dma_start3A_469 = tpu.memref_slice %arg3[%add3A_461, %dma_start3A_467, %dma_start3A_468] : memref<16x384x384xf32, #tpu.memory_space<hbm>> -> memref<1x384x384xf32, #tpu.memory_space<hbm>>
      %dma_start3A_470 = tpu.memref_squeeze %dma_start3A_469 : memref<1x384x384xf32, #tpu.memory_space<hbm>> -> memref<384x384xf32, #tpu.memory_space<hbm>>
      tpu.enqueue_dma source(%dma_start3A_470 : memref<384x384xf32, #tpu.memory_space<hbm>>) target(%dma_start3A_466 : memref<384x384xf32, #tpu.memory_space<vmem_shared>>) target_semaphore(%arg15 : memref<!tpu.dma_semaphore, #tpu.memory_space<semaphore_mem>>)
    } else {
    }
    %dma_start3A_65 = arith.constant 1 : i32
    %dma_start3A_66 = arith.constant 0 : i32
    %dma_start3A_67 = arith.constant 0 : i32
    %dma_start3A_68 = tpu.memref_slice %arg10[%dma_start3A_65, %dma_start3A_66, %dma_start3A_67] : memref<2x384x384xf32, #tpu.memory_space<vmem_shared>> -> memref<1x8x384xf32, #tpu.memory_space<vmem_shared>>
    %dma_start3A_69 = tpu.memref_squeeze %dma_start3A_68 : memref<1x8x384xf32, #tpu.memory_space<vmem_shared>> -> memref<8x384xf32, #tpu.memory_space<vmem_shared>>
    %dma_start3A_70 = arith.constant 0 : i32
    %dma_start3A_71 = arith.constant 0 : i32
    %dma_start3A_72 = tpu.memref_slice %arg10[%dma_start3A_65, %dma_start3A_70, %dma_start3A_71] : memref<2x384x384xf32, #tpu.memory_space<vmem_shared>> -> memref<1x8x384xf32, #tpu.memory_space<vmem_shared>>
    %dma_start3A_73 = tpu.memref_squeeze %dma_start3A_72 : memref<1x8x384xf32, #tpu.memory_space<vmem_shared>> -> memref<8x384xf32, #tpu.memory_space<vmem_shared>>
    tpu.enqueue_dma source(%dma_start3A_73 : memref<8x384xf32, #tpu.memory_space<vmem_shared>>) target(%arg6 : memref<8x384xf32, #tpu.memory_space<vmem>>) target_semaphore(%arg11 : memref<!tpu.dma_semaphore, #tpu.memory_space<semaphore_mem>>)
    %dma_start3A_74 = arith.constant 1 : i32
    %dma_start3A_75 = arith.constant 8 : i32
    %dma_start3A_76 = arith.constant 0 : i32
    %dma_start3A_77 = tpu.memref_slice %arg10[%dma_start3A_74, %dma_start3A_75, %dma_start3A_76] : memref<2x384x384xf32, #tpu.memory_space<vmem_shared>> -> memref<1x8x384xf32, #tpu.memory_space<vmem_shared>>
    %dma_start3A_78 = tpu.memref_squeeze %dma_start3A_77 : memref<1x8x384xf32, #tpu.memory_space<vmem_shared>> -> memref<8x384xf32, #tpu.memory_space<vmem_shared>>
    %dma_start3A_79 = arith.constant 8 : i32
    %dma_start3A_80 = arith.constant 0 : i32
    %dma_start3A_81 = tpu.memref_slice %arg10[%dma_start3A_74, %dma_start3A_79, %dma_start3A_80] : memref<2x384x384xf32, #tpu.memory_space<vmem_shared>> -> memref<1x8x384xf32, #tpu.memory_space<vmem_shared>>
    %dma_start3A_82 = tpu.memref_squeeze %dma_start3A_81 : memref<1x8x384xf32, #tpu.memory_space<vmem_shared>> -> memref<8x384xf32, #tpu.memory_space<vmem_shared>>
    tpu.enqueue_dma source(%dma_start3A_82 : memref<8x384xf32, #tpu.memory_space<vmem_shared>>) target(%arg7 : memref<8x384xf32, #tpu.memory_space<vmem>>) target_semaphore(%arg12 : memref<!tpu.dma_semaphore, #tpu.memory_space<semaphore_mem>>)
    %scan3A_83 = arith.constant 0 : i32
    %scan3A_84 = arith.constant 0 : i32
    %scan3A_85 = arith.constant 24 : i32
    %scan3A_86 = arith.addi %scan3A_84, %scan3A_85 : i32
    %scan3A_87 = arith.constant 1 : i32
    scf.for %scan3A_458 = %scan3A_84 to %scan3A_86 step %scan3A_87  : i32 {
      %mul3A_459 = arith.constant 2 : i32
      %mul3A_460 = arith.muli %mul3A_459, %scan3A_458 : i32
      %mul3A_461 = arith.constant 8 : i32
      %mul3A_462 = arith.muli %mul3A_460, %mul3A_461 : i32
      %dma_wait3A_463 = arith.constant 0 : i32
      %dma_wait3A_464 = arith.constant 0 : i32
      %dma_wait3A_465 = arith.constant 0 : i32
      %dma_wait3A_466 = tpu.memref_slice %arg10[%dma_wait3A_463, %dma_wait3A_464, %dma_wait3A_465] : memref<2x384x384xf32, #tpu.memory_space<vmem_shared>> -> memref<1x8x384xf32, #tpu.memory_space<vmem_shared>>
      %dma_wait3A_467 = tpu.memref_squeeze %dma_wait3A_466 : memref<1x8x384xf32, #tpu.memory_space<vmem_shared>> -> memref<8x384xf32, #tpu.memory_space<vmem_shared>>
      %dma_wait3A_468 = arith.constant 0 : i32
      %dma_wait3A_469 = arith.constant 0 : i32
      %dma_wait3A_470 = tpu.memref_slice %arg10[%dma_wait3A_463, %dma_wait3A_468, %dma_wait3A_469] : memref<2x384x384xf32, #tpu.memory_space<vmem_shared>> -> memref<1x8x384xf32, #tpu.memory_space<vmem_shared>>
      %dma_wait3A_471 = tpu.memref_squeeze %dma_wait3A_470 : memref<1x8x384xf32, #tpu.memory_space<vmem_shared>> -> memref<8x384xf32, #tpu.memory_space<vmem_shared>>
      tpu.wait_dma2 semaphore(%arg11 : memref<!tpu.dma_semaphore, #tpu.memory_space<semaphore_mem>>) src(%dma_wait3A_471 : memref<8x384xf32, #tpu.memory_space<vmem_shared>>) dst(%arg6 : memref<8x384xf32, #tpu.memory_space<vmem>>)
      %gt3A = arith.constant 0 : i32
      %gt3A_472 = arith.cmpi sgt, %scan3A_458, %gt3A : i32
      %convert_element_type3A_473 = arith.extui %gt3A_472 : i1 to i32
      %cond3A_474 = arith.constant 0 : i32
      %cond3A_475 = arith.cmpi ne, %convert_element_type3A_473, %cond3A_474 : i32
      scf.if %cond3A_475 {
        %dma_wait3A_518 = arith.constant 0 : i32
        %dma_wait3A_519 = arith.constant 0 : i32
        %dma_wait3A_520 = arith.constant 0 : i32
        %dma_wait3A_521 = arith.constant 0 : i32
        %dma_wait3A_522 = tpu.memref_slice %arg4[%dma_wait3A_518, %dma_wait3A_519, %dma_wait3A_520, %dma_wait3A_521] : memref<16x16x384x384xf32, #tpu.memory_space<hbm>> -> memref<1x1x8x384xf32, #tpu.memory_space<hbm>>
        %dma_wait3A_523 = tpu.memref_squeeze %dma_wait3A_522 : memref<1x1x8x384xf32, #tpu.memory_space<hbm>> -> memref<8x384xf32, #tpu.memory_space<hbm>>
        %dma_wait3A_524 = arith.constant 0 : i32
        %dma_wait3A_525 = arith.constant 0 : i32
        %dma_wait3A_526 = tpu.memref_slice %arg4[%dma_wait3A_518, %dma_wait3A_519, %dma_wait3A_524, %dma_wait3A_525] : memref<16x16x384x384xf32, #tpu.memory_space<hbm>> -> memref<1x1x8x384xf32, #tpu.memory_space<hbm>>
        %dma_wait3A_527 = tpu.memref_squeeze %dma_wait3A_526 : memref<1x1x8x384xf32, #tpu.memory_space<hbm>> -> memref<8x384xf32, #tpu.memory_space<hbm>>
        tpu.wait_dma2 semaphore(%arg13 : memref<!tpu.dma_semaphore, #tpu.memory_space<semaphore_mem>>) src(%arg8 : memref<8x384xf32, #tpu.memory_space<vmem>>) dst(%dma_wait3A_527 : memref<8x384xf32, #tpu.memory_space<hbm>>)
      } else {
      }
      %parallel_loop3A = arith.constant 0 : i32
      %parallel_loop3A_476 = arith.constant 8 : i32
      %parallel_loop3A_477 = arith.constant 1 : i32
      scf.for %parallel_loop3A_518 = %parallel_loop3A to %parallel_loop3A_476 step %parallel_loop3A_477  : i32 {
        %parallel_loop3A_519 = arith.constant 0 : i32
        %parallel_loop3A_520 = arith.constant 384 : i32
        %parallel_loop3A_521 = arith.constant 16 : i32
        scf.for %parallel_loop3A_522 = %parallel_loop3A_519 to %parallel_loop3A_520 step %parallel_loop3A_521  : i32 {
          %parallel_loop3A_523 = arith.index_cast %parallel_loop3A_518 : i32 to index
          %parallel_loop3A_524 = arith.index_cast %parallel_loop3A_522 : i32 to index
          %parallel_loop3A_525 = tpu.vector_load %arg6[%parallel_loop3A_523, %parallel_loop3A_524] {strides = array<i32>} : memref<8x384xf32, #tpu.memory_space<vmem>>, vector<16xf32>,
          %parallel_loop3A_526 = arith.constant 1.000000e+05 : f32
          %parallel_loop3A_527 = vector.broadcast %parallel_loop3A_526 : f32 to vector<16xf32>
          %parallel_loop3A_528 = arith.mulf %parallel_loop3A_525, %parallel_loop3A_527 : vector<16xf32>
          %parallel_loop3A_529 = arith.fptosi %parallel_loop3A_528 : vector<16xf32> to vector<16xi32>
          %parallel_loop3A_530 = tpu.vector_load_idx %arg5[%parallel_loop3A_529] : memref<100000xf32, #tpu.memory_space<vmem>>[vector<16xi32>], vector<16xf32>,
          %parallel_loop3A_531 = arith.index_cast %parallel_loop3A_518 : i32 to index
          %parallel_loop3A_532 = arith.index_cast %parallel_loop3A_522 : i32 to index
          %parallel_loop3A_533 = tpu.vector_load %arg8[%parallel_loop3A_531, %parallel_loop3A_532] {strides = array<i32>} : memref<8x384xf32, #tpu.memory_space<vmem>>, vector<16xf32>,
          tpu.vector_store %arg8[%parallel_loop3A_531, %parallel_loop3A_532], %parallel_loop3A_530 {strides = array<i32>} : memref<8x384xf32, #tpu.memory_space<vmem>>, vector<16xf32>,
        } {sc.loop_unroll_factor = 8 : i64, sc.parallel_access}
      } {sc.loop_unroll_factor = 2 : i64, sc.parallel_access}
      %dma_start3A_478 = arith.constant 0 : i32
      %dma_start3A_479 = tpu.memref_slice %arg4[%add3A_58, %arg1, %mul3A_462, %dma_start3A_478] : memref<16x16x384x384xf32, #tpu.memory_space<hbm>> -> memref<1x1x8x384xf32, #tpu.memory_space<hbm>>
      %dma_start3A_480 = tpu.memref_squeeze %dma_start3A_479 : memref<1x1x8x384xf32, #tpu.memory_space<hbm>> -> memref<8x384xf32, #tpu.memory_space<hbm>>
      %dma_start3A_481 = arith.constant 0 : i32
      %dma_start3A_482 = tpu.memref_slice %arg4[%add3A_58, %arg1, %mul3A_462, %dma_start3A_481] : memref<16x16x384x384xf32, #tpu.memory_space<hbm>> -> memref<1x1x8x384xf32, #tpu.memory_space<hbm>>
      %dma_start3A_483 = tpu.memref_squeeze %dma_start3A_482 : memref<1x1x8x384xf32, #tpu.memory_space<hbm>> -> memref<8x384xf32, #tpu.memory_space<hbm>>
      tpu.enqueue_dma source(%arg8 : memref<8x384xf32, #tpu.memory_space<vmem>>) target(%dma_start3A_483 : memref<8x384xf32, #tpu.memory_space<hbm>>) target_semaphore(%arg13 : memref<!tpu.dma_semaphore, #tpu.memory_space<semaphore_mem>>)
      %lt3A = arith.constant 23 : i32
      %lt3A_484 = arith.cmpi slt, %scan3A_458, %lt3A : i32
      %convert_element_type3A_485 = arith.extui %lt3A_484 : i1 to i32
      %cond3A_486 = arith.constant 0 : i32
      %cond3A_487 = arith.cmpi ne, %convert_element_type3A_485, %cond3A_486 : i32
      scf.if %cond3A_487 {
        %add3A_518 = arith.constant 16 : i32
        %add3A_519 = arith.addi %mul3A_462, %add3A_518 : i32
        %dma_start3A_520 = arith.constant 1 : i32
        %dma_start3A_521 = arith.constant 0 : i32
        %dma_start3A_522 = tpu.memref_slice %arg10[%dma_start3A_520, %add3A_519, %dma_start3A_521] : memref<2x384x384xf32, #tpu.memory_space<vmem_shared>> -> memref<1x8x384xf32, #tpu.memory_space<vmem_shared>>
        %dma_start3A_523 = tpu.memref_squeeze %dma_start3A_522 : memref<1x8x384xf32, #tpu.memory_space<vmem_shared>> -> memref<8x384xf32, #tpu.memory_space<vmem_shared>>
        %dma_start3A_524 = arith.constant 0 : i32
        %dma_start3A_525 = tpu.memref_slice %arg10[%dma_start3A_520, %add3A_519, %dma_start3A_524] : memref<2x384x384xf32, #tpu.memory_space<vmem_shared>> -> memref<1x8x384xf32, #tpu.memory_space<vmem_shared>>
        %dma_start3A_526 = tpu.memref_squeeze %dma_start3A_525 : memref<1x8x384xf32, #tpu.memory_space<vmem_shared>> -> memref<8x384xf32, #tpu.memory_space<vmem_shared>>
        tpu.enqueue_dma source(%dma_start3A_526 : memref<8x384xf32, #tpu.memory_space<vmem_shared>>) target(%arg6 : memref<8x384xf32, #tpu.memory_space<vmem>>) target_semaphore(%arg11 : memref<!tpu.dma_semaphore, #tpu.memory_space<semaphore_mem>>)
      } else {
      }
      %dma_wait3A_488 = arith.constant 0 : i32
      %dma_wait3A_489 = arith.constant 0 : i32
      %dma_wait3A_490 = arith.constant 0 : i32
      %dma_wait3A_491 = tpu.memref_slice %arg10[%dma_wait3A_488, %dma_wait3A_489, %dma_wait3A_490] : memref<2x384x384xf32, #tpu.memory_space<vmem_shared>> -> memref<1x8x384xf32, #tpu.memory_space<vmem_shared>>
      %dma_wait3A_492 = tpu.memref_squeeze %dma_wait3A_491 : memref<1x8x384xf32, #tpu.memory_space<vmem_shared>> -> memref<8x384xf32, #tpu.memory_space<vmem_shared>>
      %dma_wait3A_493 = arith.constant 0 : i32
      %dma_wait3A_494 = arith.constant 0 : i32
      %dma_wait3A_495 = tpu.memref_slice %arg10[%dma_wait3A_488, %dma_wait3A_493, %dma_wait3A_494] : memref<2x384x384xf32, #tpu.memory_space<vmem_shared>> -> memref<1x8x384xf32, #tpu.memory_space<vmem_shared>>
      %dma_wait3A_496 = tpu.memref_squeeze %dma_wait3A_495 : memref<1x8x384xf32, #tpu.memory_space<vmem_shared>> -> memref<8x384xf32, #tpu.memory_space<vmem_shared>>
      tpu.wait_dma2 semaphore(%arg12 : memref<!tpu.dma_semaphore, #tpu.memory_space<semaphore_mem>>) src(%dma_wait3A_496 : memref<8x384xf32, #tpu.memory_space<vmem_shared>>) dst(%arg7 : memref<8x384xf32, #tpu.memory_space<vmem>>)
      %gt3A_497 = arith.constant 0 : i32
      %gt3A_498 = arith.cmpi sgt, %scan3A_458, %gt3A_497 : i32
      %convert_element_type3A_499 = arith.extui %gt3A_498 : i1 to i32
      %cond3A_500 = arith.constant 0 : i32
      %cond3A_501 = arith.cmpi ne, %convert_element_type3A_499, %cond3A_500 : i32
      scf.if %cond3A_501 {
        %dma_wait3A_518 = arith.constant 0 : i32
        %dma_wait3A_519 = arith.constant 0 : i32
        %dma_wait3A_520 = arith.constant 0 : i32
        %dma_wait3A_521 = arith.constant 0 : i32
        %dma_wait3A_522 = tpu.memref_slice %arg4[%dma_wait3A_518, %dma_wait3A_519, %dma_wait3A_520, %dma_wait3A_521] : memref<16x16x384x384xf32, #tpu.memory_space<hbm>> -> memref<1x1x8x384xf32, #tpu.memory_space<hbm>>
        %dma_wait3A_523 = tpu.memref_squeeze %dma_wait3A_522 : memref<1x1x8x384xf32, #tpu.memory_space<hbm>> -> memref<8x384xf32, #tpu.memory_space<hbm>>
        %dma_wait3A_524 = arith.constant 0 : i32
        %dma_wait3A_525 = arith.constant 0 : i32
        %dma_wait3A_526 = tpu.memref_slice %arg4[%dma_wait3A_518, %dma_wait3A_519, %dma_wait3A_524, %dma_wait3A_525] : memref<16x16x384x384xf32, #tpu.memory_space<hbm>> -> memref<1x1x8x384xf32, #tpu.memory_space<hbm>>
        %dma_wait3A_527 = tpu.memref_squeeze %dma_wait3A_526 : memref<1x1x8x384xf32, #tpu.memory_space<hbm>> -> memref<8x384xf32, #tpu.memory_space<hbm>>
        tpu.wait_dma2 semaphore(%arg14 : memref<!tpu.dma_semaphore, #tpu.memory_space<semaphore_mem>>) src(%arg9 : memref<8x384xf32, #tpu.memory_space<vmem>>) dst(%dma_wait3A_527 : memref<8x384xf32, #tpu.memory_space<hbm>>)
      } else {
      }
      %parallel_loop3A_502 = arith.constant 0 : i32
      %parallel_loop3A_503 = arith.constant 8 : i32
      %parallel_loop3A_504 = arith.constant 1 : i32
      scf.for %parallel_loop3A_518 = %parallel_loop3A_502 to %parallel_loop3A_503 step %parallel_loop3A_504  : i32 {
        %parallel_loop3A_519 = arith.constant 0 : i32
        %parallel_loop3A_520 = arith.constant 384 : i32
        %parallel_loop3A_521 = arith.constant 16 : i32
        scf.for %parallel_loop3A_522 = %parallel_loop3A_519 to %parallel_loop3A_520 step %parallel_loop3A_521  : i32 {
          %parallel_loop3A_523 = arith.index_cast %parallel_loop3A_518 : i32 to index
          %parallel_loop3A_524 = arith.index_cast %parallel_loop3A_522 : i32 to index
          %parallel_loop3A_525 = tpu.vector_load %arg7[%parallel_loop3A_523, %parallel_loop3A_524] {strides = array<i32>} : memref<8x384xf32, #tpu.memory_space<vmem>>, vector<16xf32>,
          %parallel_loop3A_526 = arith.constant 1.000000e+05 : f32
          %parallel_loop3A_527 = vector.broadcast %parallel_loop3A_526 : f32 to vector<16xf32>
          %parallel_loop3A_528 = arith.mulf %parallel_loop3A_525, %parallel_loop3A_527 : vector<16xf32>
          %parallel_loop3A_529 = arith.fptosi %parallel_loop3A_528 : vector<16xf32> to vector<16xi32>
          %parallel_loop3A_530 = tpu.vector_load_idx %arg5[%parallel_loop3A_529] : memref<100000xf32, #tpu.memory_space<vmem>>[vector<16xi32>], vector<16xf32>,
          %parallel_loop3A_531 = arith.index_cast %parallel_loop3A_518 : i32 to index
          %parallel_loop3A_532 = arith.index_cast %parallel_loop3A_522 : i32 to index
          %parallel_loop3A_533 = tpu.vector_load %arg9[%parallel_loop3A_531, %parallel_loop3A_532] {strides = array<i32>} : memref<8x384xf32, #tpu.memory_space<vmem>>, vector<16xf32>,
          tpu.vector_store %arg9[%parallel_loop3A_531, %parallel_loop3A_532], %parallel_loop3A_530 {strides = array<i32>} : memref<8x384xf32, #tpu.memory_space<vmem>>, vector<16xf32>,
        } {sc.loop_unroll_factor = 8 : i64, sc.parallel_access}
      } {sc.loop_unroll_factor = 2 : i64, sc.parallel_access}
      %add3A_505 = arith.constant 8 : i32
      %add3A_506 = arith.addi %mul3A_462, %add3A_505 : i32
      %dma_start3A_507 = arith.constant 0 : i32
      %dma_start3A_508 = tpu.memref_slice %arg4[%add3A_58, %arg1, %add3A_506, %dma_start3A_507] : memref<16x16x384x384xf32, #tpu.memory_space<hbm>> -> memref<1x1x8x384xf32, #tpu.memory_space<hbm>>
      %dma_start3A_509 = tpu.memref_squeeze %dma_start3A_508 : memref<1x1x8x384xf32, #tpu.memory_space<hbm>> -> memref<8x384xf32, #tpu.memory_space<hbm>>
      %dma_start3A_510 = arith.constant 0 : i32
      %dma_start3A_511 = tpu.memref_slice %arg4[%add3A_58, %arg1, %add3A_506, %dma_start3A_510] : memref<16x16x384x384xf32, #tpu.memory_space<hbm>> -> memref<1x1x8x384xf32, #tpu.memory_space<hbm>>
      %dma_start3A_512 = tpu.memref_squeeze %dma_start3A_511 : memref<1x1x8x384xf32, #tpu.memory_space<hbm>> -> memref<8x384xf32, #tpu.memory_space<hbm>>
      tpu.enqueue_dma source(%arg9 : memref<8x384xf32, #tpu.memory_space<vmem>>) target(%dma_start3A_512 : memref<8x384xf32, #tpu.memory_space<hbm>>) target_semaphore(%arg14 : memref<!tpu.dma_semaphore, #tpu.memory_space<semaphore_mem>>)
      %lt3A_513 = arith.constant 23 : i32
      %lt3A_514 = arith.cmpi slt, %scan3A_458, %lt3A_513 : i32
      %convert_element_type3A_515 = arith.extui %lt3A_514 : i1 to i32
      %cond3A_516 = arith.constant 0 : i32
      %cond3A_517 = arith.cmpi ne, %convert_element_type3A_515, %cond3A_516 : i32
      scf.if %cond3A_517 {
        %add3A_518 = arith.constant 24 : i32
        %add3A_519 = arith.addi %mul3A_462, %add3A_518 : i32
        %dma_start3A_520 = arith.constant 1 : i32
        %dma_start3A_521 = arith.constant 0 : i32
        %dma_start3A_522 = tpu.memref_slice %arg10[%dma_start3A_520, %add3A_519, %dma_start3A_521] : memref<2x384x384xf32, #tpu.memory_space<vmem_shared>> -> memref<1x8x384xf32, #tpu.memory_space<vmem_shared>>
        %dma_start3A_523 = tpu.memref_squeeze %dma_start3A_522 : memref<1x8x384xf32, #tpu.memory_space<vmem_shared>> -> memref<8x384xf32, #tpu.memory_space<vmem_shared>>
        %dma_start3A_524 = arith.constant 0 : i32
        %dma_start3A_525 = tpu.memref_slice %arg10[%dma_start3A_520, %add3A_519, %dma_start3A_524] : memref<2x384x384xf32, #tpu.memory_space<vmem_shared>> -> memref<1x8x384xf32, #tpu.memory_space<vmem_shared>>
        %dma_start3A_526 = tpu.memref_squeeze %dma_start3A_525 : memref<1x8x384xf32, #tpu.memory_space<vmem_shared>> -> memref<8x384xf32, #tpu.memory_space<vmem_shared>>
        tpu.enqueue_dma source(%dma_start3A_526 : memref<8x384xf32, #tpu.memory_space<vmem_shared>>) target(%arg7 : memref<8x384xf32, #tpu.memory_space<vmem>>) target_semaphore(%arg12 : memref<!tpu.dma_semaphore, #tpu.memory_space<semaphore_mem>>)
      } else {
      }
    }
    %scan3A_88 = arith.constant 24 : i32
    %dma_wait3A_89 = arith.constant 0 : i32
    %dma_wait3A_90 = arith.constant 0 : i32
    %dma_wait3A_91 = arith.constant 0 : i32
    %dma_wait3A_92 = arith.constant 0 : i32
    %dma_wait3A_93 = tpu.memref_slice %arg4[%dma_wait3A_89, %dma_wait3A_90, %dma_wait3A_91, %dma_wait3A_92] : memref<16x16x384x384xf32, #tpu.memory_space<hbm>> -> memref<1x1x8x384xf32, #tpu.memory_space<hbm>>
    %dma_wait3A_94 = tpu.memref_squeeze %dma_wait3A_93 : memref<1x1x8x384xf32, #tpu.memory_space<hbm>> -> memref<8x384xf32, #tpu.memory_space<hbm>>
    %dma_wait3A_95 = arith.constant 0 : i32
    %dma_wait3A_96 = arith.constant 0 : i32
    %dma_wait3A_97 = tpu.memref_slice %arg4[%dma_wait3A_89, %dma_wait3A_90, %dma_wait3A_95, %dma_wait3A_96] : memref<16x16x384x384xf32, #tpu.memory_space<hbm>> -> memref<1x1x8x384xf32, #tpu.memory_space<hbm>>
    %dma_wait3A_98 = tpu.memref_squeeze %dma_wait3A_97 : memref<1x1x8x384xf32, #tpu.memory_space<hbm>> -> memref<8x384xf32, #tpu.memory_space<hbm>>
    tpu.wait_dma2 semaphore(%arg13 : memref<!tpu.dma_semaphore, #tpu.memory_space<semaphore_mem>>) src(%arg8 : memref<8x384xf32, #tpu.memory_space<vmem>>) dst(%dma_wait3A_98 : memref<8x384xf32, #tpu.memory_space<hbm>>)
    %dma_wait3A_99 = arith.constant 0 : i32
    %dma_wait3A_100 = arith.constant 0 : i32
    %dma_wait3A_101 = arith.constant 0 : i32
    %dma_wait3A_102 = arith.constant 0 : i32
    %dma_wait3A_103 = tpu.memref_slice %arg4[%dma_wait3A_99, %dma_wait3A_100, %dma_wait3A_101, %dma_wait3A_102] : memref<16x16x384x384xf32, #tpu.memory_space<hbm>> -> memref<1x1x8x384xf32, #tpu.memory_space<hbm>>
    %dma_wait3A_104 = tpu.memref_squeeze %dma_wait3A_103 : memref<1x1x8x384xf32, #tpu.memory_space<hbm>> -> memref<8x384xf32, #tpu.memory_space<hbm>>
    %dma_wait3A_105 = arith.constant 0 : i32
    %dma_wait3A_106 = arith.constant 0 : i32
    %dma_wait3A_107 = tpu.memref_slice %arg4[%dma_wait3A_99, %dma_wait3A_100, %dma_wait3A_105, %dma_wait3A_106] : memref<16x16x384x384xf32, #tpu.memory_space<hbm>> -> memref<1x1x8x384xf32, #tpu.memory_space<hbm>>
    %dma_wait3A_108 = tpu.memref_squeeze %dma_wait3A_107 : memref<1x1x8x384xf32, #tpu.memory_space<hbm>> -> memref<8x384xf32, #tpu.memory_space<hbm>>
    tpu.wait_dma2 semaphore(%arg14 : memref<!tpu.dma_semaphore, #tpu.memory_space<semaphore_mem>>) src(%arg9 : memref<8x384xf32, #tpu.memory_space<vmem>>) dst(%dma_wait3A_108 : memref<8x384xf32, #tpu.memory_space<hbm>>)
    %eq3A_109 = arith.constant 0 : i32
    %eq3A_110 = arith.cmpi eq, %arg1, %eq3A_109 : i32
    %convert_element_type3A_111 = arith.extui %eq3A_110 : i1 to i32
    %cond3A_112 = arith.constant 0 : i32
    %cond3A_113 = arith.cmpi ne, %convert_element_type3A_111, %cond3A_112 : i32
    scf.if %cond3A_113 {
      %dma_wait3A_458 = arith.constant 0 : i32
      %dma_wait3A_459 = arith.constant 0 : i32
      %dma_wait3A_460 = arith.constant 0 : i32
      %dma_wait3A_461 = arith.constant 0 : i32
      %dma_wait3A_462 = tpu.memref_slice %arg10[%dma_wait3A_459, %dma_wait3A_460, %dma_wait3A_461] : memref<2x384x384xf32, #tpu.memory_space<vmem_shared>> -> memref<1x384x384xf32, #tpu.memory_space<vmem_shared>>
      %dma_wait3A_463 = tpu.memref_squeeze %dma_wait3A_462 : memref<1x384x384xf32, #tpu.memory_space<vmem_shared>> -> memref<384x384xf32, #tpu.memory_space<vmem_shared>>
      %dma_wait3A_464 = arith.constant 0 : i32
      %dma_wait3A_465 = arith.constant 0 : i32
      %dma_wait3A_466 = tpu.memref_slice %arg3[%dma_wait3A_458, %dma_wait3A_464, %dma_wait3A_465] : memref<16x384x384xf32, #tpu.memory_space<hbm>> -> memref<1x384x384xf32, #tpu.memory_space<hbm>>
      %dma_wait3A_467 = tpu.memref_squeeze %dma_wait3A_466 : memref<1x384x384xf32, #tpu.memory_space<hbm>> -> memref<384x384xf32, #tpu.memory_space<hbm>>
      tpu.wait_dma2 semaphore(%arg15 : memref<!tpu.dma_semaphore, #tpu.memory_space<semaphore_mem>>) src(%dma_wait3A_467 : memref<384x384xf32, #tpu.memory_space<hbm>>) dst(%dma_wait3A_463 : memref<384x384xf32, #tpu.memory_space<vmem_shared>>)
    } else {
    }
    %mul3A_114 = arith.constant 8 : i32
    %mul3A_115 = arith.muli %arg0, %mul3A_114 : i32
    %add3A_116 = arith.constant 2 : i32
    %add3A_117 = arith.addi %mul3A_115, %add3A_116 : i32
    %barrier3A_118 = arith.constant 0 : index
    tpu.barrier barrier_id(%barrier3A_118)
    %eq3A_119 = arith.constant 0 : i32
    %eq3A_120 = arith.cmpi eq, %arg1, %eq3A_119 : i32
    %convert_element_type3A_121 = arith.extui %eq3A_120 : i1 to i32
    %cond3A_122 = arith.constant 0 : i32
    %cond3A_123 = arith.cmpi ne, %convert_element_type3A_121, %cond3A_122 : i32
    scf.if %cond3A_123 {
      %mul3A_458 = arith.constant 8 : i32
      %mul3A_459 = arith.muli %arg0, %mul3A_458 : i32
      %add3A_460 = arith.constant 3 : i32
      %add3A_461 = arith.addi %mul3A_459, %add3A_460 : i32
      %dma_start3A_462 = arith.constant 1 : i32
      %dma_start3A_463 = arith.constant 0 : i32
      %dma_start3A_464 = arith.constant 0 : i32
      %dma_start3A_465 = tpu.memref_slice %arg10[%dma_start3A_462, %dma_start3A_463, %dma_start3A_464] : memref<2x384x384xf32, #tpu.memory_space<vmem_shared>> -> memref<1x384x384xf32, #tpu.memory_space<vmem_shared>>
      %dma_start3A_466 = tpu.memref_squeeze %dma_start3A_465 : memref<1x384x384xf32, #tpu.memory_space<vmem_shared>> -> memref<384x384xf32, #tpu.memory_space<vmem_shared>>
      %dma_start3A_467 = arith.constant 0 : i32
      %dma_start3A_468 = arith.constant 0 : i32
      %dma_start3A_469 = tpu.memref_slice %arg3[%add3A_461, %dma_start3A_467, %dma_start3A_468] : memref<16x384x384xf32, #tpu.memory_space<hbm>> -> memref<1x384x384xf32, #tpu.memory_space<hbm>>
      %dma_start3A_470 = tpu.memref_squeeze %dma_start3A_469 : memref<1x384x384xf32, #tpu.memory_space<hbm>> -> memref<384x384xf32, #tpu.memory_space<hbm>>
      tpu.enqueue_dma source(%dma_start3A_470 : memref<384x384xf32, #tpu.memory_space<hbm>>) target(%dma_start3A_466 : memref<384x384xf32, #tpu.memory_space<vmem_shared>>) target_semaphore(%arg15 : memref<!tpu.dma_semaphore, #tpu.memory_space<semaphore_mem>>)
    } else {
    }
    %dma_start3A_124 = arith.constant 0 : i32
    %dma_start3A_125 = arith.constant 0 : i32
    %dma_start3A_126 = arith.constant 0 : i32
    %dma_start3A_127 = tpu.memref_slice %arg10[%dma_start3A_124, %dma_start3A_125, %dma_start3A_126] : memref<2x384x384xf32, #tpu.memory_space<vmem_shared>> -> memref<1x8x384xf32, #tpu.memory_space<vmem_shared>>
    %dma_start3A_128 = tpu.memref_squeeze %dma_start3A_127 : memref<1x8x384xf32, #tpu.memory_space<vmem_shared>> -> memref<8x384xf32, #tpu.memory_space<vmem_shared>>
    %dma_start3A_129 = arith.constant 0 : i32
    %dma_start3A_130 = arith.constant 0 : i32
    %dma_start3A_131 = tpu.memref_slice %arg10[%dma_start3A_124, %dma_start3A_129, %dma_start3A_130] : memref<2x384x384xf32, #tpu.memory_space<vmem_shared>> -> memref<1x8x384xf32, #tpu.memory_space<vmem_shared>>
    %dma_start3A_132 = tpu.memref_squeeze %dma_start3A_131 : memref<1x8x384xf32, #tpu.memory_space<vmem_shared>> -> memref<8x384xf32, #tpu.memory_space<vmem_shared>>
    tpu.enqueue_dma source(%dma_start3A_132 : memref<8x384xf32, #tpu.memory_space<vmem_shared>>) target(%arg6 : memref<8x384xf32, #tpu.memory_space<vmem>>) target_semaphore(%arg11 : memref<!tpu.dma_semaphore, #tpu.memory_space<semaphore_mem>>)
    %dma_start3A_133 = arith.constant 0 : i32
    %dma_start3A_134 = arith.constant 8 : i32
    %dma_start3A_135 = arith.constant 0 : i32
    %dma_start3A_136 = tpu.memref_slice %arg10[%dma_start3A_133, %dma_start3A_134, %dma_start3A_135] : memref<2x384x384xf32, #tpu.memory_space<vmem_shared>> -> memref<1x8x384xf32, #tpu.memory_space<vmem_shared>>
    %dma_start3A_137 = tpu.memref_squeeze %dma_start3A_136 : memref<1x8x384xf32, #tpu.memory_space<vmem_shared>> -> memref<8x384xf32, #tpu.memory_space<vmem_shared>>
    %dma_start3A_138 = arith.constant 8 : i32
    %dma_start3A_139 = arith.constant 0 : i32
    %dma_start3A_140 = tpu.memref_slice %arg10[%dma_start3A_133, %dma_start3A_138, %dma_start3A_139] : memref<2x384x384xf32, #tpu.memory_space<vmem_shared>> -> memref<1x8x384xf32, #tpu.memory_space<vmem_shared>>
    %dma_start3A_141 = tpu.memref_squeeze %dma_start3A_140 : memref<1x8x384xf32, #tpu.memory_space<vmem_shared>> -> memref<8x384xf32, #tpu.memory_space<vmem_shared>>
    tpu.enqueue_dma source(%dma_start3A_141 : memref<8x384xf32, #tpu.memory_space<vmem_shared>>) target(%arg7 : memref<8x384xf32, #tpu.memory_space<vmem>>) target_semaphore(%arg12 : memref<!tpu.dma_semaphore, #tpu.memory_space<semaphore_mem>>)
    %scan3A_142 = arith.constant 0 : i32
    %scan3A_143 = arith.constant 0 : i32
    %scan3A_144 = arith.constant 24 : i32
    %scan3A_145 = arith.addi %scan3A_143, %scan3A_144 : i32
    %scan3A_146 = arith.constant 1 : i32
    scf.for %scan3A_458 = %scan3A_143 to %scan3A_145 step %scan3A_146  : i32 {
      %mul3A_459 = arith.constant 2 : i32
      %mul3A_460 = arith.muli %mul3A_459, %scan3A_458 : i32
      %mul3A_461 = arith.constant 8 : i32
      %mul3A_462 = arith.muli %mul3A_460, %mul3A_461 : i32
      %dma_wait3A_463 = arith.constant 0 : i32
      %dma_wait3A_464 = arith.constant 0 : i32
      %dma_wait3A_465 = arith.constant 0 : i32
      %dma_wait3A_466 = tpu.memref_slice %arg10[%dma_wait3A_463, %dma_wait3A_464, %dma_wait3A_465] : memref<2x384x384xf32, #tpu.memory_space<vmem_shared>> -> memref<1x8x384xf32, #tpu.memory_space<vmem_shared>>
      %dma_wait3A_467 = tpu.memref_squeeze %dma_wait3A_466 : memref<1x8x384xf32, #tpu.memory_space<vmem_shared>> -> memref<8x384xf32, #tpu.memory_space<vmem_shared>>
      %dma_wait3A_468 = arith.constant 0 : i32
      %dma_wait3A_469 = arith.constant 0 : i32
      %dma_wait3A_470 = tpu.memref_slice %arg10[%dma_wait3A_463, %dma_wait3A_468, %dma_wait3A_469] : memref<2x384x384xf32, #tpu.memory_space<vmem_shared>> -> memref<1x8x384xf32, #tpu.memory_space<vmem_shared>>
      %dma_wait3A_471 = tpu.memref_squeeze %dma_wait3A_470 : memref<1x8x384xf32, #tpu.memory_space<vmem_shared>> -> memref<8x384xf32, #tpu.memory_space<vmem_shared>>
      tpu.wait_dma2 semaphore(%arg11 : memref<!tpu.dma_semaphore, #tpu.memory_space<semaphore_mem>>) src(%dma_wait3A_471 : memref<8x384xf32, #tpu.memory_space<vmem_shared>>) dst(%arg6 : memref<8x384xf32, #tpu.memory_space<vmem>>)
      %gt3A = arith.constant 0 : i32
      %gt3A_472 = arith.cmpi sgt, %scan3A_458, %gt3A : i32
      %convert_element_type3A_473 = arith.extui %gt3A_472 : i1 to i32
      %cond3A_474 = arith.constant 0 : i32
      %cond3A_475 = arith.cmpi ne, %convert_element_type3A_473, %cond3A_474 : i32
      scf.if %cond3A_475 {
        %dma_wait3A_518 = arith.constant 0 : i32
        %dma_wait3A_519 = arith.constant 0 : i32
        %dma_wait3A_520 = arith.constant 0 : i32
        %dma_wait3A_521 = arith.constant 0 : i32
        %dma_wait3A_522 = tpu.memref_slice %arg4[%dma_wait3A_518, %dma_wait3A_519, %dma_wait3A_520, %dma_wait3A_521] : memref<16x16x384x384xf32, #tpu.memory_space<hbm>> -> memref<1x1x8x384xf32, #tpu.memory_space<hbm>>
        %dma_wait3A_523 = tpu.memref_squeeze %dma_wait3A_522 : memref<1x1x8x384xf32, #tpu.memory_space<hbm>> -> memref<8x384xf32, #tpu.memory_space<hbm>>
        %dma_wait3A_524 = arith.constant 0 : i32
        %dma_wait3A_525 = arith.constant 0 : i32
        %dma_wait3A_526 = tpu.memref_slice %arg4[%dma_wait3A_518, %dma_wait3A_519, %dma_wait3A_524, %dma_wait3A_525] : memref<16x16x384x384xf32, #tpu.memory_space<hbm>> -> memref<1x1x8x384xf32, #tpu.memory_space<hbm>>
        %dma_wait3A_527 = tpu.memref_squeeze %dma_wait3A_526 : memref<1x1x8x384xf32, #tpu.memory_space<hbm>> -> memref<8x384xf32, #tpu.memory_space<hbm>>
        tpu.wait_dma2 semaphore(%arg13 : memref<!tpu.dma_semaphore, #tpu.memory_space<semaphore_mem>>) src(%arg8 : memref<8x384xf32, #tpu.memory_space<vmem>>) dst(%dma_wait3A_527 : memref<8x384xf32, #tpu.memory_space<hbm>>)
      } else {
      }
      %parallel_loop3A = arith.constant 0 : i32
      %parallel_loop3A_476 = arith.constant 8 : i32
      %parallel_loop3A_477 = arith.constant 1 : i32
      scf.for %parallel_loop3A_518 = %parallel_loop3A to %parallel_loop3A_476 step %parallel_loop3A_477  : i32 {
        %parallel_loop3A_519 = arith.constant 0 : i32
        %parallel_loop3A_520 = arith.constant 384 : i32
        %parallel_loop3A_521 = arith.constant 16 : i32
        scf.for %parallel_loop3A_522 = %parallel_loop3A_519 to %parallel_loop3A_520 step %parallel_loop3A_521  : i32 {
          %parallel_loop3A_523 = arith.index_cast %parallel_loop3A_518 : i32 to index
          %parallel_loop3A_524 = arith.index_cast %parallel_loop3A_522 : i32 to index
          %parallel_loop3A_525 = tpu.vector_load %arg6[%parallel_loop3A_523, %parallel_loop3A_524] {strides = array<i32>} : memref<8x384xf32, #tpu.memory_space<vmem>>, vector<16xf32>,
          %parallel_loop3A_526 = arith.constant 1.000000e+05 : f32
          %parallel_loop3A_527 = vector.broadcast %parallel_loop3A_526 : f32 to vector<16xf32>
          %parallel_loop3A_528 = arith.mulf %parallel_loop3A_525, %parallel_loop3A_527 : vector<16xf32>
          %parallel_loop3A_529 = arith.fptosi %parallel_loop3A_528 : vector<16xf32> to vector<16xi32>
          %parallel_loop3A_530 = tpu.vector_load_idx %arg5[%parallel_loop3A_529] : memref<100000xf32, #tpu.memory_space<vmem>>[vector<16xi32>], vector<16xf32>,
          %parallel_loop3A_531 = arith.index_cast %parallel_loop3A_518 : i32 to index
          %parallel_loop3A_532 = arith.index_cast %parallel_loop3A_522 : i32 to index
          %parallel_loop3A_533 = tpu.vector_load %arg8[%parallel_loop3A_531, %parallel_loop3A_532] {strides = array<i32>} : memref<8x384xf32, #tpu.memory_space<vmem>>, vector<16xf32>,
          tpu.vector_store %arg8[%parallel_loop3A_531, %parallel_loop3A_532], %parallel_loop3A_530 {strides = array<i32>} : memref<8x384xf32, #tpu.memory_space<vmem>>, vector<16xf32>,
        } {sc.loop_unroll_factor = 8 : i64, sc.parallel_access}
      } {sc.loop_unroll_factor = 2 : i64, sc.parallel_access}
      %dma_start3A_478 = arith.constant 0 : i32
      %dma_start3A_479 = tpu.memref_slice %arg4[%add3A_117, %arg1, %mul3A_462, %dma_start3A_478] : memref<16x16x384x384xf32, #tpu.memory_space<hbm>> -> memref<1x1x8x384xf32, #tpu.memory_space<hbm>>
      %dma_start3A_480 = tpu.memref_squeeze %dma_start3A_479 : memref<1x1x8x384xf32, #tpu.memory_space<hbm>> -> memref<8x384xf32, #tpu.memory_space<hbm>>
      %dma_start3A_481 = arith.constant 0 : i32
      %dma_start3A_482 = tpu.memref_slice %arg4[%add3A_117, %arg1, %mul3A_462, %dma_start3A_481] : memref<16x16x384x384xf32, #tpu.memory_space<hbm>> -> memref<1x1x8x384xf32, #tpu.memory_space<hbm>>
      %dma_start3A_483 = tpu.memref_squeeze %dma_start3A_482 : memref<1x1x8x384xf32, #tpu.memory_space<hbm>> -> memref<8x384xf32, #tpu.memory_space<hbm>>
      tpu.enqueue_dma source(%arg8 : memref<8x384xf32, #tpu.memory_space<vmem>>) target(%dma_start3A_483 : memref<8x384xf32, #tpu.memory_space<hbm>>) target_semaphore(%arg13 : memref<!tpu.dma_semaphore, #tpu.memory_space<semaphore_mem>>)
      %lt3A = arith.constant 23 : i32
      %lt3A_484 = arith.cmpi slt, %scan3A_458, %lt3A : i32
      %convert_element_type3A_485 = arith.extui %lt3A_484 : i1 to i32
      %cond3A_486 = arith.constant 0 : i32
      %cond3A_487 = arith.cmpi ne, %convert_element_type3A_485, %cond3A_486 : i32
      scf.if %cond3A_487 {
        %add3A_518 = arith.constant 16 : i32
        %add3A_519 = arith.addi %mul3A_462, %add3A_518 : i32
        %dma_start3A_520 = arith.constant 0 : i32
        %dma_start3A_521 = arith.constant 0 : i32
        %dma_start3A_522 = tpu.memref_slice %arg10[%dma_start3A_520, %add3A_519, %dma_start3A_521] : memref<2x384x384xf32, #tpu.memory_space<vmem_shared>> -> memref<1x8x384xf32, #tpu.memory_space<vmem_shared>>
        %dma_start3A_523 = tpu.memref_squeeze %dma_start3A_522 : memref<1x8x384xf32, #tpu.memory_space<vmem_shared>> -> memref<8x384xf32, #tpu.memory_space<vmem_shared>>
        %dma_start3A_524 = arith.constant 0 : i32
        %dma_start3A_525 = tpu.memref_slice %arg10[%dma_start3A_520, %add3A_519, %dma_start3A_524] : memref<2x384x384xf32, #tpu.memory_space<vmem_shared>> -> memref<1x8x384xf32, #tpu.memory_space<vmem_shared>>
        %dma_start3A_526 = tpu.memref_squeeze %dma_start3A_525 : memref<1x8x384xf32, #tpu.memory_space<vmem_shared>> -> memref<8x384xf32, #tpu.memory_space<vmem_shared>>
        tpu.enqueue_dma source(%dma_start3A_526 : memref<8x384xf32, #tpu.memory_space<vmem_shared>>) target(%arg6 : memref<8x384xf32, #tpu.memory_space<vmem>>) target_semaphore(%arg11 : memref<!tpu.dma_semaphore, #tpu.memory_space<semaphore_mem>>)
      } else {
      }
      %dma_wait3A_488 = arith.constant 0 : i32
      %dma_wait3A_489 = arith.constant 0 : i32
      %dma_wait3A_490 = arith.constant 0 : i32
      %dma_wait3A_491 = tpu.memref_slice %arg10[%dma_wait3A_488, %dma_wait3A_489, %dma_wait3A_490] : memref<2x384x384xf32, #tpu.memory_space<vmem_shared>> -> memref<1x8x384xf32, #tpu.memory_space<vmem_shared>>
      %dma_wait3A_492 = tpu.memref_squeeze %dma_wait3A_491 : memref<1x8x384xf32, #tpu.memory_space<vmem_shared>> -> memref<8x384xf32, #tpu.memory_space<vmem_shared>>
      %dma_wait3A_493 = arith.constant 0 : i32
      %dma_wait3A_494 = arith.constant 0 : i32
      %dma_wait3A_495 = tpu.memref_slice %arg10[%dma_wait3A_488, %dma_wait3A_493, %dma_wait3A_494] : memref<2x384x384xf32, #tpu.memory_space<vmem_shared>> -> memref<1x8x384xf32, #tpu.memory_space<vmem_shared>>
      %dma_wait3A_496 = tpu.memref_squeeze %dma_wait3A_495 : memref<1x8x384xf32, #tpu.memory_space<vmem_shared>> -> memref<8x384xf32, #tpu.memory_space<vmem_shared>>
      tpu.wait_dma2 semaphore(%arg12 : memref<!tpu.dma_semaphore, #tpu.memory_space<semaphore_mem>>) src(%dma_wait3A_496 : memref<8x384xf32, #tpu.memory_space<vmem_shared>>) dst(%arg7 : memref<8x384xf32, #tpu.memory_space<vmem>>)
      %gt3A_497 = arith.constant 0 : i32
      %gt3A_498 = arith.cmpi sgt, %scan3A_458, %gt3A_497 : i32
      %convert_element_type3A_499 = arith.extui %gt3A_498 : i1 to i32
      %cond3A_500 = arith.constant 0 : i32
      %cond3A_501 = arith.cmpi ne, %convert_element_type3A_499, %cond3A_500 : i32
      scf.if %cond3A_501 {
        %dma_wait3A_518 = arith.constant 0 : i32
        %dma_wait3A_519 = arith.constant 0 : i32
        %dma_wait3A_520 = arith.constant 0 : i32
        %dma_wait3A_521 = arith.constant 0 : i32
        %dma_wait3A_522 = tpu.memref_slice %arg4[%dma_wait3A_518, %dma_wait3A_519, %dma_wait3A_520, %dma_wait3A_521] : memref<16x16x384x384xf32, #tpu.memory_space<hbm>> -> memref<1x1x8x384xf32, #tpu.memory_space<hbm>>
        %dma_wait3A_523 = tpu.memref_squeeze %dma_wait3A_522 : memref<1x1x8x384xf32, #tpu.memory_space<hbm>> -> memref<8x384xf32, #tpu.memory_space<hbm>>
        %dma_wait3A_524 = arith.constant 0 : i32
        %dma_wait3A_525 = arith.constant 0 : i32
        %dma_wait3A_526 = tpu.memref_slice %arg4[%dma_wait3A_518, %dma_wait3A_519, %dma_wait3A_524, %dma_wait3A_525] : memref<16x16x384x384xf32, #tpu.memory_space<hbm>> -> memref<1x1x8x384xf32, #tpu.memory_space<hbm>>
        %dma_wait3A_527 = tpu.memref_squeeze %dma_wait3A_526 : memref<1x1x8x384xf32, #tpu.memory_space<hbm>> -> memref<8x384xf32, #tpu.memory_space<hbm>>
        tpu.wait_dma2 semaphore(%arg14 : memref<!tpu.dma_semaphore, #tpu.memory_space<semaphore_mem>>) src(%arg9 : memref<8x384xf32, #tpu.memory_space<vmem>>) dst(%dma_wait3A_527 : memref<8x384xf32, #tpu.memory_space<hbm>>)
      } else {
      }
      %parallel_loop3A_502 = arith.constant 0 : i32
      %parallel_loop3A_503 = arith.constant 8 : i32
      %parallel_loop3A_504 = arith.constant 1 : i32
      scf.for %parallel_loop3A_518 = %parallel_loop3A_502 to %parallel_loop3A_503 step %parallel_loop3A_504  : i32 {
        %parallel_loop3A_519 = arith.constant 0 : i32
        %parallel_loop3A_520 = arith.constant 384 : i32
        %parallel_loop3A_521 = arith.constant 16 : i32
        scf.for %parallel_loop3A_522 = %parallel_loop3A_519 to %parallel_loop3A_520 step %parallel_loop3A_521  : i32 {
          %parallel_loop3A_523 = arith.index_cast %parallel_loop3A_518 : i32 to index
          %parallel_loop3A_524 = arith.index_cast %parallel_loop3A_522 : i32 to index
          %parallel_loop3A_525 = tpu.vector_load %arg7[%parallel_loop3A_523, %parallel_loop3A_524] {strides = array<i32>} : memref<8x384xf32, #tpu.memory_space<vmem>>, vector<16xf32>,
          %parallel_loop3A_526 = arith.constant 1.000000e+05 : f32
          %parallel_loop3A_527 = vector.broadcast %parallel_loop3A_526 : f32 to vector<16xf32>
          %parallel_loop3A_528 = arith.mulf %parallel_loop3A_525, %parallel_loop3A_527 : vector<16xf32>
          %parallel_loop3A_529 = arith.fptosi %parallel_loop3A_528 : vector<16xf32> to vector<16xi32>
          %parallel_loop3A_530 = tpu.vector_load_idx %arg5[%parallel_loop3A_529] : memref<100000xf32, #tpu.memory_space<vmem>>[vector<16xi32>], vector<16xf32>,
          %parallel_loop3A_531 = arith.index_cast %parallel_loop3A_518 : i32 to index
          %parallel_loop3A_532 = arith.index_cast %parallel_loop3A_522 : i32 to index
          %parallel_loop3A_533 = tpu.vector_load %arg9[%parallel_loop3A_531, %parallel_loop3A_532] {strides = array<i32>} : memref<8x384xf32, #tpu.memory_space<vmem>>, vector<16xf32>,
          tpu.vector_store %arg9[%parallel_loop3A_531, %parallel_loop3A_532], %parallel_loop3A_530 {strides = array<i32>} : memref<8x384xf32, #tpu.memory_space<vmem>>, vector<16xf32>,
        } {sc.loop_unroll_factor = 8 : i64, sc.parallel_access}
      } {sc.loop_unroll_factor = 2 : i64, sc.parallel_access}
      %add3A_505 = arith.constant 8 : i32
      %add3A_506 = arith.addi %mul3A_462, %add3A_505 : i32
      %dma_start3A_507 = arith.constant 0 : i32
      %dma_start3A_508 = tpu.memref_slice %arg4[%add3A_117, %arg1, %add3A_506, %dma_start3A_507] : memref<16x16x384x384xf32, #tpu.memory_space<hbm>> -> memref<1x1x8x384xf32, #tpu.memory_space<hbm>>
      %dma_start3A_509 = tpu.memref_squeeze %dma_start3A_508 : memref<1x1x8x384xf32, #tpu.memory_space<hbm>> -> memref<8x384xf32, #tpu.memory_space<hbm>>
      %dma_start3A_510 = arith.constant 0 : i32
      %dma_start3A_511 = tpu.memref_slice %arg4[%add3A_117, %arg1, %add3A_506, %dma_start3A_510] : memref<16x16x384x384xf32, #tpu.memory_space<hbm>> -> memref<1x1x8x384xf32, #tpu.memory_space<hbm>>
      %dma_start3A_512 = tpu.memref_squeeze %dma_start3A_511 : memref<1x1x8x384xf32, #tpu.memory_space<hbm>> -> memref<8x384xf32, #tpu.memory_space<hbm>>
      tpu.enqueue_dma source(%arg9 : memref<8x384xf32, #tpu.memory_space<vmem>>) target(%dma_start3A_512 : memref<8x384xf32, #tpu.memory_space<hbm>>) target_semaphore(%arg14 : memref<!tpu.dma_semaphore, #tpu.memory_space<semaphore_mem>>)
      %lt3A_513 = arith.constant 23 : i32
      %lt3A_514 = arith.cmpi slt, %scan3A_458, %lt3A_513 : i32
      %convert_element_type3A_515 = arith.extui %lt3A_514 : i1 to i32
      %cond3A_516 = arith.constant 0 : i32
      %cond3A_517 = arith.cmpi ne, %convert_element_type3A_515, %cond3A_516 : i32
      scf.if %cond3A_517 {
        %add3A_518 = arith.constant 24 : i32
        %add3A_519 = arith.addi %mul3A_462, %add3A_518 : i32
        %dma_start3A_520 = arith.constant 0 : i32
        %dma_start3A_521 = arith.constant 0 : i32
        %dma_start3A_522 = tpu.memref_slice %arg10[%dma_start3A_520, %add3A_519, %dma_start3A_521] : memref<2x384x384xf32, #tpu.memory_space<vmem_shared>> -> memref<1x8x384xf32, #tpu.memory_space<vmem_shared>>
        %dma_start3A_523 = tpu.memref_squeeze %dma_start3A_522 : memref<1x8x384xf32, #tpu.memory_space<vmem_shared>> -> memref<8x384xf32, #tpu.memory_space<vmem_shared>>
        %dma_start3A_524 = arith.constant 0 : i32
        %dma_start3A_525 = tpu.memref_slice %arg10[%dma_start3A_520, %add3A_519, %dma_start3A_524] : memref<2x384x384xf32, #tpu.memory_space<vmem_shared>> -> memref<1x8x384xf32, #tpu.memory_space<vmem_shared>>
        %dma_start3A_526 = tpu.memref_squeeze %dma_start3A_525 : memref<1x8x384xf32, #tpu.memory_space<vmem_shared>> -> memref<8x384xf32, #tpu.memory_space<vmem_shared>>
        tpu.enqueue_dma source(%dma_start3A_526 : memref<8x384xf32, #tpu.memory_space<vmem_shared>>) target(%arg7 : memref<8x384xf32, #tpu.memory_space<vmem>>) target_semaphore(%arg12 : memref<!tpu.dma_semaphore, #tpu.memory_space<semaphore_mem>>)
      } else {
      }
    }
    %scan3A_147 = arith.constant 24 : i32
    %dma_wait3A_148 = arith.constant 0 : i32
    %dma_wait3A_149 = arith.constant 0 : i32
    %dma_wait3A_150 = arith.constant 0 : i32
    %dma_wait3A_151 = arith.constant 0 : i32
    %dma_wait3A_152 = tpu.memref_slice %arg4[%dma_wait3A_148, %dma_wait3A_149, %dma_wait3A_150, %dma_wait3A_151] : memref<16x16x384x384xf32, #tpu.memory_space<hbm>> -> memref<1x1x8x384xf32, #tpu.memory_space<hbm>>
    %dma_wait3A_153 = tpu.memref_squeeze %dma_wait3A_152 : memref<1x1x8x384xf32, #tpu.memory_space<hbm>> -> memref<8x384xf32, #tpu.memory_space<hbm>>
    %dma_wait3A_154 = arith.constant 0 : i32
    %dma_wait3A_155 = arith.constant 0 : i32
    %dma_wait3A_156 = tpu.memref_slice %arg4[%dma_wait3A_148, %dma_wait3A_149, %dma_wait3A_154, %dma_wait3A_155] : memref<16x16x384x384xf32, #tpu.memory_space<hbm>> -> memref<1x1x8x384xf32, #tpu.memory_space<hbm>>
    %dma_wait3A_157 = tpu.memref_squeeze %dma_wait3A_156 : memref<1x1x8x384xf32, #tpu.memory_space<hbm>> -> memref<8x384xf32, #tpu.memory_space<hbm>>
    tpu.wait_dma2 semaphore(%arg13 : memref<!tpu.dma_semaphore, #tpu.memory_space<semaphore_mem>>) src(%arg8 : memref<8x384xf32, #tpu.memory_space<vmem>>) dst(%dma_wait3A_157 : memref<8x384xf32, #tpu.memory_space<hbm>>)
    %dma_wait3A_158 = arith.constant 0 : i32
    %dma_wait3A_159 = arith.constant 0 : i32
    %dma_wait3A_160 = arith.constant 0 : i32
    %dma_wait3A_161 = arith.constant 0 : i32
    %dma_wait3A_162 = tpu.memref_slice %arg4[%dma_wait3A_158, %dma_wait3A_159, %dma_wait3A_160, %dma_wait3A_161] : memref<16x16x384x384xf32, #tpu.memory_space<hbm>> -> memref<1x1x8x384xf32, #tpu.memory_space<hbm>>
    %dma_wait3A_163 = tpu.memref_squeeze %dma_wait3A_162 : memref<1x1x8x384xf32, #tpu.memory_space<hbm>> -> memref<8x384xf32, #tpu.memory_space<hbm>>
    %dma_wait3A_164 = arith.constant 0 : i32
    %dma_wait3A_165 = arith.constant 0 : i32
    %dma_wait3A_166 = tpu.memref_slice %arg4[%dma_wait3A_158, %dma_wait3A_159, %dma_wait3A_164, %dma_wait3A_165] : memref<16x16x384x384xf32, #tpu.memory_space<hbm>> -> memref<1x1x8x384xf32, #tpu.memory_space<hbm>>
    %dma_wait3A_167 = tpu.memref_squeeze %dma_wait3A_166 : memref<1x1x8x384xf32, #tpu.memory_space<hbm>> -> memref<8x384xf32, #tpu.memory_space<hbm>>
    tpu.wait_dma2 semaphore(%arg14 : memref<!tpu.dma_semaphore, #tpu.memory_space<semaphore_mem>>) src(%arg9 : memref<8x384xf32, #tpu.memory_space<vmem>>) dst(%dma_wait3A_167 : memref<8x384xf32, #tpu.memory_space<hbm>>)
    %eq3A_168 = arith.constant 0 : i32
    %eq3A_169 = arith.cmpi eq, %arg1, %eq3A_168 : i32
    %convert_element_type3A_170 = arith.extui %eq3A_169 : i1 to i32
    %cond3A_171 = arith.constant 0 : i32
    %cond3A_172 = arith.cmpi ne, %convert_element_type3A_170, %cond3A_171 : i32
    scf.if %cond3A_172 {
      %dma_wait3A_458 = arith.constant 0 : i32
      %dma_wait3A_459 = arith.constant 0 : i32
      %dma_wait3A_460 = arith.constant 0 : i32
      %dma_wait3A_461 = arith.constant 0 : i32
      %dma_wait3A_462 = tpu.memref_slice %arg10[%dma_wait3A_459, %dma_wait3A_460, %dma_wait3A_461] : memref<2x384x384xf32, #tpu.memory_space<vmem_shared>> -> memref<1x384x384xf32, #tpu.memory_space<vmem_shared>>
      %dma_wait3A_463 = tpu.memref_squeeze %dma_wait3A_462 : memref<1x384x384xf32, #tpu.memory_space<vmem_shared>> -> memref<384x384xf32, #tpu.memory_space<vmem_shared>>
      %dma_wait3A_464 = arith.constant 0 : i32
      %dma_wait3A_465 = arith.constant 0 : i32
      %dma_wait3A_466 = tpu.memref_slice %arg3[%dma_wait3A_458, %dma_wait3A_464, %dma_wait3A_465] : memref<16x384x384xf32, #tpu.memory_space<hbm>> -> memref<1x384x384xf32, #tpu.memory_space<hbm>>
      %dma_wait3A_467 = tpu.memref_squeeze %dma_wait3A_466 : memref<1x384x384xf32, #tpu.memory_space<hbm>> -> memref<384x384xf32, #tpu.memory_space<hbm>>
      tpu.wait_dma2 semaphore(%arg15 : memref<!tpu.dma_semaphore, #tpu.memory_space<semaphore_mem>>) src(%dma_wait3A_467 : memref<384x384xf32, #tpu.memory_space<hbm>>) dst(%dma_wait3A_463 : memref<384x384xf32, #tpu.memory_space<vmem_shared>>)
    } else {
    }
    %mul3A_173 = arith.constant 8 : i32
    %mul3A_174 = arith.muli %arg0, %mul3A_173 : i32
    %add3A_175 = arith.constant 3 : i32
    %add3A_176 = arith.addi %mul3A_174, %add3A_175 : i32
    %barrier3A_177 = arith.constant 0 : index
    tpu.barrier barrier_id(%barrier3A_177)
    %eq3A_178 = arith.constant 0 : i32
    %eq3A_179 = arith.cmpi eq, %arg1, %eq3A_178 : i32
    %convert_element_type3A_180 = arith.extui %eq3A_179 : i1 to i32
    %cond3A_181 = arith.constant 0 : i32
    %cond3A_182 = arith.cmpi ne, %convert_element_type3A_180, %cond3A_181 : i32
    scf.if %cond3A_182 {
      %mul3A_458 = arith.constant 8 : i32
      %mul3A_459 = arith.muli %arg0, %mul3A_458 : i32
      %add3A_460 = arith.constant 4 : i32
      %add3A_461 = arith.addi %mul3A_459, %add3A_460 : i32
      %dma_start3A_462 = arith.constant 0 : i32
      %dma_start3A_463 = arith.constant 0 : i32
      %dma_start3A_464 = arith.constant 0 : i32
      %dma_start3A_465 = tpu.memref_slice %arg10[%dma_start3A_462, %dma_start3A_463, %dma_start3A_464] : memref<2x384x384xf32, #tpu.memory_space<vmem_shared>> -> memref<1x384x384xf32, #tpu.memory_space<vmem_shared>>
      %dma_start3A_466 = tpu.memref_squeeze %dma_start3A_465 : memref<1x384x384xf32, #tpu.memory_space<vmem_shared>> -> memref<384x384xf32, #tpu.memory_space<vmem_shared>>
      %dma_start3A_467 = arith.constant 0 : i32
      %dma_start3A_468 = arith.constant 0 : i32
      %dma_start3A_469 = tpu.memref_slice %arg3[%add3A_461, %dma_start3A_467, %dma_start3A_468] : memref<16x384x384xf32, #tpu.memory_space<hbm>> -> memref<1x384x384xf32, #tpu.memory_space<hbm>>
      %dma_start3A_470 = tpu.memref_squeeze %dma_start3A_469 : memref<1x384x384xf32, #tpu.memory_space<hbm>> -> memref<384x384xf32, #tpu.memory_space<hbm>>
      tpu.enqueue_dma source(%dma_start3A_470 : memref<384x384xf32, #tpu.memory_space<hbm>>) target(%dma_start3A_466 : memref<384x384xf32, #tpu.memory_space<vmem_shared>>) target_semaphore(%arg15 : memref<!tpu.dma_semaphore, #tpu.memory_space<semaphore_mem>>)
    } else {
    }
    %dma_start3A_183 = arith.constant 1 : i32
    %dma_start3A_184 = arith.constant 0 : i32
    %dma_start3A_185 = arith.constant 0 : i32
    %dma_start3A_186 = tpu.memref_slice %arg10[%dma_start3A_183, %dma_start3A_184, %dma_start3A_185] : memref<2x384x384xf32, #tpu.memory_space<vmem_shared>> -> memref<1x8x384xf32, #tpu.memory_space<vmem_shared>>
    %dma_start3A_187 = tpu.memref_squeeze %dma_start3A_186 : memref<1x8x384xf32, #tpu.memory_space<vmem_shared>> -> memref<8x384xf32, #tpu.memory_space<vmem_shared>>
    %dma_start3A_188 = arith.constant 0 : i32
    %dma_start3A_189 = arith.constant 0 : i32
    %dma_start3A_190 = tpu.memref_slice %arg10[%dma_start3A_183, %dma_start3A_188, %dma_start3A_189] : memref<2x384x384xf32, #tpu.memory_space<vmem_shared>> -> memref<1x8x384xf32, #tpu.memory_space<vmem_shared>>
    %dma_start3A_191 = tpu.memref_squeeze %dma_start3A_190 : memref<1x8x384xf32, #tpu.memory_space<vmem_shared>> -> memref<8x384xf32, #tpu.memory_space<vmem_shared>>
    tpu.enqueue_dma source(%dma_start3A_191 : memref<8x384xf32, #tpu.memory_space<vmem_shared>>) target(%arg6 : memref<8x384xf32, #tpu.memory_space<vmem>>) target_semaphore(%arg11 : memref<!tpu.dma_semaphore, #tpu.memory_space<semaphore_mem>>)
    %dma_start3A_192 = arith.constant 1 : i32
    %dma_start3A_193 = arith.constant 8 : i32
    %dma_start3A_194 = arith.constant 0 : i32
    %dma_start3A_195 = tpu.memref_slice %arg10[%dma_start3A_192, %dma_start3A_193, %dma_start3A_194] : memref<2x384x384xf32, #tpu.memory_space<vmem_shared>> -> memref<1x8x384xf32, #tpu.memory_space<vmem_shared>>
    %dma_start3A_196 = tpu.memref_squeeze %dma_start3A_195 : memref<1x8x384xf32, #tpu.memory_space<vmem_shared>> -> memref<8x384xf32, #tpu.memory_space<vmem_shared>>
    %dma_start3A_197 = arith.constant 8 : i32
    %dma_start3A_198 = arith.constant 0 : i32
    %dma_start3A_199 = tpu.memref_slice %arg10[%dma_start3A_192, %dma_start3A_197, %dma_start3A_198] : memref<2x384x384xf32, #tpu.memory_space<vmem_shared>> -> memref<1x8x384xf32, #tpu.memory_space<vmem_shared>>
    %dma_start3A_200 = tpu.memref_squeeze %dma_start3A_199 : memref<1x8x384xf32, #tpu.memory_space<vmem_shared>> -> memref<8x384xf32, #tpu.memory_space<vmem_shared>>
    tpu.enqueue_dma source(%dma_start3A_200 : memref<8x384xf32, #tpu.memory_space<vmem_shared>>) target(%arg7 : memref<8x384xf32, #tpu.memory_space<vmem>>) target_semaphore(%arg12 : memref<!tpu.dma_semaphore, #tpu.memory_space<semaphore_mem>>)
    %scan3A_201 = arith.constant 0 : i32
    %scan3A_202 = arith.constant 0 : i32
    %scan3A_203 = arith.constant 24 : i32
    %scan3A_204 = arith.addi %scan3A_202, %scan3A_203 : i32
    %scan3A_205 = arith.constant 1 : i32
    scf.for %scan3A_458 = %scan3A_202 to %scan3A_204 step %scan3A_205  : i32 {
      %mul3A_459 = arith.constant 2 : i32
      %mul3A_460 = arith.muli %mul3A_459, %scan3A_458 : i32
      %mul3A_461 = arith.constant 8 : i32
      %mul3A_462 = arith.muli %mul3A_460, %mul3A_461 : i32
      %dma_wait3A_463 = arith.constant 0 : i32
      %dma_wait3A_464 = arith.constant 0 : i32
      %dma_wait3A_465 = arith.constant 0 : i32
      %dma_wait3A_466 = tpu.memref_slice %arg10[%dma_wait3A_463, %dma_wait3A_464, %dma_wait3A_465] : memref<2x384x384xf32, #tpu.memory_space<vmem_shared>> -> memref<1x8x384xf32, #tpu.memory_space<vmem_shared>>
      %dma_wait3A_467 = tpu.memref_squeeze %dma_wait3A_466 : memref<1x8x384xf32, #tpu.memory_space<vmem_shared>> -> memref<8x384xf32, #tpu.memory_space<vmem_shared>>
      %dma_wait3A_468 = arith.constant 0 : i32
      %dma_wait3A_469 = arith.constant 0 : i32
      %dma_wait3A_470 = tpu.memref_slice %arg10[%dma_wait3A_463, %dma_wait3A_468, %dma_wait3A_469] : memref<2x384x384xf32, #tpu.memory_space<vmem_shared>> -> memref<1x8x384xf32, #tpu.memory_space<vmem_shared>>
      %dma_wait3A_471 = tpu.memref_squeeze %dma_wait3A_470 : memref<1x8x384xf32, #tpu.memory_space<vmem_shared>> -> memref<8x384xf32, #tpu.memory_space<vmem_shared>>
      tpu.wait_dma2 semaphore(%arg11 : memref<!tpu.dma_semaphore, #tpu.memory_space<semaphore_mem>>) src(%dma_wait3A_471 : memref<8x384xf32, #tpu.memory_space<vmem_shared>>) dst(%arg6 : memref<8x384xf32, #tpu.memory_space<vmem>>)
      %gt3A = arith.constant 0 : i32
      %gt3A_472 = arith.cmpi sgt, %scan3A_458, %gt3A : i32
      %convert_element_type3A_473 = arith.extui %gt3A_472 : i1 to i32
      %cond3A_474 = arith.constant 0 : i32
      %cond3A_475 = arith.cmpi ne, %convert_element_type3A_473, %cond3A_474 : i32
      scf.if %cond3A_475 {
        %dma_wait3A_518 = arith.constant 0 : i32
        %dma_wait3A_519 = arith.constant 0 : i32
        %dma_wait3A_520 = arith.constant 0 : i32
        %dma_wait3A_521 = arith.constant 0 : i32
        %dma_wait3A_522 = tpu.memref_slice %arg4[%dma_wait3A_518, %dma_wait3A_519, %dma_wait3A_520, %dma_wait3A_521] : memref<16x16x384x384xf32, #tpu.memory_space<hbm>> -> memref<1x1x8x384xf32, #tpu.memory_space<hbm>>
        %dma_wait3A_523 = tpu.memref_squeeze %dma_wait3A_522 : memref<1x1x8x384xf32, #tpu.memory_space<hbm>> -> memref<8x384xf32, #tpu.memory_space<hbm>>
        %dma_wait3A_524 = arith.constant 0 : i32
        %dma_wait3A_525 = arith.constant 0 : i32
        %dma_wait3A_526 = tpu.memref_slice %arg4[%dma_wait3A_518, %dma_wait3A_519, %dma_wait3A_524, %dma_wait3A_525] : memref<16x16x384x384xf32, #tpu.memory_space<hbm>> -> memref<1x1x8x384xf32, #tpu.memory_space<hbm>>
        %dma_wait3A_527 = tpu.memref_squeeze %dma_wait3A_526 : memref<1x1x8x384xf32, #tpu.memory_space<hbm>> -> memref<8x384xf32, #tpu.memory_space<hbm>>
        tpu.wait_dma2 semaphore(%arg13 : memref<!tpu.dma_semaphore, #tpu.memory_space<semaphore_mem>>) src(%arg8 : memref<8x384xf32, #tpu.memory_space<vmem>>) dst(%dma_wait3A_527 : memref<8x384xf32, #tpu.memory_space<hbm>>)
      } else {
      }
      %parallel_loop3A = arith.constant 0 : i32
      %parallel_loop3A_476 = arith.constant 8 : i32
      %parallel_loop3A_477 = arith.constant 1 : i32
      scf.for %parallel_loop3A_518 = %parallel_loop3A to %parallel_loop3A_476 step %parallel_loop3A_477  : i32 {
        %parallel_loop3A_519 = arith.constant 0 : i32
        %parallel_loop3A_520 = arith.constant 384 : i32
        %parallel_loop3A_521 = arith.constant 16 : i32
        scf.for %parallel_loop3A_522 = %parallel_loop3A_519 to %parallel_loop3A_520 step %parallel_loop3A_521  : i32 {
          %parallel_loop3A_523 = arith.index_cast %parallel_loop3A_518 : i32 to index
          %parallel_loop3A_524 = arith.index_cast %parallel_loop3A_522 : i32 to index
          %parallel_loop3A_525 = tpu.vector_load %arg6[%parallel_loop3A_523, %parallel_loop3A_524] {strides = array<i32>} : memref<8x384xf32, #tpu.memory_space<vmem>>, vector<16xf32>,
          %parallel_loop3A_526 = arith.constant 1.000000e+05 : f32
          %parallel_loop3A_527 = vector.broadcast %parallel_loop3A_526 : f32 to vector<16xf32>
          %parallel_loop3A_528 = arith.mulf %parallel_loop3A_525, %parallel_loop3A_527 : vector<16xf32>
          %parallel_loop3A_529 = arith.fptosi %parallel_loop3A_528 : vector<16xf32> to vector<16xi32>
          %parallel_loop3A_530 = tpu.vector_load_idx %arg5[%parallel_loop3A_529] : memref<100000xf32, #tpu.memory_space<vmem>>[vector<16xi32>], vector<16xf32>,
          %parallel_loop3A_531 = arith.index_cast %parallel_loop3A_518 : i32 to index
          %parallel_loop3A_532 = arith.index_cast %parallel_loop3A_522 : i32 to index
          %parallel_loop3A_533 = tpu.vector_load %arg8[%parallel_loop3A_531, %parallel_loop3A_532] {strides = array<i32>} : memref<8x384xf32, #tpu.memory_space<vmem>>, vector<16xf32>,
          tpu.vector_store %arg8[%parallel_loop3A_531, %parallel_loop3A_532], %parallel_loop3A_530 {strides = array<i32>} : memref<8x384xf32, #tpu.memory_space<vmem>>, vector<16xf32>,
        } {sc.loop_unroll_factor = 8 : i64, sc.parallel_access}
      } {sc.loop_unroll_factor = 2 : i64, sc.parallel_access}
      %dma_start3A_478 = arith.constant 0 : i32
      %dma_start3A_479 = tpu.memref_slice %arg4[%add3A_176, %arg1, %mul3A_462, %dma_start3A_478] : memref<16x16x384x384xf32, #tpu.memory_space<hbm>> -> memref<1x1x8x384xf32, #tpu.memory_space<hbm>>
      %dma_start3A_480 = tpu.memref_squeeze %dma_start3A_479 : memref<1x1x8x384xf32, #tpu.memory_space<hbm>> -> memref<8x384xf32, #tpu.memory_space<hbm>>
      %dma_start3A_481 = arith.constant 0 : i32
      %dma_start3A_482 = tpu.memref_slice %arg4[%add3A_176, %arg1, %mul3A_462, %dma_start3A_481] : memref<16x16x384x384xf32, #tpu.memory_space<hbm>> -> memref<1x1x8x384xf32, #tpu.memory_space<hbm>>
      %dma_start3A_483 = tpu.memref_squeeze %dma_start3A_482 : memref<1x1x8x384xf32, #tpu.memory_space<hbm>> -> memref<8x384xf32, #tpu.memory_space<hbm>>
      tpu.enqueue_dma source(%arg8 : memref<8x384xf32, #tpu.memory_space<vmem>>) target(%dma_start3A_483 : memref<8x384xf32, #tpu.memory_space<hbm>>) target_semaphore(%arg13 : memref<!tpu.dma_semaphore, #tpu.memory_space<semaphore_mem>>)
      %lt3A = arith.constant 23 : i32
      %lt3A_484 = arith.cmpi slt, %scan3A_458, %lt3A : i32
      %convert_element_type3A_485 = arith.extui %lt3A_484 : i1 to i32
      %cond3A_486 = arith.constant 0 : i32
      %cond3A_487 = arith.cmpi ne, %convert_element_type3A_485, %cond3A_486 : i32
      scf.if %cond3A_487 {
        %add3A_518 = arith.constant 16 : i32
        %add3A_519 = arith.addi %mul3A_462, %add3A_518 : i32
        %dma_start3A_520 = arith.constant 1 : i32
        %dma_start3A_521 = arith.constant 0 : i32
        %dma_start3A_522 = tpu.memref_slice %arg10[%dma_start3A_520, %add3A_519, %dma_start3A_521] : memref<2x384x384xf32, #tpu.memory_space<vmem_shared>> -> memref<1x8x384xf32, #tpu.memory_space<vmem_shared>>
        %dma_start3A_523 = tpu.memref_squeeze %dma_start3A_522 : memref<1x8x384xf32, #tpu.memory_space<vmem_shared>> -> memref<8x384xf32, #tpu.memory_space<vmem_shared>>
        %dma_start3A_524 = arith.constant 0 : i32
        %dma_start3A_525 = tpu.memref_slice %arg10[%dma_start3A_520, %add3A_519, %dma_start3A_524] : memref<2x384x384xf32, #tpu.memory_space<vmem_shared>> -> memref<1x8x384xf32, #tpu.memory_space<vmem_shared>>
        %dma_start3A_526 = tpu.memref_squeeze %dma_start3A_525 : memref<1x8x384xf32, #tpu.memory_space<vmem_shared>> -> memref<8x384xf32, #tpu.memory_space<vmem_shared>>
        tpu.enqueue_dma source(%dma_start3A_526 : memref<8x384xf32, #tpu.memory_space<vmem_shared>>) target(%arg6 : memref<8x384xf32, #tpu.memory_space<vmem>>) target_semaphore(%arg11 : memref<!tpu.dma_semaphore, #tpu.memory_space<semaphore_mem>>)
      } else {
      }
      %dma_wait3A_488 = arith.constant 0 : i32
      %dma_wait3A_489 = arith.constant 0 : i32
      %dma_wait3A_490 = arith.constant 0 : i32
      %dma_wait3A_491 = tpu.memref_slice %arg10[%dma_wait3A_488, %dma_wait3A_489, %dma_wait3A_490] : memref<2x384x384xf32, #tpu.memory_space<vmem_shared>> -> memref<1x8x384xf32, #tpu.memory_space<vmem_shared>>
      %dma_wait3A_492 = tpu.memref_squeeze %dma_wait3A_491 : memref<1x8x384xf32, #tpu.memory_space<vmem_shared>> -> memref<8x384xf32, #tpu.memory_space<vmem_shared>>
      %dma_wait3A_493 = arith.constant 0 : i32
      %dma_wait3A_494 = arith.constant 0 : i32
      %dma_wait3A_495 = tpu.memref_slice %arg10[%dma_wait3A_488, %dma_wait3A_493, %dma_wait3A_494] : memref<2x384x384xf32, #tpu.memory_space<vmem_shared>> -> memref<1x8x384xf32, #tpu.memory_space<vmem_shared>>
      %dma_wait3A_496 = tpu.memref_squeeze %dma_wait3A_495 : memref<1x8x384xf32, #tpu.memory_space<vmem_shared>> -> memref<8x384xf32, #tpu.memory_space<vmem_shared>>
      tpu.wait_dma2 semaphore(%arg12 : memref<!tpu.dma_semaphore, #tpu.memory_space<semaphore_mem>>) src(%dma_wait3A_496 : memref<8x384xf32, #tpu.memory_space<vmem_shared>>) dst(%arg7 : memref<8x384xf32, #tpu.memory_space<vmem>>)
      %gt3A_497 = arith.constant 0 : i32
      %gt3A_498 = arith.cmpi sgt, %scan3A_458, %gt3A_497 : i32
      %convert_element_type3A_499 = arith.extui %gt3A_498 : i1 to i32
      %cond3A_500 = arith.constant 0 : i32
      %cond3A_501 = arith.cmpi ne, %convert_element_type3A_499, %cond3A_500 : i32
      scf.if %cond3A_501 {
        %dma_wait3A_518 = arith.constant 0 : i32
        %dma_wait3A_519 = arith.constant 0 : i32
        %dma_wait3A_520 = arith.constant 0 : i32
        %dma_wait3A_521 = arith.constant 0 : i32
        %dma_wait3A_522 = tpu.memref_slice %arg4[%dma_wait3A_518, %dma_wait3A_519, %dma_wait3A_520, %dma_wait3A_521] : memref<16x16x384x384xf32, #tpu.memory_space<hbm>> -> memref<1x1x8x384xf32, #tpu.memory_space<hbm>>
        %dma_wait3A_523 = tpu.memref_squeeze %dma_wait3A_522 : memref<1x1x8x384xf32, #tpu.memory_space<hbm>> -> memref<8x384xf32, #tpu.memory_space<hbm>>
        %dma_wait3A_524 = arith.constant 0 : i32
        %dma_wait3A_525 = arith.constant 0 : i32
        %dma_wait3A_526 = tpu.memref_slice %arg4[%dma_wait3A_518, %dma_wait3A_519, %dma_wait3A_524, %dma_wait3A_525] : memref<16x16x384x384xf32, #tpu.memory_space<hbm>> -> memref<1x1x8x384xf32, #tpu.memory_space<hbm>>
        %dma_wait3A_527 = tpu.memref_squeeze %dma_wait3A_526 : memref<1x1x8x384xf32, #tpu.memory_space<hbm>> -> memref<8x384xf32, #tpu.memory_space<hbm>>
        tpu.wait_dma2 semaphore(%arg14 : memref<!tpu.dma_semaphore, #tpu.memory_space<semaphore_mem>>) src(%arg9 : memref<8x384xf32, #tpu.memory_space<vmem>>) dst(%dma_wait3A_527 : memref<8x384xf32, #tpu.memory_space<hbm>>)
      } else {
      }
      %parallel_loop3A_502 = arith.constant 0 : i32
      %parallel_loop3A_503 = arith.constant 8 : i32
      %parallel_loop3A_504 = arith.constant 1 : i32
      scf.for %parallel_loop3A_518 = %parallel_loop3A_502 to %parallel_loop3A_503 step %parallel_loop3A_504  : i32 {
        %parallel_loop3A_519 = arith.constant 0 : i32
        %parallel_loop3A_520 = arith.constant 384 : i32
        %parallel_loop3A_521 = arith.constant 16 : i32
        scf.for %parallel_loop3A_522 = %parallel_loop3A_519 to %parallel_loop3A_520 step %parallel_loop3A_521  : i32 {
          %parallel_loop3A_523 = arith.index_cast %parallel_loop3A_518 : i32 to index
          %parallel_loop3A_524 = arith.index_cast %parallel_loop3A_522 : i32 to index
          %parallel_loop3A_525 = tpu.vector_load %arg7[%parallel_loop3A_523, %parallel_loop3A_524] {strides = array<i32>} : memref<8x384xf32, #tpu.memory_space<vmem>>, vector<16xf32>,
          %parallel_loop3A_526 = arith.constant 1.000000e+05 : f32
          %parallel_loop3A_527 = vector.broadcast %parallel_loop3A_526 : f32 to vector<16xf32>
          %parallel_loop3A_528 = arith.mulf %parallel_loop3A_525, %parallel_loop3A_527 : vector<16xf32>
          %parallel_loop3A_529 = arith.fptosi %parallel_loop3A_528 : vector<16xf32> to vector<16xi32>
          %parallel_loop3A_530 = tpu.vector_load_idx %arg5[%parallel_loop3A_529] : memref<100000xf32, #tpu.memory_space<vmem>>[vector<16xi32>], vector<16xf32>,
          %parallel_loop3A_531 = arith.index_cast %parallel_loop3A_518 : i32 to index
          %parallel_loop3A_532 = arith.index_cast %parallel_loop3A_522 : i32 to index
          %parallel_loop3A_533 = tpu.vector_load %arg9[%parallel_loop3A_531, %parallel_loop3A_532] {strides = array<i32>} : memref<8x384xf32, #tpu.memory_space<vmem>>, vector<16xf32>,
          tpu.vector_store %arg9[%parallel_loop3A_531, %parallel_loop3A_532], %parallel_loop3A_530 {strides = array<i32>} : memref<8x384xf32, #tpu.memory_space<vmem>>, vector<16xf32>,
        } {sc.loop_unroll_factor = 8 : i64, sc.parallel_access}
      } {sc.loop_unroll_factor = 2 : i64, sc.parallel_access}
      %add3A_505 = arith.constant 8 : i32
      %add3A_506 = arith.addi %mul3A_462, %add3A_505 : i32
      %dma_start3A_507 = arith.constant 0 : i32
      %dma_start3A_508 = tpu.memref_slice %arg4[%add3A_176, %arg1, %add3A_506, %dma_start3A_507] : memref<16x16x384x384xf32, #tpu.memory_space<hbm>> -> memref<1x1x8x384xf32, #tpu.memory_space<hbm>>
      %dma_start3A_509 = tpu.memref_squeeze %dma_start3A_508 : memref<1x1x8x384xf32, #tpu.memory_space<hbm>> -> memref<8x384xf32, #tpu.memory_space<hbm>>
      %dma_start3A_510 = arith.constant 0 : i32
      %dma_start3A_511 = tpu.memref_slice %arg4[%add3A_176, %arg1, %add3A_506, %dma_start3A_510] : memref<16x16x384x384xf32, #tpu.memory_space<hbm>> -> memref<1x1x8x384xf32, #tpu.memory_space<hbm>>
      %dma_start3A_512 = tpu.memref_squeeze %dma_start3A_511 : memref<1x1x8x384xf32, #tpu.memory_space<hbm>> -> memref<8x384xf32, #tpu.memory_space<hbm>>
      tpu.enqueue_dma source(%arg9 : memref<8x384xf32, #tpu.memory_space<vmem>>) target(%dma_start3A_512 : memref<8x384xf32, #tpu.memory_space<hbm>>) target_semaphore(%arg14 : memref<!tpu.dma_semaphore, #tpu.memory_space<semaphore_mem>>)
      %lt3A_513 = arith.constant 23 : i32
      %lt3A_514 = arith.cmpi slt, %scan3A_458, %lt3A_513 : i32
      %convert_element_type3A_515 = arith.extui %lt3A_514 : i1 to i32
      %cond3A_516 = arith.constant 0 : i32
      %cond3A_517 = arith.cmpi ne, %convert_element_type3A_515, %cond3A_516 : i32
      scf.if %cond3A_517 {
        %add3A_518 = arith.constant 24 : i32
        %add3A_519 = arith.addi %mul3A_462, %add3A_518 : i32
        %dma_start3A_520 = arith.constant 1 : i32
        %dma_start3A_521 = arith.constant 0 : i32
        %dma_start3A_522 = tpu.memref_slice %arg10[%dma_start3A_520, %add3A_519, %dma_start3A_521] : memref<2x384x384xf32, #tpu.memory_space<vmem_shared>> -> memref<1x8x384xf32, #tpu.memory_space<vmem_shared>>
        %dma_start3A_523 = tpu.memref_squeeze %dma_start3A_522 : memref<1x8x384xf32, #tpu.memory_space<vmem_shared>> -> memref<8x384xf32, #tpu.memory_space<vmem_shared>>
        %dma_start3A_524 = arith.constant 0 : i32
        %dma_start3A_525 = tpu.memref_slice %arg10[%dma_start3A_520, %add3A_519, %dma_start3A_524] : memref<2x384x384xf32, #tpu.memory_space<vmem_shared>> -> memref<1x8x384xf32, #tpu.memory_space<vmem_shared>>
        %dma_start3A_526 = tpu.memref_squeeze %dma_start3A_525 : memref<1x8x384xf32, #tpu.memory_space<vmem_shared>> -> memref<8x384xf32, #tpu.memory_space<vmem_shared>>
        tpu.enqueue_dma source(%dma_start3A_526 : memref<8x384xf32, #tpu.memory_space<vmem_shared>>) target(%arg7 : memref<8x384xf32, #tpu.memory_space<vmem>>) target_semaphore(%arg12 : memref<!tpu.dma_semaphore, #tpu.memory_space<semaphore_mem>>)
      } else {
      }
    }
    %scan3A_206 = arith.constant 24 : i32
    %dma_wait3A_207 = arith.constant 0 : i32
    %dma_wait3A_208 = arith.constant 0 : i32
    %dma_wait3A_209 = arith.constant 0 : i32
    %dma_wait3A_210 = arith.constant 0 : i32
    %dma_wait3A_211 = tpu.memref_slice %arg4[%dma_wait3A_207, %dma_wait3A_208, %dma_wait3A_209, %dma_wait3A_210] : memref<16x16x384x384xf32, #tpu.memory_space<hbm>> -> memref<1x1x8x384xf32, #tpu.memory_space<hbm>>
    %dma_wait3A_212 = tpu.memref_squeeze %dma_wait3A_211 : memref<1x1x8x384xf32, #tpu.memory_space<hbm>> -> memref<8x384xf32, #tpu.memory_space<hbm>>
    %dma_wait3A_213 = arith.constant 0 : i32
    %dma_wait3A_214 = arith.constant 0 : i32
    %dma_wait3A_215 = tpu.memref_slice %arg4[%dma_wait3A_207, %dma_wait3A_208, %dma_wait3A_213, %dma_wait3A_214] : memref<16x16x384x384xf32, #tpu.memory_space<hbm>> -> memref<1x1x8x384xf32, #tpu.memory_space<hbm>>
    %dma_wait3A_216 = tpu.memref_squeeze %dma_wait3A_215 : memref<1x1x8x384xf32, #tpu.memory_space<hbm>> -> memref<8x384xf32, #tpu.memory_space<hbm>>
    tpu.wait_dma2 semaphore(%arg13 : memref<!tpu.dma_semaphore, #tpu.memory_space<semaphore_mem>>) src(%arg8 : memref<8x384xf32, #tpu.memory_space<vmem>>) dst(%dma_wait3A_216 : memref<8x384xf32, #tpu.memory_space<hbm>>)
    %dma_wait3A_217 = arith.constant 0 : i32
    %dma_wait3A_218 = arith.constant 0 : i32
    %dma_wait3A_219 = arith.constant 0 : i32
    %dma_wait3A_220 = arith.constant 0 : i32
    %dma_wait3A_221 = tpu.memref_slice %arg4[%dma_wait3A_217, %dma_wait3A_218, %dma_wait3A_219, %dma_wait3A_220] : memref<16x16x384x384xf32, #tpu.memory_space<hbm>> -> memref<1x1x8x384xf32, #tpu.memory_space<hbm>>
    %dma_wait3A_222 = tpu.memref_squeeze %dma_wait3A_221 : memref<1x1x8x384xf32, #tpu.memory_space<hbm>> -> memref<8x384xf32, #tpu.memory_space<hbm>>
    %dma_wait3A_223 = arith.constant 0 : i32
    %dma_wait3A_224 = arith.constant 0 : i32
    %dma_wait3A_225 = tpu.memref_slice %arg4[%dma_wait3A_217, %dma_wait3A_218, %dma_wait3A_223, %dma_wait3A_224] : memref<16x16x384x384xf32, #tpu.memory_space<hbm>> -> memref<1x1x8x384xf32, #tpu.memory_space<hbm>>
    %dma_wait3A_226 = tpu.memref_squeeze %dma_wait3A_225 : memref<1x1x8x384xf32, #tpu.memory_space<hbm>> -> memref<8x384xf32, #tpu.memory_space<hbm>>
    tpu.wait_dma2 semaphore(%arg14 : memref<!tpu.dma_semaphore, #tpu.memory_space<semaphore_mem>>) src(%arg9 : memref<8x384xf32, #tpu.memory_space<vmem>>) dst(%dma_wait3A_226 : memref<8x384xf32, #tpu.memory_space<hbm>>)
    %eq3A_227 = arith.constant 0 : i32
    %eq3A_228 = arith.cmpi eq, %arg1, %eq3A_227 : i32
    %convert_element_type3A_229 = arith.extui %eq3A_228 : i1 to i32
    %cond3A_230 = arith.constant 0 : i32
    %cond3A_231 = arith.cmpi ne, %convert_element_type3A_229, %cond3A_230 : i32
    scf.if %cond3A_231 {
      %dma_wait3A_458 = arith.constant 0 : i32
      %dma_wait3A_459 = arith.constant 0 : i32
      %dma_wait3A_460 = arith.constant 0 : i32
      %dma_wait3A_461 = arith.constant 0 : i32
      %dma_wait3A_462 = tpu.memref_slice %arg10[%dma_wait3A_459, %dma_wait3A_460, %dma_wait3A_461] : memref<2x384x384xf32, #tpu.memory_space<vmem_shared>> -> memref<1x384x384xf32, #tpu.memory_space<vmem_shared>>
      %dma_wait3A_463 = tpu.memref_squeeze %dma_wait3A_462 : memref<1x384x384xf32, #tpu.memory_space<vmem_shared>> -> memref<384x384xf32, #tpu.memory_space<vmem_shared>>
      %dma_wait3A_464 = arith.constant 0 : i32
      %dma_wait3A_465 = arith.constant 0 : i32
      %dma_wait3A_466 = tpu.memref_slice %arg3[%dma_wait3A_458, %dma_wait3A_464, %dma_wait3A_465] : memref<16x384x384xf32, #tpu.memory_space<hbm>> -> memref<1x384x384xf32, #tpu.memory_space<hbm>>
      %dma_wait3A_467 = tpu.memref_squeeze %dma_wait3A_466 : memref<1x384x384xf32, #tpu.memory_space<hbm>> -> memref<384x384xf32, #tpu.memory_space<hbm>>
      tpu.wait_dma2 semaphore(%arg15 : memref<!tpu.dma_semaphore, #tpu.memory_space<semaphore_mem>>) src(%dma_wait3A_467 : memref<384x384xf32, #tpu.memory_space<hbm>>) dst(%dma_wait3A_463 : memref<384x384xf32, #tpu.memory_space<vmem_shared>>)
    } else {
    }
    %mul3A_232 = arith.constant 8 : i32
    %mul3A_233 = arith.muli %arg0, %mul3A_232 : i32
    %add3A_234 = arith.constant 4 : i32
    %add3A_235 = arith.addi %mul3A_233, %add3A_234 : i32
    %barrier3A_236 = arith.constant 0 : index
    tpu.barrier barrier_id(%barrier3A_236)
    %eq3A_237 = arith.constant 0 : i32
    %eq3A_238 = arith.cmpi eq, %arg1, %eq3A_237 : i32
    %convert_element_type3A_239 = arith.extui %eq3A_238 : i1 to i32
    %cond3A_240 = arith.constant 0 : i32
    %cond3A_241 = arith.cmpi ne, %convert_element_type3A_239, %cond3A_240 : i32
    scf.if %cond3A_241 {
      %mul3A_458 = arith.constant 8 : i32
      %mul3A_459 = arith.muli %arg0, %mul3A_458 : i32
      %add3A_460 = arith.constant 5 : i32
      %add3A_461 = arith.addi %mul3A_459, %add3A_460 : i32
      %dma_start3A_462 = arith.constant 1 : i32
      %dma_start3A_463 = arith.constant 0 : i32
      %dma_start3A_464 = arith.constant 0 : i32
      %dma_start3A_465 = tpu.memref_slice %arg10[%dma_start3A_462, %dma_start3A_463, %dma_start3A_464] : memref<2x384x384xf32, #tpu.memory_space<vmem_shared>> -> memref<1x384x384xf32, #tpu.memory_space<vmem_shared>>
      %dma_start3A_466 = tpu.memref_squeeze %dma_start3A_465 : memref<1x384x384xf32, #tpu.memory_space<vmem_shared>> -> memref<384x384xf32, #tpu.memory_space<vmem_shared>>
      %dma_start3A_467 = arith.constant 0 : i32
      %dma_start3A_468 = arith.constant 0 : i32
      %dma_start3A_469 = tpu.memref_slice %arg3[%add3A_461, %dma_start3A_467, %dma_start3A_468] : memref<16x384x384xf32, #tpu.memory_space<hbm>> -> memref<1x384x384xf32, #tpu.memory_space<hbm>>
      %dma_start3A_470 = tpu.memref_squeeze %dma_start3A_469 : memref<1x384x384xf32, #tpu.memory_space<hbm>> -> memref<384x384xf32, #tpu.memory_space<hbm>>
      tpu.enqueue_dma source(%dma_start3A_470 : memref<384x384xf32, #tpu.memory_space<hbm>>) target(%dma_start3A_466 : memref<384x384xf32, #tpu.memory_space<vmem_shared>>) target_semaphore(%arg15 : memref<!tpu.dma_semaphore, #tpu.memory_space<semaphore_mem>>)
    } else {
    }
    %dma_start3A_242 = arith.constant 0 : i32
    %dma_start3A_243 = arith.constant 0 : i32
    %dma_start3A_244 = arith.constant 0 : i32
    %dma_start3A_245 = tpu.memref_slice %arg10[%dma_start3A_242, %dma_start3A_243, %dma_start3A_244] : memref<2x384x384xf32, #tpu.memory_space<vmem_shared>> -> memref<1x8x384xf32, #tpu.memory_space<vmem_shared>>
    %dma_start3A_246 = tpu.memref_squeeze %dma_start3A_245 : memref<1x8x384xf32, #tpu.memory_space<vmem_shared>> -> memref<8x384xf32, #tpu.memory_space<vmem_shared>>
    %dma_start3A_247 = arith.constant 0 : i32
    %dma_start3A_248 = arith.constant 0 : i32
    %dma_start3A_249 = tpu.memref_slice %arg10[%dma_start3A_242, %dma_start3A_247, %dma_start3A_248] : memref<2x384x384xf32, #tpu.memory_space<vmem_shared>> -> memref<1x8x384xf32, #tpu.memory_space<vmem_shared>>
    %dma_start3A_250 = tpu.memref_squeeze %dma_start3A_249 : memref<1x8x384xf32, #tpu.memory_space<vmem_shared>> -> memref<8x384xf32, #tpu.memory_space<vmem_shared>>
    tpu.enqueue_dma source(%dma_start3A_250 : memref<8x384xf32, #tpu.memory_space<vmem_shared>>) target(%arg6 : memref<8x384xf32, #tpu.memory_space<vmem>>) target_semaphore(%arg11 : memref<!tpu.dma_semaphore, #tpu.memory_space<semaphore_mem>>)
    %dma_start3A_251 = arith.constant 0 : i32
    %dma_start3A_252 = arith.constant 8 : i32
    %dma_start3A_253 = arith.constant 0 : i32
    %dma_start3A_254 = tpu.memref_slice %arg10[%dma_start3A_251, %dma_start3A_252, %dma_start3A_253] : memref<2x384x384xf32, #tpu.memory_space<vmem_shared>> -> memref<1x8x384xf32, #tpu.memory_space<vmem_shared>>
    %dma_start3A_255 = tpu.memref_squeeze %dma_start3A_254 : memref<1x8x384xf32, #tpu.memory_space<vmem_shared>> -> memref<8x384xf32, #tpu.memory_space<vmem_shared>>
    %dma_start3A_256 = arith.constant 8 : i32
    %dma_start3A_257 = arith.constant 0 : i32
    %dma_start3A_258 = tpu.memref_slice %arg10[%dma_start3A_251, %dma_start3A_256, %dma_start3A_257] : memref<2x384x384xf32, #tpu.memory_space<vmem_shared>> -> memref<1x8x384xf32, #tpu.memory_space<vmem_shared>>
    %dma_start3A_259 = tpu.memref_squeeze %dma_start3A_258 : memref<1x8x384xf32, #tpu.memory_space<vmem_shared>> -> memref<8x384xf32, #tpu.memory_space<vmem_shared>>
    tpu.enqueue_dma source(%dma_start3A_259 : memref<8x384xf32, #tpu.memory_space<vmem_shared>>) target(%arg7 : memref<8x384xf32, #tpu.memory_space<vmem>>) target_semaphore(%arg12 : memref<!tpu.dma_semaphore, #tpu.memory_space<semaphore_mem>>)
    %scan3A_260 = arith.constant 0 : i32
    %scan3A_261 = arith.constant 0 : i32
    %scan3A_262 = arith.constant 24 : i32
    %scan3A_263 = arith.addi %scan3A_261, %scan3A_262 : i32
    %scan3A_264 = arith.constant 1 : i32
    scf.for %scan3A_458 = %scan3A_261 to %scan3A_263 step %scan3A_264  : i32 {
      %mul3A_459 = arith.constant 2 : i32
      %mul3A_460 = arith.muli %mul3A_459, %scan3A_458 : i32
      %mul3A_461 = arith.constant 8 : i32
      %mul3A_462 = arith.muli %mul3A_460, %mul3A_461 : i32
      %dma_wait3A_463 = arith.constant 0 : i32
      %dma_wait3A_464 = arith.constant 0 : i32
      %dma_wait3A_465 = arith.constant 0 : i32
      %dma_wait3A_466 = tpu.memref_slice %arg10[%dma_wait3A_463, %dma_wait3A_464, %dma_wait3A_465] : memref<2x384x384xf32, #tpu.memory_space<vmem_shared>> -> memref<1x8x384xf32, #tpu.memory_space<vmem_shared>>
      %dma_wait3A_467 = tpu.memref_squeeze %dma_wait3A_466 : memref<1x8x384xf32, #tpu.memory_space<vmem_shared>> -> memref<8x384xf32, #tpu.memory_space<vmem_shared>>
      %dma_wait3A_468 = arith.constant 0 : i32
      %dma_wait3A_469 = arith.constant 0 : i32
      %dma_wait3A_470 = tpu.memref_slice %arg10[%dma_wait3A_463, %dma_wait3A_468, %dma_wait3A_469] : memref<2x384x384xf32, #tpu.memory_space<vmem_shared>> -> memref<1x8x384xf32, #tpu.memory_space<vmem_shared>>
      %dma_wait3A_471 = tpu.memref_squeeze %dma_wait3A_470 : memref<1x8x384xf32, #tpu.memory_space<vmem_shared>> -> memref<8x384xf32, #tpu.memory_space<vmem_shared>>
      tpu.wait_dma2 semaphore(%arg11 : memref<!tpu.dma_semaphore, #tpu.memory_space<semaphore_mem>>) src(%dma_wait3A_471 : memref<8x384xf32, #tpu.memory_space<vmem_shared>>) dst(%arg6 : memref<8x384xf32, #tpu.memory_space<vmem>>)
      %gt3A = arith.constant 0 : i32
      %gt3A_472 = arith.cmpi sgt, %scan3A_458, %gt3A : i32
      %convert_element_type3A_473 = arith.extui %gt3A_472 : i1 to i32
      %cond3A_474 = arith.constant 0 : i32
      %cond3A_475 = arith.cmpi ne, %convert_element_type3A_473, %cond3A_474 : i32
      scf.if %cond3A_475 {
        %dma_wait3A_518 = arith.constant 0 : i32
        %dma_wait3A_519 = arith.constant 0 : i32
        %dma_wait3A_520 = arith.constant 0 : i32
        %dma_wait3A_521 = arith.constant 0 : i32
        %dma_wait3A_522 = tpu.memref_slice %arg4[%dma_wait3A_518, %dma_wait3A_519, %dma_wait3A_520, %dma_wait3A_521] : memref<16x16x384x384xf32, #tpu.memory_space<hbm>> -> memref<1x1x8x384xf32, #tpu.memory_space<hbm>>
        %dma_wait3A_523 = tpu.memref_squeeze %dma_wait3A_522 : memref<1x1x8x384xf32, #tpu.memory_space<hbm>> -> memref<8x384xf32, #tpu.memory_space<hbm>>
        %dma_wait3A_524 = arith.constant 0 : i32
        %dma_wait3A_525 = arith.constant 0 : i32
        %dma_wait3A_526 = tpu.memref_slice %arg4[%dma_wait3A_518, %dma_wait3A_519, %dma_wait3A_524, %dma_wait3A_525] : memref<16x16x384x384xf32, #tpu.memory_space<hbm>> -> memref<1x1x8x384xf32, #tpu.memory_space<hbm>>
        %dma_wait3A_527 = tpu.memref_squeeze %dma_wait3A_526 : memref<1x1x8x384xf32, #tpu.memory_space<hbm>> -> memref<8x384xf32, #tpu.memory_space<hbm>>
        tpu.wait_dma2 semaphore(%arg13 : memref<!tpu.dma_semaphore, #tpu.memory_space<semaphore_mem>>) src(%arg8 : memref<8x384xf32, #tpu.memory_space<vmem>>) dst(%dma_wait3A_527 : memref<8x384xf32, #tpu.memory_space<hbm>>)
      } else {
      }
      %parallel_loop3A = arith.constant 0 : i32
      %parallel_loop3A_476 = arith.constant 8 : i32
      %parallel_loop3A_477 = arith.constant 1 : i32
      scf.for %parallel_loop3A_518 = %parallel_loop3A to %parallel_loop3A_476 step %parallel_loop3A_477  : i32 {
        %parallel_loop3A_519 = arith.constant 0 : i32
        %parallel_loop3A_520 = arith.constant 384 : i32
        %parallel_loop3A_521 = arith.constant 16 : i32
        scf.for %parallel_loop3A_522 = %parallel_loop3A_519 to %parallel_loop3A_520 step %parallel_loop3A_521  : i32 {
          %parallel_loop3A_523 = arith.index_cast %parallel_loop3A_518 : i32 to index
          %parallel_loop3A_524 = arith.index_cast %parallel_loop3A_522 : i32 to index
          %parallel_loop3A_525 = tpu.vector_load %arg6[%parallel_loop3A_523, %parallel_loop3A_524] {strides = array<i32>} : memref<8x384xf32, #tpu.memory_space<vmem>>, vector<16xf32>,
          %parallel_loop3A_526 = arith.constant 1.000000e+05 : f32
          %parallel_loop3A_527 = vector.broadcast %parallel_loop3A_526 : f32 to vector<16xf32>
          %parallel_loop3A_528 = arith.mulf %parallel_loop3A_525, %parallel_loop3A_527 : vector<16xf32>
          %parallel_loop3A_529 = arith.fptosi %parallel_loop3A_528 : vector<16xf32> to vector<16xi32>
          %parallel_loop3A_530 = tpu.vector_load_idx %arg5[%parallel_loop3A_529] : memref<100000xf32, #tpu.memory_space<vmem>>[vector<16xi32>], vector<16xf32>,
          %parallel_loop3A_531 = arith.index_cast %parallel_loop3A_518 : i32 to index
          %parallel_loop3A_532 = arith.index_cast %parallel_loop3A_522 : i32 to index
          %parallel_loop3A_533 = tpu.vector_load %arg8[%parallel_loop3A_531, %parallel_loop3A_532] {strides = array<i32>} : memref<8x384xf32, #tpu.memory_space<vmem>>, vector<16xf32>,
          tpu.vector_store %arg8[%parallel_loop3A_531, %parallel_loop3A_532], %parallel_loop3A_530 {strides = array<i32>} : memref<8x384xf32, #tpu.memory_space<vmem>>, vector<16xf32>,
        } {sc.loop_unroll_factor = 8 : i64, sc.parallel_access}
      } {sc.loop_unroll_factor = 2 : i64, sc.parallel_access}
      %dma_start3A_478 = arith.constant 0 : i32
      %dma_start3A_479 = tpu.memref_slice %arg4[%add3A_235, %arg1, %mul3A_462, %dma_start3A_478] : memref<16x16x384x384xf32, #tpu.memory_space<hbm>> -> memref<1x1x8x384xf32, #tpu.memory_space<hbm>>
      %dma_start3A_480 = tpu.memref_squeeze %dma_start3A_479 : memref<1x1x8x384xf32, #tpu.memory_space<hbm>> -> memref<8x384xf32, #tpu.memory_space<hbm>>
      %dma_start3A_481 = arith.constant 0 : i32
      %dma_start3A_482 = tpu.memref_slice %arg4[%add3A_235, %arg1, %mul3A_462, %dma_start3A_481] : memref<16x16x384x384xf32, #tpu.memory_space<hbm>> -> memref<1x1x8x384xf32, #tpu.memory_space<hbm>>
      %dma_start3A_483 = tpu.memref_squeeze %dma_start3A_482 : memref<1x1x8x384xf32, #tpu.memory_space<hbm>> -> memref<8x384xf32, #tpu.memory_space<hbm>>
      tpu.enqueue_dma source(%arg8 : memref<8x384xf32, #tpu.memory_space<vmem>>) target(%dma_start3A_483 : memref<8x384xf32, #tpu.memory_space<hbm>>) target_semaphore(%arg13 : memref<!tpu.dma_semaphore, #tpu.memory_space<semaphore_mem>>)
      %lt3A = arith.constant 23 : i32
      %lt3A_484 = arith.cmpi slt, %scan3A_458, %lt3A : i32
      %convert_element_type3A_485 = arith.extui %lt3A_484 : i1 to i32
      %cond3A_486 = arith.constant 0 : i32
      %cond3A_487 = arith.cmpi ne, %convert_element_type3A_485, %cond3A_486 : i32
      scf.if %cond3A_487 {
        %add3A_518 = arith.constant 16 : i32
        %add3A_519 = arith.addi %mul3A_462, %add3A_518 : i32
        %dma_start3A_520 = arith.constant 0 : i32
        %dma_start3A_521 = arith.constant 0 : i32
        %dma_start3A_522 = tpu.memref_slice %arg10[%dma_start3A_520, %add3A_519, %dma_start3A_521] : memref<2x384x384xf32, #tpu.memory_space<vmem_shared>> -> memref<1x8x384xf32, #tpu.memory_space<vmem_shared>>
        %dma_start3A_523 = tpu.memref_squeeze %dma_start3A_522 : memref<1x8x384xf32, #tpu.memory_space<vmem_shared>> -> memref<8x384xf32, #tpu.memory_space<vmem_shared>>
        %dma_start3A_524 = arith.constant 0 : i32
        %dma_start3A_525 = tpu.memref_slice %arg10[%dma_start3A_520, %add3A_519, %dma_start3A_524] : memref<2x384x384xf32, #tpu.memory_space<vmem_shared>> -> memref<1x8x384xf32, #tpu.memory_space<vmem_shared>>
        %dma_start3A_526 = tpu.memref_squeeze %dma_start3A_525 : memref<1x8x384xf32, #tpu.memory_space<vmem_shared>> -> memref<8x384xf32, #tpu.memory_space<vmem_shared>>
        tpu.enqueue_dma source(%dma_start3A_526 : memref<8x384xf32, #tpu.memory_space<vmem_shared>>) target(%arg6 : memref<8x384xf32, #tpu.memory_space<vmem>>) target_semaphore(%arg11 : memref<!tpu.dma_semaphore, #tpu.memory_space<semaphore_mem>>)
      } else {
      }
      %dma_wait3A_488 = arith.constant 0 : i32
      %dma_wait3A_489 = arith.constant 0 : i32
      %dma_wait3A_490 = arith.constant 0 : i32
      %dma_wait3A_491 = tpu.memref_slice %arg10[%dma_wait3A_488, %dma_wait3A_489, %dma_wait3A_490] : memref<2x384x384xf32, #tpu.memory_space<vmem_shared>> -> memref<1x8x384xf32, #tpu.memory_space<vmem_shared>>
      %dma_wait3A_492 = tpu.memref_squeeze %dma_wait3A_491 : memref<1x8x384xf32, #tpu.memory_space<vmem_shared>> -> memref<8x384xf32, #tpu.memory_space<vmem_shared>>
      %dma_wait3A_493 = arith.constant 0 : i32
      %dma_wait3A_494 = arith.constant 0 : i32
      %dma_wait3A_495 = tpu.memref_slice %arg10[%dma_wait3A_488, %dma_wait3A_493, %dma_wait3A_494] : memref<2x384x384xf32, #tpu.memory_space<vmem_shared>> -> memref<1x8x384xf32, #tpu.memory_space<vmem_shared>>
      %dma_wait3A_496 = tpu.memref_squeeze %dma_wait3A_495 : memref<1x8x384xf32, #tpu.memory_space<vmem_shared>> -> memref<8x384xf32, #tpu.memory_space<vmem_shared>>
      tpu.wait_dma2 semaphore(%arg12 : memref<!tpu.dma_semaphore, #tpu.memory_space<semaphore_mem>>) src(%dma_wait3A_496 : memref<8x384xf32, #tpu.memory_space<vmem_shared>>) dst(%arg7 : memref<8x384xf32, #tpu.memory_space<vmem>>)
      %gt3A_497 = arith.constant 0 : i32
      %gt3A_498 = arith.cmpi sgt, %scan3A_458, %gt3A_497 : i32
      %convert_element_type3A_499 = arith.extui %gt3A_498 : i1 to i32
      %cond3A_500 = arith.constant 0 : i32
      %cond3A_501 = arith.cmpi ne, %convert_element_type3A_499, %cond3A_500 : i32
      scf.if %cond3A_501 {
        %dma_wait3A_518 = arith.constant 0 : i32
        %dma_wait3A_519 = arith.constant 0 : i32
        %dma_wait3A_520 = arith.constant 0 : i32
        %dma_wait3A_521 = arith.constant 0 : i32
        %dma_wait3A_522 = tpu.memref_slice %arg4[%dma_wait3A_518, %dma_wait3A_519, %dma_wait3A_520, %dma_wait3A_521] : memref<16x16x384x384xf32, #tpu.memory_space<hbm>> -> memref<1x1x8x384xf32, #tpu.memory_space<hbm>>
        %dma_wait3A_523 = tpu.memref_squeeze %dma_wait3A_522 : memref<1x1x8x384xf32, #tpu.memory_space<hbm>> -> memref<8x384xf32, #tpu.memory_space<hbm>>
        %dma_wait3A_524 = arith.constant 0 : i32
        %dma_wait3A_525 = arith.constant 0 : i32
        %dma_wait3A_526 = tpu.memref_slice %arg4[%dma_wait3A_518, %dma_wait3A_519, %dma_wait3A_524, %dma_wait3A_525] : memref<16x16x384x384xf32, #tpu.memory_space<hbm>> -> memref<1x1x8x384xf32, #tpu.memory_space<hbm>>
        %dma_wait3A_527 = tpu.memref_squeeze %dma_wait3A_526 : memref<1x1x8x384xf32, #tpu.memory_space<hbm>> -> memref<8x384xf32, #tpu.memory_space<hbm>>
        tpu.wait_dma2 semaphore(%arg14 : memref<!tpu.dma_semaphore, #tpu.memory_space<semaphore_mem>>) src(%arg9 : memref<8x384xf32, #tpu.memory_space<vmem>>) dst(%dma_wait3A_527 : memref<8x384xf32, #tpu.memory_space<hbm>>)
      } else {
      }
      %parallel_loop3A_502 = arith.constant 0 : i32
      %parallel_loop3A_503 = arith.constant 8 : i32
      %parallel_loop3A_504 = arith.constant 1 : i32
      scf.for %parallel_loop3A_518 = %parallel_loop3A_502 to %parallel_loop3A_503 step %parallel_loop3A_504  : i32 {
        %parallel_loop3A_519 = arith.constant 0 : i32
        %parallel_loop3A_520 = arith.constant 384 : i32
        %parallel_loop3A_521 = arith.constant 16 : i32
        scf.for %parallel_loop3A_522 = %parallel_loop3A_519 to %parallel_loop3A_520 step %parallel_loop3A_521  : i32 {
          %parallel_loop3A_523 = arith.index_cast %parallel_loop3A_518 : i32 to index
          %parallel_loop3A_524 = arith.index_cast %parallel_loop3A_522 : i32 to index
          %parallel_loop3A_525 = tpu.vector_load %arg7[%parallel_loop3A_523, %parallel_loop3A_524] {strides = array<i32>} : memref<8x384xf32, #tpu.memory_space<vmem>>, vector<16xf32>,
          %parallel_loop3A_526 = arith.constant 1.000000e+05 : f32
          %parallel_loop3A_527 = vector.broadcast %parallel_loop3A_526 : f32 to vector<16xf32>
          %parallel_loop3A_528 = arith.mulf %parallel_loop3A_525, %parallel_loop3A_527 : vector<16xf32>
          %parallel_loop3A_529 = arith.fptosi %parallel_loop3A_528 : vector<16xf32> to vector<16xi32>
          %parallel_loop3A_530 = tpu.vector_load_idx %arg5[%parallel_loop3A_529] : memref<100000xf32, #tpu.memory_space<vmem>>[vector<16xi32>], vector<16xf32>,
          %parallel_loop3A_531 = arith.index_cast %parallel_loop3A_518 : i32 to index
          %parallel_loop3A_532 = arith.index_cast %parallel_loop3A_522 : i32 to index
          %parallel_loop3A_533 = tpu.vector_load %arg9[%parallel_loop3A_531, %parallel_loop3A_532] {strides = array<i32>} : memref<8x384xf32, #tpu.memory_space<vmem>>, vector<16xf32>,
          tpu.vector_store %arg9[%parallel_loop3A_531, %parallel_loop3A_532], %parallel_loop3A_530 {strides = array<i32>} : memref<8x384xf32, #tpu.memory_space<vmem>>, vector<16xf32>,
        } {sc.loop_unroll_factor = 8 : i64, sc.parallel_access}
      } {sc.loop_unroll_factor = 2 : i64, sc.parallel_access}
      %add3A_505 = arith.constant 8 : i32
      %add3A_506 = arith.addi %mul3A_462, %add3A_505 : i32
      %dma_start3A_507 = arith.constant 0 : i32
      %dma_start3A_508 = tpu.memref_slice %arg4[%add3A_235, %arg1, %add3A_506, %dma_start3A_507] : memref<16x16x384x384xf32, #tpu.memory_space<hbm>> -> memref<1x1x8x384xf32, #tpu.memory_space<hbm>>
      %dma_start3A_509 = tpu.memref_squeeze %dma_start3A_508 : memref<1x1x8x384xf32, #tpu.memory_space<hbm>> -> memref<8x384xf32, #tpu.memory_space<hbm>>
      %dma_start3A_510 = arith.constant 0 : i32
      %dma_start3A_511 = tpu.memref_slice %arg4[%add3A_235, %arg1, %add3A_506, %dma_start3A_510] : memref<16x16x384x384xf32, #tpu.memory_space<hbm>> -> memref<1x1x8x384xf32, #tpu.memory_space<hbm>>
      %dma_start3A_512 = tpu.memref_squeeze %dma_start3A_511 : memref<1x1x8x384xf32, #tpu.memory_space<hbm>> -> memref<8x384xf32, #tpu.memory_space<hbm>>
      tpu.enqueue_dma source(%arg9 : memref<8x384xf32, #tpu.memory_space<vmem>>) target(%dma_start3A_512 : memref<8x384xf32, #tpu.memory_space<hbm>>) target_semaphore(%arg14 : memref<!tpu.dma_semaphore, #tpu.memory_space<semaphore_mem>>)
      %lt3A_513 = arith.constant 23 : i32
      %lt3A_514 = arith.cmpi slt, %scan3A_458, %lt3A_513 : i32
      %convert_element_type3A_515 = arith.extui %lt3A_514 : i1 to i32
      %cond3A_516 = arith.constant 0 : i32
      %cond3A_517 = arith.cmpi ne, %convert_element_type3A_515, %cond3A_516 : i32
      scf.if %cond3A_517 {
        %add3A_518 = arith.constant 24 : i32
        %add3A_519 = arith.addi %mul3A_462, %add3A_518 : i32
        %dma_start3A_520 = arith.constant 0 : i32
        %dma_start3A_521 = arith.constant 0 : i32
        %dma_start3A_522 = tpu.memref_slice %arg10[%dma_start3A_520, %add3A_519, %dma_start3A_521] : memref<2x384x384xf32, #tpu.memory_space<vmem_shared>> -> memref<1x8x384xf32, #tpu.memory_space<vmem_shared>>
        %dma_start3A_523 = tpu.memref_squeeze %dma_start3A_522 : memref<1x8x384xf32, #tpu.memory_space<vmem_shared>> -> memref<8x384xf32, #tpu.memory_space<vmem_shared>>
        %dma_start3A_524 = arith.constant 0 : i32
        %dma_start3A_525 = tpu.memref_slice %arg10[%dma_start3A_520, %add3A_519, %dma_start3A_524] : memref<2x384x384xf32, #tpu.memory_space<vmem_shared>> -> memref<1x8x384xf32, #tpu.memory_space<vmem_shared>>
        %dma_start3A_526 = tpu.memref_squeeze %dma_start3A_525 : memref<1x8x384xf32, #tpu.memory_space<vmem_shared>> -> memref<8x384xf32, #tpu.memory_space<vmem_shared>>
        tpu.enqueue_dma source(%dma_start3A_526 : memref<8x384xf32, #tpu.memory_space<vmem_shared>>) target(%arg7 : memref<8x384xf32, #tpu.memory_space<vmem>>) target_semaphore(%arg12 : memref<!tpu.dma_semaphore, #tpu.memory_space<semaphore_mem>>)
      } else {
      }
    }
    %scan3A_265 = arith.constant 24 : i32
    %dma_wait3A_266 = arith.constant 0 : i32
    %dma_wait3A_267 = arith.constant 0 : i32
    %dma_wait3A_268 = arith.constant 0 : i32
    %dma_wait3A_269 = arith.constant 0 : i32
    %dma_wait3A_270 = tpu.memref_slice %arg4[%dma_wait3A_266, %dma_wait3A_267, %dma_wait3A_268, %dma_wait3A_269] : memref<16x16x384x384xf32, #tpu.memory_space<hbm>> -> memref<1x1x8x384xf32, #tpu.memory_space<hbm>>
    %dma_wait3A_271 = tpu.memref_squeeze %dma_wait3A_270 : memref<1x1x8x384xf32, #tpu.memory_space<hbm>> -> memref<8x384xf32, #tpu.memory_space<hbm>>
    %dma_wait3A_272 = arith.constant 0 : i32
    %dma_wait3A_273 = arith.constant 0 : i32
    %dma_wait3A_274 = tpu.memref_slice %arg4[%dma_wait3A_266, %dma_wait3A_267, %dma_wait3A_272, %dma_wait3A_273] : memref<16x16x384x384xf32, #tpu.memory_space<hbm>> -> memref<1x1x8x384xf32, #tpu.memory_space<hbm>>
    %dma_wait3A_275 = tpu.memref_squeeze %dma_wait3A_274 : memref<1x1x8x384xf32, #tpu.memory_space<hbm>> -> memref<8x384xf32, #tpu.memory_space<hbm>>
    tpu.wait_dma2 semaphore(%arg13 : memref<!tpu.dma_semaphore, #tpu.memory_space<semaphore_mem>>) src(%arg8 : memref<8x384xf32, #tpu.memory_space<vmem>>) dst(%dma_wait3A_275 : memref<8x384xf32, #tpu.memory_space<hbm>>)
    %dma_wait3A_276 = arith.constant 0 : i32
    %dma_wait3A_277 = arith.constant 0 : i32
    %dma_wait3A_278 = arith.constant 0 : i32
    %dma_wait3A_279 = arith.constant 0 : i32
    %dma_wait3A_280 = tpu.memref_slice %arg4[%dma_wait3A_276, %dma_wait3A_277, %dma_wait3A_278, %dma_wait3A_279] : memref<16x16x384x384xf32, #tpu.memory_space<hbm>> -> memref<1x1x8x384xf32, #tpu.memory_space<hbm>>
    %dma_wait3A_281 = tpu.memref_squeeze %dma_wait3A_280 : memref<1x1x8x384xf32, #tpu.memory_space<hbm>> -> memref<8x384xf32, #tpu.memory_space<hbm>>
    %dma_wait3A_282 = arith.constant 0 : i32
    %dma_wait3A_283 = arith.constant 0 : i32
    %dma_wait3A_284 = tpu.memref_slice %arg4[%dma_wait3A_276, %dma_wait3A_277, %dma_wait3A_282, %dma_wait3A_283] : memref<16x16x384x384xf32, #tpu.memory_space<hbm>> -> memref<1x1x8x384xf32, #tpu.memory_space<hbm>>
    %dma_wait3A_285 = tpu.memref_squeeze %dma_wait3A_284 : memref<1x1x8x384xf32, #tpu.memory_space<hbm>> -> memref<8x384xf32, #tpu.memory_space<hbm>>
    tpu.wait_dma2 semaphore(%arg14 : memref<!tpu.dma_semaphore, #tpu.memory_space<semaphore_mem>>) src(%arg9 : memref<8x384xf32, #tpu.memory_space<vmem>>) dst(%dma_wait3A_285 : memref<8x384xf32, #tpu.memory_space<hbm>>)
    %eq3A_286 = arith.constant 0 : i32
    %eq3A_287 = arith.cmpi eq, %arg1, %eq3A_286 : i32
    %convert_element_type3A_288 = arith.extui %eq3A_287 : i1 to i32
    %cond3A_289 = arith.constant 0 : i32
    %cond3A_290 = arith.cmpi ne, %convert_element_type3A_288, %cond3A_289 : i32
    scf.if %cond3A_290 {
      %dma_wait3A_458 = arith.constant 0 : i32
      %dma_wait3A_459 = arith.constant 0 : i32
      %dma_wait3A_460 = arith.constant 0 : i32
      %dma_wait3A_461 = arith.constant 0 : i32
      %dma_wait3A_462 = tpu.memref_slice %arg10[%dma_wait3A_459, %dma_wait3A_460, %dma_wait3A_461] : memref<2x384x384xf32, #tpu.memory_space<vmem_shared>> -> memref<1x384x384xf32, #tpu.memory_space<vmem_shared>>
      %dma_wait3A_463 = tpu.memref_squeeze %dma_wait3A_462 : memref<1x384x384xf32, #tpu.memory_space<vmem_shared>> -> memref<384x384xf32, #tpu.memory_space<vmem_shared>>
      %dma_wait3A_464 = arith.constant 0 : i32
      %dma_wait3A_465 = arith.constant 0 : i32
      %dma_wait3A_466 = tpu.memref_slice %arg3[%dma_wait3A_458, %dma_wait3A_464, %dma_wait3A_465] : memref<16x384x384xf32, #tpu.memory_space<hbm>> -> memref<1x384x384xf32, #tpu.memory_space<hbm>>
      %dma_wait3A_467 = tpu.memref_squeeze %dma_wait3A_466 : memref<1x384x384xf32, #tpu.memory_space<hbm>> -> memref<384x384xf32, #tpu.memory_space<hbm>>
      tpu.wait_dma2 semaphore(%arg15 : memref<!tpu.dma_semaphore, #tpu.memory_space<semaphore_mem>>) src(%dma_wait3A_467 : memref<384x384xf32, #tpu.memory_space<hbm>>) dst(%dma_wait3A_463 : memref<384x384xf32, #tpu.memory_space<vmem_shared>>)
    } else {
    }
    %mul3A_291 = arith.constant 8 : i32
    %mul3A_292 = arith.muli %arg0, %mul3A_291 : i32
    %add3A_293 = arith.constant 5 : i32
    %add3A_294 = arith.addi %mul3A_292, %add3A_293 : i32
    %barrier3A_295 = arith.constant 0 : index
    tpu.barrier barrier_id(%barrier3A_295)
    %eq3A_296 = arith.constant 0 : i32
    %eq3A_297 = arith.cmpi eq, %arg1, %eq3A_296 : i32
    %convert_element_type3A_298 = arith.extui %eq3A_297 : i1 to i32
    %cond3A_299 = arith.constant 0 : i32
    %cond3A_300 = arith.cmpi ne, %convert_element_type3A_298, %cond3A_299 : i32
    scf.if %cond3A_300 {
      %mul3A_458 = arith.constant 8 : i32
      %mul3A_459 = arith.muli %arg0, %mul3A_458 : i32
      %add3A_460 = arith.constant 6 : i32
      %add3A_461 = arith.addi %mul3A_459, %add3A_460 : i32
      %dma_start3A_462 = arith.constant 0 : i32
      %dma_start3A_463 = arith.constant 0 : i32
      %dma_start3A_464 = arith.constant 0 : i32
      %dma_start3A_465 = tpu.memref_slice %arg10[%dma_start3A_462, %dma_start3A_463, %dma_start3A_464] : memref<2x384x384xf32, #tpu.memory_space<vmem_shared>> -> memref<1x384x384xf32, #tpu.memory_space<vmem_shared>>
      %dma_start3A_466 = tpu.memref_squeeze %dma_start3A_465 : memref<1x384x384xf32, #tpu.memory_space<vmem_shared>> -> memref<384x384xf32, #tpu.memory_space<vmem_shared>>
      %dma_start3A_467 = arith.constant 0 : i32
      %dma_start3A_468 = arith.constant 0 : i32
      %dma_start3A_469 = tpu.memref_slice %arg3[%add3A_461, %dma_start3A_467, %dma_start3A_468] : memref<16x384x384xf32, #tpu.memory_space<hbm>> -> memref<1x384x384xf32, #tpu.memory_space<hbm>>
      %dma_start3A_470 = tpu.memref_squeeze %dma_start3A_469 : memref<1x384x384xf32, #tpu.memory_space<hbm>> -> memref<384x384xf32, #tpu.memory_space<hbm>>
      tpu.enqueue_dma source(%dma_start3A_470 : memref<384x384xf32, #tpu.memory_space<hbm>>) target(%dma_start3A_466 : memref<384x384xf32, #tpu.memory_space<vmem_shared>>) target_semaphore(%arg15 : memref<!tpu.dma_semaphore, #tpu.memory_space<semaphore_mem>>)
    } else {
    }
    %dma_start3A_301 = arith.constant 1 : i32
    %dma_start3A_302 = arith.constant 0 : i32
    %dma_start3A_303 = arith.constant 0 : i32
    %dma_start3A_304 = tpu.memref_slice %arg10[%dma_start3A_301, %dma_start3A_302, %dma_start3A_303] : memref<2x384x384xf32, #tpu.memory_space<vmem_shared>> -> memref<1x8x384xf32, #tpu.memory_space<vmem_shared>>
    %dma_start3A_305 = tpu.memref_squeeze %dma_start3A_304 : memref<1x8x384xf32, #tpu.memory_space<vmem_shared>> -> memref<8x384xf32, #tpu.memory_space<vmem_shared>>
    %dma_start3A_306 = arith.constant 0 : i32
    %dma_start3A_307 = arith.constant 0 : i32
    %dma_start3A_308 = tpu.memref_slice %arg10[%dma_start3A_301, %dma_start3A_306, %dma_start3A_307] : memref<2x384x384xf32, #tpu.memory_space<vmem_shared>> -> memref<1x8x384xf32, #tpu.memory_space<vmem_shared>>
    %dma_start3A_309 = tpu.memref_squeeze %dma_start3A_308 : memref<1x8x384xf32, #tpu.memory_space<vmem_shared>> -> memref<8x384xf32, #tpu.memory_space<vmem_shared>>
    tpu.enqueue_dma source(%dma_start3A_309 : memref<8x384xf32, #tpu.memory_space<vmem_shared>>) target(%arg6 : memref<8x384xf32, #tpu.memory_space<vmem>>) target_semaphore(%arg11 : memref<!tpu.dma_semaphore, #tpu.memory_space<semaphore_mem>>)
    %dma_start3A_310 = arith.constant 1 : i32
    %dma_start3A_311 = arith.constant 8 : i32
    %dma_start3A_312 = arith.constant 0 : i32
    %dma_start3A_313 = tpu.memref_slice %arg10[%dma_start3A_310, %dma_start3A_311, %dma_start3A_312] : memref<2x384x384xf32, #tpu.memory_space<vmem_shared>> -> memref<1x8x384xf32, #tpu.memory_space<vmem_shared>>
    %dma_start3A_314 = tpu.memref_squeeze %dma_start3A_313 : memref<1x8x384xf32, #tpu.memory_space<vmem_shared>> -> memref<8x384xf32, #tpu.memory_space<vmem_shared>>
    %dma_start3A_315 = arith.constant 8 : i32
    %dma_start3A_316 = arith.constant 0 : i32
    %dma_start3A_317 = tpu.memref_slice %arg10[%dma_start3A_310, %dma_start3A_315, %dma_start3A_316] : memref<2x384x384xf32, #tpu.memory_space<vmem_shared>> -> memref<1x8x384xf32, #tpu.memory_space<vmem_shared>>
    %dma_start3A_318 = tpu.memref_squeeze %dma_start3A_317 : memref<1x8x384xf32, #tpu.memory_space<vmem_shared>> -> memref<8x384xf32, #tpu.memory_space<vmem_shared>>
    tpu.enqueue_dma source(%dma_start3A_318 : memref<8x384xf32, #tpu.memory_space<vmem_shared>>) target(%arg7 : memref<8x384xf32, #tpu.memory_space<vmem>>) target_semaphore(%arg12 : memref<!tpu.dma_semaphore, #tpu.memory_space<semaphore_mem>>)
    %scan3A_319 = arith.constant 0 : i32
    %scan3A_320 = arith.constant 0 : i32
    %scan3A_321 = arith.constant 24 : i32
    %scan3A_322 = arith.addi %scan3A_320, %scan3A_321 : i32
    %scan3A_323 = arith.constant 1 : i32
    scf.for %scan3A_458 = %scan3A_320 to %scan3A_322 step %scan3A_323  : i32 {
      %mul3A_459 = arith.constant 2 : i32
      %mul3A_460 = arith.muli %mul3A_459, %scan3A_458 : i32
      %mul3A_461 = arith.constant 8 : i32
      %mul3A_462 = arith.muli %mul3A_460, %mul3A_461 : i32
      %dma_wait3A_463 = arith.constant 0 : i32
      %dma_wait3A_464 = arith.constant 0 : i32
      %dma_wait3A_465 = arith.constant 0 : i32
      %dma_wait3A_466 = tpu.memref_slice %arg10[%dma_wait3A_463, %dma_wait3A_464, %dma_wait3A_465] : memref<2x384x384xf32, #tpu.memory_space<vmem_shared>> -> memref<1x8x384xf32, #tpu.memory_space<vmem_shared>>
      %dma_wait3A_467 = tpu.memref_squeeze %dma_wait3A_466 : memref<1x8x384xf32, #tpu.memory_space<vmem_shared>> -> memref<8x384xf32, #tpu.memory_space<vmem_shared>>
      %dma_wait3A_468 = arith.constant 0 : i32
      %dma_wait3A_469 = arith.constant 0 : i32
      %dma_wait3A_470 = tpu.memref_slice %arg10[%dma_wait3A_463, %dma_wait3A_468, %dma_wait3A_469] : memref<2x384x384xf32, #tpu.memory_space<vmem_shared>> -> memref<1x8x384xf32, #tpu.memory_space<vmem_shared>>
      %dma_wait3A_471 = tpu.memref_squeeze %dma_wait3A_470 : memref<1x8x384xf32, #tpu.memory_space<vmem_shared>> -> memref<8x384xf32, #tpu.memory_space<vmem_shared>>
      tpu.wait_dma2 semaphore(%arg11 : memref<!tpu.dma_semaphore, #tpu.memory_space<semaphore_mem>>) src(%dma_wait3A_471 : memref<8x384xf32, #tpu.memory_space<vmem_shared>>) dst(%arg6 : memref<8x384xf32, #tpu.memory_space<vmem>>)
      %gt3A = arith.constant 0 : i32
      %gt3A_472 = arith.cmpi sgt, %scan3A_458, %gt3A : i32
      %convert_element_type3A_473 = arith.extui %gt3A_472 : i1 to i32
      %cond3A_474 = arith.constant 0 : i32
      %cond3A_475 = arith.cmpi ne, %convert_element_type3A_473, %cond3A_474 : i32
      scf.if %cond3A_475 {
        %dma_wait3A_518 = arith.constant 0 : i32
        %dma_wait3A_519 = arith.constant 0 : i32
        %dma_wait3A_520 = arith.constant 0 : i32
        %dma_wait3A_521 = arith.constant 0 : i32
        %dma_wait3A_522 = tpu.memref_slice %arg4[%dma_wait3A_518, %dma_wait3A_519, %dma_wait3A_520, %dma_wait3A_521] : memref<16x16x384x384xf32, #tpu.memory_space<hbm>> -> memref<1x1x8x384xf32, #tpu.memory_space<hbm>>
        %dma_wait3A_523 = tpu.memref_squeeze %dma_wait3A_522 : memref<1x1x8x384xf32, #tpu.memory_space<hbm>> -> memref<8x384xf32, #tpu.memory_space<hbm>>
        %dma_wait3A_524 = arith.constant 0 : i32
        %dma_wait3A_525 = arith.constant 0 : i32
        %dma_wait3A_526 = tpu.memref_slice %arg4[%dma_wait3A_518, %dma_wait3A_519, %dma_wait3A_524, %dma_wait3A_525] : memref<16x16x384x384xf32, #tpu.memory_space<hbm>> -> memref<1x1x8x384xf32, #tpu.memory_space<hbm>>
        %dma_wait3A_527 = tpu.memref_squeeze %dma_wait3A_526 : memref<1x1x8x384xf32, #tpu.memory_space<hbm>> -> memref<8x384xf32, #tpu.memory_space<hbm>>
        tpu.wait_dma2 semaphore(%arg13 : memref<!tpu.dma_semaphore, #tpu.memory_space<semaphore_mem>>) src(%arg8 : memref<8x384xf32, #tpu.memory_space<vmem>>) dst(%dma_wait3A_527 : memref<8x384xf32, #tpu.memory_space<hbm>>)
      } else {
      }
      %parallel_loop3A = arith.constant 0 : i32
      %parallel_loop3A_476 = arith.constant 8 : i32
      %parallel_loop3A_477 = arith.constant 1 : i32
      scf.for %parallel_loop3A_518 = %parallel_loop3A to %parallel_loop3A_476 step %parallel_loop3A_477  : i32 {
        %parallel_loop3A_519 = arith.constant 0 : i32
        %parallel_loop3A_520 = arith.constant 384 : i32
        %parallel_loop3A_521 = arith.constant 16 : i32
        scf.for %parallel_loop3A_522 = %parallel_loop3A_519 to %parallel_loop3A_520 step %parallel_loop3A_521  : i32 {
          %parallel_loop3A_523 = arith.index_cast %parallel_loop3A_518 : i32 to index
          %parallel_loop3A_524 = arith.index_cast %parallel_loop3A_522 : i32 to index
          %parallel_loop3A_525 = tpu.vector_load %arg6[%parallel_loop3A_523, %parallel_loop3A_524] {strides = array<i32>} : memref<8x384xf32, #tpu.memory_space<vmem>>, vector<16xf32>,
          %parallel_loop3A_526 = arith.constant 1.000000e+05 : f32
          %parallel_loop3A_527 = vector.broadcast %parallel_loop3A_526 : f32 to vector<16xf32>
          %parallel_loop3A_528 = arith.mulf %parallel_loop3A_525, %parallel_loop3A_527 : vector<16xf32>
          %parallel_loop3A_529 = arith.fptosi %parallel_loop3A_528 : vector<16xf32> to vector<16xi32>
          %parallel_loop3A_530 = tpu.vector_load_idx %arg5[%parallel_loop3A_529] : memref<100000xf32, #tpu.memory_space<vmem>>[vector<16xi32>], vector<16xf32>,
          %parallel_loop3A_531 = arith.index_cast %parallel_loop3A_518 : i32 to index
          %parallel_loop3A_532 = arith.index_cast %parallel_loop3A_522 : i32 to index
          %parallel_loop3A_533 = tpu.vector_load %arg8[%parallel_loop3A_531, %parallel_loop3A_532] {strides = array<i32>} : memref<8x384xf32, #tpu.memory_space<vmem>>, vector<16xf32>,
          tpu.vector_store %arg8[%parallel_loop3A_531, %parallel_loop3A_532], %parallel_loop3A_530 {strides = array<i32>} : memref<8x384xf32, #tpu.memory_space<vmem>>, vector<16xf32>,
        } {sc.loop_unroll_factor = 8 : i64, sc.parallel_access}
      } {sc.loop_unroll_factor = 2 : i64, sc.parallel_access}
      %dma_start3A_478 = arith.constant 0 : i32
      %dma_start3A_479 = tpu.memref_slice %arg4[%add3A_294, %arg1, %mul3A_462, %dma_start3A_478] : memref<16x16x384x384xf32, #tpu.memory_space<hbm>> -> memref<1x1x8x384xf32, #tpu.memory_space<hbm>>
      %dma_start3A_480 = tpu.memref_squeeze %dma_start3A_479 : memref<1x1x8x384xf32, #tpu.memory_space<hbm>> -> memref<8x384xf32, #tpu.memory_space<hbm>>
      %dma_start3A_481 = arith.constant 0 : i32
      %dma_start3A_482 = tpu.memref_slice %arg4[%add3A_294, %arg1, %mul3A_462, %dma_start3A_481] : memref<16x16x384x384xf32, #tpu.memory_space<hbm>> -> memref<1x1x8x384xf32, #tpu.memory_space<hbm>>
      %dma_start3A_483 = tpu.memref_squeeze %dma_start3A_482 : memref<1x1x8x384xf32, #tpu.memory_space<hbm>> -> memref<8x384xf32, #tpu.memory_space<hbm>>
      tpu.enqueue_dma source(%arg8 : memref<8x384xf32, #tpu.memory_space<vmem>>) target(%dma_start3A_483 : memref<8x384xf32, #tpu.memory_space<hbm>>) target_semaphore(%arg13 : memref<!tpu.dma_semaphore, #tpu.memory_space<semaphore_mem>>)
      %lt3A = arith.constant 23 : i32
      %lt3A_484 = arith.cmpi slt, %scan3A_458, %lt3A : i32
      %convert_element_type3A_485 = arith.extui %lt3A_484 : i1 to i32
      %cond3A_486 = arith.constant 0 : i32
      %cond3A_487 = arith.cmpi ne, %convert_element_type3A_485, %cond3A_486 : i32
      scf.if %cond3A_487 {
        %add3A_518 = arith.constant 16 : i32
        %add3A_519 = arith.addi %mul3A_462, %add3A_518 : i32
        %dma_start3A_520 = arith.constant 1 : i32
        %dma_start3A_521 = arith.constant 0 : i32
        %dma_start3A_522 = tpu.memref_slice %arg10[%dma_start3A_520, %add3A_519, %dma_start3A_521] : memref<2x384x384xf32, #tpu.memory_space<vmem_shared>> -> memref<1x8x384xf32, #tpu.memory_space<vmem_shared>>
        %dma_start3A_523 = tpu.memref_squeeze %dma_start3A_522 : memref<1x8x384xf32, #tpu.memory_space<vmem_shared>> -> memref<8x384xf32, #tpu.memory_space<vmem_shared>>
        %dma_start3A_524 = arith.constant 0 : i32
        %dma_start3A_525 = tpu.memref_slice %arg10[%dma_start3A_520, %add3A_519, %dma_start3A_524] : memref<2x384x384xf32, #tpu.memory_space<vmem_shared>> -> memref<1x8x384xf32, #tpu.memory_space<vmem_shared>>
        %dma_start3A_526 = tpu.memref_squeeze %dma_start3A_525 : memref<1x8x384xf32, #tpu.memory_space<vmem_shared>> -> memref<8x384xf32, #tpu.memory_space<vmem_shared>>
        tpu.enqueue_dma source(%dma_start3A_526 : memref<8x384xf32, #tpu.memory_space<vmem_shared>>) target(%arg6 : memref<8x384xf32, #tpu.memory_space<vmem>>) target_semaphore(%arg11 : memref<!tpu.dma_semaphore, #tpu.memory_space<semaphore_mem>>)
      } else {
      }
      %dma_wait3A_488 = arith.constant 0 : i32
      %dma_wait3A_489 = arith.constant 0 : i32
      %dma_wait3A_490 = arith.constant 0 : i32
      %dma_wait3A_491 = tpu.memref_slice %arg10[%dma_wait3A_488, %dma_wait3A_489, %dma_wait3A_490] : memref<2x384x384xf32, #tpu.memory_space<vmem_shared>> -> memref<1x8x384xf32, #tpu.memory_space<vmem_shared>>
      %dma_wait3A_492 = tpu.memref_squeeze %dma_wait3A_491 : memref<1x8x384xf32, #tpu.memory_space<vmem_shared>> -> memref<8x384xf32, #tpu.memory_space<vmem_shared>>
      %dma_wait3A_493 = arith.constant 0 : i32
      %dma_wait3A_494 = arith.constant 0 : i32
      %dma_wait3A_495 = tpu.memref_slice %arg10[%dma_wait3A_488, %dma_wait3A_493, %dma_wait3A_494] : memref<2x384x384xf32, #tpu.memory_space<vmem_shared>> -> memref<1x8x384xf32, #tpu.memory_space<vmem_shared>>
      %dma_wait3A_496 = tpu.memref_squeeze %dma_wait3A_495 : memref<1x8x384xf32, #tpu.memory_space<vmem_shared>> -> memref<8x384xf32, #tpu.memory_space<vmem_shared>>
      tpu.wait_dma2 semaphore(%arg12 : memref<!tpu.dma_semaphore, #tpu.memory_space<semaphore_mem>>) src(%dma_wait3A_496 : memref<8x384xf32, #tpu.memory_space<vmem_shared>>) dst(%arg7 : memref<8x384xf32, #tpu.memory_space<vmem>>)
      %gt3A_497 = arith.constant 0 : i32
      %gt3A_498 = arith.cmpi sgt, %scan3A_458, %gt3A_497 : i32
      %convert_element_type3A_499 = arith.extui %gt3A_498 : i1 to i32
      %cond3A_500 = arith.constant 0 : i32
      %cond3A_501 = arith.cmpi ne, %convert_element_type3A_499, %cond3A_500 : i32
      scf.if %cond3A_501 {
        %dma_wait3A_518 = arith.constant 0 : i32
        %dma_wait3A_519 = arith.constant 0 : i32
        %dma_wait3A_520 = arith.constant 0 : i32
        %dma_wait3A_521 = arith.constant 0 : i32
        %dma_wait3A_522 = tpu.memref_slice %arg4[%dma_wait3A_518, %dma_wait3A_519, %dma_wait3A_520, %dma_wait3A_521] : memref<16x16x384x384xf32, #tpu.memory_space<hbm>> -> memref<1x1x8x384xf32, #tpu.memory_space<hbm>>
        %dma_wait3A_523 = tpu.memref_squeeze %dma_wait3A_522 : memref<1x1x8x384xf32, #tpu.memory_space<hbm>> -> memref<8x384xf32, #tpu.memory_space<hbm>>
        %dma_wait3A_524 = arith.constant 0 : i32
        %dma_wait3A_525 = arith.constant 0 : i32
        %dma_wait3A_526 = tpu.memref_slice %arg4[%dma_wait3A_518, %dma_wait3A_519, %dma_wait3A_524, %dma_wait3A_525] : memref<16x16x384x384xf32, #tpu.memory_space<hbm>> -> memref<1x1x8x384xf32, #tpu.memory_space<hbm>>
        %dma_wait3A_527 = tpu.memref_squeeze %dma_wait3A_526 : memref<1x1x8x384xf32, #tpu.memory_space<hbm>> -> memref<8x384xf32, #tpu.memory_space<hbm>>
        tpu.wait_dma2 semaphore(%arg14 : memref<!tpu.dma_semaphore, #tpu.memory_space<semaphore_mem>>) src(%arg9 : memref<8x384xf32, #tpu.memory_space<vmem>>) dst(%dma_wait3A_527 : memref<8x384xf32, #tpu.memory_space<hbm>>)
      } else {
      }
      %parallel_loop3A_502 = arith.constant 0 : i32
      %parallel_loop3A_503 = arith.constant 8 : i32
      %parallel_loop3A_504 = arith.constant 1 : i32
      scf.for %parallel_loop3A_518 = %parallel_loop3A_502 to %parallel_loop3A_503 step %parallel_loop3A_504  : i32 {
        %parallel_loop3A_519 = arith.constant 0 : i32
        %parallel_loop3A_520 = arith.constant 384 : i32
        %parallel_loop3A_521 = arith.constant 16 : i32
        scf.for %parallel_loop3A_522 = %parallel_loop3A_519 to %parallel_loop3A_520 step %parallel_loop3A_521  : i32 {
          %parallel_loop3A_523 = arith.index_cast %parallel_loop3A_518 : i32 to index
          %parallel_loop3A_524 = arith.index_cast %parallel_loop3A_522 : i32 to index
          %parallel_loop3A_525 = tpu.vector_load %arg7[%parallel_loop3A_523, %parallel_loop3A_524] {strides = array<i32>} : memref<8x384xf32, #tpu.memory_space<vmem>>, vector<16xf32>,
          %parallel_loop3A_526 = arith.constant 1.000000e+05 : f32
          %parallel_loop3A_527 = vector.broadcast %parallel_loop3A_526 : f32 to vector<16xf32>
          %parallel_loop3A_528 = arith.mulf %parallel_loop3A_525, %parallel_loop3A_527 : vector<16xf32>
          %parallel_loop3A_529 = arith.fptosi %parallel_loop3A_528 : vector<16xf32> to vector<16xi32>
          %parallel_loop3A_530 = tpu.vector_load_idx %arg5[%parallel_loop3A_529] : memref<100000xf32, #tpu.memory_space<vmem>>[vector<16xi32>], vector<16xf32>,
          %parallel_loop3A_531 = arith.index_cast %parallel_loop3A_518 : i32 to index
          %parallel_loop3A_532 = arith.index_cast %parallel_loop3A_522 : i32 to index
          %parallel_loop3A_533 = tpu.vector_load %arg9[%parallel_loop3A_531, %parallel_loop3A_532] {strides = array<i32>} : memref<8x384xf32, #tpu.memory_space<vmem>>, vector<16xf32>,
          tpu.vector_store %arg9[%parallel_loop3A_531, %parallel_loop3A_532], %parallel_loop3A_530 {strides = array<i32>} : memref<8x384xf32, #tpu.memory_space<vmem>>, vector<16xf32>,
        } {sc.loop_unroll_factor = 8 : i64, sc.parallel_access}
      } {sc.loop_unroll_factor = 2 : i64, sc.parallel_access}
      %add3A_505 = arith.constant 8 : i32
      %add3A_506 = arith.addi %mul3A_462, %add3A_505 : i32
      %dma_start3A_507 = arith.constant 0 : i32
      %dma_start3A_508 = tpu.memref_slice %arg4[%add3A_294, %arg1, %add3A_506, %dma_start3A_507] : memref<16x16x384x384xf32, #tpu.memory_space<hbm>> -> memref<1x1x8x384xf32, #tpu.memory_space<hbm>>
      %dma_start3A_509 = tpu.memref_squeeze %dma_start3A_508 : memref<1x1x8x384xf32, #tpu.memory_space<hbm>> -> memref<8x384xf32, #tpu.memory_space<hbm>>
      %dma_start3A_510 = arith.constant 0 : i32
      %dma_start3A_511 = tpu.memref_slice %arg4[%add3A_294, %arg1, %add3A_506, %dma_start3A_510] : memref<16x16x384x384xf32, #tpu.memory_space<hbm>> -> memref<1x1x8x384xf32, #tpu.memory_space<hbm>>
      %dma_start3A_512 = tpu.memref_squeeze %dma_start3A_511 : memref<1x1x8x384xf32, #tpu.memory_space<hbm>> -> memref<8x384xf32, #tpu.memory_space<hbm>>
      tpu.enqueue_dma source(%arg9 : memref<8x384xf32, #tpu.memory_space<vmem>>) target(%dma_start3A_512 : memref<8x384xf32, #tpu.memory_space<hbm>>) target_semaphore(%arg14 : memref<!tpu.dma_semaphore, #tpu.memory_space<semaphore_mem>>)
      %lt3A_513 = arith.constant 23 : i32
      %lt3A_514 = arith.cmpi slt, %scan3A_458, %lt3A_513 : i32
      %convert_element_type3A_515 = arith.extui %lt3A_514 : i1 to i32
      %cond3A_516 = arith.constant 0 : i32
      %cond3A_517 = arith.cmpi ne, %convert_element_type3A_515, %cond3A_516 : i32
      scf.if %cond3A_517 {
        %add3A_518 = arith.constant 24 : i32
        %add3A_519 = arith.addi %mul3A_462, %add3A_518 : i32
        %dma_start3A_520 = arith.constant 1 : i32
        %dma_start3A_521 = arith.constant 0 : i32
        %dma_start3A_522 = tpu.memref_slice %arg10[%dma_start3A_520, %add3A_519, %dma_start3A_521] : memref<2x384x384xf32, #tpu.memory_space<vmem_shared>> -> memref<1x8x384xf32, #tpu.memory_space<vmem_shared>>
        %dma_start3A_523 = tpu.memref_squeeze %dma_start3A_522 : memref<1x8x384xf32, #tpu.memory_space<vmem_shared>> -> memref<8x384xf32, #tpu.memory_space<vmem_shared>>
        %dma_start3A_524 = arith.constant 0 : i32
        %dma_start3A_525 = tpu.memref_slice %arg10[%dma_start3A_520, %add3A_519, %dma_start3A_524] : memref<2x384x384xf32, #tpu.memory_space<vmem_shared>> -> memref<1x8x384xf32, #tpu.memory_space<vmem_shared>>
        %dma_start3A_526 = tpu.memref_squeeze %dma_start3A_525 : memref<1x8x384xf32, #tpu.memory_space<vmem_shared>> -> memref<8x384xf32, #tpu.memory_space<vmem_shared>>
        tpu.enqueue_dma source(%dma_start3A_526 : memref<8x384xf32, #tpu.memory_space<vmem_shared>>) target(%arg7 : memref<8x384xf32, #tpu.memory_space<vmem>>) target_semaphore(%arg12 : memref<!tpu.dma_semaphore, #tpu.memory_space<semaphore_mem>>)
      } else {
      }
    }
    %scan3A_324 = arith.constant 24 : i32
    %dma_wait3A_325 = arith.constant 0 : i32
    %dma_wait3A_326 = arith.constant 0 : i32
    %dma_wait3A_327 = arith.constant 0 : i32
    %dma_wait3A_328 = arith.constant 0 : i32
    %dma_wait3A_329 = tpu.memref_slice %arg4[%dma_wait3A_325, %dma_wait3A_326, %dma_wait3A_327, %dma_wait3A_328] : memref<16x16x384x384xf32, #tpu.memory_space<hbm>> -> memref<1x1x8x384xf32, #tpu.memory_space<hbm>>
    %dma_wait3A_330 = tpu.memref_squeeze %dma_wait3A_329 : memref<1x1x8x384xf32, #tpu.memory_space<hbm>> -> memref<8x384xf32, #tpu.memory_space<hbm>>
    %dma_wait3A_331 = arith.constant 0 : i32
    %dma_wait3A_332 = arith.constant 0 : i32
    %dma_wait3A_333 = tpu.memref_slice %arg4[%dma_wait3A_325, %dma_wait3A_326, %dma_wait3A_331, %dma_wait3A_332] : memref<16x16x384x384xf32, #tpu.memory_space<hbm>> -> memref<1x1x8x384xf32, #tpu.memory_space<hbm>>
    %dma_wait3A_334 = tpu.memref_squeeze %dma_wait3A_333 : memref<1x1x8x384xf32, #tpu.memory_space<hbm>> -> memref<8x384xf32, #tpu.memory_space<hbm>>
    tpu.wait_dma2 semaphore(%arg13 : memref<!tpu.dma_semaphore, #tpu.memory_space<semaphore_mem>>) src(%arg8 : memref<8x384xf32, #tpu.memory_space<vmem>>) dst(%dma_wait3A_334 : memref<8x384xf32, #tpu.memory_space<hbm>>)
    %dma_wait3A_335 = arith.constant 0 : i32
    %dma_wait3A_336 = arith.constant 0 : i32
    %dma_wait3A_337 = arith.constant 0 : i32
    %dma_wait3A_338 = arith.constant 0 : i32
    %dma_wait3A_339 = tpu.memref_slice %arg4[%dma_wait3A_335, %dma_wait3A_336, %dma_wait3A_337, %dma_wait3A_338] : memref<16x16x384x384xf32, #tpu.memory_space<hbm>> -> memref<1x1x8x384xf32, #tpu.memory_space<hbm>>
    %dma_wait3A_340 = tpu.memref_squeeze %dma_wait3A_339 : memref<1x1x8x384xf32, #tpu.memory_space<hbm>> -> memref<8x384xf32, #tpu.memory_space<hbm>>
    %dma_wait3A_341 = arith.constant 0 : i32
    %dma_wait3A_342 = arith.constant 0 : i32
    %dma_wait3A_343 = tpu.memref_slice %arg4[%dma_wait3A_335, %dma_wait3A_336, %dma_wait3A_341, %dma_wait3A_342] : memref<16x16x384x384xf32, #tpu.memory_space<hbm>> -> memref<1x1x8x384xf32, #tpu.memory_space<hbm>>
    %dma_wait3A_344 = tpu.memref_squeeze %dma_wait3A_343 : memref<1x1x8x384xf32, #tpu.memory_space<hbm>> -> memref<8x384xf32, #tpu.memory_space<hbm>>
    tpu.wait_dma2 semaphore(%arg14 : memref<!tpu.dma_semaphore, #tpu.memory_space<semaphore_mem>>) src(%arg9 : memref<8x384xf32, #tpu.memory_space<vmem>>) dst(%dma_wait3A_344 : memref<8x384xf32, #tpu.memory_space<hbm>>)
    %eq3A_345 = arith.constant 0 : i32
    %eq3A_346 = arith.cmpi eq, %arg1, %eq3A_345 : i32
    %convert_element_type3A_347 = arith.extui %eq3A_346 : i1 to i32
    %cond3A_348 = arith.constant 0 : i32
    %cond3A_349 = arith.cmpi ne, %convert_element_type3A_347, %cond3A_348 : i32
    scf.if %cond3A_349 {
      %dma_wait3A_458 = arith.constant 0 : i32
      %dma_wait3A_459 = arith.constant 0 : i32
      %dma_wait3A_460 = arith.constant 0 : i32
      %dma_wait3A_461 = arith.constant 0 : i32
      %dma_wait3A_462 = tpu.memref_slice %arg10[%dma_wait3A_459, %dma_wait3A_460, %dma_wait3A_461] : memref<2x384x384xf32, #tpu.memory_space<vmem_shared>> -> memref<1x384x384xf32, #tpu.memory_space<vmem_shared>>
      %dma_wait3A_463 = tpu.memref_squeeze %dma_wait3A_462 : memref<1x384x384xf32, #tpu.memory_space<vmem_shared>> -> memref<384x384xf32, #tpu.memory_space<vmem_shared>>
      %dma_wait3A_464 = arith.constant 0 : i32
      %dma_wait3A_465 = arith.constant 0 : i32
      %dma_wait3A_466 = tpu.memref_slice %arg3[%dma_wait3A_458, %dma_wait3A_464, %dma_wait3A_465] : memref<16x384x384xf32, #tpu.memory_space<hbm>> -> memref<1x384x384xf32, #tpu.memory_space<hbm>>
      %dma_wait3A_467 = tpu.memref_squeeze %dma_wait3A_466 : memref<1x384x384xf32, #tpu.memory_space<hbm>> -> memref<384x384xf32, #tpu.memory_space<hbm>>
      tpu.wait_dma2 semaphore(%arg15 : memref<!tpu.dma_semaphore, #tpu.memory_space<semaphore_mem>>) src(%dma_wait3A_467 : memref<384x384xf32, #tpu.memory_space<hbm>>) dst(%dma_wait3A_463 : memref<384x384xf32, #tpu.memory_space<vmem_shared>>)
    } else {
    }
    %mul3A_350 = arith.constant 8 : i32
    %mul3A_351 = arith.muli %arg0, %mul3A_350 : i32
    %add3A_352 = arith.constant 6 : i32
    %add3A_353 = arith.addi %mul3A_351, %add3A_352 : i32
    %barrier3A_354 = arith.constant 0 : index
    tpu.barrier barrier_id(%barrier3A_354)
    %eq3A_355 = arith.constant 0 : i32
    %eq3A_356 = arith.cmpi eq, %arg1, %eq3A_355 : i32
    %convert_element_type3A_357 = arith.extui %eq3A_356 : i1 to i32
    %cond3A_358 = arith.constant 0 : i32
    %cond3A_359 = arith.cmpi ne, %convert_element_type3A_357, %cond3A_358 : i32
    scf.if %cond3A_359 {
      %mul3A_458 = arith.constant 8 : i32
      %mul3A_459 = arith.muli %arg0, %mul3A_458 : i32
      %add3A_460 = arith.constant 7 : i32
      %add3A_461 = arith.addi %mul3A_459, %add3A_460 : i32
      %dma_start3A_462 = arith.constant 1 : i32
      %dma_start3A_463 = arith.constant 0 : i32
      %dma_start3A_464 = arith.constant 0 : i32
      %dma_start3A_465 = tpu.memref_slice %arg10[%dma_start3A_462, %dma_start3A_463, %dma_start3A_464] : memref<2x384x384xf32, #tpu.memory_space<vmem_shared>> -> memref<1x384x384xf32, #tpu.memory_space<vmem_shared>>
      %dma_start3A_466 = tpu.memref_squeeze %dma_start3A_465 : memref<1x384x384xf32, #tpu.memory_space<vmem_shared>> -> memref<384x384xf32, #tpu.memory_space<vmem_shared>>
      %dma_start3A_467 = arith.constant 0 : i32
      %dma_start3A_468 = arith.constant 0 : i32
      %dma_start3A_469 = tpu.memref_slice %arg3[%add3A_461, %dma_start3A_467, %dma_start3A_468] : memref<16x384x384xf32, #tpu.memory_space<hbm>> -> memref<1x384x384xf32, #tpu.memory_space<hbm>>
      %dma_start3A_470 = tpu.memref_squeeze %dma_start3A_469 : memref<1x384x384xf32, #tpu.memory_space<hbm>> -> memref<384x384xf32, #tpu.memory_space<hbm>>
      tpu.enqueue_dma source(%dma_start3A_470 : memref<384x384xf32, #tpu.memory_space<hbm>>) target(%dma_start3A_466 : memref<384x384xf32, #tpu.memory_space<vmem_shared>>) target_semaphore(%arg15 : memref<!tpu.dma_semaphore, #tpu.memory_space<semaphore_mem>>)
    } else {
    }
    %dma_start3A_360 = arith.constant 0 : i32
    %dma_start3A_361 = arith.constant 0 : i32
    %dma_start3A_362 = arith.constant 0 : i32
    %dma_start3A_363 = tpu.memref_slice %arg10[%dma_start3A_360, %dma_start3A_361, %dma_start3A_362] : memref<2x384x384xf32, #tpu.memory_space<vmem_shared>> -> memref<1x8x384xf32, #tpu.memory_space<vmem_shared>>
    %dma_start3A_364 = tpu.memref_squeeze %dma_start3A_363 : memref<1x8x384xf32, #tpu.memory_space<vmem_shared>> -> memref<8x384xf32, #tpu.memory_space<vmem_shared>>
    %dma_start3A_365 = arith.constant 0 : i32
    %dma_start3A_366 = arith.constant 0 : i32
    %dma_start3A_367 = tpu.memref_slice %arg10[%dma_start3A_360, %dma_start3A_365, %dma_start3A_366] : memref<2x384x384xf32, #tpu.memory_space<vmem_shared>> -> memref<1x8x384xf32, #tpu.memory_space<vmem_shared>>
    %dma_start3A_368 = tpu.memref_squeeze %dma_start3A_367 : memref<1x8x384xf32, #tpu.memory_space<vmem_shared>> -> memref<8x384xf32, #tpu.memory_space<vmem_shared>>
    tpu.enqueue_dma source(%dma_start3A_368 : memref<8x384xf32, #tpu.memory_space<vmem_shared>>) target(%arg6 : memref<8x384xf32, #tpu.memory_space<vmem>>) target_semaphore(%arg11 : memref<!tpu.dma_semaphore, #tpu.memory_space<semaphore_mem>>)
    %dma_start3A_369 = arith.constant 0 : i32
    %dma_start3A_370 = arith.constant 8 : i32
    %dma_start3A_371 = arith.constant 0 : i32
    %dma_start3A_372 = tpu.memref_slice %arg10[%dma_start3A_369, %dma_start3A_370, %dma_start3A_371] : memref<2x384x384xf32, #tpu.memory_space<vmem_shared>> -> memref<1x8x384xf32, #tpu.memory_space<vmem_shared>>
    %dma_start3A_373 = tpu.memref_squeeze %dma_start3A_372 : memref<1x8x384xf32, #tpu.memory_space<vmem_shared>> -> memref<8x384xf32, #tpu.memory_space<vmem_shared>>
    %dma_start3A_374 = arith.constant 8 : i32
    %dma_start3A_375 = arith.constant 0 : i32
    %dma_start3A_376 = tpu.memref_slice %arg10[%dma_start3A_369, %dma_start3A_374, %dma_start3A_375] : memref<2x384x384xf32, #tpu.memory_space<vmem_shared>> -> memref<1x8x384xf32, #tpu.memory_space<vmem_shared>>
    %dma_start3A_377 = tpu.memref_squeeze %dma_start3A_376 : memref<1x8x384xf32, #tpu.memory_space<vmem_shared>> -> memref<8x384xf32, #tpu.memory_space<vmem_shared>>
    tpu.enqueue_dma source(%dma_start3A_377 : memref<8x384xf32, #tpu.memory_space<vmem_shared>>) target(%arg7 : memref<8x384xf32, #tpu.memory_space<vmem>>) target_semaphore(%arg12 : memref<!tpu.dma_semaphore, #tpu.memory_space<semaphore_mem>>)
    %scan3A_378 = arith.constant 0 : i32
    %scan3A_379 = arith.constant 0 : i32
    %scan3A_380 = arith.constant 24 : i32
    %scan3A_381 = arith.addi %scan3A_379, %scan3A_380 : i32
    %scan3A_382 = arith.constant 1 : i32
    scf.for %scan3A_458 = %scan3A_379 to %scan3A_381 step %scan3A_382  : i32 {
      %mul3A_459 = arith.constant 2 : i32
      %mul3A_460 = arith.muli %mul3A_459, %scan3A_458 : i32
      %mul3A_461 = arith.constant 8 : i32
      %mul3A_462 = arith.muli %mul3A_460, %mul3A_461 : i32
      %dma_wait3A_463 = arith.constant 0 : i32
      %dma_wait3A_464 = arith.constant 0 : i32
      %dma_wait3A_465 = arith.constant 0 : i32
      %dma_wait3A_466 = tpu.memref_slice %arg10[%dma_wait3A_463, %dma_wait3A_464, %dma_wait3A_465] : memref<2x384x384xf32, #tpu.memory_space<vmem_shared>> -> memref<1x8x384xf32, #tpu.memory_space<vmem_shared>>
      %dma_wait3A_467 = tpu.memref_squeeze %dma_wait3A_466 : memref<1x8x384xf32, #tpu.memory_space<vmem_shared>> -> memref<8x384xf32, #tpu.memory_space<vmem_shared>>
      %dma_wait3A_468 = arith.constant 0 : i32
      %dma_wait3A_469 = arith.constant 0 : i32
      %dma_wait3A_470 = tpu.memref_slice %arg10[%dma_wait3A_463, %dma_wait3A_468, %dma_wait3A_469] : memref<2x384x384xf32, #tpu.memory_space<vmem_shared>> -> memref<1x8x384xf32, #tpu.memory_space<vmem_shared>>
      %dma_wait3A_471 = tpu.memref_squeeze %dma_wait3A_470 : memref<1x8x384xf32, #tpu.memory_space<vmem_shared>> -> memref<8x384xf32, #tpu.memory_space<vmem_shared>>
      tpu.wait_dma2 semaphore(%arg11 : memref<!tpu.dma_semaphore, #tpu.memory_space<semaphore_mem>>) src(%dma_wait3A_471 : memref<8x384xf32, #tpu.memory_space<vmem_shared>>) dst(%arg6 : memref<8x384xf32, #tpu.memory_space<vmem>>)
      %gt3A = arith.constant 0 : i32
      %gt3A_472 = arith.cmpi sgt, %scan3A_458, %gt3A : i32
      %convert_element_type3A_473 = arith.extui %gt3A_472 : i1 to i32
      %cond3A_474 = arith.constant 0 : i32
      %cond3A_475 = arith.cmpi ne, %convert_element_type3A_473, %cond3A_474 : i32
      scf.if %cond3A_475 {
        %dma_wait3A_518 = arith.constant 0 : i32
        %dma_wait3A_519 = arith.constant 0 : i32
        %dma_wait3A_520 = arith.constant 0 : i32
        %dma_wait3A_521 = arith.constant 0 : i32
        %dma_wait3A_522 = tpu.memref_slice %arg4[%dma_wait3A_518, %dma_wait3A_519, %dma_wait3A_520, %dma_wait3A_521] : memref<16x16x384x384xf32, #tpu.memory_space<hbm>> -> memref<1x1x8x384xf32, #tpu.memory_space<hbm>>
        %dma_wait3A_523 = tpu.memref_squeeze %dma_wait3A_522 : memref<1x1x8x384xf32, #tpu.memory_space<hbm>> -> memref<8x384xf32, #tpu.memory_space<hbm>>
        %dma_wait3A_524 = arith.constant 0 : i32
        %dma_wait3A_525 = arith.constant 0 : i32
        %dma_wait3A_526 = tpu.memref_slice %arg4[%dma_wait3A_518, %dma_wait3A_519, %dma_wait3A_524, %dma_wait3A_525] : memref<16x16x384x384xf32, #tpu.memory_space<hbm>> -> memref<1x1x8x384xf32, #tpu.memory_space<hbm>>
        %dma_wait3A_527 = tpu.memref_squeeze %dma_wait3A_526 : memref<1x1x8x384xf32, #tpu.memory_space<hbm>> -> memref<8x384xf32, #tpu.memory_space<hbm>>
        tpu.wait_dma2 semaphore(%arg13 : memref<!tpu.dma_semaphore, #tpu.memory_space<semaphore_mem>>) src(%arg8 : memref<8x384xf32, #tpu.memory_space<vmem>>) dst(%dma_wait3A_527 : memref<8x384xf32, #tpu.memory_space<hbm>>)
      } else {
      }
      %parallel_loop3A = arith.constant 0 : i32
      %parallel_loop3A_476 = arith.constant 8 : i32
      %parallel_loop3A_477 = arith.constant 1 : i32
      scf.for %parallel_loop3A_518 = %parallel_loop3A to %parallel_loop3A_476 step %parallel_loop3A_477  : i32 {
        %parallel_loop3A_519 = arith.constant 0 : i32
        %parallel_loop3A_520 = arith.constant 384 : i32
        %parallel_loop3A_521 = arith.constant 16 : i32
        scf.for %parallel_loop3A_522 = %parallel_loop3A_519 to %parallel_loop3A_520 step %parallel_loop3A_521  : i32 {
          %parallel_loop3A_523 = arith.index_cast %parallel_loop3A_518 : i32 to index
          %parallel_loop3A_524 = arith.index_cast %parallel_loop3A_522 : i32 to index
          %parallel_loop3A_525 = tpu.vector_load %arg6[%parallel_loop3A_523, %parallel_loop3A_524] {strides = array<i32>} : memref<8x384xf32, #tpu.memory_space<vmem>>, vector<16xf32>,
          %parallel_loop3A_526 = arith.constant 1.000000e+05 : f32
          %parallel_loop3A_527 = vector.broadcast %parallel_loop3A_526 : f32 to vector<16xf32>
          %parallel_loop3A_528 = arith.mulf %parallel_loop3A_525, %parallel_loop3A_527 : vector<16xf32>
          %parallel_loop3A_529 = arith.fptosi %parallel_loop3A_528 : vector<16xf32> to vector<16xi32>
          %parallel_loop3A_530 = tpu.vector_load_idx %arg5[%parallel_loop3A_529] : memref<100000xf32, #tpu.memory_space<vmem>>[vector<16xi32>], vector<16xf32>,
          %parallel_loop3A_531 = arith.index_cast %parallel_loop3A_518 : i32 to index
          %parallel_loop3A_532 = arith.index_cast %parallel_loop3A_522 : i32 to index
          %parallel_loop3A_533 = tpu.vector_load %arg8[%parallel_loop3A_531, %parallel_loop3A_532] {strides = array<i32>} : memref<8x384xf32, #tpu.memory_space<vmem>>, vector<16xf32>,
          tpu.vector_store %arg8[%parallel_loop3A_531, %parallel_loop3A_532], %parallel_loop3A_530 {strides = array<i32>} : memref<8x384xf32, #tpu.memory_space<vmem>>, vector<16xf32>,
        } {sc.loop_unroll_factor = 8 : i64, sc.parallel_access}
      } {sc.loop_unroll_factor = 2 : i64, sc.parallel_access}
      %dma_start3A_478 = arith.constant 0 : i32
      %dma_start3A_479 = tpu.memref_slice %arg4[%add3A_353, %arg1, %mul3A_462, %dma_start3A_478] : memref<16x16x384x384xf32, #tpu.memory_space<hbm>> -> memref<1x1x8x384xf32, #tpu.memory_space<hbm>>
      %dma_start3A_480 = tpu.memref_squeeze %dma_start3A_479 : memref<1x1x8x384xf32, #tpu.memory_space<hbm>> -> memref<8x384xf32, #tpu.memory_space<hbm>>
      %dma_start3A_481 = arith.constant 0 : i32
      %dma_start3A_482 = tpu.memref_slice %arg4[%add3A_353, %arg1, %mul3A_462, %dma_start3A_481] : memref<16x16x384x384xf32, #tpu.memory_space<hbm>> -> memref<1x1x8x384xf32, #tpu.memory_space<hbm>>
      %dma_start3A_483 = tpu.memref_squeeze %dma_start3A_482 : memref<1x1x8x384xf32, #tpu.memory_space<hbm>> -> memref<8x384xf32, #tpu.memory_space<hbm>>
      tpu.enqueue_dma source(%arg8 : memref<8x384xf32, #tpu.memory_space<vmem>>) target(%dma_start3A_483 : memref<8x384xf32, #tpu.memory_space<hbm>>) target_semaphore(%arg13 : memref<!tpu.dma_semaphore, #tpu.memory_space<semaphore_mem>>)
      %lt3A = arith.constant 23 : i32
      %lt3A_484 = arith.cmpi slt, %scan3A_458, %lt3A : i32
      %convert_element_type3A_485 = arith.extui %lt3A_484 : i1 to i32
      %cond3A_486 = arith.constant 0 : i32
      %cond3A_487 = arith.cmpi ne, %convert_element_type3A_485, %cond3A_486 : i32
      scf.if %cond3A_487 {
        %add3A_518 = arith.constant 16 : i32
        %add3A_519 = arith.addi %mul3A_462, %add3A_518 : i32
        %dma_start3A_520 = arith.constant 0 : i32
        %dma_start3A_521 = arith.constant 0 : i32
        %dma_start3A_522 = tpu.memref_slice %arg10[%dma_start3A_520, %add3A_519, %dma_start3A_521] : memref<2x384x384xf32, #tpu.memory_space<vmem_shared>> -> memref<1x8x384xf32, #tpu.memory_space<vmem_shared>>
        %dma_start3A_523 = tpu.memref_squeeze %dma_start3A_522 : memref<1x8x384xf32, #tpu.memory_space<vmem_shared>> -> memref<8x384xf32, #tpu.memory_space<vmem_shared>>
        %dma_start3A_524 = arith.constant 0 : i32
        %dma_start3A_525 = tpu.memref_slice %arg10[%dma_start3A_520, %add3A_519, %dma_start3A_524] : memref<2x384x384xf32, #tpu.memory_space<vmem_shared>> -> memref<1x8x384xf32, #tpu.memory_space<vmem_shared>>
        %dma_start3A_526 = tpu.memref_squeeze %dma_start3A_525 : memref<1x8x384xf32, #tpu.memory_space<vmem_shared>> -> memref<8x384xf32, #tpu.memory_space<vmem_shared>>
        tpu.enqueue_dma source(%dma_start3A_526 : memref<8x384xf32, #tpu.memory_space<vmem_shared>>) target(%arg6 : memref<8x384xf32, #tpu.memory_space<vmem>>) target_semaphore(%arg11 : memref<!tpu.dma_semaphore, #tpu.memory_space<semaphore_mem>>)
      } else {
      }
      %dma_wait3A_488 = arith.constant 0 : i32
      %dma_wait3A_489 = arith.constant 0 : i32
      %dma_wait3A_490 = arith.constant 0 : i32
      %dma_wait3A_491 = tpu.memref_slice %arg10[%dma_wait3A_488, %dma_wait3A_489, %dma_wait3A_490] : memref<2x384x384xf32, #tpu.memory_space<vmem_shared>> -> memref<1x8x384xf32, #tpu.memory_space<vmem_shared>>
      %dma_wait3A_492 = tpu.memref_squeeze %dma_wait3A_491 : memref<1x8x384xf32, #tpu.memory_space<vmem_shared>> -> memref<8x384xf32, #tpu.memory_space<vmem_shared>>
      %dma_wait3A_493 = arith.constant 0 : i32
      %dma_wait3A_494 = arith.constant 0 : i32
      %dma_wait3A_495 = tpu.memref_slice %arg10[%dma_wait3A_488, %dma_wait3A_493, %dma_wait3A_494] : memref<2x384x384xf32, #tpu.memory_space<vmem_shared>> -> memref<1x8x384xf32, #tpu.memory_space<vmem_shared>>
      %dma_wait3A_496 = tpu.memref_squeeze %dma_wait3A_495 : memref<1x8x384xf32, #tpu.memory_space<vmem_shared>> -> memref<8x384xf32, #tpu.memory_space<vmem_shared>>
      tpu.wait_dma2 semaphore(%arg12 : memref<!tpu.dma_semaphore, #tpu.memory_space<semaphore_mem>>) src(%dma_wait3A_496 : memref<8x384xf32, #tpu.memory_space<vmem_shared>>) dst(%arg7 : memref<8x384xf32, #tpu.memory_space<vmem>>)
      %gt3A_497 = arith.constant 0 : i32
      %gt3A_498 = arith.cmpi sgt, %scan3A_458, %gt3A_497 : i32
      %convert_element_type3A_499 = arith.extui %gt3A_498 : i1 to i32
      %cond3A_500 = arith.constant 0 : i32
      %cond3A_501 = arith.cmpi ne, %convert_element_type3A_499, %cond3A_500 : i32
      scf.if %cond3A_501 {
        %dma_wait3A_518 = arith.constant 0 : i32
        %dma_wait3A_519 = arith.constant 0 : i32
        %dma_wait3A_520 = arith.constant 0 : i32
        %dma_wait3A_521 = arith.constant 0 : i32
        %dma_wait3A_522 = tpu.memref_slice %arg4[%dma_wait3A_518, %dma_wait3A_519, %dma_wait3A_520, %dma_wait3A_521] : memref<16x16x384x384xf32, #tpu.memory_space<hbm>> -> memref<1x1x8x384xf32, #tpu.memory_space<hbm>>
        %dma_wait3A_523 = tpu.memref_squeeze %dma_wait3A_522 : memref<1x1x8x384xf32, #tpu.memory_space<hbm>> -> memref<8x384xf32, #tpu.memory_space<hbm>>
        %dma_wait3A_524 = arith.constant 0 : i32
        %dma_wait3A_525 = arith.constant 0 : i32
        %dma_wait3A_526 = tpu.memref_slice %arg4[%dma_wait3A_518, %dma_wait3A_519, %dma_wait3A_524, %dma_wait3A_525] : memref<16x16x384x384xf32, #tpu.memory_space<hbm>> -> memref<1x1x8x384xf32, #tpu.memory_space<hbm>>
        %dma_wait3A_527 = tpu.memref_squeeze %dma_wait3A_526 : memref<1x1x8x384xf32, #tpu.memory_space<hbm>> -> memref<8x384xf32, #tpu.memory_space<hbm>>
        tpu.wait_dma2 semaphore(%arg14 : memref<!tpu.dma_semaphore, #tpu.memory_space<semaphore_mem>>) src(%arg9 : memref<8x384xf32, #tpu.memory_space<vmem>>) dst(%dma_wait3A_527 : memref<8x384xf32, #tpu.memory_space<hbm>>)
      } else {
      }
      %parallel_loop3A_502 = arith.constant 0 : i32
      %parallel_loop3A_503 = arith.constant 8 : i32
      %parallel_loop3A_504 = arith.constant 1 : i32
      scf.for %parallel_loop3A_518 = %parallel_loop3A_502 to %parallel_loop3A_503 step %parallel_loop3A_504  : i32 {
        %parallel_loop3A_519 = arith.constant 0 : i32
        %parallel_loop3A_520 = arith.constant 384 : i32
        %parallel_loop3A_521 = arith.constant 16 : i32
        scf.for %parallel_loop3A_522 = %parallel_loop3A_519 to %parallel_loop3A_520 step %parallel_loop3A_521  : i32 {
          %parallel_loop3A_523 = arith.index_cast %parallel_loop3A_518 : i32 to index
          %parallel_loop3A_524 = arith.index_cast %parallel_loop3A_522 : i32 to index
          %parallel_loop3A_525 = tpu.vector_load %arg7[%parallel_loop3A_523, %parallel_loop3A_524] {strides = array<i32>} : memref<8x384xf32, #tpu.memory_space<vmem>>, vector<16xf32>,
          %parallel_loop3A_526 = arith.constant 1.000000e+05 : f32
          %parallel_loop3A_527 = vector.broadcast %parallel_loop3A_526 : f32 to vector<16xf32>
          %parallel_loop3A_528 = arith.mulf %parallel_loop3A_525, %parallel_loop3A_527 : vector<16xf32>
          %parallel_loop3A_529 = arith.fptosi %parallel_loop3A_528 : vector<16xf32> to vector<16xi32>
          %parallel_loop3A_530 = tpu.vector_load_idx %arg5[%parallel_loop3A_529] : memref<100000xf32, #tpu.memory_space<vmem>>[vector<16xi32>], vector<16xf32>,
          %parallel_loop3A_531 = arith.index_cast %parallel_loop3A_518 : i32 to index
          %parallel_loop3A_532 = arith.index_cast %parallel_loop3A_522 : i32 to index
          %parallel_loop3A_533 = tpu.vector_load %arg9[%parallel_loop3A_531, %parallel_loop3A_532] {strides = array<i32>} : memref<8x384xf32, #tpu.memory_space<vmem>>, vector<16xf32>,
          tpu.vector_store %arg9[%parallel_loop3A_531, %parallel_loop3A_532], %parallel_loop3A_530 {strides = array<i32>} : memref<8x384xf32, #tpu.memory_space<vmem>>, vector<16xf32>,
        } {sc.loop_unroll_factor = 8 : i64, sc.parallel_access}
      } {sc.loop_unroll_factor = 2 : i64, sc.parallel_access}
      %add3A_505 = arith.constant 8 : i32
      %add3A_506 = arith.addi %mul3A_462, %add3A_505 : i32
      %dma_start3A_507 = arith.constant 0 : i32
      %dma_start3A_508 = tpu.memref_slice %arg4[%add3A_353, %arg1, %add3A_506, %dma_start3A_507] : memref<16x16x384x384xf32, #tpu.memory_space<hbm>> -> memref<1x1x8x384xf32, #tpu.memory_space<hbm>>
      %dma_start3A_509 = tpu.memref_squeeze %dma_start3A_508 : memref<1x1x8x384xf32, #tpu.memory_space<hbm>> -> memref<8x384xf32, #tpu.memory_space<hbm>>
      %dma_start3A_510 = arith.constant 0 : i32
      %dma_start3A_511 = tpu.memref_slice %arg4[%add3A_353, %arg1, %add3A_506, %dma_start3A_510] : memref<16x16x384x384xf32, #tpu.memory_space<hbm>> -> memref<1x1x8x384xf32, #tpu.memory_space<hbm>>
      %dma_start3A_512 = tpu.memref_squeeze %dma_start3A_511 : memref<1x1x8x384xf32, #tpu.memory_space<hbm>> -> memref<8x384xf32, #tpu.memory_space<hbm>>
      tpu.enqueue_dma source(%arg9 : memref<8x384xf32, #tpu.memory_space<vmem>>) target(%dma_start3A_512 : memref<8x384xf32, #tpu.memory_space<hbm>>) target_semaphore(%arg14 : memref<!tpu.dma_semaphore, #tpu.memory_space<semaphore_mem>>)
      %lt3A_513 = arith.constant 23 : i32
      %lt3A_514 = arith.cmpi slt, %scan3A_458, %lt3A_513 : i32
      %convert_element_type3A_515 = arith.extui %lt3A_514 : i1 to i32
      %cond3A_516 = arith.constant 0 : i32
      %cond3A_517 = arith.cmpi ne, %convert_element_type3A_515, %cond3A_516 : i32
      scf.if %cond3A_517 {
        %add3A_518 = arith.constant 24 : i32
        %add3A_519 = arith.addi %mul3A_462, %add3A_518 : i32
        %dma_start3A_520 = arith.constant 0 : i32
        %dma_start3A_521 = arith.constant 0 : i32
        %dma_start3A_522 = tpu.memref_slice %arg10[%dma_start3A_520, %add3A_519, %dma_start3A_521] : memref<2x384x384xf32, #tpu.memory_space<vmem_shared>> -> memref<1x8x384xf32, #tpu.memory_space<vmem_shared>>
        %dma_start3A_523 = tpu.memref_squeeze %dma_start3A_522 : memref<1x8x384xf32, #tpu.memory_space<vmem_shared>> -> memref<8x384xf32, #tpu.memory_space<vmem_shared>>
        %dma_start3A_524 = arith.constant 0 : i32
        %dma_start3A_525 = tpu.memref_slice %arg10[%dma_start3A_520, %add3A_519, %dma_start3A_524] : memref<2x384x384xf32, #tpu.memory_space<vmem_shared>> -> memref<1x8x384xf32, #tpu.memory_space<vmem_shared>>
        %dma_start3A_526 = tpu.memref_squeeze %dma_start3A_525 : memref<1x8x384xf32, #tpu.memory_space<vmem_shared>> -> memref<8x384xf32, #tpu.memory_space<vmem_shared>>
        tpu.enqueue_dma source(%dma_start3A_526 : memref<8x384xf32, #tpu.memory_space<vmem_shared>>) target(%arg7 : memref<8x384xf32, #tpu.memory_space<vmem>>) target_semaphore(%arg12 : memref<!tpu.dma_semaphore, #tpu.memory_space<semaphore_mem>>)
      } else {
      }
    }
    %scan3A_383 = arith.constant 24 : i32
    %dma_wait3A_384 = arith.constant 0 : i32
    %dma_wait3A_385 = arith.constant 0 : i32
    %dma_wait3A_386 = arith.constant 0 : i32
    %dma_wait3A_387 = arith.constant 0 : i32
    %dma_wait3A_388 = tpu.memref_slice %arg4[%dma_wait3A_384, %dma_wait3A_385, %dma_wait3A_386, %dma_wait3A_387] : memref<16x16x384x384xf32, #tpu.memory_space<hbm>> -> memref<1x1x8x384xf32, #tpu.memory_space<hbm>>
    %dma_wait3A_389 = tpu.memref_squeeze %dma_wait3A_388 : memref<1x1x8x384xf32, #tpu.memory_space<hbm>> -> memref<8x384xf32, #tpu.memory_space<hbm>>
    %dma_wait3A_390 = arith.constant 0 : i32
    %dma_wait3A_391 = arith.constant 0 : i32
    %dma_wait3A_392 = tpu.memref_slice %arg4[%dma_wait3A_384, %dma_wait3A_385, %dma_wait3A_390, %dma_wait3A_391] : memref<16x16x384x384xf32, #tpu.memory_space<hbm>> -> memref<1x1x8x384xf32, #tpu.memory_space<hbm>>
    %dma_wait3A_393 = tpu.memref_squeeze %dma_wait3A_392 : memref<1x1x8x384xf32, #tpu.memory_space<hbm>> -> memref<8x384xf32, #tpu.memory_space<hbm>>
    tpu.wait_dma2 semaphore(%arg13 : memref<!tpu.dma_semaphore, #tpu.memory_space<semaphore_mem>>) src(%arg8 : memref<8x384xf32, #tpu.memory_space<vmem>>) dst(%dma_wait3A_393 : memref<8x384xf32, #tpu.memory_space<hbm>>)
    %dma_wait3A_394 = arith.constant 0 : i32
    %dma_wait3A_395 = arith.constant 0 : i32
    %dma_wait3A_396 = arith.constant 0 : i32
    %dma_wait3A_397 = arith.constant 0 : i32
    %dma_wait3A_398 = tpu.memref_slice %arg4[%dma_wait3A_394, %dma_wait3A_395, %dma_wait3A_396, %dma_wait3A_397] : memref<16x16x384x384xf32, #tpu.memory_space<hbm>> -> memref<1x1x8x384xf32, #tpu.memory_space<hbm>>
    %dma_wait3A_399 = tpu.memref_squeeze %dma_wait3A_398 : memref<1x1x8x384xf32, #tpu.memory_space<hbm>> -> memref<8x384xf32, #tpu.memory_space<hbm>>
    %dma_wait3A_400 = arith.constant 0 : i32
    %dma_wait3A_401 = arith.constant 0 : i32
    %dma_wait3A_402 = tpu.memref_slice %arg4[%dma_wait3A_394, %dma_wait3A_395, %dma_wait3A_400, %dma_wait3A_401] : memref<16x16x384x384xf32, #tpu.memory_space<hbm>> -> memref<1x1x8x384xf32, #tpu.memory_space<hbm>>
    %dma_wait3A_403 = tpu.memref_squeeze %dma_wait3A_402 : memref<1x1x8x384xf32, #tpu.memory_space<hbm>> -> memref<8x384xf32, #tpu.memory_space<hbm>>
    tpu.wait_dma2 semaphore(%arg14 : memref<!tpu.dma_semaphore, #tpu.memory_space<semaphore_mem>>) src(%arg9 : memref<8x384xf32, #tpu.memory_space<vmem>>) dst(%dma_wait3A_403 : memref<8x384xf32, #tpu.memory_space<hbm>>)
    %eq3A_404 = arith.constant 0 : i32
    %eq3A_405 = arith.cmpi eq, %arg1, %eq3A_404 : i32
    %convert_element_type3A_406 = arith.extui %eq3A_405 : i1 to i32
    %cond3A_407 = arith.constant 0 : i32
    %cond3A_408 = arith.cmpi ne, %convert_element_type3A_406, %cond3A_407 : i32
    scf.if %cond3A_408 {
      %dma_wait3A_458 = arith.constant 0 : i32
      %dma_wait3A_459 = arith.constant 0 : i32
      %dma_wait3A_460 = arith.constant 0 : i32
      %dma_wait3A_461 = arith.constant 0 : i32
      %dma_wait3A_462 = tpu.memref_slice %arg10[%dma_wait3A_459, %dma_wait3A_460, %dma_wait3A_461] : memref<2x384x384xf32, #tpu.memory_space<vmem_shared>> -> memref<1x384x384xf32, #tpu.memory_space<vmem_shared>>
      %dma_wait3A_463 = tpu.memref_squeeze %dma_wait3A_462 : memref<1x384x384xf32, #tpu.memory_space<vmem_shared>> -> memref<384x384xf32, #tpu.memory_space<vmem_shared>>
      %dma_wait3A_464 = arith.constant 0 : i32
      %dma_wait3A_465 = arith.constant 0 : i32
      %dma_wait3A_466 = tpu.memref_slice %arg3[%dma_wait3A_458, %dma_wait3A_464, %dma_wait3A_465] : memref<16x384x384xf32, #tpu.memory_space<hbm>> -> memref<1x384x384xf32, #tpu.memory_space<hbm>>
      %dma_wait3A_467 = tpu.memref_squeeze %dma_wait3A_466 : memref<1x384x384xf32, #tpu.memory_space<hbm>> -> memref<384x384xf32, #tpu.memory_space<hbm>>
      tpu.wait_dma2 semaphore(%arg15 : memref<!tpu.dma_semaphore, #tpu.memory_space<semaphore_mem>>) src(%dma_wait3A_467 : memref<384x384xf32, #tpu.memory_space<hbm>>) dst(%dma_wait3A_463 : memref<384x384xf32, #tpu.memory_space<vmem_shared>>)
    } else {
    }
    %mul3A_409 = arith.constant 8 : i32
    %mul3A_410 = arith.muli %arg0, %mul3A_409 : i32
    %add3A_411 = arith.constant 7 : i32
    %add3A_412 = arith.addi %mul3A_410, %add3A_411 : i32
    %barrier3A_413 = arith.constant 0 : index
    tpu.barrier barrier_id(%barrier3A_413)
    %dma_start3A_414 = arith.constant 1 : i32
    %dma_start3A_415 = arith.constant 0 : i32
    %dma_start3A_416 = arith.constant 0 : i32
    %dma_start3A_417 = tpu.memref_slice %arg10[%dma_start3A_414, %dma_start3A_415, %dma_start3A_416] : memref<2x384x384xf32, #tpu.memory_space<vmem_shared>> -> memref<1x8x384xf32, #tpu.memory_space<vmem_shared>>
    %dma_start3A_418 = tpu.memref_squeeze %dma_start3A_417 : memref<1x8x384xf32, #tpu.memory_space<vmem_shared>> -> memref<8x384xf32, #tpu.memory_space<vmem_shared>>
    %dma_start3A_419 = arith.constant 0 : i32
    %dma_start3A_420 = arith.constant 0 : i32
    %dma_start3A_421 = tpu.memref_slice %arg10[%dma_start3A_414, %dma_start3A_419, %dma_start3A_420] : memref<2x384x384xf32, #tpu.memory_space<vmem_shared>> -> memref<1x8x384xf32, #tpu.memory_space<vmem_shared>>
    %dma_start3A_422 = tpu.memref_squeeze %dma_start3A_421 : memref<1x8x384xf32, #tpu.memory_space<vmem_shared>> -> memref<8x384xf32, #tpu.memory_space<vmem_shared>>
    tpu.enqueue_dma source(%dma_start3A_422 : memref<8x384xf32, #tpu.memory_space<vmem_shared>>) target(%arg6 : memref<8x384xf32, #tpu.memory_space<vmem>>) target_semaphore(%arg11 : memref<!tpu.dma_semaphore, #tpu.memory_space<semaphore_mem>>)
    %dma_start3A_423 = arith.constant 1 : i32
    %dma_start3A_424 = arith.constant 8 : i32
    %dma_start3A_425 = arith.constant 0 : i32
    %dma_start3A_426 = tpu.memref_slice %arg10[%dma_start3A_423, %dma_start3A_424, %dma_start3A_425] : memref<2x384x384xf32, #tpu.memory_space<vmem_shared>> -> memref<1x8x384xf32, #tpu.memory_space<vmem_shared>>
    %dma_start3A_427 = tpu.memref_squeeze %dma_start3A_426 : memref<1x8x384xf32, #tpu.memory_space<vmem_shared>> -> memref<8x384xf32, #tpu.memory_space<vmem_shared>>
    %dma_start3A_428 = arith.constant 8 : i32
    %dma_start3A_429 = arith.constant 0 : i32
    %dma_start3A_430 = tpu.memref_slice %arg10[%dma_start3A_423, %dma_start3A_428, %dma_start3A_429] : memref<2x384x384xf32, #tpu.memory_space<vmem_shared>> -> memref<1x8x384xf32, #tpu.memory_space<vmem_shared>>
    %dma_start3A_431 = tpu.memref_squeeze %dma_start3A_430 : memref<1x8x384xf32, #tpu.memory_space<vmem_shared>> -> memref<8x384xf32, #tpu.memory_space<vmem_shared>>
    tpu.enqueue_dma source(%dma_start3A_431 : memref<8x384xf32, #tpu.memory_space<vmem_shared>>) target(%arg7 : memref<8x384xf32, #tpu.memory_space<vmem>>) target_semaphore(%arg12 : memref<!tpu.dma_semaphore, #tpu.memory_space<semaphore_mem>>)
    %scan3A_432 = arith.constant 0 : i32
    %scan3A_433 = arith.constant 0 : i32
    %scan3A_434 = arith.constant 24 : i32
    %scan3A_435 = arith.addi %scan3A_433, %scan3A_434 : i32
    %scan3A_436 = arith.constant 1 : i32
    scf.for %scan3A_458 = %scan3A_433 to %scan3A_435 step %scan3A_436  : i32 {
      %mul3A_459 = arith.constant 2 : i32
      %mul3A_460 = arith.muli %mul3A_459, %scan3A_458 : i32
      %mul3A_461 = arith.constant 8 : i32
      %mul3A_462 = arith.muli %mul3A_460, %mul3A_461 : i32
      %dma_wait3A_463 = arith.constant 0 : i32
      %dma_wait3A_464 = arith.constant 0 : i32
      %dma_wait3A_465 = arith.constant 0 : i32
      %dma_wait3A_466 = tpu.memref_slice %arg10[%dma_wait3A_463, %dma_wait3A_464, %dma_wait3A_465] : memref<2x384x384xf32, #tpu.memory_space<vmem_shared>> -> memref<1x8x384xf32, #tpu.memory_space<vmem_shared>>
      %dma_wait3A_467 = tpu.memref_squeeze %dma_wait3A_466 : memref<1x8x384xf32, #tpu.memory_space<vmem_shared>> -> memref<8x384xf32, #tpu.memory_space<vmem_shared>>
      %dma_wait3A_468 = arith.constant 0 : i32
      %dma_wait3A_469 = arith.constant 0 : i32
      %dma_wait3A_470 = tpu.memref_slice %arg10[%dma_wait3A_463, %dma_wait3A_468, %dma_wait3A_469] : memref<2x384x384xf32, #tpu.memory_space<vmem_shared>> -> memref<1x8x384xf32, #tpu.memory_space<vmem_shared>>
      %dma_wait3A_471 = tpu.memref_squeeze %dma_wait3A_470 : memref<1x8x384xf32, #tpu.memory_space<vmem_shared>> -> memref<8x384xf32, #tpu.memory_space<vmem_shared>>
      tpu.wait_dma2 semaphore(%arg11 : memref<!tpu.dma_semaphore, #tpu.memory_space<semaphore_mem>>) src(%dma_wait3A_471 : memref<8x384xf32, #tpu.memory_space<vmem_shared>>) dst(%arg6 : memref<8x384xf32, #tpu.memory_space<vmem>>)
      %gt3A = arith.constant 0 : i32
      %gt3A_472 = arith.cmpi sgt, %scan3A_458, %gt3A : i32
      %convert_element_type3A_473 = arith.extui %gt3A_472 : i1 to i32
      %cond3A_474 = arith.constant 0 : i32
      %cond3A_475 = arith.cmpi ne, %convert_element_type3A_473, %cond3A_474 : i32
      scf.if %cond3A_475 {
        %dma_wait3A_518 = arith.constant 0 : i32
        %dma_wait3A_519 = arith.constant 0 : i32
        %dma_wait3A_520 = arith.constant 0 : i32
        %dma_wait3A_521 = arith.constant 0 : i32
        %dma_wait3A_522 = tpu.memref_slice %arg4[%dma_wait3A_518, %dma_wait3A_519, %dma_wait3A_520, %dma_wait3A_521] : memref<16x16x384x384xf32, #tpu.memory_space<hbm>> -> memref<1x1x8x384xf32, #tpu.memory_space<hbm>>
        %dma_wait3A_523 = tpu.memref_squeeze %dma_wait3A_522 : memref<1x1x8x384xf32, #tpu.memory_space<hbm>> -> memref<8x384xf32, #tpu.memory_space<hbm>>
        %dma_wait3A_524 = arith.constant 0 : i32
        %dma_wait3A_525 = arith.constant 0 : i32
        %dma_wait3A_526 = tpu.memref_slice %arg4[%dma_wait3A_518, %dma_wait3A_519, %dma_wait3A_524, %dma_wait3A_525] : memref<16x16x384x384xf32, #tpu.memory_space<hbm>> -> memref<1x1x8x384xf32, #tpu.memory_space<hbm>>
        %dma_wait3A_527 = tpu.memref_squeeze %dma_wait3A_526 : memref<1x1x8x384xf32, #tpu.memory_space<hbm>> -> memref<8x384xf32, #tpu.memory_space<hbm>>
        tpu.wait_dma2 semaphore(%arg13 : memref<!tpu.dma_semaphore, #tpu.memory_space<semaphore_mem>>) src(%arg8 : memref<8x384xf32, #tpu.memory_space<vmem>>) dst(%dma_wait3A_527 : memref<8x384xf32, #tpu.memory_space<hbm>>)
      } else {
      }
      %parallel_loop3A = arith.constant 0 : i32
      %parallel_loop3A_476 = arith.constant 8 : i32
      %parallel_loop3A_477 = arith.constant 1 : i32
      scf.for %parallel_loop3A_518 = %parallel_loop3A to %parallel_loop3A_476 step %parallel_loop3A_477  : i32 {
        %parallel_loop3A_519 = arith.constant 0 : i32
        %parallel_loop3A_520 = arith.constant 384 : i32
        %parallel_loop3A_521 = arith.constant 16 : i32
        scf.for %parallel_loop3A_522 = %parallel_loop3A_519 to %parallel_loop3A_520 step %parallel_loop3A_521  : i32 {
          %parallel_loop3A_523 = arith.index_cast %parallel_loop3A_518 : i32 to index
          %parallel_loop3A_524 = arith.index_cast %parallel_loop3A_522 : i32 to index
          %parallel_loop3A_525 = tpu.vector_load %arg6[%parallel_loop3A_523, %parallel_loop3A_524] {strides = array<i32>} : memref<8x384xf32, #tpu.memory_space<vmem>>, vector<16xf32>,
          %parallel_loop3A_526 = arith.constant 1.000000e+05 : f32
          %parallel_loop3A_527 = vector.broadcast %parallel_loop3A_526 : f32 to vector<16xf32>
          %parallel_loop3A_528 = arith.mulf %parallel_loop3A_525, %parallel_loop3A_527 : vector<16xf32>
          %parallel_loop3A_529 = arith.fptosi %parallel_loop3A_528 : vector<16xf32> to vector<16xi32>
          %parallel_loop3A_530 = tpu.vector_load_idx %arg5[%parallel_loop3A_529] : memref<100000xf32, #tpu.memory_space<vmem>>[vector<16xi32>], vector<16xf32>,
          %parallel_loop3A_531 = arith.index_cast %parallel_loop3A_518 : i32 to index
          %parallel_loop3A_532 = arith.index_cast %parallel_loop3A_522 : i32 to index
          %parallel_loop3A_533 = tpu.vector_load %arg8[%parallel_loop3A_531, %parallel_loop3A_532] {strides = array<i32>} : memref<8x384xf32, #tpu.memory_space<vmem>>, vector<16xf32>,
          tpu.vector_store %arg8[%parallel_loop3A_531, %parallel_loop3A_532], %parallel_loop3A_530 {strides = array<i32>} : memref<8x384xf32, #tpu.memory_space<vmem>>, vector<16xf32>,
        } {sc.loop_unroll_factor = 8 : i64, sc.parallel_access}
      } {sc.loop_unroll_factor = 2 : i64, sc.parallel_access}
      %dma_start3A_478 = arith.constant 0 : i32
      %dma_start3A_479 = tpu.memref_slice %arg4[%add3A_412, %arg1, %mul3A_462, %dma_start3A_478] : memref<16x16x384x384xf32, #tpu.memory_space<hbm>> -> memref<1x1x8x384xf32, #tpu.memory_space<hbm>>
      %dma_start3A_480 = tpu.memref_squeeze %dma_start3A_479 : memref<1x1x8x384xf32, #tpu.memory_space<hbm>> -> memref<8x384xf32, #tpu.memory_space<hbm>>
      %dma_start3A_481 = arith.constant 0 : i32
      %dma_start3A_482 = tpu.memref_slice %arg4[%add3A_412, %arg1, %mul3A_462, %dma_start3A_481] : memref<16x16x384x384xf32, #tpu.memory_space<hbm>> -> memref<1x1x8x384xf32, #tpu.memory_space<hbm>>
      %dma_start3A_483 = tpu.memref_squeeze %dma_start3A_482 : memref<1x1x8x384xf32, #tpu.memory_space<hbm>> -> memref<8x384xf32, #tpu.memory_space<hbm>>
      tpu.enqueue_dma source(%arg8 : memref<8x384xf32, #tpu.memory_space<vmem>>) target(%dma_start3A_483 : memref<8x384xf32, #tpu.memory_space<hbm>>) target_semaphore(%arg13 : memref<!tpu.dma_semaphore, #tpu.memory_space<semaphore_mem>>)
      %lt3A = arith.constant 23 : i32
      %lt3A_484 = arith.cmpi slt, %scan3A_458, %lt3A : i32
      %convert_element_type3A_485 = arith.extui %lt3A_484 : i1 to i32
      %cond3A_486 = arith.constant 0 : i32
      %cond3A_487 = arith.cmpi ne, %convert_element_type3A_485, %cond3A_486 : i32
      scf.if %cond3A_487 {
        %add3A_518 = arith.constant 16 : i32
        %add3A_519 = arith.addi %mul3A_462, %add3A_518 : i32
        %dma_start3A_520 = arith.constant 1 : i32
        %dma_start3A_521 = arith.constant 0 : i32
        %dma_start3A_522 = tpu.memref_slice %arg10[%dma_start3A_520, %add3A_519, %dma_start3A_521] : memref<2x384x384xf32, #tpu.memory_space<vmem_shared>> -> memref<1x8x384xf32, #tpu.memory_space<vmem_shared>>
        %dma_start3A_523 = tpu.memref_squeeze %dma_start3A_522 : memref<1x8x384xf32, #tpu.memory_space<vmem_shared>> -> memref<8x384xf32, #tpu.memory_space<vmem_shared>>
        %dma_start3A_524 = arith.constant 0 : i32
        %dma_start3A_525 = tpu.memref_slice %arg10[%dma_start3A_520, %add3A_519, %dma_start3A_524] : memref<2x384x384xf32, #tpu.memory_space<vmem_shared>> -> memref<1x8x384xf32, #tpu.memory_space<vmem_shared>>
        %dma_start3A_526 = tpu.memref_squeeze %dma_start3A_525 : memref<1x8x384xf32, #tpu.memory_space<vmem_shared>> -> memref<8x384xf32, #tpu.memory_space<vmem_shared>>
        tpu.enqueue_dma source(%dma_start3A_526 : memref<8x384xf32, #tpu.memory_space<vmem_shared>>) target(%arg6 : memref<8x384xf32, #tpu.memory_space<vmem>>) target_semaphore(%arg11 : memref<!tpu.dma_semaphore, #tpu.memory_space<semaphore_mem>>)
      } else {
      }
      %dma_wait3A_488 = arith.constant 0 : i32
      %dma_wait3A_489 = arith.constant 0 : i32
      %dma_wait3A_490 = arith.constant 0 : i32
      %dma_wait3A_491 = tpu.memref_slice %arg10[%dma_wait3A_488, %dma_wait3A_489, %dma_wait3A_490] : memref<2x384x384xf32, #tpu.memory_space<vmem_shared>> -> memref<1x8x384xf32, #tpu.memory_space<vmem_shared>>
      %dma_wait3A_492 = tpu.memref_squeeze %dma_wait3A_491 : memref<1x8x384xf32, #tpu.memory_space<vmem_shared>> -> memref<8x384xf32, #tpu.memory_space<vmem_shared>>
      %dma_wait3A_493 = arith.constant 0 : i32
      %dma_wait3A_494 = arith.constant 0 : i32
      %dma_wait3A_495 = tpu.memref_slice %arg10[%dma_wait3A_488, %dma_wait3A_493, %dma_wait3A_494] : memref<2x384x384xf32, #tpu.memory_space<vmem_shared>> -> memref<1x8x384xf32, #tpu.memory_space<vmem_shared>>
      %dma_wait3A_496 = tpu.memref_squeeze %dma_wait3A_495 : memref<1x8x384xf32, #tpu.memory_space<vmem_shared>> -> memref<8x384xf32, #tpu.memory_space<vmem_shared>>
      tpu.wait_dma2 semaphore(%arg12 : memref<!tpu.dma_semaphore, #tpu.memory_space<semaphore_mem>>) src(%dma_wait3A_496 : memref<8x384xf32, #tpu.memory_space<vmem_shared>>) dst(%arg7 : memref<8x384xf32, #tpu.memory_space<vmem>>)
      %gt3A_497 = arith.constant 0 : i32
      %gt3A_498 = arith.cmpi sgt, %scan3A_458, %gt3A_497 : i32
      %convert_element_type3A_499 = arith.extui %gt3A_498 : i1 to i32
      %cond3A_500 = arith.constant 0 : i32
      %cond3A_501 = arith.cmpi ne, %convert_element_type3A_499, %cond3A_500 : i32
      scf.if %cond3A_501 {
        %dma_wait3A_518 = arith.constant 0 : i32
        %dma_wait3A_519 = arith.constant 0 : i32
        %dma_wait3A_520 = arith.constant 0 : i32
        %dma_wait3A_521 = arith.constant 0 : i32
        %dma_wait3A_522 = tpu.memref_slice %arg4[%dma_wait3A_518, %dma_wait3A_519, %dma_wait3A_520, %dma_wait3A_521] : memref<16x16x384x384xf32, #tpu.memory_space<hbm>> -> memref<1x1x8x384xf32, #tpu.memory_space<hbm>>
        %dma_wait3A_523 = tpu.memref_squeeze %dma_wait3A_522 : memref<1x1x8x384xf32, #tpu.memory_space<hbm>> -> memref<8x384xf32, #tpu.memory_space<hbm>>
        %dma_wait3A_524 = arith.constant 0 : i32
        %dma_wait3A_525 = arith.constant 0 : i32
        %dma_wait3A_526 = tpu.memref_slice %arg4[%dma_wait3A_518, %dma_wait3A_519, %dma_wait3A_524, %dma_wait3A_525] : memref<16x16x384x384xf32, #tpu.memory_space<hbm>> -> memref<1x1x8x384xf32, #tpu.memory_space<hbm>>
        %dma_wait3A_527 = tpu.memref_squeeze %dma_wait3A_526 : memref<1x1x8x384xf32, #tpu.memory_space<hbm>> -> memref<8x384xf32, #tpu.memory_space<hbm>>
        tpu.wait_dma2 semaphore(%arg14 : memref<!tpu.dma_semaphore, #tpu.memory_space<semaphore_mem>>) src(%arg9 : memref<8x384xf32, #tpu.memory_space<vmem>>) dst(%dma_wait3A_527 : memref<8x384xf32, #tpu.memory_space<hbm>>)
      } else {
      }
      %parallel_loop3A_502 = arith.constant 0 : i32
      %parallel_loop3A_503 = arith.constant 8 : i32
      %parallel_loop3A_504 = arith.constant 1 : i32
      scf.for %parallel_loop3A_518 = %parallel_loop3A_502 to %parallel_loop3A_503 step %parallel_loop3A_504  : i32 {
        %parallel_loop3A_519 = arith.constant 0 : i32
        %parallel_loop3A_520 = arith.constant 384 : i32
        %parallel_loop3A_521 = arith.constant 16 : i32
        scf.for %parallel_loop3A_522 = %parallel_loop3A_519 to %parallel_loop3A_520 step %parallel_loop3A_521  : i32 {
          %parallel_loop3A_523 = arith.index_cast %parallel_loop3A_518 : i32 to index
          %parallel_loop3A_524 = arith.index_cast %parallel_loop3A_522 : i32 to index
          %parallel_loop3A_525 = tpu.vector_load %arg7[%parallel_loop3A_523, %parallel_loop3A_524] {strides = array<i32>} : memref<8x384xf32, #tpu.memory_space<vmem>>, vector<16xf32>,
          %parallel_loop3A_526 = arith.constant 1.000000e+05 : f32
          %parallel_loop3A_527 = vector.broadcast %parallel_loop3A_526 : f32 to vector<16xf32>
          %parallel_loop3A_528 = arith.mulf %parallel_loop3A_525, %parallel_loop3A_527 : vector<16xf32>
          %parallel_loop3A_529 = arith.fptosi %parallel_loop3A_528 : vector<16xf32> to vector<16xi32>
          %parallel_loop3A_530 = tpu.vector_load_idx %arg5[%parallel_loop3A_529] : memref<100000xf32, #tpu.memory_space<vmem>>[vector<16xi32>], vector<16xf32>,
          %parallel_loop3A_531 = arith.index_cast %parallel_loop3A_518 : i32 to index
          %parallel_loop3A_532 = arith.index_cast %parallel_loop3A_522 : i32 to index
          %parallel_loop3A_533 = tpu.vector_load %arg9[%parallel_loop3A_531, %parallel_loop3A_532] {strides = array<i32>} : memref<8x384xf32, #tpu.memory_space<vmem>>, vector<16xf32>,
          tpu.vector_store %arg9[%parallel_loop3A_531, %parallel_loop3A_532], %parallel_loop3A_530 {strides = array<i32>} : memref<8x384xf32, #tpu.memory_space<vmem>>, vector<16xf32>,
        } {sc.loop_unroll_factor = 8 : i64, sc.parallel_access}
      } {sc.loop_unroll_factor = 2 : i64, sc.parallel_access}
      %add3A_505 = arith.constant 8 : i32
      %add3A_506 = arith.addi %mul3A_462, %add3A_505 : i32
      %dma_start3A_507 = arith.constant 0 : i32
      %dma_start3A_508 = tpu.memref_slice %arg4[%add3A_412, %arg1, %add3A_506, %dma_start3A_507] : memref<16x16x384x384xf32, #tpu.memory_space<hbm>> -> memref<1x1x8x384xf32, #tpu.memory_space<hbm>>
      %dma_start3A_509 = tpu.memref_squeeze %dma_start3A_508 : memref<1x1x8x384xf32, #tpu.memory_space<hbm>> -> memref<8x384xf32, #tpu.memory_space<hbm>>
      %dma_start3A_510 = arith.constant 0 : i32
      %dma_start3A_511 = tpu.memref_slice %arg4[%add3A_412, %arg1, %add3A_506, %dma_start3A_510] : memref<16x16x384x384xf32, #tpu.memory_space<hbm>> -> memref<1x1x8x384xf32, #tpu.memory_space<hbm>>
      %dma_start3A_512 = tpu.memref_squeeze %dma_start3A_511 : memref<1x1x8x384xf32, #tpu.memory_space<hbm>> -> memref<8x384xf32, #tpu.memory_space<hbm>>
      tpu.enqueue_dma source(%arg9 : memref<8x384xf32, #tpu.memory_space<vmem>>) target(%dma_start3A_512 : memref<8x384xf32, #tpu.memory_space<hbm>>) target_semaphore(%arg14 : memref<!tpu.dma_semaphore, #tpu.memory_space<semaphore_mem>>)
      %lt3A_513 = arith.constant 23 : i32
      %lt3A_514 = arith.cmpi slt, %scan3A_458, %lt3A_513 : i32
      %convert_element_type3A_515 = arith.extui %lt3A_514 : i1 to i32
      %cond3A_516 = arith.constant 0 : i32
      %cond3A_517 = arith.cmpi ne, %convert_element_type3A_515, %cond3A_516 : i32
      scf.if %cond3A_517 {
        %add3A_518 = arith.constant 24 : i32
        %add3A_519 = arith.addi %mul3A_462, %add3A_518 : i32
        %dma_start3A_520 = arith.constant 1 : i32
        %dma_start3A_521 = arith.constant 0 : i32
        %dma_start3A_522 = tpu.memref_slice %arg10[%dma_start3A_520, %add3A_519, %dma_start3A_521] : memref<2x384x384xf32, #tpu.memory_space<vmem_shared>> -> memref<1x8x384xf32, #tpu.memory_space<vmem_shared>>
        %dma_start3A_523 = tpu.memref_squeeze %dma_start3A_522 : memref<1x8x384xf32, #tpu.memory_space<vmem_shared>> -> memref<8x384xf32, #tpu.memory_space<vmem_shared>>
        %dma_start3A_524 = arith.constant 0 : i32
        %dma_start3A_525 = tpu.memref_slice %arg10[%dma_start3A_520, %add3A_519, %dma_start3A_524] : memref<2x384x384xf32, #tpu.memory_space<vmem_shared>> -> memref<1x8x384xf32, #tpu.memory_space<vmem_shared>>
        %dma_start3A_526 = tpu.memref_squeeze %dma_start3A_525 : memref<1x8x384xf32, #tpu.memory_space<vmem_shared>> -> memref<8x384xf32, #tpu.memory_space<vmem_shared>>
        tpu.enqueue_dma source(%dma_start3A_526 : memref<8x384xf32, #tpu.memory_space<vmem_shared>>) target(%arg7 : memref<8x384xf32, #tpu.memory_space<vmem>>) target_semaphore(%arg12 : memref<!tpu.dma_semaphore, #tpu.memory_space<semaphore_mem>>)
      } else {
      }
    }
    %scan3A_437 = arith.constant 24 : i32
    %dma_wait3A_438 = arith.constant 0 : i32
    %dma_wait3A_439 = arith.constant 0 : i32
    %dma_wait3A_440 = arith.constant 0 : i32
    %dma_wait3A_441 = arith.constant 0 : i32
    %dma_wait3A_442 = tpu.memref_slice %arg4[%dma_wait3A_438, %dma_wait3A_439, %dma_wait3A_440, %dma_wait3A_441] : memref<16x16x384x384xf32, #tpu.memory_space<hbm>> -> memref<1x1x8x384xf32, #tpu.memory_space<hbm>>
    %dma_wait3A_443 = tpu.memref_squeeze %dma_wait3A_442 : memref<1x1x8x384xf32, #tpu.memory_space<hbm>> -> memref<8x384xf32, #tpu.memory_space<hbm>>
    %dma_wait3A_444 = arith.constant 0 : i32
    %dma_wait3A_445 = arith.constant 0 : i32
    %dma_wait3A_446 = tpu.memref_slice %arg4[%dma_wait3A_438, %dma_wait3A_439, %dma_wait3A_444, %dma_wait3A_445] : memref<16x16x384x384xf32, #tpu.memory_space<hbm>> -> memref<1x1x8x384xf32, #tpu.memory_space<hbm>>
    %dma_wait3A_447 = tpu.memref_squeeze %dma_wait3A_446 : memref<1x1x8x384xf32, #tpu.memory_space<hbm>> -> memref<8x384xf32, #tpu.memory_space<hbm>>
    tpu.wait_dma2 semaphore(%arg13 : memref<!tpu.dma_semaphore, #tpu.memory_space<semaphore_mem>>) src(%arg8 : memref<8x384xf32, #tpu.memory_space<vmem>>) dst(%dma_wait3A_447 : memref<8x384xf32, #tpu.memory_space<hbm>>)
    %dma_wait3A_448 = arith.constant 0 : i32
    %dma_wait3A_449 = arith.constant 0 : i32
    %dma_wait3A_450 = arith.constant 0 : i32
    %dma_wait3A_451 = arith.constant 0 : i32
    %dma_wait3A_452 = tpu.memref_slice %arg4[%dma_wait3A_448, %dma_wait3A_449, %dma_wait3A_450, %dma_wait3A_451] : memref<16x16x384x384xf32, #tpu.memory_space<hbm>> -> memref<1x1x8x384xf32, #tpu.memory_space<hbm>>
    %dma_wait3A_453 = tpu.memref_squeeze %dma_wait3A_452 : memref<1x1x8x384xf32, #tpu.memory_space<hbm>> -> memref<8x384xf32, #tpu.memory_space<hbm>>
    %dma_wait3A_454 = arith.constant 0 : i32
    %dma_wait3A_455 = arith.constant 0 : i32
    %dma_wait3A_456 = tpu.memref_slice %arg4[%dma_wait3A_448, %dma_wait3A_449, %dma_wait3A_454, %dma_wait3A_455] : memref<16x16x384x384xf32, #tpu.memory_space<hbm>> -> memref<1x1x8x384xf32, #tpu.memory_space<hbm>>
    %dma_wait3A_457 = tpu.memref_squeeze %dma_wait3A_456 : memref<1x1x8x384xf32, #tpu.memory_space<hbm>> -> memref<8x384xf32, #tpu.memory_space<hbm>>
    tpu.wait_dma2 semaphore(%arg14 : memref<!tpu.dma_semaphore, #tpu.memory_space<semaphore_mem>>) src(%arg9 : memref<8x384xf32, #tpu.memory_space<vmem>>) dst(%dma_wait3A_457 : memref<8x384xf32, #tpu.memory_space<hbm>>)
    return
  }
}

</mosaic_0001>

<sc_bundles>
// kernel: kernel.3.cloned.1.call-start
scs
__scs_entry_jumppad:
0x0: {  	(pc) =	sbr.rel $0x88, $3  }
0x1: {  	(tag) =	ssettag $0x0;
	lr =	simm.s32 $0x1  }
0x2: {  	[smem:$0x3F9F] =	sst lr;
	_ =	strace $0xD0000000  }
0x3: {  	_ = 	snop  }
0x4: {  	_ = 	snop  }
0x5: {  	_ = 	snop  }
0x6: {  	_ = 	snop  }
0x7: {  	_ = 	snop  }
__scs_overlays_trampoline_lowered:
0x8: {  	[smem:$0x3FAE] =	sst s0  }
0x9: {  	[smem:$0x3FAF] =	sst s1  }
0xa: {  	[smem:$0x3FB0] =	sst s2  }
0xb: {  	[smem:$0x3FB1] =	sst s3  }
0xc: {  	[smem:$0x3FB2] =	sst s4  }
0xd: {  	[smem:$0x3FB3] =	sst s5  }
0xe: {  	[smem:$0x3FB4] =	sst s6  }
0xf: {  	[smem:$0x3FB5] =	sst s7  }
0x10: {  	[smem:$0x3FB6] =	sst s8  }
0x11: {  	[smem:$0x3FB7] =	sst s9;
	s0 =	simm.s32 @!p0 $0x0  }
0x12: {  	s1 =	sld [smem:$0x3F9D];
	s0 =	simm.s32 @p0 $0x1  }
0x13: {  	[smem:$0x3FB8] =	sst s0;
	s0 =	simm.s32 @!p1 $0x0  }
0x14: {  	s2 =	sld [smem:$0x3F9C];
	s0 =	simm.s32 @p1 $0x1  }
0x15: {  	[smem:$0x3FB9] =	sst s0;
	s0 =	simm.s32 @!p2 $0x0  }
0x16: {  	s3 =	sld [smem:$0x3FDB];
	s0 =	simm.s32 @p2 $0x1  }
0x17: {  	s4 =	simm.s32 $0x1BF5;
	[smem:$0x3FBB] =	sst s0  }
0x18: {  	s0 =	sld [smem:$0x3F9E];
	_ =	swait.ge [sflag:s4], $0x0  }
0x19: {  	s7 =	sld [smem:$0x3F9F]  }
0x1a: {  	s8 =	sadd.s32 $0xFFFFE003, lr  }
0x1b: {  	s9 =	sadd.s32 $0xFFFFFEF7, lr;
	s5 =	simm.s32 $0xFFFFFFFF;
	p2 =	slt.u32 s8, $0xFFFFF086  }
0x1c: {  	p1 =	slt.u32 s9, $0xF7A;
	s5 =	simm.s32 @!p2 $0x0  }
0x1d: {  	s5 =	simm.s32 @p1 $0x1;
	p0 =	seq.s32 s7, s2  }
0x1e: {  	s7 =	smul.u32 @!p0 $0xF7A, s2;
	p2 =	seq.s32 @!p0 s5, $0x0  }
0x1f: {  	s9 =	smul.u32 $0xF7A, s1;
	s8 =	simm.s32 @!p0 $0x1BF5;
	p2 =	por !p2, p0  }
0x20: {  	[sflag:s8] =	ssyncset.s32 @!p0 $0xFFFFF086;
	s6 =	sadd.s32 @!p0 s3, s7;
	s7 =	simm.s32 @!p0 $0x108  }
0x21: {  	s3 =	sadd.s32 s3, s9;
	s6 =	sadd.s32 @!p0 $0x88, s6;
	s7 =	simm.s32 @p2 $0x1082  }
0x22: {  	[simem:s7], [sflag:s8] =	dma.local @!p0 [hbm:s6], $0xF7A  }
0x23: {  	s9 =	sor.u32 $0xD0000000, s2;
	s6 =	simm.s32 $0x108;
	_ =	swait.ge @!p0 [sflag:s8], $0x0  }
0x24: {  	s3 =	sadd.s32 $0x88, s3;
	s6 =	simm.s32 @!p1 $0x1082;
	[sflag:s4] =	ssyncset.s32 $0xFFFFF086  }
0x25: {  	[simem:s6], [sflag:s4] =	dma.local [hbm:s3], $0xF7A  }
0x26: {  	[smem:$0x3F9F] =	sst s1;
	(tag) =	ssettag s2;
	_ =	strace s9  }
0x27: {  	s1 =	sld [smem:$0x3FAF]  }
0x28: {  	s2 =	sld [smem:$0x3FB0]  }
0x29: {  	s4 =	sld [smem:$0x3FB2]  }
0x2a: {  	p0 =	seq.s32 s5, $0x0;
	s5 =	sld [smem:$0x3FB3]  }
0x2b: {  	s6 =	sld [smem:$0x3FB4]  }
0x2c: {  	s7 =	sld [smem:$0x3FB5]  }
0x2d: {  	s3 =	simm.s32 $0x108;
	s8 =	sld [smem:$0x3FB6]  }
0x2e: {  	s3 =	simm.s32 @!p0 $0x1082;
	s9 =	sld [smem:$0x3FB7]  }
0x2f: {  	lr =	sadd.s32 s0, s3;
	s0 =	sld [smem:$0x3FAE]  }
0x30: {  	s3 =	sld [smem:$0x3FB1]  }
0x31: {  	[smem:$0x3FBA] =	sst s10  }
0x32: {  	s10 =	sld [smem:$0x3FB8];
	_ =	sdelay $0x3  }
0x33: {  	p0 =	seq.s32 s10, $0x1;
	s10 =	sld [smem:$0x3FBA];
	_ =	sdelay $0x3  }
0x34: {  	[smem:$0x3FBA] =	sst s10  }
0x35: {  	s10 =	sld [smem:$0x3FB9];
	_ =	sdelay $0x3  }
0x36: {  	p1 =	seq.s32 s10, $0x1;
	s10 =	sld [smem:$0x3FBA];
	_ =	sdelay $0x3  }
0x37: {  	[smem:$0x3FBA] =	sst s10  }
0x38: {  	s10 =	sld [smem:$0x3FBB]  }
0x39: {  	_ = 	snop;
	(pc) =	sbr.ind lr, $3  }
0x3a: {  	_ = 	snop  }
0x3b: {  	_ = 	snop  }
0x3c: {  	p2 =	seq.s32 s10, $0x1;
	s10 =	sld [smem:$0x3FBA]  }
0x3d: {  	_ =	shalt  }
0x3e: {  	_ =	shalt  }
0x3f: {  	_ =	shalt  }
0x40: {  	_ =	shalt  }
0x41: {  	_ =	shalt  }
0x42: {  	_ =	shalt  }
0x43: {  	_ =	shalt  }
0x44: {  	_ =	shalt  }
0x45: {  	_ =	shalt  }
0x46: {  	_ =	shalt  }
0x47: {  	_ =	shalt  }
0x48: {  	_ =	shalt  }
0x49: {  	_ =	shalt  }
0x4a: {  	_ =	shalt  }
0x4b: {  	_ =	shalt  }
0x4c: {  	_ =	shalt  }
0x4d: {  	_ =	shalt  }
0x4e: {  	_ =	shalt  }
0x4f: {  	_ =	shalt  }
0x50: {  	_ =	shalt  }
0x51: {  	_ =	shalt  }
0x52: {  	_ =	shalt  }
0x53: {  	_ =	shalt  }
0x54: {  	_ =	shalt  }
0x55: {  	_ =	shalt  }
0x56: {  	_ =	shalt  }
0x57: {  	_ =	shalt  }
0x58: {  	_ =	shalt  }
0x59: {  	_ =	shalt  }
0x5a: {  	_ =	shalt  }
0x5b: {  	_ =	shalt  }
0x5c: {  	_ =	shalt  }
0x5d: {  	_ =	shalt  }
0x5e: {  	_ =	shalt  }
0x5f: {  	_ =	shalt  }
0x60: {  	_ =	shalt  }
0x61: {  	_ =	shalt  }
0x62: {  	_ =	shalt  }
0x63: {  	_ =	shalt  }
0x64: {  	_ =	shalt  }
0x65: {  	_ =	shalt  }
0x66: {  	_ =	shalt  }
0x67: {  	_ =	shalt  }
0x68: {  	_ =	shalt  }
0x69: {  	_ =	shalt  }
0x6a: {  	_ =	shalt  }
0x6b: {  	_ =	shalt  }
0x6c: {  	_ =	shalt  }
0x6d: {  	_ =	shalt  }
0x6e: {  	_ =	shalt  }
0x6f: {  	_ =	shalt  }
0x70: {  	_ =	shalt  }
0x71: {  	_ =	shalt  }
0x72: {  	_ =	shalt  }
0x73: {  	_ =	shalt  }
0x74: {  	_ =	shalt  }
0x75: {  	_ =	shalt  }
0x76: {  	_ =	shalt  }
0x77: {  	_ =	shalt  }
0x78: {  	_ =	shalt  }
0x79: {  	_ =	shalt  }
0x7a: {  	_ =	shalt  }
0x7b: {  	_ =	shalt  }
0x7c: {  	_ =	shalt  }
0x7d: {  	_ =	shalt  }
0x7e: {  	_ =	shalt  }
0x7f: {  	_ =	shalt  }
0x80: {  	_ =	shalt  }
0x81: {  	_ =	shalt  }
0x82: {  	_ =	shalt  }
0x83: {  	_ =	shalt  }
0x84: {  	_ =	shalt  }
0x85: {  	_ =	shalt  }
0x86: {  	_ =	shalt  }
0x87: {  	_ =	shalt  }
.Lfunc_end0:
.L_simem_size_0:
called_computation_lowered:
.L_overlay_start_0:
0x88: {  	s2 =	sld [smem:$0x3FD9]  }
0x89: {  	s3 =	sld [smem:$0x3FFE];
	_ =	sdelay $0x1  }
0x8a: {  	s1 =	srdreg.scid  }
0x8b: {  	s0 =	sand.u32 $0x1, s1  }
0x8c: {  	s17 =	sshll.u32 s0, $0xA;
	s2 =	sadd.s32 s3, s2  }
0x8d: {  	s2 =	sadd.s32 s2, s17  }
0x8e: {  	[smem:$0x3FC6] =	sst s2  }
0x8f: {  	_ = 	snop  }
0x90: {  	s2 =	sld [smem:$0x3FC8]  }
0x91: {  	s18 =	sld [smem:$0x3FD0];
	(tm) =	ssettm $0x1  }
0x92: {  	s4 =	sld [smem:$0x3FFB];
	_ =	sdelay $0x3  }
0x93: {  	_ =	strace s4  }
0x94: {  	s4 =	sld [smem:$0x3FFC];
	_ =	sdelay $0x3  }
0x95: {  	_ =	strace s4  }
0x96: {  	s4 =	sld [smem:$0x3FFD];
	_ =	sdelay $0x3  }
0x97: {  	_ =	strace s4  }
0x98: {  	_ =	strace $0x8FFFFFFF  }
0x99: {  	s19 =	sld [smem:$0x3FDB];
	_ =	sdelay $0x1  }
0x9a: {  	s5 =	simm.s32 $_scs_section_size  }
0x9b: {  	s6 =	simm.s32 $_size__tile_overlayer_lowered;
	s7 =	simm.s32 $_tile_overlayer_lowered  }
0x9c: {  	s22 =	simm.s32 $0x1BFF;
	s21 =	sshll.u32 s7, $0x1;
	s4 =	sadd.s32 s5, s19  }
0x9d: {  	s8 =	simm.s32 $0x0;
	s20 =	sshll.u32 s6, $0x1;
	s6 =	sadd.s32 s21, s4  }
0x9e: {  	[timem:s8], [sflag:s22] =	dma.local [hbm:s6], s20  }
0x9f: {  	_ =	swait.ge [sflag:s22], s20  }
0xa0: {  	s5 =	ssub.s32 $0x0, s20;
	[sflag:s22] =	ssyncset.done $0x0  }
0xa1: {  	[sflag:s22] =	ssyncadd.s32 s5;
	_ =	sdelay $0x1  }
0xa2: {  	s23 =	simm.s32 $0x1B8B  }
0xa3: {  	_ =	swait.ge [sflag:s23], $0x1  }
0xa4: {  	[sflag:s23] =	ssyncset.done $0x0  }
0xa5: {  	s25 =	simm.s32 $0x1B8E;
	s24 =	sld [smem:$0x3FFE];
	[sflag:s23] =	ssyncadd.s32 $0xFFFFFFFF  }
0xa6: {  	s26 =	simm.s32 $execute0_lowered;
	[smem:$0x3FD2] =	sst s25  }
0xa7: {  	s6 =	sshll.u32 s26, $0x1;
	_ =	strace $0x80000046;
	[dreg:$0x1] =	wrdreg $0xFFFFFFFF  }
0xa8: {  	s28 =	simm.s32 $_size_execute0_lowered;
	s4 =	sadd.s32 s4, s6;
	[dreg:$0x0] =	wrdreg $0x0  }
0xa9: {  	s6 =	sshll.u32 s28, $0x1;
	[dreg:$0x2] =	wrdreg s4  }
0xaa: {  	[dreg:$0x3] =	wrdreg s6  }
0xab: {  	[dreg:$0x4] =	wrdreg $0xC0  }
0xac: {  	_ =	task [dreg:s8], $0x5FFFF  }
0xad: {  	[dreg:$0x1] =	wrdreg $0xFFFFFFFF  }
0xae: {  	[dreg:$0x0] =	wrdreg $0x60  }
0xaf: {  	[dreg:$0x2] =	wrdreg s2  }
0xb0: {  	[dreg:$0x3] =	wrdreg s24  }
0xb1: {  	[dreg:$0x4] =	wrdreg s18  }
0xb2: {  	[dreg:$0x5] =	wrdreg $0x1B7000  }
0xb3: {  	[dreg:$0x6] =	wrdreg $0x9  }
0xb4: {  	_ =	task.clear_ibuf [dreg:s8], $0x7FFFF;
	_ =	strace $0x90000046  }
0xb5: {  	s29 =	simm.s32 $0x9;
	_ =	strace $0x80000048  }
0xb6: {  	_ =	swait.ge [sflag:s29], $0x1  }
0xb7: {  	[sflag:s29] =	ssyncadd.s32 $0xFFFFFFFF  }
0xb8: {  	_ =	strace $0x90000048  }
0xb9: {  	_ =	sfence  }
0xba: {  	s30 =	sld [smem:$0x0];
	_ =	sdelay $0x2  }
0xbb: {  	s31 =	sshll.u32 s1, $0xD;
	s1 =	sshrl.u32 s1, $0x2  }
0xbc: {  	s3 =	sand.u32 $0x4000, s31;
	s1 =	sadd.s32 s1, s30  }
0xbd: {  	s0 =	sor.u32 s3, s0;
	s1 =	sshll.u32 s1, $0x11  }
0xbe: {  	s0 =	sor.u32 s1, s0  }
0xbf: {  	s0 =	sadd.s32 $0x8F2B, s0  }
0xc0: {  	[sflag:s0] =	ssyncadd.remote.s32 $0x1  }
0xc1: {  	_ =	sfence.sel $0xFFFF  }
0xc2: {  	[dreg:$0x0] =	wrdreg $0xFFFFFFFF;
	(pc) =	sbr.abs _section_cstart, $3  }
0xc3: {  	[dreg:$0x1] =	wrdreg $0xFFFFFFFF  }
0xc4: {  	_ =	task.clear_ibuf [dreg:s8], $0x2FFFF;
	_ =	strace $0x9FFFFFFF  }
0xc5: {  	(tm) =	ssettm $0x7FFFFFFF  }
tec
execute0_lowered:
.L_overlay_start_1:
0x0: {  	(tag) =	ssettag $0x1  }
0x1: {  	s0 =	rddreg [dreg:$0x0]  }
0x2: {  	s4 =	rddreg [dreg:$0x1]  }
0x3: {  	s1 =	rddreg [dreg:$0x2]  }
0x4: {  	s2 =	rddreg [dreg:$0x3]  }
0x5: {  	s3 =	simm.s32 $0x0;
	s5 =	stileid.u32;
	s6 =	srdreg.scid  }
0x6: {  	[smem:$0x7FF] =	sst s3;
	s4 =	sadd.s32 $0x400, s4;
	s7 =	sshrl.u32 s5, $0x3  }
0x7: {  	s6 =	sand.u32 $0x1, s6;
	s8 =	sshll.u32 s5, $0x7;
	s26 =	smul.u32 $0x24000, s5  }
0x8: {  	s12 =	sadd.s32 $0xC00, s2;
	s14 =	sadd.s32 $0x24C00, s2;
	s7 =	smul.u32 $0xC3800, s7  }
0x9: {  	_ =	strace $0x80000047;
	s9 =	ssub.s32 $0x2, s6;
	s10 =	smul.u32 $0x24000, s6  }
0xa: {  	s8 =	sand.u32 $0x380, s8;
	s24 =	smul.u32 $0x120000, s6;
	[dreg:$0x9] =	wrdreg s12  }
0xb: {  	s6 =	smul.u32 $0x1200000, s6;
	[dreg:$0xb] =	wrdreg s14;
	s11 =	sshrl.u32 s9, $0x1  }
0xc: {  	s7 =	sor.u32 s8, s7;
	s11 =	ssub.s32 s9, s11;
	s9 =	sadd.s32 s4, s10  }
0xd: {  	s10 =	sadd.s32 $0x24000, s2;
	s7 =	sshrl.u32 s7, $0x3;
	[dreg:$0x6] =	wrdreg s9  }
0xe: {  	[dreg:$0x7] =	wrdreg s10;
	s9 =	sadd.s32 s26, s6;
	s26 =	smax.u32 s11, $0x1  }
0xf: {  	p0 =	sne.s32 s5, $0x0;
	s0 =	sadd.s32 s0, s7;
	[dreg:$0x18] =	wrdreg s26  }
0x10: {  	s14 =	simm.s32 $0x1;
	s15 =	sadd.s32 $0x240000, s9;
	[dreg:$0x5] =	wrdreg s0  }
0x11: {  	s25 =	sshrl.u32 s24, $0x3;
	s16 =	sadd.s32 $0x240C00, s9;
	[dreg:$0xc] =	wrdreg s15  }
0x12: {  	s10 =	simm.s32 $0x19300;
	s18 =	sadd.s32 $0x480000, s9;
	[dreg:$0xd] =	wrdreg s16  }
0x13: {  	s6 =	simm.s32 $0x0;
	s19 =	sadd.s32 $0x480C00, s9;
	[dreg:$0xf] =	wrdreg s18  }
0x14: {  	s21 =	sadd.s32 $0x6C0000, s9;
	s22 =	sadd.s32 $0x6C0C00, s9;
	[dreg:$0x10] =	wrdreg s19  }
0x15: {  	s24 =	sadd.s32 $0x900000, s9;
	s26 =	sadd.s32 $0xB40000, s9;
	[dreg:$0x12] =	wrdreg s21  }
0x16: {  	s28 =	sor.u32 $0xC00, s9;
	s0 =	sadd.s32 s4, s25;
	[dreg:$0x13] =	wrdreg s22  }
0x17: {  	s29 =	sadd.s32 $0xB40C00, s9;
	[dreg:$0x15] =	wrdreg s24;
	s4 =	sadd.s32 $0x4800, s0  }
0x18: {  	s30 =	sadd.s32 $0xD80C00, s9;
	s13 =	sadd.s32 $0x9000, s0;
	[dreg:$0x8] =	wrdreg s4  }
0x19: {  	s31 =	sadd.s32 $0xD80000, s9;
	s17 =	sadd.s32 $0xD800, s0;
	[dreg:$0xa] =	wrdreg s13  }
0x1a: {  	s7 =	simm.s32 $0x18700;
	s20 =	sadd.s32 $0x12000, s0;
	[dreg:$0xe] =	wrdreg s17  }
.Ltmp0:
0x1b: {  	s23 =	sadd.s32 $0x16800, s0;
	[dreg:$0x11] =	wrdreg s20;
	(pc) =	sbr.rel .LBB2_1-.Ltmp0, $4  }
0x1c: {  	s22 =	sadd.s32 $0x900C00, s9;
	s25 =	sadd.s32 $0x1B000, s0;
	[dreg:$0x14] =	wrdreg s23  }
0x1d: {  	s24 =	simm.s32 $0x1AB00;
	s0 =	sadd.s32 $0x1F800, s0;
	[dreg:$0x16] =	wrdreg s25  }
0x1e: {  	[dreg:$0x17] =	wrdreg s0;
	s0 =	sadd.s32 $0xFC0000, s9;
	s4 =	sadd.s32 $0xFC0C00, s9  }
0x1f: {  	s17 =	simm.s32 $0x19F00;
	s20 =	simm.s32 $0x2;
	s23 =	simm.s32 $0x4  }
.LBB2_153:
0x20: {  	s5 =	simm.s32 $0x3  }
0x21: {  	_ =	swait.ge [sflag:s5], $0xC00  }
0x22: {  	[sflag:s5] =	ssyncset.done $0x0  }
0x23: {  	[sflag:s5] =	ssyncadd.s32 $0xFFFFF400  }
0x24: {  	_ =	swait.ge [sflag:s23], $0xC00  }
0x25: {  	s6 =	rddreg [dreg:$0x19]  }
0x26: {  	s25 =	rddreg [dreg:$0x18];
	s6 =	sadd.s32 $0x1, s6  }
0x27: {  	p1 =	sne.s32 s6, s25  }
.Ltmp1:
0x28: {  	_ = 	snop;
	(pc) =	sbr.rel @!p1 .LBB2_154-.Ltmp1, $3  }
0x29: {  	_ =	sdelay $0x1  }
0x2a: {  	[sflag:s23] =	ssyncset.done $0x0  }
0x2b: {  	[sflag:s23] =	ssyncadd.s32 $0xFFFFF400  }
.LBB2_1:
0x2c: {  	[dreg:$0x19] =	wrdreg s6  }
0x2d: {  	s5 =	rddreg [dreg:$0x5]  }
0x2e: {  	s21 =	simm.s32 $0x80;
	s8 =	simm.s32 $0x400;
	s25 =	simm.s32 $0x6  }
0x2f: {  	[tilespmem:s3], [sflag:$0x6] =	stream.strided.gather [hbm4b:s5+s21], $0x18700, s8, s21, $0x38;
	[tilespmem:$0x1FF00] =	vst v63  }
0x30: {  	_ =	swait.ge [sflag:s25], $0x18700  }
0x31: {  	[sflag:s25] =	ssyncset.done $0x0  }
0x32: {  	[sflag:s25] =	ssyncadd.s32 $0xFFFE7900  }
0x33: {  	[bflag:$0x0] =	sbarrier.arrive @p0 $0xFFFF  }
0x34: {  	s8 =	sshrl.u32 @!p0 s2, $0x3;
	s6 =	rddreg [dreg:$0x6]  }
0x35: {  	s5 =	simm.s32 @!p0 $0x1C05;
	[dreg:$0x1b] =	wrdreg s8  }
0x36: {  	[spmem:s8], [sflag:s5] =	dma.local @!p0 [hbm:s6], $0x4800  }
0x37: {  	s6 =	simm.s32 @!p0 $0x5  }
0x38: {  	_ =	swait.ge @!p0 [sflag:s6], $0x4800  }
0x39: {  	[sflag:s6] =	ssyncset.done @!p0 $0x0  }
0x3a: {  	[sflag:s6] =	ssyncadd.s32 @!p0 $0xFFFFB800  }
0x3b: {  	[bflag:$0x0] =	sbarrier.arrive @!p0 $0xFFFF  }
0x3c: {  	s6 =	rddreg [dreg:$0x7]  }
0x3d: {  	s8 =	sshrl.u32 @!p0 s6, $0x3;
	s6 =	rddreg [dreg:$0x8]  }
0x3e: {  	[dreg:$0x1a] =	wrdreg s8  }
0x3f: {  	[spmem:s8], [sflag:s5] =	dma.local @!p0 [hbm:s6], $0x4800  }
0x40: {  	[tilespmem:s7], [sflag:$0x1] =	stream.linear.gather [spmem:s2], $0xC00, $0x38;
	[tilespmem:$0x1FF00] =	vst v63  }
0x41: {  	s6 =	simm.s32 $0x0;
	s5 =	rddreg [dreg:$0x9]  }
0x42: {  	[tilespmem:s10], [sflag:$0x2] =	stream.linear.gather [spmem:s5], $0xC00, $0x38;
	[tilespmem:$0x1FF00] =	vst v63  }
.LBB2_2:
0x43: {  	_ =	swait.ge [sflag:s14], $0xC00  }
0x44: {  	p1 =	seq.s32 s6, $0x0;
	[sflag:s14] =	ssyncset.done $0x0  }
0x45: {  	s5 =	simm.s32 @!p1 $0x3;
	[sflag:s14] =	ssyncadd.s32 $0xFFFFF400  }
0x46: {  	s8 =	sshll.u32 s6, $0x4;
	s13 =	simm.s32 $0x0;
	_ =	swait.ge @!p1 [sflag:s5], $0xC00  }
0x47: {  	s11 =	simm.s32 $0x18740;
	s25 =	simm.s32 $0x19FF0;
	[sflag:s5] =	ssyncset.done @!p1 $0x0  }
0x48: {  	s12 =	simm.s32 $0x187F0;
	[sflag:s5] =	ssyncadd.s32 @!p1 $0xFFFFF400;
	s5 =	simm.s32 $0x19F40  }
.LBB2_3:
0x49: {  	v0 =	vld [tilespmem:s11+$0x30]  }
0x4a: {  	v1 =	vld [tilespmem:s11+$0xFFFFFFD0]  }
0x4b: {  	v2 =	vld [tilespmem:s11+$0xFFFFFFE0]  }
0x4c: {  	v3 =	vld [tilespmem:s11+$0xFFFFFFF0]  }
0x4d: {  	v4 =	vld [tilespmem:s11+$0x0]  }
0x4e: {  	v5 =	vld [tilespmem:s11+$0x10]  }
0x4f: {  	v6 =	vld [tilespmem:s11+$0xFFFFFFC0]  }
0x50: {  	v7 =	vld [tilespmem:s11+$0x20];
	s15 =	sadd.s32 $0x400, s11  }
0x51: {  	v8 =	vld [tilespmem:s15+$0x30]  }
0x52: {  	v10 =	vld [tilespmem:s15+$0xFFFFFFE0]  }
0x53: {  	v0 =	vmul.f32 $1.000000000e+05, v0;
	v1 =	vmul.f32 $1.000000000e+05, v1  }
0x54: {  	v2 =	vmul.f32 $1.000000000e+05, v2;
	v3 =	vmul.f32 $1.000000000e+05, v3  }
0x55: {  	v4 =	vmul.f32 $1.000000000e+05, v4;
	v5 =	vmul.f32 $1.000000000e+05, v5  }
0x56: {  	v6 =	vmul.f32 $1.000000000e+05, v6;
	v7 =	vmul.f32 $1.000000000e+05, v7  }
0x57: {  	v8 =	vmul.f32 $1.000000000e+05, v8;
	v10 =	vmul.f32 $1.000000000e+05, v10  }
0x58: {  	v0 =	vtrunc.f32 v0;
	v1 =	vtrunc.f32 v1  }
0x59: {  	v2 =	vtrunc.f32 v2;
	v3 =	vtrunc.f32 v3  }
0x5a: {  	v9 =	vld [tilespmem:s15+$0xFFFFFFD0];
	v6 =	vtrunc.f32 v6;
	v0 =	vcvt.f32.s32 v0  }
0x5b: {  	v11 =	vld [tilespmem:s15+$0xFFFFFFF0];
	v4 =	vtrunc.f32 v4;
	v6 =	vcvt.f32.s32 v6  }
0x5c: {  	v12 =	vld [tilespmem:s15+$0x10];
	v5 =	vtrunc.f32 v5;
	v1 =	vcvt.f32.s32 v1  }
0x5d: {  	v15 =	vld [tilespmem:s15+$0xFFFFFFC0];
	v7 =	vtrunc.f32 v7;
	v2 =	vcvt.f32.s32 v2  }
0x5e: {  	v3 =	vcvt.f32.s32 v3;
	v13 =	vcvt.f32.s32 v4;
	v4 =	vld [tilespmem:s15+$0x0]  }
0x5f: {  	v14 =	vcvt.f32.s32 v7;
	v7 =	vmul.f32 $1.000000000e+05, v9;
	v9 =	vld [tilespmem:s15+$0x20]  }
0x60: {  	v5 =	vcvt.f32.s32 v5;
	v8 =	vtrunc.f32 v8;
	v0 =	vld.idx.msk [tilespmem:v0+s3+$0x0], $0xffff  }
0x61: {  	v11 =	vmul.f32 $1.000000000e+05, v11;
	v8 =	vcvt.f32.s32 v8;
	v16 =	vld.idx.msk [tilespmem:v6+s3+$0x0], $0xffff  }
0x62: {  	v18 =	vtrunc.f32 v10;
	v10 =	vmul.f32 $1.000000000e+05, v12;
	v17 =	vld.idx.msk [tilespmem:v1+s3+$0x0], $0xffff  }
0x63: {  	v6 =	vtrunc.f32 v7;
	v7 =	vmul.f32 $1.000000000e+05, v4;
	v4 =	vld.idx.msk [tilespmem:v2+s3+$0x0], $0xffff  }
0x64: {  	v15 =	vmul.f32 $1.000000000e+05, v15;
	v9 =	vmul.f32 $1.000000000e+05, v9;
	v1 =	vld.idx.msk [tilespmem:v3+s3+$0x0], $0xffff  }
0x65: {  	v11 =	vtrunc.f32 v11;
	v10 =	vtrunc.f32 v10;
	v2 =	vld.idx.msk [tilespmem:v13+s3+$0x0], $0xffff  }
0x66: {  	v3 =	vld.idx.msk [tilespmem:v5+s3+$0x0], $0xffff;
	v5 =	vtrunc.f32 v15;
	v9 =	vtrunc.f32 v9;
	[tilespmem:s5+$0x30] =	vst v0  }
0x67: {  	s18 =	simm.s32 $0x80;
	v6 =	vcvt.f32.s32 v6;
	v12 =	vtrunc.f32 v7;
	v0 =	vld.idx.msk [tilespmem:v8+s3+$0x0], $0xffff;
	[tilespmem:s5+$0xFFFFFFC0] =	vst v16  }
0x68: {  	s16 =	smov.u32 s5;
	s19 =	sadd.s32 $0x400, s15;
	s15 =	smov.u32 s5;
	v7 =	vcvt.f32.s32 v18;
	v8 =	vcvt.f32.s32 v5;
	[tilespmem:s5+$0xFFFFFFD0] =	vst v17;
	v5 =	vld.idx.msk [tilespmem:v14+s3+$0x0], $0xffff  }
.LBB2_4:
0x69: {  	v13 =	vld [tilespmem:s19+$0x30];
	s18 =	sadd.s32 $0x80, s18;
	v14 =	vcvt.f32.s32 v11;
	v15 =	vcvt.f32.s32 v12;
	[tilespmem:s16+$0xFFFFFFE0] =	vst v4  }
0x6a: {  	v16 =	vcvt.f32.s32 v10;
	v17 =	vcvt.f32.s32 v9;
	v4 =	vld [tilespmem:s19+$0xFFFFFFD0];
	p2 =	slt.u32 s18, $0x100;
	[tilespmem:s16+$0xFFFFFFF0] =	vst v1  }
0x6b: {  	v1 =	vld [tilespmem:s19+$0xFFFFFFE0];
	[tilespmem:s16+$0x0] =	vst v2  }
0x6c: {  	s16 =	sadd.s32 $0x400, s16;
	v2 =	vld [tilespmem:s19+$0xFFFFFFF0];
	[tilespmem:s15+$0x10] =	vst v3  }
0x6d: {  	v3 =	vld [tilespmem:s19+$0x0];
	[tilespmem:s16+$0x30] =	vst v0  }
0x6e: {  	v0 =	vld [tilespmem:s19+$0x10];
	v9 =	vmul.f32 $1.000000000e+05, v13;
	[tilespmem:s15+$0x20] =	vst v5;
	s15 =	smov.u32 s16  }
0x6f: {  	v4 =	vmul.f32 $1.000000000e+05, v4;
	v5 =	vld [tilespmem:s19+$0x20]  }
0x70: {  	v10 =	vld [tilespmem:s19+$0xFFFFFFC0];
	v1 =	vmul.f32 $1.000000000e+05, v1;
	v9 =	vtrunc.f32 v9  }
0x71: {  	v2 =	vmul.f32 $1.000000000e+05, v2;
	v13 =	vcvt.f32.s32 v9;
	v8 =	vld.idx.msk [tilespmem:v8+s3+$0x0], $0xffff  }
0x72: {  	v18 =	vtrunc.f32 v4;
	v3 =	vmul.f32 $1.000000000e+05, v3;
	v19 =	vld.idx.msk [tilespmem:v6+s3+$0x0], $0xffff  }
0x73: {  	v20 =	vtrunc.f32 v1;
	v0 =	vmul.f32 $1.000000000e+05, v0;
	v4 =	vld.idx.msk [tilespmem:v7+s3+$0x0], $0xffff  }
.Ltmp2:
0x74: {  	v11 =	vtrunc.f32 v2;
	v5 =	vmul.f32 $1.000000000e+05, v5;
	v1 =	vld.idx.msk [tilespmem:v14+s3+$0x0], $0xffff;
	(pc) =	sbr.rel @p2 .LBB2_4-.Ltmp2, $4  }
0x75: {  	v12 =	vtrunc.f32 v3;
	v6 =	vmul.f32 $1.000000000e+05, v10;
	v2 =	vld.idx.msk [tilespmem:v15+s3+$0x0], $0xffff  }
0x76: {  	v10 =	vtrunc.f32 v0;
	v9 =	vtrunc.f32 v5;
	v3 =	vld.idx.msk [tilespmem:v16+s3+$0x0], $0xffff  }
0x77: {  	v5 =	vtrunc.f32 v6;
	v6 =	vcvt.f32.s32 v18;
	v0 =	vld.idx.msk [tilespmem:v13+s3+$0x0], $0xffff;
	[tilespmem:s16+$0xFFFFFFC0] =	vst v8  }
0x78: {  	s19 =	sadd.s32 $0x400, s19;
	v7 =	vcvt.f32.s32 v20;
	v8 =	vcvt.f32.s32 v5;
	[tilespmem:s16+$0xFFFFFFD0] =	vst v19;
	v5 =	vld.idx.msk [tilespmem:v17+s3+$0x0], $0xffff  }
0x79: {  	v13 =	vld [tilespmem:s12+$0x0]  }
0x7a: {  	v14 =	vld [tilespmem:s12+$0xFFFFFFA0]  }
0x7b: {  	v15 =	vld [tilespmem:s12+$0xFFFFFFB0]  }
0x7c: {  	v16 =	vld [tilespmem:s12+$0xFFFFFFC0]  }
0x7d: {  	v17 =	vld [tilespmem:s12+$0xFFFFFFD0]  }
0x7e: {  	v18 =	vld [tilespmem:s12+$0xFFFFFFE0]  }
0x7f: {  	v19 =	vld [tilespmem:s12+$0xFFFFFF90]  }
0x80: {  	v20 =	vld [tilespmem:s12+$0xFFFFFFF0]  }
0x81: {  	s19 =	sadd.s32 $0x400, s12;
	v8 =	vld.idx.msk [tilespmem:v8+s3+$0x0], $0xffff  }
0x82: {  	v11 =	vcvt.f32.s32 v11;
	v12 =	vcvt.f32.s32 v12;
	v53 =	vld [tilespmem:s19+$0x0]  }
0x83: {  	v10 =	vcvt.f32.s32 v10;
	v9 =	vcvt.f32.s32 v9;
	v56 =	vld [tilespmem:s19+$0xFFFFFFB0]  }
0x84: {  	v13 =	vmul.f32 $1.000000000e+05, v13;
	v14 =	vmul.f32 $1.000000000e+05, v14  }
0x85: {  	v6 =	vld.idx.msk [tilespmem:v6+s3+$0x0], $0xffff;
	v15 =	vmul.f32 $1.000000000e+05, v15;
	v16 =	vmul.f32 $1.000000000e+05, v16  }
0x86: {  	v7 =	vld.idx.msk [tilespmem:v7+s3+$0x0], $0xffff;
	v17 =	vmul.f32 $1.000000000e+05, v17;
	v18 =	vmul.f32 $1.000000000e+05, v18  }
0x87: {  	[tilespmem:s16+$0xFFFFFFE0] =	vst v4;
	s21 =	sadd.s32 $0x400, s16;
	v55 =	vld [tilespmem:s19+$0xFFFFFFA0];
	v19 =	vmul.f32 $1.000000000e+05, v19;
	v4 =	vmul.f32 $1.000000000e+05, v20  }
0x88: {  	v58 =	vld [tilespmem:s19+$0xFFFFFFD0];
	v20 =	vmul.f32 $1.000000000e+05, v53;
	[tilespmem:s21+$0xFFFFFFC0] =	vst v8;
	v8 =	vmul.f32 $1.000000000e+05, v56  }
0x89: {  	v59 =	vld [tilespmem:s19+$0xFFFFFFF0];
	v13 =	vtrunc.f32 v13;
	v14 =	vtrunc.f32 v14  }
0x8a: {  	[tilespmem:s15+$0x20] =	vst v5;
	v5 =	vld [tilespmem:s19+$0xFFFFFFE0];
	v15 =	vtrunc.f32 v15;
	v16 =	vtrunc.f32 v16  }
0x8b: {  	[tilespmem:s21+$0xFFFFFFD0] =	vst v6;
	v6 =	vld [tilespmem:s19+$0xFFFFFF90];
	v54 =	vtrunc.f32 v19;
	v13 =	vcvt.f32.s32 v13  }
0x8c: {  	[tilespmem:s16+$0x0] =	vst v2;
	v11 =	vld.idx.msk [tilespmem:v11+s3+$0x0], $0xffff;
	v2 =	vtrunc.f32 v4;
	v4 =	vcvt.f32.s32 v54  }
0x8d: {  	[tilespmem:s15+$0x10] =	vst v3;
	v12 =	vld.idx.msk [tilespmem:v12+s3+$0x0], $0xffff;
	v17 =	vtrunc.f32 v17;
	v3 =	vcvt.f32.s32 v14  }
0x8e: {  	[tilespmem:s16+$0xFFFFFFF0] =	vst v1;
	v1 =	vtrunc.f32 v18;
	v14 =	vcvt.f32.s32 v15;
	v15 =	vld [tilespmem:s19+$0xFFFFFFC0]  }
0x8f: {  	[tilespmem:s21+$0x30] =	vst v0;
	v10 =	vld.idx.msk [tilespmem:v10+s3+$0x0], $0xffff;
	v0 =	vcvt.f32.s32 v16;
	v57 =	vcvt.f32.s32 v17  }
0x90: {  	v9 =	vld.idx.msk [tilespmem:v9+s3+$0x0], $0xffff;
	v1 =	vcvt.f32.s32 v1;
	v21 =	vcvt.f32.s32 v2  }
0x91: {  	v2 =	vmul.f32 $1.000000000e+05, v55;
	v60 =	vtrunc.f32 v20;
	v13 =	vld.idx.msk [tilespmem:v13+s3+$0x0], $0xffff  }
0x92: {  	[tilespmem:s21+$0xFFFFFFE0] =	vst v7;
	v63 =	vtrunc.f32 v8;
	v22 =	vmul.f32 $1.000000000e+05, v5;
	v4 =	vld.idx.msk [tilespmem:v4+s3+$0x0], $0xffff  }
0x93: {  	[tilespmem:s21+$0xFFFFFFF0] =	vst v11;
	v7 =	vmul.f32 $1.000000000e+05, v15;
	v15 =	vcvt.f32.s32 v60;
	v62 =	vld.idx.msk [tilespmem:v3+s3+$0x0], $0xffff  }
0x94: {  	v61 =	vtrunc.f32 v2;
	v11 =	vmul.f32 $1.000000000e+05, v58;
	[tilespmem:s21+$0x0] =	vst v12;
	v3 =	vld.idx.msk [tilespmem:v14+s3+$0x0], $0xffff  }
0x95: {  	[tilespmem:s21+$0x10] =	vst v10;
	v10 =	vtrunc.f32 v22;
	v2 =	vld.idx.msk [tilespmem:v0+s3+$0x0], $0xffff;
	v0 =	vmul.f32 $1.000000000e+05, v6  }
0x96: {  	[tilespmem:s21+$0x20] =	vst v9;
	v5 =	vld.idx.msk [tilespmem:v57+s3+$0x0], $0xffff;
	v8 =	vtrunc.f32 v7;
	v7 =	vmul.f32 $1.000000000e+05, v59  }
0x97: {  	v12 =	vtrunc.f32 v11;
	v6 =	vld.idx.msk [tilespmem:v1+s3+$0x0], $0xffff;
	v1 =	vtrunc.f32 v0;
	[tilespmem:s25+$0x0] =	vst v13  }
0x98: {  	s18 =	simm.s32 $0x80;
	v9 =	vld.idx.msk [tilespmem:v21+s3+$0x0], $0xffff;
	v0 =	vcvt.f32.s32 v61;
	v11 =	vtrunc.f32 v7;
	[tilespmem:s25+$0xFFFFFF90] =	vst v4  }
0x99: {  	s16 =	smov.u32 s25;
	s15 =	smov.u32 s25;
	s19 =	sadd.s32 $0x400, s19;
	v7 =	vld.idx.msk [tilespmem:v15+s3+$0x0], $0xffff;
	v4 =	vcvt.f32.s32 v1;
	v1 =	vcvt.f32.s32 v63;
	[tilespmem:s25+$0xFFFFFFA0] =	vst v62  }
.LBB2_6:
0x9a: {  	v13 =	vld [tilespmem:s19+$0x0];
	s18 =	sadd.s32 $0x80, s18;
	v14 =	vcvt.f32.s32 v8;
	v15 =	vcvt.f32.s32 v12;
	[tilespmem:s16+$0xFFFFFFB0] =	vst v3  }
0x9b: {  	v16 =	vcvt.f32.s32 v10;
	v17 =	vcvt.f32.s32 v11;
	v3 =	vld [tilespmem:s19+$0xFFFFFFA0];
	p2 =	slt.u32 s18, $0x100;
	[tilespmem:s16+$0xFFFFFFC0] =	vst v2  }
0x9c: {  	v2 =	vld [tilespmem:s19+$0xFFFFFFB0];
	[tilespmem:s16+$0xFFFFFFD0] =	vst v5  }
0x9d: {  	s16 =	sadd.s32 $0x400, s16;
	v5 =	vld [tilespmem:s19+$0xFFFFFFC0];
	[tilespmem:s15+$0xFFFFFFE0] =	vst v6  }
0x9e: {  	v6 =	vld [tilespmem:s19+$0xFFFFFFD0];
	[tilespmem:s16+$0x0] =	vst v7  }
0x9f: {  	v7 =	vld [tilespmem:s19+$0xFFFFFFE0];
	v8 =	vmul.f32 $1.000000000e+05, v13;
	[tilespmem:s15+$0xFFFFFFF0] =	vst v9;
	s15 =	smov.u32 s16  }
0xa0: {  	v3 =	vmul.f32 $1.000000000e+05, v3;
	v9 =	vld [tilespmem:s19+$0xFFFFFFF0]  }
0xa1: {  	v10 =	vld [tilespmem:s19+$0xFFFFFF90];
	v2 =	vmul.f32 $1.000000000e+05, v2;
	v8 =	vtrunc.f32 v8  }
0xa2: {  	v5 =	vmul.f32 $1.000000000e+05, v5;
	v13 =	vcvt.f32.s32 v8;
	v4 =	vld.idx.msk [tilespmem:v4+s3+$0x0], $0xffff  }
0xa3: {  	v18 =	vtrunc.f32 v3;
	v6 =	vmul.f32 $1.000000000e+05, v6;
	v19 =	vld.idx.msk [tilespmem:v0+s3+$0x0], $0xffff  }
0xa4: {  	v20 =	vtrunc.f32 v2;
	v0 =	vmul.f32 $1.000000000e+05, v7;
	v3 =	vld.idx.msk [tilespmem:v1+s3+$0x0], $0xffff  }
.Ltmp3:
0xa5: {  	v8 =	vtrunc.f32 v5;
	v1 =	vmul.f32 $1.000000000e+05, v9;
	v2 =	vld.idx.msk [tilespmem:v14+s3+$0x0], $0xffff;
	(pc) =	sbr.rel @p2 .LBB2_6-.Ltmp3, $4  }
0xa6: {  	v12 =	vtrunc.f32 v6;
	v7 =	vmul.f32 $1.000000000e+05, v10;
	v5 =	vld.idx.msk [tilespmem:v15+s3+$0x0], $0xffff  }
0xa7: {  	v10 =	vtrunc.f32 v0;
	v11 =	vtrunc.f32 v1;
	v6 =	vld.idx.msk [tilespmem:v16+s3+$0x0], $0xffff  }
0xa8: {  	v0 =	vcvt.f32.s32 v18;
	v1 =	vtrunc.f32 v7;
	v7 =	vld.idx.msk [tilespmem:v13+s3+$0x0], $0xffff;
	[tilespmem:s16+$0xFFFFFF90] =	vst v4  }
0xa9: {  	s19 =	sadd.s32 $0x400, s19;
	v4 =	vcvt.f32.s32 v1;
	v1 =	vcvt.f32.s32 v20;
	[tilespmem:s16+$0xFFFFFFA0] =	vst v19;
	v9 =	vld.idx.msk [tilespmem:v17+s3+$0x0], $0xffff  }
0xaa: {  	_ = 	snop  }
0xab: {  	v8 =	vcvt.f32.s32 v8  }
0xac: {  	v12 =	vcvt.f32.s32 v12  }
0xad: {  	[tilespmem:s16+$0xFFFFFFB0] =	vst v3;
	v58 =	vcvt.f32.s32 v10  }
0xae: {  	v59 =	vcvt.f32.s32 v11;
	[tilespmem:s16+$0xFFFFFFC0] =	vst v2;
	v0 =	vld.idx.msk [tilespmem:v0+s3+$0x0], $0xffff  }
0xaf: {  	v60 =	vld.idx.msk [tilespmem:v4+s3+$0x0], $0xffff;
	[tilespmem:s16+$0xFFFFFFD0] =	vst v5  }
0xb0: {  	s19 =	sadd.s32 $0x400, s16;
	v1 =	vld.idx.msk [tilespmem:v1+s3+$0x0], $0xffff;
	[tilespmem:s15+$0xFFFFFFE0] =	vst v6  }
0xb1: {  	[tilespmem:s19+$0x0] =	vst v7;
	v61 =	vld.idx.msk [tilespmem:v8+s3+$0x0], $0xffff  }
0xb2: {  	[tilespmem:s15+$0xFFFFFFF0] =	vst v9;
	v62 =	vld.idx.msk [tilespmem:v12+s3+$0x0], $0xffff  }
0xb3: {  	[tilespmem:s19+$0xFFFFFFA0] =	vst v0;
	v3 =	vld.idx.msk [tilespmem:v58+s3+$0x0], $0xffff  }
0xb4: {  	p2 =	slt.u32 s13, $0x6;
	[tilespmem:s19+$0xFFFFFF90] =	vst v60;
	v63 =	vld.idx.msk [tilespmem:v59+s3+$0x0], $0xffff  }
.Ltmp4:
0xb5: {  	[tilespmem:s19+$0xFFFFFFB0] =	vst v1;
	(pc) =	sbr.rel @p2 .LBB2_3-.Ltmp4, $4  }
0xb6: {  	[tilespmem:s19+$0xFFFFFFC0] =	vst v61  }
0xb7: {  	[tilespmem:s19+$0xFFFFFFD0] =	vst v62  }
0xb8: {  	s21 =	sadd.s32 $0x2, s13;
	s5 =	sadd.s32 $0x100, s5;
	s11 =	sadd.s32 $0x100, s11;
	[tilespmem:s19+$0xFFFFFFE0] =	vst v3  }
0xb9: {  	s25 =	sadd.s32 $0x100, s25;
	s12 =	sadd.s32 $0x100, s12;
	s13 =	smov.u32 s21;
	[tilespmem:s19+$0xFFFFFFF0] =	vst v63  }
0xba: {  	s5 =	smul.u32 $0x1800, s6;
	p2 =	sne.s32 s6, $0x17  }
.Ltmp5:
0xbb: {  	_ = 	snop;
	(pc) =	sbr.rel @p2 .LBB2_10-.Ltmp5, $4  }
0xbc: {  	s11 =	sadd.s32 s9, s5  }
0xbd: {  	s11 =	sshrl.u32 s11, $0x3  }
0xbe: {  	s11 =	sadd.s32 s1, s11  }
0xbf: {  	[hbm4b:s11+s3] =	stream.linear.scatter [tilespmem:s17], [sflag:$0x3], $0xC00, $0x38;
	[tilespmem:$0x1FF00] =	vst v63  }
.Ltmp6:
0xc0: {  	(pc) =	sbr.rel .LBB2_11-.Ltmp6, $4  }
0xc1: {  	_ = 	snop  }
0xc2: {  	_ =	swait.ge [sflag:s20], $0xC00  }
0xc3: {  	[sflag:s20] =	ssyncset.done $0x0  }
0xc4: {  	[sflag:s20] =	ssyncadd.s32 $0xFFFFF400  }
.LBB2_10:
0xc5: {  	s11 =	sshrl.u32 s8, $0x3  }
0xc6: {  	s11 =	smul.u32 $0x3000, s11;
	_ =	sdelay $0x1  }
0xc7: {  	s11 =	sadd.s32 $0x6000, s11  }
0xc8: {  	s11 =	sshra.s32 s11, $0x2  }
.Ltmp7:
0xc9: {  	s11 =	sadd.s32 s11, s2;
	(pc) =	sbr.rel @p1 .LBB2_12-.Ltmp7, $4  }
0xca: {  	[tilespmem:s7], [sflag:$0x1] =	stream.linear.gather [spmem:s11], $0xC00, $0x38;
	[tilespmem:$0x1FF00] =	vst v63  }
0xcb: {  	_ =	swait.ge [sflag:s20], $0xC00  }
0xcc: {  	[sflag:s20] =	ssyncset.done $0x0  }
0xcd: {  	[sflag:s20] =	ssyncadd.s32 $0xFFFFF400  }
.LBB2_11:
0xce: {  	_ =	swait.ge [sflag:s23], $0xC00  }
0xcf: {  	[sflag:s23] =	ssyncset.done $0x0  }
0xd0: {  	[sflag:s23] =	ssyncadd.s32 $0xFFFFF400  }
.LBB2_12:
0xd1: {  	s15 =	simm.s32 $0x0;
	s18 =	simm.s32 $0x1AB40  }
0xd2: {  	s25 =	simm.s32 $0x19340;
	s12 =	simm.s32 $0x1ABF0;
	s13 =	simm.s32 $0x193F0  }
.LBB2_13:
0xd3: {  	v0 =	vld [tilespmem:s25+$0x30]  }
0xd4: {  	v1 =	vld [tilespmem:s25+$0xFFFFFFD0]  }
0xd5: {  	v2 =	vld [tilespmem:s25+$0xFFFFFFE0]  }
0xd6: {  	v3 =	vld [tilespmem:s25+$0xFFFFFFF0]  }
0xd7: {  	v4 =	vld [tilespmem:s25+$0x0]  }
0xd8: {  	v5 =	vld [tilespmem:s25+$0x10]  }
0xd9: {  	v6 =	vld [tilespmem:s25+$0xFFFFFFC0]  }
0xda: {  	v7 =	vld [tilespmem:s25+$0x20];
	s11 =	sadd.s32 $0x400, s25  }
0xdb: {  	v8 =	vld [tilespmem:s11+$0x30]  }
0xdc: {  	v10 =	vld [tilespmem:s11+$0xFFFFFFE0]  }
0xdd: {  	v0 =	vmul.f32 $1.000000000e+05, v0;
	v1 =	vmul.f32 $1.000000000e+05, v1  }
0xde: {  	v2 =	vmul.f32 $1.000000000e+05, v2;
	v3 =	vmul.f32 $1.000000000e+05, v3  }
0xdf: {  	v4 =	vmul.f32 $1.000000000e+05, v4;
	v5 =	vmul.f32 $1.000000000e+05, v5  }
0xe0: {  	v6 =	vmul.f32 $1.000000000e+05, v6;
	v7 =	vmul.f32 $1.000000000e+05, v7  }
0xe1: {  	v8 =	vmul.f32 $1.000000000e+05, v8;
	v10 =	vmul.f32 $1.000000000e+05, v10  }
0xe2: {  	v0 =	vtrunc.f32 v0;
	v1 =	vtrunc.f32 v1  }
0xe3: {  	v2 =	vtrunc.f32 v2;
	v3 =	vtrunc.f32 v3  }
0xe4: {  	v9 =	vld [tilespmem:s11+$0xFFFFFFD0];
	v6 =	vtrunc.f32 v6;
	v0 =	vcvt.f32.s32 v0  }
0xe5: {  	v11 =	vld [tilespmem:s11+$0xFFFFFFF0];
	v4 =	vtrunc.f32 v4;
	v6 =	vcvt.f32.s32 v6  }
0xe6: {  	v12 =	vld [tilespmem:s11+$0x10];
	v5 =	vtrunc.f32 v5;
	v1 =	vcvt.f32.s32 v1  }
0xe7: {  	v15 =	vld [tilespmem:s11+$0xFFFFFFC0];
	v7 =	vtrunc.f32 v7;
	v2 =	vcvt.f32.s32 v2  }
0xe8: {  	v3 =	vcvt.f32.s32 v3;
	v13 =	vcvt.f32.s32 v4;
	v4 =	vld [tilespmem:s11+$0x0]  }
0xe9: {  	v14 =	vcvt.f32.s32 v7;
	v7 =	vmul.f32 $1.000000000e+05, v9;
	v9 =	vld [tilespmem:s11+$0x20]  }
0xea: {  	v5 =	vcvt.f32.s32 v5;
	v8 =	vtrunc.f32 v8;
	v0 =	vld.idx.msk [tilespmem:v0+s3+$0x0], $0xffff  }
0xeb: {  	v11 =	vmul.f32 $1.000000000e+05, v11;
	v8 =	vcvt.f32.s32 v8;
	v16 =	vld.idx.msk [tilespmem:v6+s3+$0x0], $0xffff  }
0xec: {  	v18 =	vtrunc.f32 v10;
	v10 =	vmul.f32 $1.000000000e+05, v12;
	v17 =	vld.idx.msk [tilespmem:v1+s3+$0x0], $0xffff  }
0xed: {  	v6 =	vtrunc.f32 v7;
	v7 =	vmul.f32 $1.000000000e+05, v4;
	v4 =	vld.idx.msk [tilespmem:v2+s3+$0x0], $0xffff  }
0xee: {  	v15 =	vmul.f32 $1.000000000e+05, v15;
	v9 =	vmul.f32 $1.000000000e+05, v9;
	v1 =	vld.idx.msk [tilespmem:v3+s3+$0x0], $0xffff  }
0xef: {  	v11 =	vtrunc.f32 v11;
	v10 =	vtrunc.f32 v10;
	v2 =	vld.idx.msk [tilespmem:v13+s3+$0x0], $0xffff  }
0xf0: {  	v3 =	vld.idx.msk [tilespmem:v5+s3+$0x0], $0xffff;
	v5 =	vtrunc.f32 v15;
	v9 =	vtrunc.f32 v9;
	[tilespmem:s18+$0x30] =	vst v0  }
0xf1: {  	s19 =	simm.s32 $0x80;
	v6 =	vcvt.f32.s32 v6;
	v12 =	vtrunc.f32 v7;
	v0 =	vld.idx.msk [tilespmem:v8+s3+$0x0], $0xffff;
	[tilespmem:s18+$0xFFFFFFC0] =	vst v16  }
0xf2: {  	s16 =	smov.u32 s18;
	s21 =	sadd.s32 $0x400, s11;
	s11 =	smov.u32 s18;
	v7 =	vcvt.f32.s32 v18;
	v8 =	vcvt.f32.s32 v5;
	[tilespmem:s18+$0xFFFFFFD0] =	vst v17;
	v5 =	vld.idx.msk [tilespmem:v14+s3+$0x0], $0xffff  }
.LBB2_14:
0xf3: {  	v13 =	vld [tilespmem:s21+$0x30];
	s19 =	sadd.s32 $0x80, s19;
	v14 =	vcvt.f32.s32 v11;
	v15 =	vcvt.f32.s32 v12;
	[tilespmem:s16+$0xFFFFFFE0] =	vst v4  }
0xf4: {  	v16 =	vcvt.f32.s32 v10;
	v17 =	vcvt.f32.s32 v9;
	v4 =	vld [tilespmem:s21+$0xFFFFFFD0];
	p1 =	slt.u32 s19, $0x100;
	[tilespmem:s16+$0xFFFFFFF0] =	vst v1  }
0xf5: {  	v1 =	vld [tilespmem:s21+$0xFFFFFFE0];
	[tilespmem:s16+$0x0] =	vst v2  }
0xf6: {  	s16 =	sadd.s32 $0x400, s16;
	v2 =	vld [tilespmem:s21+$0xFFFFFFF0];
	[tilespmem:s11+$0x10] =	vst v3  }
0xf7: {  	v3 =	vld [tilespmem:s21+$0x0];
	[tilespmem:s16+$0x30] =	vst v0  }
0xf8: {  	v0 =	vld [tilespmem:s21+$0x10];
	v9 =	vmul.f32 $1.000000000e+05, v13;
	[tilespmem:s11+$0x20] =	vst v5;
	s11 =	smov.u32 s16  }
0xf9: {  	v4 =	vmul.f32 $1.000000000e+05, v4;
	v5 =	vld [tilespmem:s21+$0x20]  }
0xfa: {  	v10 =	vld [tilespmem:s21+$0xFFFFFFC0];
	v1 =	vmul.f32 $1.000000000e+05, v1;
	v9 =	vtrunc.f32 v9  }
0xfb: {  	v2 =	vmul.f32 $1.000000000e+05, v2;
	v13 =	vcvt.f32.s32 v9;
	v8 =	vld.idx.msk [tilespmem:v8+s3+$0x0], $0xffff  }
0xfc: {  	v18 =	vtrunc.f32 v4;
	v3 =	vmul.f32 $1.000000000e+05, v3;
	v19 =	vld.idx.msk [tilespmem:v6+s3+$0x0], $0xffff  }
0xfd: {  	v20 =	vtrunc.f32 v1;
	v0 =	vmul.f32 $1.000000000e+05, v0;
	v4 =	vld.idx.msk [tilespmem:v7+s3+$0x0], $0xffff  }
.Ltmp8:
0xfe: {  	v11 =	vtrunc.f32 v2;
	v5 =	vmul.f32 $1.000000000e+05, v5;
	v1 =	vld.idx.msk [tilespmem:v14+s3+$0x0], $0xffff;
	(pc) =	sbr.rel @p1 .LBB2_14-.Ltmp8, $4  }
0xff: {  	v12 =	vtrunc.f32 v3;
	v6 =	vmul.f32 $1.000000000e+05, v10;
	v2 =	vld.idx.msk [tilespmem:v15+s3+$0x0], $0xffff  }
0x100: {  	v10 =	vtrunc.f32 v0;
	v9 =	vtrunc.f32 v5;
	v3 =	vld.idx.msk [tilespmem:v16+s3+$0x0], $0xffff  }
0x101: {  	v5 =	vtrunc.f32 v6;
	v6 =	vcvt.f32.s32 v18;
	v0 =	vld.idx.msk [tilespmem:v13+s3+$0x0], $0xffff;
	[tilespmem:s16+$0xFFFFFFC0] =	vst v8  }
0x102: {  	s21 =	sadd.s32 $0x400, s21;
	v7 =	vcvt.f32.s32 v20;
	v8 =	vcvt.f32.s32 v5;
	[tilespmem:s16+$0xFFFFFFD0] =	vst v19;
	v5 =	vld.idx.msk [tilespmem:v17+s3+$0x0], $0xffff  }
0x103: {  	v13 =	vld [tilespmem:s13+$0x0]  }
0x104: {  	v14 =	vld [tilespmem:s13+$0xFFFFFFA0]  }
0x105: {  	v15 =	vld [tilespmem:s13+$0xFFFFFFB0]  }
0x106: {  	v16 =	vld [tilespmem:s13+$0xFFFFFFC0]  }
0x107: {  	v17 =	vld [tilespmem:s13+$0xFFFFFFD0]  }
0x108: {  	v18 =	vld [tilespmem:s13+$0xFFFFFFE0]  }
0x109: {  	v19 =	vld [tilespmem:s13+$0xFFFFFF90]  }
0x10a: {  	v20 =	vld [tilespmem:s13+$0xFFFFFFF0]  }
0x10b: {  	s21 =	sadd.s32 $0x400, s13;
	v8 =	vld.idx.msk [tilespmem:v8+s3+$0x0], $0xffff  }
0x10c: {  	v11 =	vcvt.f32.s32 v11;
	v12 =	vcvt.f32.s32 v12;
	v53 =	vld [tilespmem:s21+$0x0]  }
0x10d: {  	v10 =	vcvt.f32.s32 v10;
	v9 =	vcvt.f32.s32 v9;
	v56 =	vld [tilespmem:s21+$0xFFFFFFB0]  }
0x10e: {  	v13 =	vmul.f32 $1.000000000e+05, v13;
	v14 =	vmul.f32 $1.000000000e+05, v14  }
0x10f: {  	v6 =	vld.idx.msk [tilespmem:v6+s3+$0x0], $0xffff;
	v15 =	vmul.f32 $1.000000000e+05, v15;
	v16 =	vmul.f32 $1.000000000e+05, v16  }
0x110: {  	v7 =	vld.idx.msk [tilespmem:v7+s3+$0x0], $0xffff;
	v17 =	vmul.f32 $1.000000000e+05, v17;
	v18 =	vmul.f32 $1.000000000e+05, v18  }
0x111: {  	[tilespmem:s16+$0xFFFFFFE0] =	vst v4;
	s19 =	sadd.s32 $0x400, s16;
	v55 =	vld [tilespmem:s21+$0xFFFFFFA0];
	v19 =	vmul.f32 $1.000000000e+05, v19;
	v4 =	vmul.f32 $1.000000000e+05, v20  }
0x112: {  	v58 =	vld [tilespmem:s21+$0xFFFFFFD0];
	v20 =	vmul.f32 $1.000000000e+05, v53;
	[tilespmem:s19+$0xFFFFFFC0] =	vst v8;
	v8 =	vmul.f32 $1.000000000e+05, v56  }
0x113: {  	v59 =	vld [tilespmem:s21+$0xFFFFFFF0];
	v13 =	vtrunc.f32 v13;
	v14 =	vtrunc.f32 v14  }
0x114: {  	[tilespmem:s11+$0x20] =	vst v5;
	v5 =	vld [tilespmem:s21+$0xFFFFFFE0];
	v15 =	vtrunc.f32 v15;
	v16 =	vtrunc.f32 v16  }
0x115: {  	[tilespmem:s19+$0xFFFFFFD0] =	vst v6;
	v6 =	vld [tilespmem:s21+$0xFFFFFF90];
	v54 =	vtrunc.f32 v19;
	v13 =	vcvt.f32.s32 v13  }
0x116: {  	[tilespmem:s16+$0x0] =	vst v2;
	v11 =	vld.idx.msk [tilespmem:v11+s3+$0x0], $0xffff;
	v2 =	vtrunc.f32 v4;
	v4 =	vcvt.f32.s32 v54  }
0x117: {  	[tilespmem:s11+$0x10] =	vst v3;
	v12 =	vld.idx.msk [tilespmem:v12+s3+$0x0], $0xffff;
	v17 =	vtrunc.f32 v17;
	v3 =	vcvt.f32.s32 v14  }
0x118: {  	[tilespmem:s16+$0xFFFFFFF0] =	vst v1;
	v1 =	vtrunc.f32 v18;
	v14 =	vcvt.f32.s32 v15;
	v15 =	vld [tilespmem:s21+$0xFFFFFFC0]  }
0x119: {  	[tilespmem:s19+$0x30] =	vst v0;
	v10 =	vld.idx.msk [tilespmem:v10+s3+$0x0], $0xffff;
	v0 =	vcvt.f32.s32 v16;
	v57 =	vcvt.f32.s32 v17  }
0x11a: {  	v9 =	vld.idx.msk [tilespmem:v9+s3+$0x0], $0xffff;
	v1 =	vcvt.f32.s32 v1;
	v21 =	vcvt.f32.s32 v2  }
0x11b: {  	v2 =	vmul.f32 $1.000000000e+05, v55;
	v60 =	vtrunc.f32 v20;
	v13 =	vld.idx.msk [tilespmem:v13+s3+$0x0], $0xffff  }
0x11c: {  	[tilespmem:s19+$0xFFFFFFE0] =	vst v7;
	v63 =	vtrunc.f32 v8;
	v22 =	vmul.f32 $1.000000000e+05, v5;
	v4 =	vld.idx.msk [tilespmem:v4+s3+$0x0], $0xffff  }
0x11d: {  	[tilespmem:s19+$0xFFFFFFF0] =	vst v11;
	v7 =	vmul.f32 $1.000000000e+05, v15;
	v15 =	vcvt.f32.s32 v60;
	v62 =	vld.idx.msk [tilespmem:v3+s3+$0x0], $0xffff  }
0x11e: {  	v61 =	vtrunc.f32 v2;
	v11 =	vmul.f32 $1.000000000e+05, v58;
	[tilespmem:s19+$0x0] =	vst v12;
	v3 =	vld.idx.msk [tilespmem:v14+s3+$0x0], $0xffff  }
0x11f: {  	[tilespmem:s19+$0x10] =	vst v10;
	v10 =	vtrunc.f32 v22;
	v2 =	vld.idx.msk [tilespmem:v0+s3+$0x0], $0xffff;
	v0 =	vmul.f32 $1.000000000e+05, v6  }
0x120: {  	[tilespmem:s19+$0x20] =	vst v9;
	v5 =	vld.idx.msk [tilespmem:v57+s3+$0x0], $0xffff;
	v8 =	vtrunc.f32 v7;
	v7 =	vmul.f32 $1.000000000e+05, v59  }
0x121: {  	v12 =	vtrunc.f32 v11;
	v6 =	vld.idx.msk [tilespmem:v1+s3+$0x0], $0xffff;
	v1 =	vtrunc.f32 v0;
	[tilespmem:s12+$0x0] =	vst v13  }
0x122: {  	s16 =	smov.u32 s12;
	v9 =	vld.idx.msk [tilespmem:v21+s3+$0x0], $0xffff;
	v0 =	vcvt.f32.s32 v61;
	v11 =	vtrunc.f32 v7;
	[tilespmem:s12+$0xFFFFFF90] =	vst v4  }
0x123: {  	s11 =	smov.u32 s12;
	s21 =	sadd.s32 $0x400, s21;
	s19 =	simm.s32 $0x80;
	v7 =	vld.idx.msk [tilespmem:v15+s3+$0x0], $0xffff;
	v4 =	vcvt.f32.s32 v1;
	v1 =	vcvt.f32.s32 v63;
	[tilespmem:s12+$0xFFFFFFA0] =	vst v62  }
.LBB2_16:
0x124: {  	v13 =	vld [tilespmem:s21+$0x0];
	s19 =	sadd.s32 $0x80, s19;
	v14 =	vcvt.f32.s32 v8;
	v15 =	vcvt.f32.s32 v12;
	[tilespmem:s16+$0xFFFFFFB0] =	vst v3  }
0x125: {  	v16 =	vcvt.f32.s32 v10;
	v17 =	vcvt.f32.s32 v11;
	v3 =	vld [tilespmem:s21+$0xFFFFFFA0];
	p1 =	slt.u32 s19, $0x100;
	[tilespmem:s16+$0xFFFFFFC0] =	vst v2  }
0x126: {  	v2 =	vld [tilespmem:s21+$0xFFFFFFB0];
	[tilespmem:s16+$0xFFFFFFD0] =	vst v5  }
0x127: {  	s16 =	sadd.s32 $0x400, s16;
	v5 =	vld [tilespmem:s21+$0xFFFFFFC0];
	[tilespmem:s11+$0xFFFFFFE0] =	vst v6  }
0x128: {  	v6 =	vld [tilespmem:s21+$0xFFFFFFD0];
	[tilespmem:s16+$0x0] =	vst v7  }
0x129: {  	v7 =	vld [tilespmem:s21+$0xFFFFFFE0];
	v8 =	vmul.f32 $1.000000000e+05, v13;
	[tilespmem:s11+$0xFFFFFFF0] =	vst v9;
	s11 =	smov.u32 s16  }
0x12a: {  	v3 =	vmul.f32 $1.000000000e+05, v3;
	v9 =	vld [tilespmem:s21+$0xFFFFFFF0]  }
0x12b: {  	v10 =	vld [tilespmem:s21+$0xFFFFFF90];
	v2 =	vmul.f32 $1.000000000e+05, v2;
	v8 =	vtrunc.f32 v8  }
0x12c: {  	v5 =	vmul.f32 $1.000000000e+05, v5;
	v13 =	vcvt.f32.s32 v8;
	v4 =	vld.idx.msk [tilespmem:v4+s3+$0x0], $0xffff  }
0x12d: {  	v18 =	vtrunc.f32 v3;
	v6 =	vmul.f32 $1.000000000e+05, v6;
	v19 =	vld.idx.msk [tilespmem:v0+s3+$0x0], $0xffff  }
0x12e: {  	v20 =	vtrunc.f32 v2;
	v0 =	vmul.f32 $1.000000000e+05, v7;
	v3 =	vld.idx.msk [tilespmem:v1+s3+$0x0], $0xffff  }
.Ltmp9:
0x12f: {  	v8 =	vtrunc.f32 v5;
	v1 =	vmul.f32 $1.000000000e+05, v9;
	v2 =	vld.idx.msk [tilespmem:v14+s3+$0x0], $0xffff;
	(pc) =	sbr.rel @p1 .LBB2_16-.Ltmp9, $4  }
0x130: {  	v12 =	vtrunc.f32 v6;
	v7 =	vmul.f32 $1.000000000e+05, v10;
	v5 =	vld.idx.msk [tilespmem:v15+s3+$0x0], $0xffff  }
0x131: {  	v10 =	vtrunc.f32 v0;
	v11 =	vtrunc.f32 v1;
	v6 =	vld.idx.msk [tilespmem:v16+s3+$0x0], $0xffff  }
0x132: {  	v0 =	vcvt.f32.s32 v18;
	v1 =	vtrunc.f32 v7;
	v7 =	vld.idx.msk [tilespmem:v13+s3+$0x0], $0xffff;
	[tilespmem:s16+$0xFFFFFF90] =	vst v4  }
0x133: {  	s21 =	sadd.s32 $0x400, s21;
	v4 =	vcvt.f32.s32 v1;
	v1 =	vcvt.f32.s32 v20;
	[tilespmem:s16+$0xFFFFFFA0] =	vst v19;
	v9 =	vld.idx.msk [tilespmem:v17+s3+$0x0], $0xffff  }
0x134: {  	_ = 	snop  }
0x135: {  	v8 =	vcvt.f32.s32 v8  }
0x136: {  	v12 =	vcvt.f32.s32 v12  }
0x137: {  	[tilespmem:s16+$0xFFFFFFB0] =	vst v3;
	v58 =	vcvt.f32.s32 v10  }
0x138: {  	v59 =	vcvt.f32.s32 v11;
	[tilespmem:s16+$0xFFFFFFC0] =	vst v2;
	v0 =	vld.idx.msk [tilespmem:v0+s3+$0x0], $0xffff  }
0x139: {  	v60 =	vld.idx.msk [tilespmem:v4+s3+$0x0], $0xffff;
	[tilespmem:s16+$0xFFFFFFD0] =	vst v5  }
0x13a: {  	s19 =	sadd.s32 $0x400, s16;
	v1 =	vld.idx.msk [tilespmem:v1+s3+$0x0], $0xffff;
	[tilespmem:s11+$0xFFFFFFE0] =	vst v6  }
0x13b: {  	[tilespmem:s19+$0x0] =	vst v7;
	v61 =	vld.idx.msk [tilespmem:v8+s3+$0x0], $0xffff  }
0x13c: {  	[tilespmem:s11+$0xFFFFFFF0] =	vst v9;
	v62 =	vld.idx.msk [tilespmem:v12+s3+$0x0], $0xffff  }
0x13d: {  	[tilespmem:s19+$0xFFFFFFA0] =	vst v0;
	v3 =	vld.idx.msk [tilespmem:v58+s3+$0x0], $0xffff  }
0x13e: {  	p1 =	slt.u32 s15, $0x6;
	[tilespmem:s19+$0xFFFFFF90] =	vst v60;
	v63 =	vld.idx.msk [tilespmem:v59+s3+$0x0], $0xffff  }
.Ltmp10:
0x13f: {  	[tilespmem:s19+$0xFFFFFFB0] =	vst v1;
	(pc) =	sbr.rel @p1 .LBB2_13-.Ltmp10, $4  }
0x140: {  	[tilespmem:s19+$0xFFFFFFC0] =	vst v61  }
0x141: {  	[tilespmem:s19+$0xFFFFFFD0] =	vst v62  }
0x142: {  	s21 =	sadd.s32 $0x2, s15;
	s18 =	sadd.s32 $0x100, s18;
	s25 =	sadd.s32 $0x100, s25;
	[tilespmem:s19+$0xFFFFFFE0] =	vst v3  }
0x143: {  	s12 =	sadd.s32 $0x100, s12;
	s13 =	sadd.s32 $0x100, s13;
	s15 =	smov.u32 s21;
	[tilespmem:s19+$0xFFFFFFF0] =	vst v63  }
0x144: {  	p1 =	seq.s32 s6, $0x17  }
.Ltmp11:
0x145: {  	_ = 	snop;
	(pc) =	sbr.rel @p1 .LBB2_20-.Ltmp11, $4  }
0x146: {  	s5 =	sadd.s32 s28, s5  }
0x147: {  	s5 =	sshrl.u32 s5, $0x3  }
0x148: {  	s5 =	sadd.s32 s1, s5  }
0x149: {  	[hbm4b:s5+s3] =	stream.linear.scatter [tilespmem:s24], [sflag:$0x4], $0xC00, $0x38;
	[tilespmem:$0x1FF00] =	vst v63  }
0x14a: {  	s5 =	sadd.s32 $0x18, s8  }
0x14b: {  	s5 =	sshrl.u32 s5, $0x3  }
0x14c: {  	s5 =	smul.u32 $0x3000, s5  }
.Ltmp12:
0x14d: {  	_ = 	snop;
	(pc) =	sbr.rel .LBB2_2-.Ltmp12, $4  }
0x14e: {  	_ = 	snop  }
0x14f: {  	s5 =	sshra.s32 s5, $0x2  }
0x150: {  	s6 =	sadd.s32 $0x1, s6;
	s5 =	sadd.s32 s5, s2  }
0x151: {  	[tilespmem:s10], [sflag:$0x2] =	stream.linear.gather [spmem:s5], $0xC00, $0x38;
	[tilespmem:$0x1FF00] =	vst v63  }
.LBB2_20:
0x152: {  	s5 =	simm.s32 $0x3  }
0x153: {  	_ =	swait.ge [sflag:s5], $0xC00  }
0x154: {  	[sflag:s5] =	ssyncset.done $0x0  }
0x155: {  	[sflag:s5] =	ssyncadd.s32 $0xFFFFF400  }
0x156: {  	_ =	swait.ge [sflag:s23], $0xC00  }
0x157: {  	[sflag:s23] =	ssyncset.done $0x0  }
0x158: {  	[sflag:s23] =	ssyncadd.s32 $0xFFFFF400  }
0x159: {  	s5 =	simm.s32 @!p0 $0x5;
	[bflag:$0x0] =	sbarrier.arrive @p0 $0xFFFF  }
0x15a: {  	_ =	swait.ge @!p0 [sflag:s5], $0x4800  }
0x15b: {  	[sflag:s5] =	ssyncset.done @!p0 $0x0  }
0x15c: {  	[sflag:s5] =	ssyncadd.s32 @!p0 $0xFFFFB800  }
0x15d: {  	[bflag:$0x0] =	sbarrier.arrive @!p0 $0xFFFF  }
0x15e: {  	s6 =	rddreg [dreg:$0xa]  }
0x15f: {  	s5 =	simm.s32 @!p0 $0x1C05;
	s8 =	rddreg [dreg:$0x1b]  }
0x160: {  	[spmem:s8], [sflag:s5] =	dma.local @!p0 [hbm:s6], $0x4800  }
0x161: {  	s5 =	rddreg [dreg:$0x7]  }
0x162: {  	[tilespmem:s7], [sflag:$0x1] =	stream.linear.gather [spmem:s5], $0xC00, $0x38;
	[tilespmem:$0x1FF00] =	vst v63  }
0x163: {  	s6 =	simm.s32 $0x0;
	s25 =	rddreg [dreg:$0xb]  }
0x164: {  	[tilespmem:s10], [sflag:$0x2] =	stream.linear.gather [spmem:s25], $0xC00, $0x38;
	[tilespmem:$0x1FF00] =	vst v63  }
.LBB2_21:
0x165: {  	_ =	swait.ge [sflag:s14], $0xC00  }
0x166: {  	p1 =	seq.s32 s6, $0x0;
	[sflag:s14] =	ssyncset.done $0x0  }
0x167: {  	s5 =	simm.s32 @!p1 $0x3;
	[sflag:s14] =	ssyncadd.s32 $0xFFFFF400  }
0x168: {  	s8 =	sshll.u32 s6, $0x4;
	s11 =	simm.s32 $0x18740;
	_ =	swait.ge @!p1 [sflag:s5], $0xC00  }
0x169: {  	s25 =	simm.s32 $0x19FF0;
	s12 =	simm.s32 $0x187F0;
	[sflag:s5] =	ssyncset.done @!p1 $0x0  }
0x16a: {  	s13 =	simm.s32 $0x0;
	[sflag:s5] =	ssyncadd.s32 @!p1 $0xFFFFF400;
	s5 =	simm.s32 $0x19F40  }
.LBB2_22:
0x16b: {  	v0 =	vld [tilespmem:s11+$0x30]  }
0x16c: {  	v1 =	vld [tilespmem:s11+$0xFFFFFFD0]  }
0x16d: {  	v2 =	vld [tilespmem:s11+$0xFFFFFFE0]  }
0x16e: {  	v3 =	vld [tilespmem:s11+$0xFFFFFFF0]  }
0x16f: {  	v4 =	vld [tilespmem:s11+$0x0]  }
0x170: {  	v5 =	vld [tilespmem:s11+$0x10]  }
0x171: {  	v6 =	vld [tilespmem:s11+$0xFFFFFFC0]  }
0x172: {  	v7 =	vld [tilespmem:s11+$0x20];
	s15 =	sadd.s32 $0x400, s11  }
0x173: {  	v8 =	vld [tilespmem:s15+$0x30]  }
0x174: {  	v10 =	vld [tilespmem:s15+$0xFFFFFFE0]  }
0x175: {  	v0 =	vmul.f32 $1.000000000e+05, v0;
	v1 =	vmul.f32 $1.000000000e+05, v1  }
0x176: {  	v2 =	vmul.f32 $1.000000000e+05, v2;
	v3 =	vmul.f32 $1.000000000e+05, v3  }
0x177: {  	v4 =	vmul.f32 $1.000000000e+05, v4;
	v5 =	vmul.f32 $1.000000000e+05, v5  }
0x178: {  	v6 =	vmul.f32 $1.000000000e+05, v6;
	v7 =	vmul.f32 $1.000000000e+05, v7  }
0x179: {  	v8 =	vmul.f32 $1.000000000e+05, v8;
	v10 =	vmul.f32 $1.000000000e+05, v10  }
0x17a: {  	v0 =	vtrunc.f32 v0;
	v1 =	vtrunc.f32 v1  }
0x17b: {  	v2 =	vtrunc.f32 v2;
	v3 =	vtrunc.f32 v3  }
0x17c: {  	v9 =	vld [tilespmem:s15+$0xFFFFFFD0];
	v6 =	vtrunc.f32 v6;
	v0 =	vcvt.f32.s32 v0  }
0x17d: {  	v11 =	vld [tilespmem:s15+$0xFFFFFFF0];
	v4 =	vtrunc.f32 v4;
	v6 =	vcvt.f32.s32 v6  }
0x17e: {  	v12 =	vld [tilespmem:s15+$0x10];
	v5 =	vtrunc.f32 v5;
	v1 =	vcvt.f32.s32 v1  }
0x17f: {  	v15 =	vld [tilespmem:s15+$0xFFFFFFC0];
	v7 =	vtrunc.f32 v7;
	v2 =	vcvt.f32.s32 v2  }
0x180: {  	v3 =	vcvt.f32.s32 v3;
	v13 =	vcvt.f32.s32 v4;
	v4 =	vld [tilespmem:s15+$0x0]  }
0x181: {  	v14 =	vcvt.f32.s32 v7;
	v7 =	vmul.f32 $1.000000000e+05, v9;
	v9 =	vld [tilespmem:s15+$0x20]  }
0x182: {  	v5 =	vcvt.f32.s32 v5;
	v8 =	vtrunc.f32 v8;
	v0 =	vld.idx.msk [tilespmem:v0+s3+$0x0], $0xffff  }
0x183: {  	v11 =	vmul.f32 $1.000000000e+05, v11;
	v8 =	vcvt.f32.s32 v8;
	v16 =	vld.idx.msk [tilespmem:v6+s3+$0x0], $0xffff  }
0x184: {  	v18 =	vtrunc.f32 v10;
	v10 =	vmul.f32 $1.000000000e+05, v12;
	v17 =	vld.idx.msk [tilespmem:v1+s3+$0x0], $0xffff  }
0x185: {  	v6 =	vtrunc.f32 v7;
	v7 =	vmul.f32 $1.000000000e+05, v4;
	v4 =	vld.idx.msk [tilespmem:v2+s3+$0x0], $0xffff  }
0x186: {  	v15 =	vmul.f32 $1.000000000e+05, v15;
	v9 =	vmul.f32 $1.000000000e+05, v9;
	v1 =	vld.idx.msk [tilespmem:v3+s3+$0x0], $0xffff  }
0x187: {  	v11 =	vtrunc.f32 v11;
	v10 =	vtrunc.f32 v10;
	v2 =	vld.idx.msk [tilespmem:v13+s3+$0x0], $0xffff  }
0x188: {  	v3 =	vld.idx.msk [tilespmem:v5+s3+$0x0], $0xffff;
	v5 =	vtrunc.f32 v15;
	v9 =	vtrunc.f32 v9;
	[tilespmem:s5+$0x30] =	vst v0  }
0x189: {  	s18 =	simm.s32 $0x80;
	v6 =	vcvt.f32.s32 v6;
	v12 =	vtrunc.f32 v7;
	v0 =	vld.idx.msk [tilespmem:v8+s3+$0x0], $0xffff;
	[tilespmem:s5+$0xFFFFFFC0] =	vst v16  }
0x18a: {  	s16 =	smov.u32 s5;
	s19 =	sadd.s32 $0x400, s15;
	s15 =	smov.u32 s5;
	v7 =	vcvt.f32.s32 v18;
	v8 =	vcvt.f32.s32 v5;
	[tilespmem:s5+$0xFFFFFFD0] =	vst v17;
	v5 =	vld.idx.msk [tilespmem:v14+s3+$0x0], $0xffff  }
.LBB2_23:
0x18b: {  	v13 =	vld [tilespmem:s19+$0x30];
	s18 =	sadd.s32 $0x80, s18;
	v14 =	vcvt.f32.s32 v11;
	v15 =	vcvt.f32.s32 v12;
	[tilespmem:s16+$0xFFFFFFE0] =	vst v4  }
0x18c: {  	v16 =	vcvt.f32.s32 v10;
	v17 =	vcvt.f32.s32 v9;
	v4 =	vld [tilespmem:s19+$0xFFFFFFD0];
	p2 =	slt.u32 s18, $0x100;
	[tilespmem:s16+$0xFFFFFFF0] =	vst v1  }
0x18d: {  	v1 =	vld [tilespmem:s19+$0xFFFFFFE0];
	[tilespmem:s16+$0x0] =	vst v2  }
0x18e: {  	s16 =	sadd.s32 $0x400, s16;
	v2 =	vld [tilespmem:s19+$0xFFFFFFF0];
	[tilespmem:s15+$0x10] =	vst v3  }
0x18f: {  	v3 =	vld [tilespmem:s19+$0x0];
	[tilespmem:s16+$0x30] =	vst v0  }
0x190: {  	v0 =	vld [tilespmem:s19+$0x10];
	v9 =	vmul.f32 $1.000000000e+05, v13;
	[tilespmem:s15+$0x20] =	vst v5;
	s15 =	smov.u32 s16  }
0x191: {  	v4 =	vmul.f32 $1.000000000e+05, v4;
	v5 =	vld [tilespmem:s19+$0x20]  }
0x192: {  	v10 =	vld [tilespmem:s19+$0xFFFFFFC0];
	v1 =	vmul.f32 $1.000000000e+05, v1;
	v9 =	vtrunc.f32 v9  }
0x193: {  	v2 =	vmul.f32 $1.000000000e+05, v2;
	v13 =	vcvt.f32.s32 v9;
	v8 =	vld.idx.msk [tilespmem:v8+s3+$0x0], $0xffff  }
0x194: {  	v18 =	vtrunc.f32 v4;
	v3 =	vmul.f32 $1.000000000e+05, v3;
	v19 =	vld.idx.msk [tilespmem:v6+s3+$0x0], $0xffff  }
0x195: {  	v20 =	vtrunc.f32 v1;
	v0 =	vmul.f32 $1.000000000e+05, v0;
	v4 =	vld.idx.msk [tilespmem:v7+s3+$0x0], $0xffff  }
.Ltmp13:
0x196: {  	v11 =	vtrunc.f32 v2;
	v5 =	vmul.f32 $1.000000000e+05, v5;
	v1 =	vld.idx.msk [tilespmem:v14+s3+$0x0], $0xffff;
	(pc) =	sbr.rel @p2 .LBB2_23-.Ltmp13, $4  }
0x197: {  	v12 =	vtrunc.f32 v3;
	v6 =	vmul.f32 $1.000000000e+05, v10;
	v2 =	vld.idx.msk [tilespmem:v15+s3+$0x0], $0xffff  }
0x198: {  	v10 =	vtrunc.f32 v0;
	v9 =	vtrunc.f32 v5;
	v3 =	vld.idx.msk [tilespmem:v16+s3+$0x0], $0xffff  }
0x199: {  	v5 =	vtrunc.f32 v6;
	v6 =	vcvt.f32.s32 v18;
	v0 =	vld.idx.msk [tilespmem:v13+s3+$0x0], $0xffff;
	[tilespmem:s16+$0xFFFFFFC0] =	vst v8  }
0x19a: {  	s19 =	sadd.s32 $0x400, s19;
	v7 =	vcvt.f32.s32 v20;
	v8 =	vcvt.f32.s32 v5;
	[tilespmem:s16+$0xFFFFFFD0] =	vst v19;
	v5 =	vld.idx.msk [tilespmem:v17+s3+$0x0], $0xffff  }
0x19b: {  	v13 =	vld [tilespmem:s12+$0x0]  }
0x19c: {  	v14 =	vld [tilespmem:s12+$0xFFFFFFA0]  }
0x19d: {  	v15 =	vld [tilespmem:s12+$0xFFFFFFB0]  }
0x19e: {  	v16 =	vld [tilespmem:s12+$0xFFFFFFC0]  }
0x19f: {  	v17 =	vld [tilespmem:s12+$0xFFFFFFD0]  }
0x1a0: {  	v18 =	vld [tilespmem:s12+$0xFFFFFFE0]  }
0x1a1: {  	v19 =	vld [tilespmem:s12+$0xFFFFFF90]  }
0x1a2: {  	v20 =	vld [tilespmem:s12+$0xFFFFFFF0]  }
0x1a3: {  	s19 =	sadd.s32 $0x400, s12;
	v8 =	vld.idx.msk [tilespmem:v8+s3+$0x0], $0xffff  }
0x1a4: {  	v11 =	vcvt.f32.s32 v11;
	v12 =	vcvt.f32.s32 v12;
	v53 =	vld [tilespmem:s19+$0x0]  }
0x1a5: {  	v10 =	vcvt.f32.s32 v10;
	v9 =	vcvt.f32.s32 v9;
	v56 =	vld [tilespmem:s19+$0xFFFFFFB0]  }
0x1a6: {  	v13 =	vmul.f32 $1.000000000e+05, v13;
	v14 =	vmul.f32 $1.000000000e+05, v14  }
0x1a7: {  	v6 =	vld.idx.msk [tilespmem:v6+s3+$0x0], $0xffff;
	v15 =	vmul.f32 $1.000000000e+05, v15;
	v16 =	vmul.f32 $1.000000000e+05, v16  }
0x1a8: {  	v7 =	vld.idx.msk [tilespmem:v7+s3+$0x0], $0xffff;
	v17 =	vmul.f32 $1.000000000e+05, v17;
	v18 =	vmul.f32 $1.000000000e+05, v18  }
0x1a9: {  	[tilespmem:s16+$0xFFFFFFE0] =	vst v4;
	s21 =	sadd.s32 $0x400, s16;
	v55 =	vld [tilespmem:s19+$0xFFFFFFA0];
	v19 =	vmul.f32 $1.000000000e+05, v19;
	v4 =	vmul.f32 $1.000000000e+05, v20  }
0x1aa: {  	v58 =	vld [tilespmem:s19+$0xFFFFFFD0];
	v20 =	vmul.f32 $1.000000000e+05, v53;
	[tilespmem:s21+$0xFFFFFFC0] =	vst v8;
	v8 =	vmul.f32 $1.000000000e+05, v56  }
0x1ab: {  	v59 =	vld [tilespmem:s19+$0xFFFFFFF0];
	v13 =	vtrunc.f32 v13;
	v14 =	vtrunc.f32 v14  }
0x1ac: {  	[tilespmem:s15+$0x20] =	vst v5;
	v5 =	vld [tilespmem:s19+$0xFFFFFFE0];
	v15 =	vtrunc.f32 v15;
	v16 =	vtrunc.f32 v16  }
0x1ad: {  	[tilespmem:s21+$0xFFFFFFD0] =	vst v6;
	v6 =	vld [tilespmem:s19+$0xFFFFFF90];
	v54 =	vtrunc.f32 v19;
	v13 =	vcvt.f32.s32 v13  }
0x1ae: {  	[tilespmem:s16+$0x0] =	vst v2;
	v11 =	vld.idx.msk [tilespmem:v11+s3+$0x0], $0xffff;
	v2 =	vtrunc.f32 v4;
	v4 =	vcvt.f32.s32 v54  }
0x1af: {  	[tilespmem:s15+$0x10] =	vst v3;
	v12 =	vld.idx.msk [tilespmem:v12+s3+$0x0], $0xffff;
	v17 =	vtrunc.f32 v17;
	v3 =	vcvt.f32.s32 v14  }
0x1b0: {  	[tilespmem:s16+$0xFFFFFFF0] =	vst v1;
	v1 =	vtrunc.f32 v18;
	v14 =	vcvt.f32.s32 v15;
	v15 =	vld [tilespmem:s19+$0xFFFFFFC0]  }
0x1b1: {  	[tilespmem:s21+$0x30] =	vst v0;
	v10 =	vld.idx.msk [tilespmem:v10+s3+$0x0], $0xffff;
	v0 =	vcvt.f32.s32 v16;
	v57 =	vcvt.f32.s32 v17  }
0x1b2: {  	v9 =	vld.idx.msk [tilespmem:v9+s3+$0x0], $0xffff;
	v1 =	vcvt.f32.s32 v1;
	v21 =	vcvt.f32.s32 v2  }
0x1b3: {  	v2 =	vmul.f32 $1.000000000e+05, v55;
	v60 =	vtrunc.f32 v20;
	v13 =	vld.idx.msk [tilespmem:v13+s3+$0x0], $0xffff  }
0x1b4: {  	[tilespmem:s21+$0xFFFFFFE0] =	vst v7;
	v63 =	vtrunc.f32 v8;
	v22 =	vmul.f32 $1.000000000e+05, v5;
	v4 =	vld.idx.msk [tilespmem:v4+s3+$0x0], $0xffff  }
0x1b5: {  	[tilespmem:s21+$0xFFFFFFF0] =	vst v11;
	v7 =	vmul.f32 $1.000000000e+05, v15;
	v15 =	vcvt.f32.s32 v60;
	v62 =	vld.idx.msk [tilespmem:v3+s3+$0x0], $0xffff  }
0x1b6: {  	v61 =	vtrunc.f32 v2;
	v11 =	vmul.f32 $1.000000000e+05, v58;
	[tilespmem:s21+$0x0] =	vst v12;
	v3 =	vld.idx.msk [tilespmem:v14+s3+$0x0], $0xffff  }
0x1b7: {  	[tilespmem:s21+$0x10] =	vst v10;
	v10 =	vtrunc.f32 v22;
	v2 =	vld.idx.msk [tilespmem:v0+s3+$0x0], $0xffff;
	v0 =	vmul.f32 $1.000000000e+05, v6  }
0x1b8: {  	[tilespmem:s21+$0x20] =	vst v9;
	v5 =	vld.idx.msk [tilespmem:v57+s3+$0x0], $0xffff;
	v8 =	vtrunc.f32 v7;
	v7 =	vmul.f32 $1.000000000e+05, v59  }
0x1b9: {  	v12 =	vtrunc.f32 v11;
	v6 =	vld.idx.msk [tilespmem:v1+s3+$0x0], $0xffff;
	v1 =	vtrunc.f32 v0;
	[tilespmem:s25+$0x0] =	vst v13  }
0x1ba: {  	s18 =	simm.s32 $0x80;
	v9 =	vld.idx.msk [tilespmem:v21+s3+$0x0], $0xffff;
	v0 =	vcvt.f32.s32 v61;
	v11 =	vtrunc.f32 v7;
	[tilespmem:s25+$0xFFFFFF90] =	vst v4  }
0x1bb: {  	s16 =	smov.u32 s25;
	s15 =	smov.u32 s25;
	s19 =	sadd.s32 $0x400, s19;
	v7 =	vld.idx.msk [tilespmem:v15+s3+$0x0], $0xffff;
	v4 =	vcvt.f32.s32 v1;
	v1 =	vcvt.f32.s32 v63;
	[tilespmem:s25+$0xFFFFFFA0] =	vst v62  }
.LBB2_25:
0x1bc: {  	v13 =	vld [tilespmem:s19+$0x0];
	s18 =	sadd.s32 $0x80, s18;
	v14 =	vcvt.f32.s32 v8;
	v15 =	vcvt.f32.s32 v12;
	[tilespmem:s16+$0xFFFFFFB0] =	vst v3  }
0x1bd: {  	v16 =	vcvt.f32.s32 v10;
	v17 =	vcvt.f32.s32 v11;
	v3 =	vld [tilespmem:s19+$0xFFFFFFA0];
	p2 =	slt.u32 s18, $0x100;
	[tilespmem:s16+$0xFFFFFFC0] =	vst v2  }
0x1be: {  	v2 =	vld [tilespmem:s19+$0xFFFFFFB0];
	[tilespmem:s16+$0xFFFFFFD0] =	vst v5  }
0x1bf: {  	s16 =	sadd.s32 $0x400, s16;
	v5 =	vld [tilespmem:s19+$0xFFFFFFC0];
	[tilespmem:s15+$0xFFFFFFE0] =	vst v6  }
0x1c0: {  	v6 =	vld [tilespmem:s19+$0xFFFFFFD0];
	[tilespmem:s16+$0x0] =	vst v7  }
0x1c1: {  	v7 =	vld [tilespmem:s19+$0xFFFFFFE0];
	v8 =	vmul.f32 $1.000000000e+05, v13;
	[tilespmem:s15+$0xFFFFFFF0] =	vst v9;
	s15 =	smov.u32 s16  }
0x1c2: {  	v3 =	vmul.f32 $1.000000000e+05, v3;
	v9 =	vld [tilespmem:s19+$0xFFFFFFF0]  }
0x1c3: {  	v10 =	vld [tilespmem:s19+$0xFFFFFF90];
	v2 =	vmul.f32 $1.000000000e+05, v2;
	v8 =	vtrunc.f32 v8  }
0x1c4: {  	v5 =	vmul.f32 $1.000000000e+05, v5;
	v13 =	vcvt.f32.s32 v8;
	v4 =	vld.idx.msk [tilespmem:v4+s3+$0x0], $0xffff  }
0x1c5: {  	v18 =	vtrunc.f32 v3;
	v6 =	vmul.f32 $1.000000000e+05, v6;
	v19 =	vld.idx.msk [tilespmem:v0+s3+$0x0], $0xffff  }
0x1c6: {  	v20 =	vtrunc.f32 v2;
	v0 =	vmul.f32 $1.000000000e+05, v7;
	v3 =	vld.idx.msk [tilespmem:v1+s3+$0x0], $0xffff  }
.Ltmp14:
0x1c7: {  	v8 =	vtrunc.f32 v5;
	v1 =	vmul.f32 $1.000000000e+05, v9;
	v2 =	vld.idx.msk [tilespmem:v14+s3+$0x0], $0xffff;
	(pc) =	sbr.rel @p2 .LBB2_25-.Ltmp14, $4  }
0x1c8: {  	v12 =	vtrunc.f32 v6;
	v7 =	vmul.f32 $1.000000000e+05, v10;
	v5 =	vld.idx.msk [tilespmem:v15+s3+$0x0], $0xffff  }
0x1c9: {  	v10 =	vtrunc.f32 v0;
	v11 =	vtrunc.f32 v1;
	v6 =	vld.idx.msk [tilespmem:v16+s3+$0x0], $0xffff  }
0x1ca: {  	v0 =	vcvt.f32.s32 v18;
	v1 =	vtrunc.f32 v7;
	v7 =	vld.idx.msk [tilespmem:v13+s3+$0x0], $0xffff;
	[tilespmem:s16+$0xFFFFFF90] =	vst v4  }
0x1cb: {  	s19 =	sadd.s32 $0x400, s19;
	v4 =	vcvt.f32.s32 v1;
	v1 =	vcvt.f32.s32 v20;
	[tilespmem:s16+$0xFFFFFFA0] =	vst v19;
	v9 =	vld.idx.msk [tilespmem:v17+s3+$0x0], $0xffff  }
0x1cc: {  	_ = 	snop  }
0x1cd: {  	v8 =	vcvt.f32.s32 v8  }
0x1ce: {  	v12 =	vcvt.f32.s32 v12  }
0x1cf: {  	[tilespmem:s16+$0xFFFFFFB0] =	vst v3;
	v58 =	vcvt.f32.s32 v10  }
0x1d0: {  	v59 =	vcvt.f32.s32 v11;
	[tilespmem:s16+$0xFFFFFFC0] =	vst v2;
	v0 =	vld.idx.msk [tilespmem:v0+s3+$0x0], $0xffff  }
0x1d1: {  	v60 =	vld.idx.msk [tilespmem:v4+s3+$0x0], $0xffff;
	[tilespmem:s16+$0xFFFFFFD0] =	vst v5  }
0x1d2: {  	s19 =	sadd.s32 $0x400, s16;
	v1 =	vld.idx.msk [tilespmem:v1+s3+$0x0], $0xffff;
	[tilespmem:s15+$0xFFFFFFE0] =	vst v6  }
0x1d3: {  	[tilespmem:s19+$0x0] =	vst v7;
	v61 =	vld.idx.msk [tilespmem:v8+s3+$0x0], $0xffff  }
0x1d4: {  	[tilespmem:s15+$0xFFFFFFF0] =	vst v9;
	v62 =	vld.idx.msk [tilespmem:v12+s3+$0x0], $0xffff  }
0x1d5: {  	[tilespmem:s19+$0xFFFFFFA0] =	vst v0;
	v3 =	vld.idx.msk [tilespmem:v58+s3+$0x0], $0xffff  }
0x1d6: {  	p2 =	slt.u32 s13, $0x6;
	[tilespmem:s19+$0xFFFFFF90] =	vst v60;
	v63 =	vld.idx.msk [tilespmem:v59+s3+$0x0], $0xffff  }
.Ltmp15:
0x1d7: {  	[tilespmem:s19+$0xFFFFFFB0] =	vst v1;
	(pc) =	sbr.rel @p2 .LBB2_22-.Ltmp15, $4  }
0x1d8: {  	[tilespmem:s19+$0xFFFFFFC0] =	vst v61  }
0x1d9: {  	[tilespmem:s19+$0xFFFFFFD0] =	vst v62  }
0x1da: {  	s21 =	sadd.s32 $0x2, s13;
	s5 =	sadd.s32 $0x100, s5;
	s11 =	sadd.s32 $0x100, s11;
	[tilespmem:s19+$0xFFFFFFE0] =	vst v3  }
0x1db: {  	s25 =	sadd.s32 $0x100, s25;
	s12 =	sadd.s32 $0x100, s12;
	s13 =	smov.u32 s21;
	[tilespmem:s19+$0xFFFFFFF0] =	vst v63  }
0x1dc: {  	s5 =	smul.u32 $0x1800, s6;
	p2 =	sne.s32 s6, $0x17  }
.Ltmp16:
0x1dd: {  	s11 =	rddreg [dreg:$0xc];
	(pc) =	sbr.rel @p2 .LBB2_29-.Ltmp16, $4  }
0x1de: {  	s11 =	sadd.s32 s11, s5  }
0x1df: {  	s11 =	sshrl.u32 s11, $0x3  }
0x1e0: {  	s11 =	sadd.s32 s1, s11  }
0x1e1: {  	[hbm4b:s11+s3] =	stream.linear.scatter [tilespmem:s17], [sflag:$0x3], $0xC00, $0x38;
	[tilespmem:$0x1FF00] =	vst v63  }
.Ltmp17:
0x1e2: {  	(pc) =	sbr.rel .LBB2_30-.Ltmp17, $4  }
0x1e3: {  	_ = 	snop  }
0x1e4: {  	_ =	swait.ge [sflag:s20], $0xC00  }
0x1e5: {  	[sflag:s20] =	ssyncset.done $0x0  }
0x1e6: {  	[sflag:s20] =	ssyncadd.s32 $0xFFFFF400  }
.LBB2_29:
0x1e7: {  	s11 =	sshrl.u32 s8, $0x3  }
0x1e8: {  	s11 =	smul.u32 $0x3000, s11;
	_ =	sdelay $0x1  }
0x1e9: {  	s11 =	sadd.s32 $0x6000, s11  }
0x1ea: {  	s11 =	sshra.s32 s11, $0x2  }
0x1eb: {  	s11 =	sadd.s32 s11, s2  }
.Ltmp18:
0x1ec: {  	s11 =	sadd.s32 $0x24000, s11;
	(pc) =	sbr.rel @p1 .LBB2_31-.Ltmp18, $4  }
0x1ed: {  	[tilespmem:s7], [sflag:$0x1] =	stream.linear.gather [spmem:s11], $0xC00, $0x38;
	[tilespmem:$0x1FF00] =	vst v63  }
0x1ee: {  	_ =	swait.ge [sflag:s20], $0xC00  }
0x1ef: {  	[sflag:s20] =	ssyncset.done $0x0  }
0x1f0: {  	[sflag:s20] =	ssyncadd.s32 $0xFFFFF400  }
.LBB2_30:
0x1f1: {  	_ =	swait.ge [sflag:s23], $0xC00  }
0x1f2: {  	[sflag:s23] =	ssyncset.done $0x0  }
0x1f3: {  	[sflag:s23] =	ssyncadd.s32 $0xFFFFF400  }
.LBB2_31:
0x1f4: {  	s15 =	simm.s32 $0x0;
	s11 =	simm.s32 $0x1AB40  }
0x1f5: {  	s25 =	simm.s32 $0x19340;
	s12 =	simm.s32 $0x1ABF0;
	s13 =	simm.s32 $0x193F0  }
.LBB2_32:
0x1f6: {  	v0 =	vld [tilespmem:s25+$0x30]  }
0x1f7: {  	v1 =	vld [tilespmem:s25+$0xFFFFFFD0]  }
0x1f8: {  	v2 =	vld [tilespmem:s25+$0xFFFFFFE0]  }
0x1f9: {  	v3 =	vld [tilespmem:s25+$0xFFFFFFF0]  }
0x1fa: {  	v4 =	vld [tilespmem:s25+$0x0]  }
0x1fb: {  	v5 =	vld [tilespmem:s25+$0x10]  }
0x1fc: {  	v6 =	vld [tilespmem:s25+$0xFFFFFFC0]  }
0x1fd: {  	v7 =	vld [tilespmem:s25+$0x20];
	s16 =	sadd.s32 $0x400, s25  }
0x1fe: {  	v8 =	vld [tilespmem:s16+$0x30]  }
0x1ff: {  	v10 =	vld [tilespmem:s16+$0xFFFFFFE0]  }
0x200: {  	v0 =	vmul.f32 $1.000000000e+05, v0;
	v1 =	vmul.f32 $1.000000000e+05, v1  }
0x201: {  	v2 =	vmul.f32 $1.000000000e+05, v2;
	v3 =	vmul.f32 $1.000000000e+05, v3  }
0x202: {  	v4 =	vmul.f32 $1.000000000e+05, v4;
	v5 =	vmul.f32 $1.000000000e+05, v5  }
0x203: {  	v6 =	vmul.f32 $1.000000000e+05, v6;
	v7 =	vmul.f32 $1.000000000e+05, v7  }
0x204: {  	v8 =	vmul.f32 $1.000000000e+05, v8;
	v10 =	vmul.f32 $1.000000000e+05, v10  }
0x205: {  	v0 =	vtrunc.f32 v0;
	v1 =	vtrunc.f32 v1  }
0x206: {  	v2 =	vtrunc.f32 v2;
	v3 =	vtrunc.f32 v3  }
0x207: {  	v9 =	vld [tilespmem:s16+$0xFFFFFFD0];
	v6 =	vtrunc.f32 v6;
	v0 =	vcvt.f32.s32 v0  }
0x208: {  	v11 =	vld [tilespmem:s16+$0xFFFFFFF0];
	v4 =	vtrunc.f32 v4;
	v6 =	vcvt.f32.s32 v6  }
0x209: {  	v12 =	vld [tilespmem:s16+$0x10];
	v5 =	vtrunc.f32 v5;
	v1 =	vcvt.f32.s32 v1  }
0x20a: {  	v15 =	vld [tilespmem:s16+$0xFFFFFFC0];
	v7 =	vtrunc.f32 v7;
	v2 =	vcvt.f32.s32 v2  }
0x20b: {  	v3 =	vcvt.f32.s32 v3;
	v13 =	vcvt.f32.s32 v4;
	v4 =	vld [tilespmem:s16+$0x0]  }
0x20c: {  	v14 =	vcvt.f32.s32 v7;
	v7 =	vmul.f32 $1.000000000e+05, v9;
	v9 =	vld [tilespmem:s16+$0x20]  }
0x20d: {  	v5 =	vcvt.f32.s32 v5;
	v8 =	vtrunc.f32 v8;
	v0 =	vld.idx.msk [tilespmem:v0+s3+$0x0], $0xffff  }
0x20e: {  	v11 =	vmul.f32 $1.000000000e+05, v11;
	v8 =	vcvt.f32.s32 v8;
	v16 =	vld.idx.msk [tilespmem:v6+s3+$0x0], $0xffff  }
0x20f: {  	v18 =	vtrunc.f32 v10;
	v10 =	vmul.f32 $1.000000000e+05, v12;
	v17 =	vld.idx.msk [tilespmem:v1+s3+$0x0], $0xffff  }
0x210: {  	v6 =	vtrunc.f32 v7;
	v7 =	vmul.f32 $1.000000000e+05, v4;
	v4 =	vld.idx.msk [tilespmem:v2+s3+$0x0], $0xffff  }
0x211: {  	v15 =	vmul.f32 $1.000000000e+05, v15;
	v9 =	vmul.f32 $1.000000000e+05, v9;
	v1 =	vld.idx.msk [tilespmem:v3+s3+$0x0], $0xffff  }
0x212: {  	v11 =	vtrunc.f32 v11;
	v10 =	vtrunc.f32 v10;
	v2 =	vld.idx.msk [tilespmem:v13+s3+$0x0], $0xffff  }
0x213: {  	v3 =	vld.idx.msk [tilespmem:v5+s3+$0x0], $0xffff;
	v5 =	vtrunc.f32 v15;
	v9 =	vtrunc.f32 v9;
	[tilespmem:s11+$0x30] =	vst v0  }
0x214: {  	s19 =	simm.s32 $0x80;
	v6 =	vcvt.f32.s32 v6;
	v12 =	vtrunc.f32 v7;
	v0 =	vld.idx.msk [tilespmem:v8+s3+$0x0], $0xffff;
	[tilespmem:s11+$0xFFFFFFC0] =	vst v16  }
0x215: {  	s18 =	smov.u32 s11;
	s21 =	sadd.s32 $0x400, s16;
	s16 =	smov.u32 s11;
	v7 =	vcvt.f32.s32 v18;
	v8 =	vcvt.f32.s32 v5;
	[tilespmem:s11+$0xFFFFFFD0] =	vst v17;
	v5 =	vld.idx.msk [tilespmem:v14+s3+$0x0], $0xffff  }
.LBB2_33:
0x216: {  	v13 =	vld [tilespmem:s21+$0x30];
	s19 =	sadd.s32 $0x80, s19;
	v14 =	vcvt.f32.s32 v11;
	v15 =	vcvt.f32.s32 v12;
	[tilespmem:s18+$0xFFFFFFE0] =	vst v4  }
0x217: {  	v16 =	vcvt.f32.s32 v10;
	v17 =	vcvt.f32.s32 v9;
	v4 =	vld [tilespmem:s21+$0xFFFFFFD0];
	p1 =	slt.u32 s19, $0x100;
	[tilespmem:s18+$0xFFFFFFF0] =	vst v1  }
0x218: {  	v1 =	vld [tilespmem:s21+$0xFFFFFFE0];
	[tilespmem:s18+$0x0] =	vst v2  }
0x219: {  	s18 =	sadd.s32 $0x400, s18;
	v2 =	vld [tilespmem:s21+$0xFFFFFFF0];
	[tilespmem:s16+$0x10] =	vst v3  }
0x21a: {  	v3 =	vld [tilespmem:s21+$0x0];
	[tilespmem:s18+$0x30] =	vst v0  }
0x21b: {  	v0 =	vld [tilespmem:s21+$0x10];
	v9 =	vmul.f32 $1.000000000e+05, v13;
	[tilespmem:s16+$0x20] =	vst v5;
	s16 =	smov.u32 s18  }
0x21c: {  	v4 =	vmul.f32 $1.000000000e+05, v4;
	v5 =	vld [tilespmem:s21+$0x20]  }
0x21d: {  	v10 =	vld [tilespmem:s21+$0xFFFFFFC0];
	v1 =	vmul.f32 $1.000000000e+05, v1;
	v9 =	vtrunc.f32 v9  }
0x21e: {  	v2 =	vmul.f32 $1.000000000e+05, v2;
	v13 =	vcvt.f32.s32 v9;
	v8 =	vld.idx.msk [tilespmem:v8+s3+$0x0], $0xffff  }
0x21f: {  	v18 =	vtrunc.f32 v4;
	v3 =	vmul.f32 $1.000000000e+05, v3;
	v19 =	vld.idx.msk [tilespmem:v6+s3+$0x0], $0xffff  }
0x220: {  	v20 =	vtrunc.f32 v1;
	v0 =	vmul.f32 $1.000000000e+05, v0;
	v4 =	vld.idx.msk [tilespmem:v7+s3+$0x0], $0xffff  }
.Ltmp19:
0x221: {  	v11 =	vtrunc.f32 v2;
	v5 =	vmul.f32 $1.000000000e+05, v5;
	v1 =	vld.idx.msk [tilespmem:v14+s3+$0x0], $0xffff;
	(pc) =	sbr.rel @p1 .LBB2_33-.Ltmp19, $4  }
0x222: {  	v12 =	vtrunc.f32 v3;
	v6 =	vmul.f32 $1.000000000e+05, v10;
	v2 =	vld.idx.msk [tilespmem:v15+s3+$0x0], $0xffff  }
0x223: {  	v10 =	vtrunc.f32 v0;
	v9 =	vtrunc.f32 v5;
	v3 =	vld.idx.msk [tilespmem:v16+s3+$0x0], $0xffff  }
0x224: {  	v5 =	vtrunc.f32 v6;
	v6 =	vcvt.f32.s32 v18;
	v0 =	vld.idx.msk [tilespmem:v13+s3+$0x0], $0xffff;
	[tilespmem:s18+$0xFFFFFFC0] =	vst v8  }
0x225: {  	s21 =	sadd.s32 $0x400, s21;
	v7 =	vcvt.f32.s32 v20;
	v8 =	vcvt.f32.s32 v5;
	[tilespmem:s18+$0xFFFFFFD0] =	vst v19;
	v5 =	vld.idx.msk [tilespmem:v17+s3+$0x0], $0xffff  }
0x226: {  	v13 =	vld [tilespmem:s13+$0x0]  }
0x227: {  	v14 =	vld [tilespmem:s13+$0xFFFFFFA0]  }
0x228: {  	v15 =	vld [tilespmem:s13+$0xFFFFFFB0]  }
0x229: {  	v16 =	vld [tilespmem:s13+$0xFFFFFFC0]  }
0x22a: {  	v17 =	vld [tilespmem:s13+$0xFFFFFFD0]  }
0x22b: {  	v18 =	vld [tilespmem:s13+$0xFFFFFFE0]  }
0x22c: {  	v19 =	vld [tilespmem:s13+$0xFFFFFF90]  }
0x22d: {  	v20 =	vld [tilespmem:s13+$0xFFFFFFF0]  }
0x22e: {  	s21 =	sadd.s32 $0x400, s13;
	v8 =	vld.idx.msk [tilespmem:v8+s3+$0x0], $0xffff  }
0x22f: {  	v11 =	vcvt.f32.s32 v11;
	v12 =	vcvt.f32.s32 v12;
	v53 =	vld [tilespmem:s21+$0x0]  }
0x230: {  	v10 =	vcvt.f32.s32 v10;
	v9 =	vcvt.f32.s32 v9;
	v56 =	vld [tilespmem:s21+$0xFFFFFFB0]  }
0x231: {  	v13 =	vmul.f32 $1.000000000e+05, v13;
	v14 =	vmul.f32 $1.000000000e+05, v14  }
0x232: {  	v6 =	vld.idx.msk [tilespmem:v6+s3+$0x0], $0xffff;
	v15 =	vmul.f32 $1.000000000e+05, v15;
	v16 =	vmul.f32 $1.000000000e+05, v16  }
0x233: {  	v7 =	vld.idx.msk [tilespmem:v7+s3+$0x0], $0xffff;
	v17 =	vmul.f32 $1.000000000e+05, v17;
	v18 =	vmul.f32 $1.000000000e+05, v18  }
0x234: {  	[tilespmem:s18+$0xFFFFFFE0] =	vst v4;
	s19 =	sadd.s32 $0x400, s18;
	v55 =	vld [tilespmem:s21+$0xFFFFFFA0];
	v19 =	vmul.f32 $1.000000000e+05, v19;
	v4 =	vmul.f32 $1.000000000e+05, v20  }
0x235: {  	v58 =	vld [tilespmem:s21+$0xFFFFFFD0];
	v20 =	vmul.f32 $1.000000000e+05, v53;
	[tilespmem:s19+$0xFFFFFFC0] =	vst v8;
	v8 =	vmul.f32 $1.000000000e+05, v56  }
0x236: {  	v59 =	vld [tilespmem:s21+$0xFFFFFFF0];
	v13 =	vtrunc.f32 v13;
	v14 =	vtrunc.f32 v14  }
0x237: {  	[tilespmem:s16+$0x20] =	vst v5;
	v5 =	vld [tilespmem:s21+$0xFFFFFFE0];
	v15 =	vtrunc.f32 v15;
	v16 =	vtrunc.f32 v16  }
0x238: {  	[tilespmem:s19+$0xFFFFFFD0] =	vst v6;
	v6 =	vld [tilespmem:s21+$0xFFFFFF90];
	v54 =	vtrunc.f32 v19;
	v13 =	vcvt.f32.s32 v13  }
0x239: {  	[tilespmem:s18+$0x0] =	vst v2;
	v11 =	vld.idx.msk [tilespmem:v11+s3+$0x0], $0xffff;
	v2 =	vtrunc.f32 v4;
	v4 =	vcvt.f32.s32 v54  }
0x23a: {  	[tilespmem:s16+$0x10] =	vst v3;
	v12 =	vld.idx.msk [tilespmem:v12+s3+$0x0], $0xffff;
	v17 =	vtrunc.f32 v17;
	v3 =	vcvt.f32.s32 v14  }
0x23b: {  	[tilespmem:s18+$0xFFFFFFF0] =	vst v1;
	v1 =	vtrunc.f32 v18;
	v14 =	vcvt.f32.s32 v15;
	v15 =	vld [tilespmem:s21+$0xFFFFFFC0]  }
0x23c: {  	[tilespmem:s19+$0x30] =	vst v0;
	v10 =	vld.idx.msk [tilespmem:v10+s3+$0x0], $0xffff;
	v0 =	vcvt.f32.s32 v16;
	v57 =	vcvt.f32.s32 v17  }
0x23d: {  	v9 =	vld.idx.msk [tilespmem:v9+s3+$0x0], $0xffff;
	v1 =	vcvt.f32.s32 v1;
	v21 =	vcvt.f32.s32 v2  }
0x23e: {  	v2 =	vmul.f32 $1.000000000e+05, v55;
	v60 =	vtrunc.f32 v20;
	v13 =	vld.idx.msk [tilespmem:v13+s3+$0x0], $0xffff  }
0x23f: {  	[tilespmem:s19+$0xFFFFFFE0] =	vst v7;
	v63 =	vtrunc.f32 v8;
	v22 =	vmul.f32 $1.000000000e+05, v5;
	v4 =	vld.idx.msk [tilespmem:v4+s3+$0x0], $0xffff  }
0x240: {  	[tilespmem:s19+$0xFFFFFFF0] =	vst v11;
	v7 =	vmul.f32 $1.000000000e+05, v15;
	v15 =	vcvt.f32.s32 v60;
	v62 =	vld.idx.msk [tilespmem:v3+s3+$0x0], $0xffff  }
0x241: {  	v61 =	vtrunc.f32 v2;
	v11 =	vmul.f32 $1.000000000e+05, v58;
	[tilespmem:s19+$0x0] =	vst v12;
	v3 =	vld.idx.msk [tilespmem:v14+s3+$0x0], $0xffff  }
0x242: {  	[tilespmem:s19+$0x10] =	vst v10;
	v10 =	vtrunc.f32 v22;
	v2 =	vld.idx.msk [tilespmem:v0+s3+$0x0], $0xffff;
	v0 =	vmul.f32 $1.000000000e+05, v6  }
0x243: {  	[tilespmem:s19+$0x20] =	vst v9;
	v5 =	vld.idx.msk [tilespmem:v57+s3+$0x0], $0xffff;
	v8 =	vtrunc.f32 v7;
	v7 =	vmul.f32 $1.000000000e+05, v59  }
0x244: {  	v12 =	vtrunc.f32 v11;
	v6 =	vld.idx.msk [tilespmem:v1+s3+$0x0], $0xffff;
	v1 =	vtrunc.f32 v0;
	[tilespmem:s12+$0x0] =	vst v13  }
0x245: {  	s18 =	smov.u32 s12;
	v9 =	vld.idx.msk [tilespmem:v21+s3+$0x0], $0xffff;
	v0 =	vcvt.f32.s32 v61;
	v11 =	vtrunc.f32 v7;
	[tilespmem:s12+$0xFFFFFF90] =	vst v4  }
0x246: {  	s16 =	smov.u32 s12;
	s21 =	sadd.s32 $0x400, s21;
	s19 =	simm.s32 $0x80;
	v7 =	vld.idx.msk [tilespmem:v15+s3+$0x0], $0xffff;
	v4 =	vcvt.f32.s32 v1;
	v1 =	vcvt.f32.s32 v63;
	[tilespmem:s12+$0xFFFFFFA0] =	vst v62  }
.LBB2_35:
0x247: {  	v13 =	vld [tilespmem:s21+$0x0];
	s19 =	sadd.s32 $0x80, s19;
	v14 =	vcvt.f32.s32 v8;
	v15 =	vcvt.f32.s32 v12;
	[tilespmem:s18+$0xFFFFFFB0] =	vst v3  }
0x248: {  	v16 =	vcvt.f32.s32 v10;
	v17 =	vcvt.f32.s32 v11;
	v3 =	vld [tilespmem:s21+$0xFFFFFFA0];
	p1 =	slt.u32 s19, $0x100;
	[tilespmem:s18+$0xFFFFFFC0] =	vst v2  }
0x249: {  	v2 =	vld [tilespmem:s21+$0xFFFFFFB0];
	[tilespmem:s18+$0xFFFFFFD0] =	vst v5  }
0x24a: {  	s18 =	sadd.s32 $0x400, s18;
	v5 =	vld [tilespmem:s21+$0xFFFFFFC0];
	[tilespmem:s16+$0xFFFFFFE0] =	vst v6  }
0x24b: {  	v6 =	vld [tilespmem:s21+$0xFFFFFFD0];
	[tilespmem:s18+$0x0] =	vst v7  }
0x24c: {  	v7 =	vld [tilespmem:s21+$0xFFFFFFE0];
	v8 =	vmul.f32 $1.000000000e+05, v13;
	[tilespmem:s16+$0xFFFFFFF0] =	vst v9;
	s16 =	smov.u32 s18  }
0x24d: {  	v3 =	vmul.f32 $1.000000000e+05, v3;
	v9 =	vld [tilespmem:s21+$0xFFFFFFF0]  }
0x24e: {  	v10 =	vld [tilespmem:s21+$0xFFFFFF90];
	v2 =	vmul.f32 $1.000000000e+05, v2;
	v8 =	vtrunc.f32 v8  }
0x24f: {  	v5 =	vmul.f32 $1.000000000e+05, v5;
	v13 =	vcvt.f32.s32 v8;
	v4 =	vld.idx.msk [tilespmem:v4+s3+$0x0], $0xffff  }
0x250: {  	v18 =	vtrunc.f32 v3;
	v6 =	vmul.f32 $1.000000000e+05, v6;
	v19 =	vld.idx.msk [tilespmem:v0+s3+$0x0], $0xffff  }
0x251: {  	v20 =	vtrunc.f32 v2;
	v0 =	vmul.f32 $1.000000000e+05, v7;
	v3 =	vld.idx.msk [tilespmem:v1+s3+$0x0], $0xffff  }
.Ltmp20:
0x252: {  	v8 =	vtrunc.f32 v5;
	v1 =	vmul.f32 $1.000000000e+05, v9;
	v2 =	vld.idx.msk [tilespmem:v14+s3+$0x0], $0xffff;
	(pc) =	sbr.rel @p1 .LBB2_35-.Ltmp20, $4  }
0x253: {  	v12 =	vtrunc.f32 v6;
	v7 =	vmul.f32 $1.000000000e+05, v10;
	v5 =	vld.idx.msk [tilespmem:v15+s3+$0x0], $0xffff  }
0x254: {  	v10 =	vtrunc.f32 v0;
	v11 =	vtrunc.f32 v1;
	v6 =	vld.idx.msk [tilespmem:v16+s3+$0x0], $0xffff  }
0x255: {  	v0 =	vcvt.f32.s32 v18;
	v1 =	vtrunc.f32 v7;
	v7 =	vld.idx.msk [tilespmem:v13+s3+$0x0], $0xffff;
	[tilespmem:s18+$0xFFFFFF90] =	vst v4  }
0x256: {  	s21 =	sadd.s32 $0x400, s21;
	v4 =	vcvt.f32.s32 v1;
	v1 =	vcvt.f32.s32 v20;
	[tilespmem:s18+$0xFFFFFFA0] =	vst v19;
	v9 =	vld.idx.msk [tilespmem:v17+s3+$0x0], $0xffff  }
0x257: {  	_ = 	snop  }
0x258: {  	v8 =	vcvt.f32.s32 v8  }
0x259: {  	v12 =	vcvt.f32.s32 v12  }
0x25a: {  	[tilespmem:s18+$0xFFFFFFB0] =	vst v3;
	v58 =	vcvt.f32.s32 v10  }
0x25b: {  	v59 =	vcvt.f32.s32 v11;
	[tilespmem:s18+$0xFFFFFFC0] =	vst v2;
	v0 =	vld.idx.msk [tilespmem:v0+s3+$0x0], $0xffff  }
0x25c: {  	v60 =	vld.idx.msk [tilespmem:v4+s3+$0x0], $0xffff;
	[tilespmem:s18+$0xFFFFFFD0] =	vst v5  }
0x25d: {  	s19 =	sadd.s32 $0x400, s18;
	v1 =	vld.idx.msk [tilespmem:v1+s3+$0x0], $0xffff;
	[tilespmem:s16+$0xFFFFFFE0] =	vst v6  }
0x25e: {  	[tilespmem:s19+$0x0] =	vst v7;
	v61 =	vld.idx.msk [tilespmem:v8+s3+$0x0], $0xffff  }
0x25f: {  	[tilespmem:s16+$0xFFFFFFF0] =	vst v9;
	v62 =	vld.idx.msk [tilespmem:v12+s3+$0x0], $0xffff  }
0x260: {  	[tilespmem:s19+$0xFFFFFFA0] =	vst v0;
	v3 =	vld.idx.msk [tilespmem:v58+s3+$0x0], $0xffff  }
0x261: {  	p1 =	slt.u32 s15, $0x6;
	[tilespmem:s19+$0xFFFFFF90] =	vst v60;
	v63 =	vld.idx.msk [tilespmem:v59+s3+$0x0], $0xffff  }
.Ltmp21:
0x262: {  	[tilespmem:s19+$0xFFFFFFB0] =	vst v1;
	(pc) =	sbr.rel @p1 .LBB2_32-.Ltmp21, $4  }
0x263: {  	[tilespmem:s19+$0xFFFFFFC0] =	vst v61  }
0x264: {  	[tilespmem:s19+$0xFFFFFFD0] =	vst v62  }
0x265: {  	s21 =	sadd.s32 $0x2, s15;
	s11 =	sadd.s32 $0x100, s11;
	s25 =	sadd.s32 $0x100, s25;
	[tilespmem:s19+$0xFFFFFFE0] =	vst v3  }
0x266: {  	s12 =	sadd.s32 $0x100, s12;
	s13 =	sadd.s32 $0x100, s13;
	s15 =	smov.u32 s21;
	[tilespmem:s19+$0xFFFFFFF0] =	vst v63  }
0x267: {  	p1 =	seq.s32 s6, $0x17  }
.Ltmp22:
0x268: {  	s11 =	rddreg [dreg:$0xd];
	(pc) =	sbr.rel @p1 .LBB2_39-.Ltmp22, $4  }
0x269: {  	s5 =	sadd.s32 s11, s5  }
0x26a: {  	s5 =	sshrl.u32 s5, $0x3  }
0x26b: {  	s5 =	sadd.s32 s1, s5  }
0x26c: {  	[hbm4b:s5+s3] =	stream.linear.scatter [tilespmem:s24], [sflag:$0x4], $0xC00, $0x38;
	[tilespmem:$0x1FF00] =	vst v63  }
0x26d: {  	s5 =	sadd.s32 $0x18, s8  }
0x26e: {  	s5 =	sshrl.u32 s5, $0x3  }
0x26f: {  	s5 =	smul.u32 $0x3000, s5  }
.Ltmp23:
0x270: {  	_ = 	snop;
	(pc) =	sbr.rel .LBB2_21-.Ltmp23, $4  }
0x271: {  	s5 =	sshra.s32 s5, $0x2  }
0x272: {  	s5 =	sadd.s32 s5, s2  }
0x273: {  	s6 =	sadd.s32 $0x1, s6;
	s5 =	sadd.s32 $0x24000, s5  }
0x274: {  	[tilespmem:s10], [sflag:$0x2] =	stream.linear.gather [spmem:s5], $0xC00, $0x38;
	[tilespmem:$0x1FF00] =	vst v63  }
.LBB2_39:
0x275: {  	s5 =	simm.s32 $0x3  }
0x276: {  	_ =	swait.ge [sflag:s5], $0xC00  }
0x277: {  	[sflag:s5] =	ssyncset.done $0x0  }
0x278: {  	[sflag:s5] =	ssyncadd.s32 $0xFFFFF400  }
0x279: {  	_ =	swait.ge [sflag:s23], $0xC00  }
0x27a: {  	[sflag:s23] =	ssyncset.done $0x0  }
0x27b: {  	[sflag:s23] =	ssyncadd.s32 $0xFFFFF400  }
0x27c: {  	s5 =	simm.s32 @!p0 $0x5;
	[bflag:$0x0] =	sbarrier.arrive @p0 $0xFFFF  }
0x27d: {  	_ =	swait.ge @!p0 [sflag:s5], $0x4800  }
0x27e: {  	[sflag:s5] =	ssyncset.done @!p0 $0x0  }
0x27f: {  	[sflag:s5] =	ssyncadd.s32 @!p0 $0xFFFFB800  }
0x280: {  	[bflag:$0x0] =	sbarrier.arrive @!p0 $0xFFFF  }
0x281: {  	s6 =	rddreg [dreg:$0xe]  }
0x282: {  	s5 =	simm.s32 @!p0 $0x1C05;
	s8 =	rddreg [dreg:$0x1a]  }
0x283: {  	[spmem:s8], [sflag:s5] =	dma.local @!p0 [hbm:s6], $0x4800  }
0x284: {  	[tilespmem:s7], [sflag:$0x1] =	stream.linear.gather [spmem:s2], $0xC00, $0x38;
	[tilespmem:$0x1FF00] =	vst v63  }
0x285: {  	s6 =	simm.s32 $0x0;
	s5 =	rddreg [dreg:$0x9]  }
0x286: {  	[tilespmem:s10], [sflag:$0x2] =	stream.linear.gather [spmem:s5], $0xC00, $0x38;
	[tilespmem:$0x1FF00] =	vst v63  }
.LBB2_40:
0x287: {  	_ =	swait.ge [sflag:s14], $0xC00  }
0x288: {  	p1 =	seq.s32 s6, $0x0;
	[sflag:s14] =	ssyncset.done $0x0  }
0x289: {  	s5 =	simm.s32 @!p1 $0x3;
	[sflag:s14] =	ssyncadd.s32 $0xFFFFF400  }
0x28a: {  	s8 =	sshll.u32 s6, $0x4;
	s11 =	simm.s32 $0x18740;
	_ =	swait.ge @!p1 [sflag:s5], $0xC00  }
0x28b: {  	s25 =	simm.s32 $0x19FF0;
	s12 =	simm.s32 $0x187F0;
	[sflag:s5] =	ssyncset.done @!p1 $0x0  }
0x28c: {  	s13 =	simm.s32 $0x0;
	[sflag:s5] =	ssyncadd.s32 @!p1 $0xFFFFF400;
	s5 =	simm.s32 $0x19F40  }
.LBB2_41:
0x28d: {  	v0 =	vld [tilespmem:s11+$0x30]  }
0x28e: {  	v1 =	vld [tilespmem:s11+$0xFFFFFFD0]  }
0x28f: {  	v2 =	vld [tilespmem:s11+$0xFFFFFFE0]  }
0x290: {  	v3 =	vld [tilespmem:s11+$0xFFFFFFF0]  }
0x291: {  	v4 =	vld [tilespmem:s11+$0x0]  }
0x292: {  	v5 =	vld [tilespmem:s11+$0x10]  }
0x293: {  	v6 =	vld [tilespmem:s11+$0xFFFFFFC0]  }
0x294: {  	v7 =	vld [tilespmem:s11+$0x20];
	s15 =	sadd.s32 $0x400, s11  }
0x295: {  	v8 =	vld [tilespmem:s15+$0x30]  }
0x296: {  	v10 =	vld [tilespmem:s15+$0xFFFFFFE0]  }
0x297: {  	v0 =	vmul.f32 $1.000000000e+05, v0;
	v1 =	vmul.f32 $1.000000000e+05, v1  }
0x298: {  	v2 =	vmul.f32 $1.000000000e+05, v2;
	v3 =	vmul.f32 $1.000000000e+05, v3  }
0x299: {  	v4 =	vmul.f32 $1.000000000e+05, v4;
	v5 =	vmul.f32 $1.000000000e+05, v5  }
0x29a: {  	v6 =	vmul.f32 $1.000000000e+05, v6;
	v7 =	vmul.f32 $1.000000000e+05, v7  }
0x29b: {  	v8 =	vmul.f32 $1.000000000e+05, v8;
	v10 =	vmul.f32 $1.000000000e+05, v10  }
0x29c: {  	v0 =	vtrunc.f32 v0;
	v1 =	vtrunc.f32 v1  }
0x29d: {  	v2 =	vtrunc.f32 v2;
	v3 =	vtrunc.f32 v3  }
0x29e: {  	v9 =	vld [tilespmem:s15+$0xFFFFFFD0];
	v6 =	vtrunc.f32 v6;
	v0 =	vcvt.f32.s32 v0  }
0x29f: {  	v11 =	vld [tilespmem:s15+$0xFFFFFFF0];
	v4 =	vtrunc.f32 v4;
	v6 =	vcvt.f32.s32 v6  }
0x2a0: {  	v12 =	vld [tilespmem:s15+$0x10];
	v5 =	vtrunc.f32 v5;
	v1 =	vcvt.f32.s32 v1  }
0x2a1: {  	v15 =	vld [tilespmem:s15+$0xFFFFFFC0];
	v7 =	vtrunc.f32 v7;
	v2 =	vcvt.f32.s32 v2  }
0x2a2: {  	v3 =	vcvt.f32.s32 v3;
	v13 =	vcvt.f32.s32 v4;
	v4 =	vld [tilespmem:s15+$0x0]  }
0x2a3: {  	v14 =	vcvt.f32.s32 v7;
	v7 =	vmul.f32 $1.000000000e+05, v9;
	v9 =	vld [tilespmem:s15+$0x20]  }
0x2a4: {  	v5 =	vcvt.f32.s32 v5;
	v8 =	vtrunc.f32 v8;
	v0 =	vld.idx.msk [tilespmem:v0+s3+$0x0], $0xffff  }
0x2a5: {  	v11 =	vmul.f32 $1.000000000e+05, v11;
	v8 =	vcvt.f32.s32 v8;
	v16 =	vld.idx.msk [tilespmem:v6+s3+$0x0], $0xffff  }
0x2a6: {  	v18 =	vtrunc.f32 v10;
	v10 =	vmul.f32 $1.000000000e+05, v12;
	v17 =	vld.idx.msk [tilespmem:v1+s3+$0x0], $0xffff  }
0x2a7: {  	v6 =	vtrunc.f32 v7;
	v7 =	vmul.f32 $1.000000000e+05, v4;
	v4 =	vld.idx.msk [tilespmem:v2+s3+$0x0], $0xffff  }
0x2a8: {  	v15 =	vmul.f32 $1.000000000e+05, v15;
	v9 =	vmul.f32 $1.000000000e+05, v9;
	v1 =	vld.idx.msk [tilespmem:v3+s3+$0x0], $0xffff  }
0x2a9: {  	v11 =	vtrunc.f32 v11;
	v10 =	vtrunc.f32 v10;
	v2 =	vld.idx.msk [tilespmem:v13+s3+$0x0], $0xffff  }
0x2aa: {  	v3 =	vld.idx.msk [tilespmem:v5+s3+$0x0], $0xffff;
	v5 =	vtrunc.f32 v15;
	v9 =	vtrunc.f32 v9;
	[tilespmem:s5+$0x30] =	vst v0  }
0x2ab: {  	s18 =	simm.s32 $0x80;
	v6 =	vcvt.f32.s32 v6;
	v12 =	vtrunc.f32 v7;
	v0 =	vld.idx.msk [tilespmem:v8+s3+$0x0], $0xffff;
	[tilespmem:s5+$0xFFFFFFC0] =	vst v16  }
0x2ac: {  	s16 =	smov.u32 s5;
	s19 =	sadd.s32 $0x400, s15;
	s15 =	smov.u32 s5;
	v7 =	vcvt.f32.s32 v18;
	v8 =	vcvt.f32.s32 v5;
	[tilespmem:s5+$0xFFFFFFD0] =	vst v17;
	v5 =	vld.idx.msk [tilespmem:v14+s3+$0x0], $0xffff  }
.LBB2_42:
0x2ad: {  	v13 =	vld [tilespmem:s19+$0x30];
	s18 =	sadd.s32 $0x80, s18;
	v14 =	vcvt.f32.s32 v11;
	v15 =	vcvt.f32.s32 v12;
	[tilespmem:s16+$0xFFFFFFE0] =	vst v4  }
0x2ae: {  	v16 =	vcvt.f32.s32 v10;
	v17 =	vcvt.f32.s32 v9;
	v4 =	vld [tilespmem:s19+$0xFFFFFFD0];
	p2 =	slt.u32 s18, $0x100;
	[tilespmem:s16+$0xFFFFFFF0] =	vst v1  }
0x2af: {  	v1 =	vld [tilespmem:s19+$0xFFFFFFE0];
	[tilespmem:s16+$0x0] =	vst v2  }
0x2b0: {  	s16 =	sadd.s32 $0x400, s16;
	v2 =	vld [tilespmem:s19+$0xFFFFFFF0];
	[tilespmem:s15+$0x10] =	vst v3  }
0x2b1: {  	v3 =	vld [tilespmem:s19+$0x0];
	[tilespmem:s16+$0x30] =	vst v0  }
0x2b2: {  	v0 =	vld [tilespmem:s19+$0x10];
	v9 =	vmul.f32 $1.000000000e+05, v13;
	[tilespmem:s15+$0x20] =	vst v5;
	s15 =	smov.u32 s16  }
0x2b3: {  	v4 =	vmul.f32 $1.000000000e+05, v4;
	v5 =	vld [tilespmem:s19+$0x20]  }
0x2b4: {  	v10 =	vld [tilespmem:s19+$0xFFFFFFC0];
	v1 =	vmul.f32 $1.000000000e+05, v1;
	v9 =	vtrunc.f32 v9  }
0x2b5: {  	v2 =	vmul.f32 $1.000000000e+05, v2;
	v13 =	vcvt.f32.s32 v9;
	v8 =	vld.idx.msk [tilespmem:v8+s3+$0x0], $0xffff  }
0x2b6: {  	v18 =	vtrunc.f32 v4;
	v3 =	vmul.f32 $1.000000000e+05, v3;
	v19 =	vld.idx.msk [tilespmem:v6+s3+$0x0], $0xffff  }
0x2b7: {  	v20 =	vtrunc.f32 v1;
	v0 =	vmul.f32 $1.000000000e+05, v0;
	v4 =	vld.idx.msk [tilespmem:v7+s3+$0x0], $0xffff  }
.Ltmp24:
0x2b8: {  	v11 =	vtrunc.f32 v2;
	v5 =	vmul.f32 $1.000000000e+05, v5;
	v1 =	vld.idx.msk [tilespmem:v14+s3+$0x0], $0xffff;
	(pc) =	sbr.rel @p2 .LBB2_42-.Ltmp24, $4  }
0x2b9: {  	v12 =	vtrunc.f32 v3;
	v6 =	vmul.f32 $1.000000000e+05, v10;
	v2 =	vld.idx.msk [tilespmem:v15+s3+$0x0], $0xffff  }
0x2ba: {  	v10 =	vtrunc.f32 v0;
	v9 =	vtrunc.f32 v5;
	v3 =	vld.idx.msk [tilespmem:v16+s3+$0x0], $0xffff  }
0x2bb: {  	v5 =	vtrunc.f32 v6;
	v6 =	vcvt.f32.s32 v18;
	v0 =	vld.idx.msk [tilespmem:v13+s3+$0x0], $0xffff;
	[tilespmem:s16+$0xFFFFFFC0] =	vst v8  }
0x2bc: {  	s19 =	sadd.s32 $0x400, s19;
	v7 =	vcvt.f32.s32 v20;
	v8 =	vcvt.f32.s32 v5;
	[tilespmem:s16+$0xFFFFFFD0] =	vst v19;
	v5 =	vld.idx.msk [tilespmem:v17+s3+$0x0], $0xffff  }
0x2bd: {  	v13 =	vld [tilespmem:s12+$0x0]  }
0x2be: {  	v14 =	vld [tilespmem:s12+$0xFFFFFFA0]  }
0x2bf: {  	v15 =	vld [tilespmem:s12+$0xFFFFFFB0]  }
0x2c0: {  	v16 =	vld [tilespmem:s12+$0xFFFFFFC0]  }
0x2c1: {  	v17 =	vld [tilespmem:s12+$0xFFFFFFD0]  }
0x2c2: {  	v18 =	vld [tilespmem:s12+$0xFFFFFFE0]  }
0x2c3: {  	v19 =	vld [tilespmem:s12+$0xFFFFFF90]  }
0x2c4: {  	v20 =	vld [tilespmem:s12+$0xFFFFFFF0]  }
0x2c5: {  	s19 =	sadd.s32 $0x400, s12;
	v8 =	vld.idx.msk [tilespmem:v8+s3+$0x0], $0xffff  }
0x2c6: {  	v11 =	vcvt.f32.s32 v11;
	v12 =	vcvt.f32.s32 v12;
	v53 =	vld [tilespmem:s19+$0x0]  }
0x2c7: {  	v10 =	vcvt.f32.s32 v10;
	v9 =	vcvt.f32.s32 v9;
	v56 =	vld [tilespmem:s19+$0xFFFFFFB0]  }
0x2c8: {  	v13 =	vmul.f32 $1.000000000e+05, v13;
	v14 =	vmul.f32 $1.000000000e+05, v14  }
0x2c9: {  	v6 =	vld.idx.msk [tilespmem:v6+s3+$0x0], $0xffff;
	v15 =	vmul.f32 $1.000000000e+05, v15;
	v16 =	vmul.f32 $1.000000000e+05, v16  }
0x2ca: {  	v7 =	vld.idx.msk [tilespmem:v7+s3+$0x0], $0xffff;
	v17 =	vmul.f32 $1.000000000e+05, v17;
	v18 =	vmul.f32 $1.000000000e+05, v18  }
0x2cb: {  	[tilespmem:s16+$0xFFFFFFE0] =	vst v4;
	s21 =	sadd.s32 $0x400, s16;
	v55 =	vld [tilespmem:s19+$0xFFFFFFA0];
	v19 =	vmul.f32 $1.000000000e+05, v19;
	v4 =	vmul.f32 $1.000000000e+05, v20  }
0x2cc: {  	v58 =	vld [tilespmem:s19+$0xFFFFFFD0];
	v20 =	vmul.f32 $1.000000000e+05, v53;
	[tilespmem:s21+$0xFFFFFFC0] =	vst v8;
	v8 =	vmul.f32 $1.000000000e+05, v56  }
0x2cd: {  	v59 =	vld [tilespmem:s19+$0xFFFFFFF0];
	v13 =	vtrunc.f32 v13;
	v14 =	vtrunc.f32 v14  }
0x2ce: {  	[tilespmem:s15+$0x20] =	vst v5;
	v5 =	vld [tilespmem:s19+$0xFFFFFFE0];
	v15 =	vtrunc.f32 v15;
	v16 =	vtrunc.f32 v16  }
0x2cf: {  	[tilespmem:s21+$0xFFFFFFD0] =	vst v6;
	v6 =	vld [tilespmem:s19+$0xFFFFFF90];
	v54 =	vtrunc.f32 v19;
	v13 =	vcvt.f32.s32 v13  }
0x2d0: {  	[tilespmem:s16+$0x0] =	vst v2;
	v11 =	vld.idx.msk [tilespmem:v11+s3+$0x0], $0xffff;
	v2 =	vtrunc.f32 v4;
	v4 =	vcvt.f32.s32 v54  }
0x2d1: {  	[tilespmem:s15+$0x10] =	vst v3;
	v12 =	vld.idx.msk [tilespmem:v12+s3+$0x0], $0xffff;
	v17 =	vtrunc.f32 v17;
	v3 =	vcvt.f32.s32 v14  }
0x2d2: {  	[tilespmem:s16+$0xFFFFFFF0] =	vst v1;
	v1 =	vtrunc.f32 v18;
	v14 =	vcvt.f32.s32 v15;
	v15 =	vld [tilespmem:s19+$0xFFFFFFC0]  }
0x2d3: {  	[tilespmem:s21+$0x30] =	vst v0;
	v10 =	vld.idx.msk [tilespmem:v10+s3+$0x0], $0xffff;
	v0 =	vcvt.f32.s32 v16;
	v57 =	vcvt.f32.s32 v17  }
0x2d4: {  	v9 =	vld.idx.msk [tilespmem:v9+s3+$0x0], $0xffff;
	v1 =	vcvt.f32.s32 v1;
	v21 =	vcvt.f32.s32 v2  }
0x2d5: {  	v2 =	vmul.f32 $1.000000000e+05, v55;
	v60 =	vtrunc.f32 v20;
	v13 =	vld.idx.msk [tilespmem:v13+s3+$0x0], $0xffff  }
0x2d6: {  	[tilespmem:s21+$0xFFFFFFE0] =	vst v7;
	v63 =	vtrunc.f32 v8;
	v22 =	vmul.f32 $1.000000000e+05, v5;
	v4 =	vld.idx.msk [tilespmem:v4+s3+$0x0], $0xffff  }
0x2d7: {  	[tilespmem:s21+$0xFFFFFFF0] =	vst v11;
	v7 =	vmul.f32 $1.000000000e+05, v15;
	v15 =	vcvt.f32.s32 v60;
	v62 =	vld.idx.msk [tilespmem:v3+s3+$0x0], $0xffff  }
0x2d8: {  	v61 =	vtrunc.f32 v2;
	v11 =	vmul.f32 $1.000000000e+05, v58;
	[tilespmem:s21+$0x0] =	vst v12;
	v3 =	vld.idx.msk [tilespmem:v14+s3+$0x0], $0xffff  }
0x2d9: {  	[tilespmem:s21+$0x10] =	vst v10;
	v10 =	vtrunc.f32 v22;
	v2 =	vld.idx.msk [tilespmem:v0+s3+$0x0], $0xffff;
	v0 =	vmul.f32 $1.000000000e+05, v6  }
0x2da: {  	[tilespmem:s21+$0x20] =	vst v9;
	v5 =	vld.idx.msk [tilespmem:v57+s3+$0x0], $0xffff;
	v8 =	vtrunc.f32 v7;
	v7 =	vmul.f32 $1.000000000e+05, v59  }
0x2db: {  	v12 =	vtrunc.f32 v11;
	v6 =	vld.idx.msk [tilespmem:v1+s3+$0x0], $0xffff;
	v1 =	vtrunc.f32 v0;
	[tilespmem:s25+$0x0] =	vst v13  }
0x2dc: {  	s18 =	simm.s32 $0x80;
	v9 =	vld.idx.msk [tilespmem:v21+s3+$0x0], $0xffff;
	v0 =	vcvt.f32.s32 v61;
	v11 =	vtrunc.f32 v7;
	[tilespmem:s25+$0xFFFFFF90] =	vst v4  }
0x2dd: {  	s16 =	smov.u32 s25;
	s15 =	smov.u32 s25;
	s19 =	sadd.s32 $0x400, s19;
	v7 =	vld.idx.msk [tilespmem:v15+s3+$0x0], $0xffff;
	v4 =	vcvt.f32.s32 v1;
	v1 =	vcvt.f32.s32 v63;
	[tilespmem:s25+$0xFFFFFFA0] =	vst v62  }
.LBB2_44:
0x2de: {  	v13 =	vld [tilespmem:s19+$0x0];
	s18 =	sadd.s32 $0x80, s18;
	v14 =	vcvt.f32.s32 v8;
	v15 =	vcvt.f32.s32 v12;
	[tilespmem:s16+$0xFFFFFFB0] =	vst v3  }
0x2df: {  	v16 =	vcvt.f32.s32 v10;
	v17 =	vcvt.f32.s32 v11;
	v3 =	vld [tilespmem:s19+$0xFFFFFFA0];
	p2 =	slt.u32 s18, $0x100;
	[tilespmem:s16+$0xFFFFFFC0] =	vst v2  }
0x2e0: {  	v2 =	vld [tilespmem:s19+$0xFFFFFFB0];
	[tilespmem:s16+$0xFFFFFFD0] =	vst v5  }
0x2e1: {  	s16 =	sadd.s32 $0x400, s16;
	v5 =	vld [tilespmem:s19+$0xFFFFFFC0];
	[tilespmem:s15+$0xFFFFFFE0] =	vst v6  }
0x2e2: {  	v6 =	vld [tilespmem:s19+$0xFFFFFFD0];
	[tilespmem:s16+$0x0] =	vst v7  }
0x2e3: {  	v7 =	vld [tilespmem:s19+$0xFFFFFFE0];
	v8 =	vmul.f32 $1.000000000e+05, v13;
	[tilespmem:s15+$0xFFFFFFF0] =	vst v9;
	s15 =	smov.u32 s16  }
0x2e4: {  	v3 =	vmul.f32 $1.000000000e+05, v3;
	v9 =	vld [tilespmem:s19+$0xFFFFFFF0]  }
0x2e5: {  	v10 =	vld [tilespmem:s19+$0xFFFFFF90];
	v2 =	vmul.f32 $1.000000000e+05, v2;
	v8 =	vtrunc.f32 v8  }
0x2e6: {  	v5 =	vmul.f32 $1.000000000e+05, v5;
	v13 =	vcvt.f32.s32 v8;
	v4 =	vld.idx.msk [tilespmem:v4+s3+$0x0], $0xffff  }
0x2e7: {  	v18 =	vtrunc.f32 v3;
	v6 =	vmul.f32 $1.000000000e+05, v6;
	v19 =	vld.idx.msk [tilespmem:v0+s3+$0x0], $0xffff  }
0x2e8: {  	v20 =	vtrunc.f32 v2;
	v0 =	vmul.f32 $1.000000000e+05, v7;
	v3 =	vld.idx.msk [tilespmem:v1+s3+$0x0], $0xffff  }
.Ltmp25:
0x2e9: {  	v8 =	vtrunc.f32 v5;
	v1 =	vmul.f32 $1.000000000e+05, v9;
	v2 =	vld.idx.msk [tilespmem:v14+s3+$0x0], $0xffff;
	(pc) =	sbr.rel @p2 .LBB2_44-.Ltmp25, $4  }
0x2ea: {  	v12 =	vtrunc.f32 v6;
	v7 =	vmul.f32 $1.000000000e+05, v10;
	v5 =	vld.idx.msk [tilespmem:v15+s3+$0x0], $0xffff  }
0x2eb: {  	v10 =	vtrunc.f32 v0;
	v11 =	vtrunc.f32 v1;
	v6 =	vld.idx.msk [tilespmem:v16+s3+$0x0], $0xffff  }
0x2ec: {  	v0 =	vcvt.f32.s32 v18;
	v1 =	vtrunc.f32 v7;
	v7 =	vld.idx.msk [tilespmem:v13+s3+$0x0], $0xffff;
	[tilespmem:s16+$0xFFFFFF90] =	vst v4  }
0x2ed: {  	s19 =	sadd.s32 $0x400, s19;
	v4 =	vcvt.f32.s32 v1;
	v1 =	vcvt.f32.s32 v20;
	[tilespmem:s16+$0xFFFFFFA0] =	vst v19;
	v9 =	vld.idx.msk [tilespmem:v17+s3+$0x0], $0xffff  }
0x2ee: {  	_ = 	snop  }
0x2ef: {  	v8 =	vcvt.f32.s32 v8  }
0x2f0: {  	v12 =	vcvt.f32.s32 v12  }
0x2f1: {  	[tilespmem:s16+$0xFFFFFFB0] =	vst v3;
	v58 =	vcvt.f32.s32 v10  }
0x2f2: {  	v59 =	vcvt.f32.s32 v11;
	[tilespmem:s16+$0xFFFFFFC0] =	vst v2;
	v0 =	vld.idx.msk [tilespmem:v0+s3+$0x0], $0xffff  }
0x2f3: {  	v60 =	vld.idx.msk [tilespmem:v4+s3+$0x0], $0xffff;
	[tilespmem:s16+$0xFFFFFFD0] =	vst v5  }
0x2f4: {  	s19 =	sadd.s32 $0x400, s16;
	v1 =	vld.idx.msk [tilespmem:v1+s3+$0x0], $0xffff;
	[tilespmem:s15+$0xFFFFFFE0] =	vst v6  }
0x2f5: {  	[tilespmem:s19+$0x0] =	vst v7;
	v61 =	vld.idx.msk [tilespmem:v8+s3+$0x0], $0xffff  }
0x2f6: {  	[tilespmem:s15+$0xFFFFFFF0] =	vst v9;
	v62 =	vld.idx.msk [tilespmem:v12+s3+$0x0], $0xffff  }
0x2f7: {  	[tilespmem:s19+$0xFFFFFFA0] =	vst v0;
	v3 =	vld.idx.msk [tilespmem:v58+s3+$0x0], $0xffff  }
0x2f8: {  	p2 =	slt.u32 s13, $0x6;
	[tilespmem:s19+$0xFFFFFF90] =	vst v60;
	v63 =	vld.idx.msk [tilespmem:v59+s3+$0x0], $0xffff  }
.Ltmp26:
0x2f9: {  	[tilespmem:s19+$0xFFFFFFB0] =	vst v1;
	(pc) =	sbr.rel @p2 .LBB2_41-.Ltmp26, $4  }
0x2fa: {  	[tilespmem:s19+$0xFFFFFFC0] =	vst v61  }
0x2fb: {  	[tilespmem:s19+$0xFFFFFFD0] =	vst v62  }
0x2fc: {  	s21 =	sadd.s32 $0x2, s13;
	s5 =	sadd.s32 $0x100, s5;
	s11 =	sadd.s32 $0x100, s11;
	[tilespmem:s19+$0xFFFFFFE0] =	vst v3  }
0x2fd: {  	s25 =	sadd.s32 $0x100, s25;
	s12 =	sadd.s32 $0x100, s12;
	s13 =	smov.u32 s21;
	[tilespmem:s19+$0xFFFFFFF0] =	vst v63  }
0x2fe: {  	s5 =	smul.u32 $0x1800, s6;
	p2 =	sne.s32 s6, $0x17  }
.Ltmp27:
0x2ff: {  	s11 =	rddreg [dreg:$0xf];
	(pc) =	sbr.rel @p2 .LBB2_48-.Ltmp27, $4  }
0x300: {  	s11 =	sadd.s32 s11, s5  }
0x301: {  	s11 =	sshrl.u32 s11, $0x3  }
0x302: {  	s11 =	sadd.s32 s1, s11  }
0x303: {  	[hbm4b:s11+s3] =	stream.linear.scatter [tilespmem:s17], [sflag:$0x3], $0xC00, $0x38;
	[tilespmem:$0x1FF00] =	vst v63  }
.Ltmp28:
0x304: {  	(pc) =	sbr.rel .LBB2_49-.Ltmp28, $4  }
0x305: {  	_ = 	snop  }
0x306: {  	_ =	swait.ge [sflag:s20], $0xC00  }
0x307: {  	[sflag:s20] =	ssyncset.done $0x0  }
0x308: {  	[sflag:s20] =	ssyncadd.s32 $0xFFFFF400  }
.LBB2_48:
0x309: {  	s11 =	sshrl.u32 s8, $0x3  }
0x30a: {  	s11 =	smul.u32 $0x3000, s11;
	_ =	sdelay $0x1  }
0x30b: {  	s11 =	sadd.s32 $0x6000, s11  }
0x30c: {  	s11 =	sshra.s32 s11, $0x2  }
.Ltmp29:
0x30d: {  	s11 =	sadd.s32 s11, s2;
	(pc) =	sbr.rel @p1 .LBB2_50-.Ltmp29, $4  }
0x30e: {  	[tilespmem:s7], [sflag:$0x1] =	stream.linear.gather [spmem:s11], $0xC00, $0x38;
	[tilespmem:$0x1FF00] =	vst v63  }
0x30f: {  	_ =	swait.ge [sflag:s20], $0xC00  }
0x310: {  	[sflag:s20] =	ssyncset.done $0x0  }
0x311: {  	[sflag:s20] =	ssyncadd.s32 $0xFFFFF400  }
.LBB2_49:
0x312: {  	_ =	swait.ge [sflag:s23], $0xC00  }
0x313: {  	[sflag:s23] =	ssyncset.done $0x0  }
0x314: {  	[sflag:s23] =	ssyncadd.s32 $0xFFFFF400  }
.LBB2_50:
0x315: {  	s15 =	simm.s32 $0x0;
	s11 =	simm.s32 $0x1AB40  }
0x316: {  	s25 =	simm.s32 $0x19340;
	s12 =	simm.s32 $0x1ABF0;
	s13 =	simm.s32 $0x193F0  }
.LBB2_51:
0x317: {  	v0 =	vld [tilespmem:s25+$0x30]  }
0x318: {  	v1 =	vld [tilespmem:s25+$0xFFFFFFD0]  }
0x319: {  	v2 =	vld [tilespmem:s25+$0xFFFFFFE0]  }
0x31a: {  	v3 =	vld [tilespmem:s25+$0xFFFFFFF0]  }
0x31b: {  	v4 =	vld [tilespmem:s25+$0x0]  }
0x31c: {  	v5 =	vld [tilespmem:s25+$0x10]  }
0x31d: {  	v6 =	vld [tilespmem:s25+$0xFFFFFFC0]  }
0x31e: {  	v7 =	vld [tilespmem:s25+$0x20];
	s16 =	sadd.s32 $0x400, s25  }
0x31f: {  	v8 =	vld [tilespmem:s16+$0x30]  }
0x320: {  	v10 =	vld [tilespmem:s16+$0xFFFFFFE0]  }
0x321: {  	v0 =	vmul.f32 $1.000000000e+05, v0;
	v1 =	vmul.f32 $1.000000000e+05, v1  }
0x322: {  	v2 =	vmul.f32 $1.000000000e+05, v2;
	v3 =	vmul.f32 $1.000000000e+05, v3  }
0x323: {  	v4 =	vmul.f32 $1.000000000e+05, v4;
	v5 =	vmul.f32 $1.000000000e+05, v5  }
0x324: {  	v6 =	vmul.f32 $1.000000000e+05, v6;
	v7 =	vmul.f32 $1.000000000e+05, v7  }
0x325: {  	v8 =	vmul.f32 $1.000000000e+05, v8;
	v10 =	vmul.f32 $1.000000000e+05, v10  }
0x326: {  	v0 =	vtrunc.f32 v0;
	v1 =	vtrunc.f32 v1  }
0x327: {  	v2 =	vtrunc.f32 v2;
	v3 =	vtrunc.f32 v3  }
0x328: {  	v9 =	vld [tilespmem:s16+$0xFFFFFFD0];
	v6 =	vtrunc.f32 v6;
	v0 =	vcvt.f32.s32 v0  }
0x329: {  	v11 =	vld [tilespmem:s16+$0xFFFFFFF0];
	v4 =	vtrunc.f32 v4;
	v6 =	vcvt.f32.s32 v6  }
0x32a: {  	v12 =	vld [tilespmem:s16+$0x10];
	v5 =	vtrunc.f32 v5;
	v1 =	vcvt.f32.s32 v1  }
0x32b: {  	v15 =	vld [tilespmem:s16+$0xFFFFFFC0];
	v7 =	vtrunc.f32 v7;
	v2 =	vcvt.f32.s32 v2  }
0x32c: {  	v3 =	vcvt.f32.s32 v3;
	v13 =	vcvt.f32.s32 v4;
	v4 =	vld [tilespmem:s16+$0x0]  }
0x32d: {  	v14 =	vcvt.f32.s32 v7;
	v7 =	vmul.f32 $1.000000000e+05, v9;
	v9 =	vld [tilespmem:s16+$0x20]  }
0x32e: {  	v5 =	vcvt.f32.s32 v5;
	v8 =	vtrunc.f32 v8;
	v0 =	vld.idx.msk [tilespmem:v0+s3+$0x0], $0xffff  }
0x32f: {  	v11 =	vmul.f32 $1.000000000e+05, v11;
	v8 =	vcvt.f32.s32 v8;
	v16 =	vld.idx.msk [tilespmem:v6+s3+$0x0], $0xffff  }
0x330: {  	v18 =	vtrunc.f32 v10;
	v10 =	vmul.f32 $1.000000000e+05, v12;
	v17 =	vld.idx.msk [tilespmem:v1+s3+$0x0], $0xffff  }
0x331: {  	v6 =	vtrunc.f32 v7;
	v7 =	vmul.f32 $1.000000000e+05, v4;
	v4 =	vld.idx.msk [tilespmem:v2+s3+$0x0], $0xffff  }
0x332: {  	v15 =	vmul.f32 $1.000000000e+05, v15;
	v9 =	vmul.f32 $1.000000000e+05, v9;
	v1 =	vld.idx.msk [tilespmem:v3+s3+$0x0], $0xffff  }
0x333: {  	v11 =	vtrunc.f32 v11;
	v10 =	vtrunc.f32 v10;
	v2 =	vld.idx.msk [tilespmem:v13+s3+$0x0], $0xffff  }
0x334: {  	v3 =	vld.idx.msk [tilespmem:v5+s3+$0x0], $0xffff;
	v5 =	vtrunc.f32 v15;
	v9 =	vtrunc.f32 v9;
	[tilespmem:s11+$0x30] =	vst v0  }
0x335: {  	s19 =	simm.s32 $0x80;
	v6 =	vcvt.f32.s32 v6;
	v12 =	vtrunc.f32 v7;
	v0 =	vld.idx.msk [tilespmem:v8+s3+$0x0], $0xffff;
	[tilespmem:s11+$0xFFFFFFC0] =	vst v16  }
0x336: {  	s18 =	smov.u32 s11;
	s21 =	sadd.s32 $0x400, s16;
	s16 =	smov.u32 s11;
	v7 =	vcvt.f32.s32 v18;
	v8 =	vcvt.f32.s32 v5;
	[tilespmem:s11+$0xFFFFFFD0] =	vst v17;
	v5 =	vld.idx.msk [tilespmem:v14+s3+$0x0], $0xffff  }
.LBB2_52:
0x337: {  	v13 =	vld [tilespmem:s21+$0x30];
	s19 =	sadd.s32 $0x80, s19;
	v14 =	vcvt.f32.s32 v11;
	v15 =	vcvt.f32.s32 v12;
	[tilespmem:s18+$0xFFFFFFE0] =	vst v4  }
0x338: {  	v16 =	vcvt.f32.s32 v10;
	v17 =	vcvt.f32.s32 v9;
	v4 =	vld [tilespmem:s21+$0xFFFFFFD0];
	p1 =	slt.u32 s19, $0x100;
	[tilespmem:s18+$0xFFFFFFF0] =	vst v1  }
0x339: {  	v1 =	vld [tilespmem:s21+$0xFFFFFFE0];
	[tilespmem:s18+$0x0] =	vst v2  }
0x33a: {  	s18 =	sadd.s32 $0x400, s18;
	v2 =	vld [tilespmem:s21+$0xFFFFFFF0];
	[tilespmem:s16+$0x10] =	vst v3  }
0x33b: {  	v3 =	vld [tilespmem:s21+$0x0];
	[tilespmem:s18+$0x30] =	vst v0  }
0x33c: {  	v0 =	vld [tilespmem:s21+$0x10];
	v9 =	vmul.f32 $1.000000000e+05, v13;
	[tilespmem:s16+$0x20] =	vst v5;
	s16 =	smov.u32 s18  }
0x33d: {  	v4 =	vmul.f32 $1.000000000e+05, v4;
	v5 =	vld [tilespmem:s21+$0x20]  }
0x33e: {  	v10 =	vld [tilespmem:s21+$0xFFFFFFC0];
	v1 =	vmul.f32 $1.000000000e+05, v1;
	v9 =	vtrunc.f32 v9  }
0x33f: {  	v2 =	vmul.f32 $1.000000000e+05, v2;
	v13 =	vcvt.f32.s32 v9;
	v8 =	vld.idx.msk [tilespmem:v8+s3+$0x0], $0xffff  }
0x340: {  	v18 =	vtrunc.f32 v4;
	v3 =	vmul.f32 $1.000000000e+05, v3;
	v19 =	vld.idx.msk [tilespmem:v6+s3+$0x0], $0xffff  }
0x341: {  	v20 =	vtrunc.f32 v1;
	v0 =	vmul.f32 $1.000000000e+05, v0;
	v4 =	vld.idx.msk [tilespmem:v7+s3+$0x0], $0xffff  }
.Ltmp30:
0x342: {  	v11 =	vtrunc.f32 v2;
	v5 =	vmul.f32 $1.000000000e+05, v5;
	v1 =	vld.idx.msk [tilespmem:v14+s3+$0x0], $0xffff;
	(pc) =	sbr.rel @p1 .LBB2_52-.Ltmp30, $4  }
0x343: {  	v12 =	vtrunc.f32 v3;
	v6 =	vmul.f32 $1.000000000e+05, v10;
	v2 =	vld.idx.msk [tilespmem:v15+s3+$0x0], $0xffff  }
0x344: {  	v10 =	vtrunc.f32 v0;
	v9 =	vtrunc.f32 v5;
	v3 =	vld.idx.msk [tilespmem:v16+s3+$0x0], $0xffff  }
0x345: {  	v5 =	vtrunc.f32 v6;
	v6 =	vcvt.f32.s32 v18;
	v0 =	vld.idx.msk [tilespmem:v13+s3+$0x0], $0xffff;
	[tilespmem:s18+$0xFFFFFFC0] =	vst v8  }
0x346: {  	s21 =	sadd.s32 $0x400, s21;
	v7 =	vcvt.f32.s32 v20;
	v8 =	vcvt.f32.s32 v5;
	[tilespmem:s18+$0xFFFFFFD0] =	vst v19;
	v5 =	vld.idx.msk [tilespmem:v17+s3+$0x0], $0xffff  }
0x347: {  	v13 =	vld [tilespmem:s13+$0x0]  }
0x348: {  	v14 =	vld [tilespmem:s13+$0xFFFFFFA0]  }
0x349: {  	v15 =	vld [tilespmem:s13+$0xFFFFFFB0]  }
0x34a: {  	v16 =	vld [tilespmem:s13+$0xFFFFFFC0]  }
0x34b: {  	v17 =	vld [tilespmem:s13+$0xFFFFFFD0]  }
0x34c: {  	v18 =	vld [tilespmem:s13+$0xFFFFFFE0]  }
0x34d: {  	v19 =	vld [tilespmem:s13+$0xFFFFFF90]  }
0x34e: {  	v20 =	vld [tilespmem:s13+$0xFFFFFFF0]  }
0x34f: {  	s21 =	sadd.s32 $0x400, s13;
	v8 =	vld.idx.msk [tilespmem:v8+s3+$0x0], $0xffff  }
0x350: {  	v11 =	vcvt.f32.s32 v11;
	v12 =	vcvt.f32.s32 v12;
	v53 =	vld [tilespmem:s21+$0x0]  }
0x351: {  	v10 =	vcvt.f32.s32 v10;
	v9 =	vcvt.f32.s32 v9;
	v56 =	vld [tilespmem:s21+$0xFFFFFFB0]  }
0x352: {  	v13 =	vmul.f32 $1.000000000e+05, v13;
	v14 =	vmul.f32 $1.000000000e+05, v14  }
0x353: {  	v6 =	vld.idx.msk [tilespmem:v6+s3+$0x0], $0xffff;
	v15 =	vmul.f32 $1.000000000e+05, v15;
	v16 =	vmul.f32 $1.000000000e+05, v16  }
0x354: {  	v7 =	vld.idx.msk [tilespmem:v7+s3+$0x0], $0xffff;
	v17 =	vmul.f32 $1.000000000e+05, v17;
	v18 =	vmul.f32 $1.000000000e+05, v18  }
0x355: {  	[tilespmem:s18+$0xFFFFFFE0] =	vst v4;
	s19 =	sadd.s32 $0x400, s18;
	v55 =	vld [tilespmem:s21+$0xFFFFFFA0];
	v19 =	vmul.f32 $1.000000000e+05, v19;
	v4 =	vmul.f32 $1.000000000e+05, v20  }
0x356: {  	v58 =	vld [tilespmem:s21+$0xFFFFFFD0];
	v20 =	vmul.f32 $1.000000000e+05, v53;
	[tilespmem:s19+$0xFFFFFFC0] =	vst v8;
	v8 =	vmul.f32 $1.000000000e+05, v56  }
0x357: {  	v59 =	vld [tilespmem:s21+$0xFFFFFFF0];
	v13 =	vtrunc.f32 v13;
	v14 =	vtrunc.f32 v14  }
0x358: {  	[tilespmem:s16+$0x20] =	vst v5;
	v5 =	vld [tilespmem:s21+$0xFFFFFFE0];
	v15 =	vtrunc.f32 v15;
	v16 =	vtrunc.f32 v16  }
0x359: {  	[tilespmem:s19+$0xFFFFFFD0] =	vst v6;
	v6 =	vld [tilespmem:s21+$0xFFFFFF90];
	v54 =	vtrunc.f32 v19;
	v13 =	vcvt.f32.s32 v13  }
0x35a: {  	[tilespmem:s18+$0x0] =	vst v2;
	v11 =	vld.idx.msk [tilespmem:v11+s3+$0x0], $0xffff;
	v2 =	vtrunc.f32 v4;
	v4 =	vcvt.f32.s32 v54  }
0x35b: {  	[tilespmem:s16+$0x10] =	vst v3;
	v12 =	vld.idx.msk [tilespmem:v12+s3+$0x0], $0xffff;
	v17 =	vtrunc.f32 v17;
	v3 =	vcvt.f32.s32 v14  }
0x35c: {  	[tilespmem:s18+$0xFFFFFFF0] =	vst v1;
	v1 =	vtrunc.f32 v18;
	v14 =	vcvt.f32.s32 v15;
	v15 =	vld [tilespmem:s21+$0xFFFFFFC0]  }
0x35d: {  	[tilespmem:s19+$0x30] =	vst v0;
	v10 =	vld.idx.msk [tilespmem:v10+s3+$0x0], $0xffff;
	v0 =	vcvt.f32.s32 v16;
	v57 =	vcvt.f32.s32 v17  }
0x35e: {  	v9 =	vld.idx.msk [tilespmem:v9+s3+$0x0], $0xffff;
	v1 =	vcvt.f32.s32 v1;
	v21 =	vcvt.f32.s32 v2  }
0x35f: {  	v2 =	vmul.f32 $1.000000000e+05, v55;
	v60 =	vtrunc.f32 v20;
	v13 =	vld.idx.msk [tilespmem:v13+s3+$0x0], $0xffff  }
0x360: {  	[tilespmem:s19+$0xFFFFFFE0] =	vst v7;
	v63 =	vtrunc.f32 v8;
	v22 =	vmul.f32 $1.000000000e+05, v5;
	v4 =	vld.idx.msk [tilespmem:v4+s3+$0x0], $0xffff  }
0x361: {  	[tilespmem:s19+$0xFFFFFFF0] =	vst v11;
	v7 =	vmul.f32 $1.000000000e+05, v15;
	v15 =	vcvt.f32.s32 v60;
	v62 =	vld.idx.msk [tilespmem:v3+s3+$0x0], $0xffff  }
0x362: {  	v61 =	vtrunc.f32 v2;
	v11 =	vmul.f32 $1.000000000e+05, v58;
	[tilespmem:s19+$0x0] =	vst v12;
	v3 =	vld.idx.msk [tilespmem:v14+s3+$0x0], $0xffff  }
0x363: {  	[tilespmem:s19+$0x10] =	vst v10;
	v10 =	vtrunc.f32 v22;
	v2 =	vld.idx.msk [tilespmem:v0+s3+$0x0], $0xffff;
	v0 =	vmul.f32 $1.000000000e+05, v6  }
0x364: {  	[tilespmem:s19+$0x20] =	vst v9;
	v5 =	vld.idx.msk [tilespmem:v57+s3+$0x0], $0xffff;
	v8 =	vtrunc.f32 v7;
	v7 =	vmul.f32 $1.000000000e+05, v59  }
0x365: {  	v12 =	vtrunc.f32 v11;
	v6 =	vld.idx.msk [tilespmem:v1+s3+$0x0], $0xffff;
	v1 =	vtrunc.f32 v0;
	[tilespmem:s12+$0x0] =	vst v13  }
0x366: {  	s18 =	smov.u32 s12;
	v9 =	vld.idx.msk [tilespmem:v21+s3+$0x0], $0xffff;
	v0 =	vcvt.f32.s32 v61;
	v11 =	vtrunc.f32 v7;
	[tilespmem:s12+$0xFFFFFF90] =	vst v4  }
0x367: {  	s16 =	smov.u32 s12;
	s21 =	sadd.s32 $0x400, s21;
	s19 =	simm.s32 $0x80;
	v7 =	vld.idx.msk [tilespmem:v15+s3+$0x0], $0xffff;
	v4 =	vcvt.f32.s32 v1;
	v1 =	vcvt.f32.s32 v63;
	[tilespmem:s12+$0xFFFFFFA0] =	vst v62  }
.LBB2_54:
0x368: {  	v13 =	vld [tilespmem:s21+$0x0];
	s19 =	sadd.s32 $0x80, s19;
	v14 =	vcvt.f32.s32 v8;
	v15 =	vcvt.f32.s32 v12;
	[tilespmem:s18+$0xFFFFFFB0] =	vst v3  }
0x369: {  	v16 =	vcvt.f32.s32 v10;
	v17 =	vcvt.f32.s32 v11;
	v3 =	vld [tilespmem:s21+$0xFFFFFFA0];
	p1 =	slt.u32 s19, $0x100;
	[tilespmem:s18+$0xFFFFFFC0] =	vst v2  }
0x36a: {  	v2 =	vld [tilespmem:s21+$0xFFFFFFB0];
	[tilespmem:s18+$0xFFFFFFD0] =	vst v5  }
0x36b: {  	s18 =	sadd.s32 $0x400, s18;
	v5 =	vld [tilespmem:s21+$0xFFFFFFC0];
	[tilespmem:s16+$0xFFFFFFE0] =	vst v6  }
0x36c: {  	v6 =	vld [tilespmem:s21+$0xFFFFFFD0];
	[tilespmem:s18+$0x0] =	vst v7  }
0x36d: {  	v7 =	vld [tilespmem:s21+$0xFFFFFFE0];
	v8 =	vmul.f32 $1.000000000e+05, v13;
	[tilespmem:s16+$0xFFFFFFF0] =	vst v9;
	s16 =	smov.u32 s18  }
0x36e: {  	v3 =	vmul.f32 $1.000000000e+05, v3;
	v9 =	vld [tilespmem:s21+$0xFFFFFFF0]  }
0x36f: {  	v10 =	vld [tilespmem:s21+$0xFFFFFF90];
	v2 =	vmul.f32 $1.000000000e+05, v2;
	v8 =	vtrunc.f32 v8  }
0x370: {  	v5 =	vmul.f32 $1.000000000e+05, v5;
	v13 =	vcvt.f32.s32 v8;
	v4 =	vld.idx.msk [tilespmem:v4+s3+$0x0], $0xffff  }
0x371: {  	v18 =	vtrunc.f32 v3;
	v6 =	vmul.f32 $1.000000000e+05, v6;
	v19 =	vld.idx.msk [tilespmem:v0+s3+$0x0], $0xffff  }
0x372: {  	v20 =	vtrunc.f32 v2;
	v0 =	vmul.f32 $1.000000000e+05, v7;
	v3 =	vld.idx.msk [tilespmem:v1+s3+$0x0], $0xffff  }
.Ltmp31:
0x373: {  	v8 =	vtrunc.f32 v5;
	v1 =	vmul.f32 $1.000000000e+05, v9;
	v2 =	vld.idx.msk [tilespmem:v14+s3+$0x0], $0xffff;
	(pc) =	sbr.rel @p1 .LBB2_54-.Ltmp31, $4  }
0x374: {  	v12 =	vtrunc.f32 v6;
	v7 =	vmul.f32 $1.000000000e+05, v10;
	v5 =	vld.idx.msk [tilespmem:v15+s3+$0x0], $0xffff  }
0x375: {  	v10 =	vtrunc.f32 v0;
	v11 =	vtrunc.f32 v1;
	v6 =	vld.idx.msk [tilespmem:v16+s3+$0x0], $0xffff  }
0x376: {  	v0 =	vcvt.f32.s32 v18;
	v1 =	vtrunc.f32 v7;
	v7 =	vld.idx.msk [tilespmem:v13+s3+$0x0], $0xffff;
	[tilespmem:s18+$0xFFFFFF90] =	vst v4  }
0x377: {  	s21 =	sadd.s32 $0x400, s21;
	v4 =	vcvt.f32.s32 v1;
	v1 =	vcvt.f32.s32 v20;
	[tilespmem:s18+$0xFFFFFFA0] =	vst v19;
	v9 =	vld.idx.msk [tilespmem:v17+s3+$0x0], $0xffff  }
0x378: {  	_ = 	snop  }
0x379: {  	v8 =	vcvt.f32.s32 v8  }
0x37a: {  	v12 =	vcvt.f32.s32 v12  }
0x37b: {  	[tilespmem:s18+$0xFFFFFFB0] =	vst v3;
	v58 =	vcvt.f32.s32 v10  }
0x37c: {  	v59 =	vcvt.f32.s32 v11;
	[tilespmem:s18+$0xFFFFFFC0] =	vst v2;
	v0 =	vld.idx.msk [tilespmem:v0+s3+$0x0], $0xffff  }
0x37d: {  	v60 =	vld.idx.msk [tilespmem:v4+s3+$0x0], $0xffff;
	[tilespmem:s18+$0xFFFFFFD0] =	vst v5  }
0x37e: {  	s19 =	sadd.s32 $0x400, s18;
	v1 =	vld.idx.msk [tilespmem:v1+s3+$0x0], $0xffff;
	[tilespmem:s16+$0xFFFFFFE0] =	vst v6  }
0x37f: {  	[tilespmem:s19+$0x0] =	vst v7;
	v61 =	vld.idx.msk [tilespmem:v8+s3+$0x0], $0xffff  }
0x380: {  	[tilespmem:s16+$0xFFFFFFF0] =	vst v9;
	v62 =	vld.idx.msk [tilespmem:v12+s3+$0x0], $0xffff  }
0x381: {  	[tilespmem:s19+$0xFFFFFFA0] =	vst v0;
	v3 =	vld.idx.msk [tilespmem:v58+s3+$0x0], $0xffff  }
0x382: {  	p1 =	slt.u32 s15, $0x6;
	[tilespmem:s19+$0xFFFFFF90] =	vst v60;
	v63 =	vld.idx.msk [tilespmem:v59+s3+$0x0], $0xffff  }
.Ltmp32:
0x383: {  	[tilespmem:s19+$0xFFFFFFB0] =	vst v1;
	(pc) =	sbr.rel @p1 .LBB2_51-.Ltmp32, $4  }
0x384: {  	[tilespmem:s19+$0xFFFFFFC0] =	vst v61  }
0x385: {  	[tilespmem:s19+$0xFFFFFFD0] =	vst v62  }
0x386: {  	s21 =	sadd.s32 $0x2, s15;
	s11 =	sadd.s32 $0x100, s11;
	s25 =	sadd.s32 $0x100, s25;
	[tilespmem:s19+$0xFFFFFFE0] =	vst v3  }
0x387: {  	s12 =	sadd.s32 $0x100, s12;
	s13 =	sadd.s32 $0x100, s13;
	s15 =	smov.u32 s21;
	[tilespmem:s19+$0xFFFFFFF0] =	vst v63  }
0x388: {  	p1 =	seq.s32 s6, $0x17  }
.Ltmp33:
0x389: {  	s11 =	rddreg [dreg:$0x10];
	(pc) =	sbr.rel @p1 .LBB2_58-.Ltmp33, $4  }
0x38a: {  	s5 =	sadd.s32 s11, s5  }
0x38b: {  	s5 =	sshrl.u32 s5, $0x3  }
0x38c: {  	s5 =	sadd.s32 s1, s5  }
0x38d: {  	[hbm4b:s5+s3] =	stream.linear.scatter [tilespmem:s24], [sflag:$0x4], $0xC00, $0x38;
	[tilespmem:$0x1FF00] =	vst v63  }
0x38e: {  	s5 =	sadd.s32 $0x18, s8  }
0x38f: {  	s5 =	sshrl.u32 s5, $0x3  }
0x390: {  	s5 =	smul.u32 $0x3000, s5  }
.Ltmp34:
0x391: {  	_ = 	snop;
	(pc) =	sbr.rel .LBB2_40-.Ltmp34, $4  }
0x392: {  	_ = 	snop  }
0x393: {  	s5 =	sshra.s32 s5, $0x2  }
0x394: {  	s6 =	sadd.s32 $0x1, s6;
	s5 =	sadd.s32 s5, s2  }
0x395: {  	[tilespmem:s10], [sflag:$0x2] =	stream.linear.gather [spmem:s5], $0xC00, $0x38;
	[tilespmem:$0x1FF00] =	vst v63  }
.LBB2_58:
0x396: {  	s5 =	simm.s32 $0x3  }
0x397: {  	_ =	swait.ge [sflag:s5], $0xC00  }
0x398: {  	[sflag:s5] =	ssyncset.done $0x0  }
0x399: {  	[sflag:s5] =	ssyncadd.s32 $0xFFFFF400  }
0x39a: {  	_ =	swait.ge [sflag:s23], $0xC00  }
0x39b: {  	[sflag:s23] =	ssyncset.done $0x0  }
0x39c: {  	[sflag:s23] =	ssyncadd.s32 $0xFFFFF400  }
0x39d: {  	s5 =	simm.s32 @!p0 $0x5;
	[bflag:$0x0] =	sbarrier.arrive @p0 $0xFFFF  }
0x39e: {  	_ =	swait.ge @!p0 [sflag:s5], $0x4800  }
0x39f: {  	[sflag:s5] =	ssyncset.done @!p0 $0x0  }
0x3a0: {  	[sflag:s5] =	ssyncadd.s32 @!p0 $0xFFFFB800  }
0x3a1: {  	[bflag:$0x0] =	sbarrier.arrive @!p0 $0xFFFF  }
0x3a2: {  	s6 =	rddreg [dreg:$0x11]  }
0x3a3: {  	s5 =	simm.s32 @!p0 $0x1C05;
	s8 =	rddreg [dreg:$0x1b]  }
0x3a4: {  	[spmem:s8], [sflag:s5] =	dma.local @!p0 [hbm:s6], $0x4800  }
0x3a5: {  	s5 =	rddreg [dreg:$0x7]  }
0x3a6: {  	[tilespmem:s7], [sflag:$0x1] =	stream.linear.gather [spmem:s5], $0xC00, $0x38;
	[tilespmem:$0x1FF00] =	vst v63  }
0x3a7: {  	s6 =	simm.s32 $0x0;
	s25 =	rddreg [dreg:$0xb]  }
0x3a8: {  	[tilespmem:s10], [sflag:$0x2] =	stream.linear.gather [spmem:s25], $0xC00, $0x38;
	[tilespmem:$0x1FF00] =	vst v63  }
.LBB2_59:
0x3a9: {  	_ =	swait.ge [sflag:s14], $0xC00  }
0x3aa: {  	p1 =	seq.s32 s6, $0x0;
	[sflag:s14] =	ssyncset.done $0x0  }
0x3ab: {  	s5 =	simm.s32 @!p1 $0x3;
	[sflag:s14] =	ssyncadd.s32 $0xFFFFF400  }
0x3ac: {  	s8 =	sshll.u32 s6, $0x4;
	s11 =	simm.s32 $0x18740;
	_ =	swait.ge @!p1 [sflag:s5], $0xC00  }
0x3ad: {  	s25 =	simm.s32 $0x19FF0;
	s12 =	simm.s32 $0x187F0;
	[sflag:s5] =	ssyncset.done @!p1 $0x0  }
0x3ae: {  	s13 =	simm.s32 $0x0;
	[sflag:s5] =	ssyncadd.s32 @!p1 $0xFFFFF400;
	s5 =	simm.s32 $0x19F40  }
.LBB2_60:
0x3af: {  	v0 =	vld [tilespmem:s11+$0x30]  }
0x3b0: {  	v1 =	vld [tilespmem:s11+$0xFFFFFFD0]  }
0x3b1: {  	v2 =	vld [tilespmem:s11+$0xFFFFFFE0]  }
0x3b2: {  	v3 =	vld [tilespmem:s11+$0xFFFFFFF0]  }
0x3b3: {  	v4 =	vld [tilespmem:s11+$0x0]  }
0x3b4: {  	v5 =	vld [tilespmem:s11+$0x10]  }
0x3b5: {  	v6 =	vld [tilespmem:s11+$0xFFFFFFC0]  }
0x3b6: {  	v7 =	vld [tilespmem:s11+$0x20];
	s15 =	sadd.s32 $0x400, s11  }
0x3b7: {  	v8 =	vld [tilespmem:s15+$0x30]  }
0x3b8: {  	v10 =	vld [tilespmem:s15+$0xFFFFFFE0]  }
0x3b9: {  	v0 =	vmul.f32 $1.000000000e+05, v0;
	v1 =	vmul.f32 $1.000000000e+05, v1  }
0x3ba: {  	v2 =	vmul.f32 $1.000000000e+05, v2;
	v3 =	vmul.f32 $1.000000000e+05, v3  }
0x3bb: {  	v4 =	vmul.f32 $1.000000000e+05, v4;
	v5 =	vmul.f32 $1.000000000e+05, v5  }
0x3bc: {  	v6 =	vmul.f32 $1.000000000e+05, v6;
	v7 =	vmul.f32 $1.000000000e+05, v7  }
0x3bd: {  	v8 =	vmul.f32 $1.000000000e+05, v8;
	v10 =	vmul.f32 $1.000000000e+05, v10  }
0x3be: {  	v0 =	vtrunc.f32 v0;
	v1 =	vtrunc.f32 v1  }
0x3bf: {  	v2 =	vtrunc.f32 v2;
	v3 =	vtrunc.f32 v3  }
0x3c0: {  	v9 =	vld [tilespmem:s15+$0xFFFFFFD0];
	v6 =	vtrunc.f32 v6;
	v0 =	vcvt.f32.s32 v0  }
0x3c1: {  	v11 =	vld [tilespmem:s15+$0xFFFFFFF0];
	v4 =	vtrunc.f32 v4;
	v6 =	vcvt.f32.s32 v6  }
0x3c2: {  	v12 =	vld [tilespmem:s15+$0x10];
	v5 =	vtrunc.f32 v5;
	v1 =	vcvt.f32.s32 v1  }
0x3c3: {  	v15 =	vld [tilespmem:s15+$0xFFFFFFC0];
	v7 =	vtrunc.f32 v7;
	v2 =	vcvt.f32.s32 v2  }
0x3c4: {  	v3 =	vcvt.f32.s32 v3;
	v13 =	vcvt.f32.s32 v4;
	v4 =	vld [tilespmem:s15+$0x0]  }
0x3c5: {  	v14 =	vcvt.f32.s32 v7;
	v7 =	vmul.f32 $1.000000000e+05, v9;
	v9 =	vld [tilespmem:s15+$0x20]  }
0x3c6: {  	v5 =	vcvt.f32.s32 v5;
	v8 =	vtrunc.f32 v8;
	v0 =	vld.idx.msk [tilespmem:v0+s3+$0x0], $0xffff  }
0x3c7: {  	v11 =	vmul.f32 $1.000000000e+05, v11;
	v8 =	vcvt.f32.s32 v8;
	v16 =	vld.idx.msk [tilespmem:v6+s3+$0x0], $0xffff  }
0x3c8: {  	v18 =	vtrunc.f32 v10;
	v10 =	vmul.f32 $1.000000000e+05, v12;
	v17 =	vld.idx.msk [tilespmem:v1+s3+$0x0], $0xffff  }
0x3c9: {  	v6 =	vtrunc.f32 v7;
	v7 =	vmul.f32 $1.000000000e+05, v4;
	v4 =	vld.idx.msk [tilespmem:v2+s3+$0x0], $0xffff  }
0x3ca: {  	v15 =	vmul.f32 $1.000000000e+05, v15;
	v9 =	vmul.f32 $1.000000000e+05, v9;
	v1 =	vld.idx.msk [tilespmem:v3+s3+$0x0], $0xffff  }
0x3cb: {  	v11 =	vtrunc.f32 v11;
	v10 =	vtrunc.f32 v10;
	v2 =	vld.idx.msk [tilespmem:v13+s3+$0x0], $0xffff  }
0x3cc: {  	v3 =	vld.idx.msk [tilespmem:v5+s3+$0x0], $0xffff;
	v5 =	vtrunc.f32 v15;
	v9 =	vtrunc.f32 v9;
	[tilespmem:s5+$0x30] =	vst v0  }
0x3cd: {  	s18 =	simm.s32 $0x80;
	v6 =	vcvt.f32.s32 v6;
	v12 =	vtrunc.f32 v7;
	v0 =	vld.idx.msk [tilespmem:v8+s3+$0x0], $0xffff;
	[tilespmem:s5+$0xFFFFFFC0] =	vst v16  }
0x3ce: {  	s16 =	smov.u32 s5;
	s19 =	sadd.s32 $0x400, s15;
	s15 =	smov.u32 s5;
	v7 =	vcvt.f32.s32 v18;
	v8 =	vcvt.f32.s32 v5;
	[tilespmem:s5+$0xFFFFFFD0] =	vst v17;
	v5 =	vld.idx.msk [tilespmem:v14+s3+$0x0], $0xffff  }
.LBB2_61:
0x3cf: {  	v13 =	vld [tilespmem:s19+$0x30];
	s18 =	sadd.s32 $0x80, s18;
	v14 =	vcvt.f32.s32 v11;
	v15 =	vcvt.f32.s32 v12;
	[tilespmem:s16+$0xFFFFFFE0] =	vst v4  }
0x3d0: {  	v16 =	vcvt.f32.s32 v10;
	v17 =	vcvt.f32.s32 v9;
	v4 =	vld [tilespmem:s19+$0xFFFFFFD0];
	p2 =	slt.u32 s18, $0x100;
	[tilespmem:s16+$0xFFFFFFF0] =	vst v1  }
0x3d1: {  	v1 =	vld [tilespmem:s19+$0xFFFFFFE0];
	[tilespmem:s16+$0x0] =	vst v2  }
0x3d2: {  	s16 =	sadd.s32 $0x400, s16;
	v2 =	vld [tilespmem:s19+$0xFFFFFFF0];
	[tilespmem:s15+$0x10] =	vst v3  }
0x3d3: {  	v3 =	vld [tilespmem:s19+$0x0];
	[tilespmem:s16+$0x30] =	vst v0  }
0x3d4: {  	v0 =	vld [tilespmem:s19+$0x10];
	v9 =	vmul.f32 $1.000000000e+05, v13;
	[tilespmem:s15+$0x20] =	vst v5;
	s15 =	smov.u32 s16  }
0x3d5: {  	v4 =	vmul.f32 $1.000000000e+05, v4;
	v5 =	vld [tilespmem:s19+$0x20]  }
0x3d6: {  	v10 =	vld [tilespmem:s19+$0xFFFFFFC0];
	v1 =	vmul.f32 $1.000000000e+05, v1;
	v9 =	vtrunc.f32 v9  }
0x3d7: {  	v2 =	vmul.f32 $1.000000000e+05, v2;
	v13 =	vcvt.f32.s32 v9;
	v8 =	vld.idx.msk [tilespmem:v8+s3+$0x0], $0xffff  }
0x3d8: {  	v18 =	vtrunc.f32 v4;
	v3 =	vmul.f32 $1.000000000e+05, v3;
	v19 =	vld.idx.msk [tilespmem:v6+s3+$0x0], $0xffff  }
0x3d9: {  	v20 =	vtrunc.f32 v1;
	v0 =	vmul.f32 $1.000000000e+05, v0;
	v4 =	vld.idx.msk [tilespmem:v7+s3+$0x0], $0xffff  }
.Ltmp35:
0x3da: {  	v11 =	vtrunc.f32 v2;
	v5 =	vmul.f32 $1.000000000e+05, v5;
	v1 =	vld.idx.msk [tilespmem:v14+s3+$0x0], $0xffff;
	(pc) =	sbr.rel @p2 .LBB2_61-.Ltmp35, $4  }
0x3db: {  	v12 =	vtrunc.f32 v3;
	v6 =	vmul.f32 $1.000000000e+05, v10;
	v2 =	vld.idx.msk [tilespmem:v15+s3+$0x0], $0xffff  }
0x3dc: {  	v10 =	vtrunc.f32 v0;
	v9 =	vtrunc.f32 v5;
	v3 =	vld.idx.msk [tilespmem:v16+s3+$0x0], $0xffff  }
0x3dd: {  	v5 =	vtrunc.f32 v6;
	v6 =	vcvt.f32.s32 v18;
	v0 =	vld.idx.msk [tilespmem:v13+s3+$0x0], $0xffff;
	[tilespmem:s16+$0xFFFFFFC0] =	vst v8  }
0x3de: {  	s19 =	sadd.s32 $0x400, s19;
	v7 =	vcvt.f32.s32 v20;
	v8 =	vcvt.f32.s32 v5;
	[tilespmem:s16+$0xFFFFFFD0] =	vst v19;
	v5 =	vld.idx.msk [tilespmem:v17+s3+$0x0], $0xffff  }
0x3df: {  	v13 =	vld [tilespmem:s12+$0x0]  }
0x3e0: {  	v14 =	vld [tilespmem:s12+$0xFFFFFFA0]  }
0x3e1: {  	v15 =	vld [tilespmem:s12+$0xFFFFFFB0]  }
0x3e2: {  	v16 =	vld [tilespmem:s12+$0xFFFFFFC0]  }
0x3e3: {  	v17 =	vld [tilespmem:s12+$0xFFFFFFD0]  }
0x3e4: {  	v18 =	vld [tilespmem:s12+$0xFFFFFFE0]  }
0x3e5: {  	v19 =	vld [tilespmem:s12+$0xFFFFFF90]  }
0x3e6: {  	v20 =	vld [tilespmem:s12+$0xFFFFFFF0]  }
0x3e7: {  	s19 =	sadd.s32 $0x400, s12;
	v8 =	vld.idx.msk [tilespmem:v8+s3+$0x0], $0xffff  }
0x3e8: {  	v11 =	vcvt.f32.s32 v11;
	v12 =	vcvt.f32.s32 v12;
	v53 =	vld [tilespmem:s19+$0x0]  }
0x3e9: {  	v10 =	vcvt.f32.s32 v10;
	v9 =	vcvt.f32.s32 v9;
	v56 =	vld [tilespmem:s19+$0xFFFFFFB0]  }
0x3ea: {  	v13 =	vmul.f32 $1.000000000e+05, v13;
	v14 =	vmul.f32 $1.000000000e+05, v14  }
0x3eb: {  	v6 =	vld.idx.msk [tilespmem:v6+s3+$0x0], $0xffff;
	v15 =	vmul.f32 $1.000000000e+05, v15;
	v16 =	vmul.f32 $1.000000000e+05, v16  }
0x3ec: {  	v7 =	vld.idx.msk [tilespmem:v7+s3+$0x0], $0xffff;
	v17 =	vmul.f32 $1.000000000e+05, v17;
	v18 =	vmul.f32 $1.000000000e+05, v18  }
0x3ed: {  	[tilespmem:s16+$0xFFFFFFE0] =	vst v4;
	s21 =	sadd.s32 $0x400, s16;
	v55 =	vld [tilespmem:s19+$0xFFFFFFA0];
	v19 =	vmul.f32 $1.000000000e+05, v19;
	v4 =	vmul.f32 $1.000000000e+05, v20  }
0x3ee: {  	v58 =	vld [tilespmem:s19+$0xFFFFFFD0];
	v20 =	vmul.f32 $1.000000000e+05, v53;
	[tilespmem:s21+$0xFFFFFFC0] =	vst v8;
	v8 =	vmul.f32 $1.000000000e+05, v56  }
0x3ef: {  	v59 =	vld [tilespmem:s19+$0xFFFFFFF0];
	v13 =	vtrunc.f32 v13;
	v14 =	vtrunc.f32 v14  }
0x3f0: {  	[tilespmem:s15+$0x20] =	vst v5;
	v5 =	vld [tilespmem:s19+$0xFFFFFFE0];
	v15 =	vtrunc.f32 v15;
	v16 =	vtrunc.f32 v16  }
0x3f1: {  	[tilespmem:s21+$0xFFFFFFD0] =	vst v6;
	v6 =	vld [tilespmem:s19+$0xFFFFFF90];
	v54 =	vtrunc.f32 v19;
	v13 =	vcvt.f32.s32 v13  }
0x3f2: {  	[tilespmem:s16+$0x0] =	vst v2;
	v11 =	vld.idx.msk [tilespmem:v11+s3+$0x0], $0xffff;
	v2 =	vtrunc.f32 v4;
	v4 =	vcvt.f32.s32 v54  }
0x3f3: {  	[tilespmem:s15+$0x10] =	vst v3;
	v12 =	vld.idx.msk [tilespmem:v12+s3+$0x0], $0xffff;
	v17 =	vtrunc.f32 v17;
	v3 =	vcvt.f32.s32 v14  }
0x3f4: {  	[tilespmem:s16+$0xFFFFFFF0] =	vst v1;
	v1 =	vtrunc.f32 v18;
	v14 =	vcvt.f32.s32 v15;
	v15 =	vld [tilespmem:s19+$0xFFFFFFC0]  }
0x3f5: {  	[tilespmem:s21+$0x30] =	vst v0;
	v10 =	vld.idx.msk [tilespmem:v10+s3+$0x0], $0xffff;
	v0 =	vcvt.f32.s32 v16;
	v57 =	vcvt.f32.s32 v17  }
0x3f6: {  	v9 =	vld.idx.msk [tilespmem:v9+s3+$0x0], $0xffff;
	v1 =	vcvt.f32.s32 v1;
	v21 =	vcvt.f32.s32 v2  }
0x3f7: {  	v2 =	vmul.f32 $1.000000000e+05, v55;
	v60 =	vtrunc.f32 v20;
	v13 =	vld.idx.msk [tilespmem:v13+s3+$0x0], $0xffff  }
0x3f8: {  	[tilespmem:s21+$0xFFFFFFE0] =	vst v7;
	v63 =	vtrunc.f32 v8;
	v22 =	vmul.f32 $1.000000000e+05, v5;
	v4 =	vld.idx.msk [tilespmem:v4+s3+$0x0], $0xffff  }
0x3f9: {  	[tilespmem:s21+$0xFFFFFFF0] =	vst v11;
	v7 =	vmul.f32 $1.000000000e+05, v15;
	v15 =	vcvt.f32.s32 v60;
	v62 =	vld.idx.msk [tilespmem:v3+s3+$0x0], $0xffff  }
0x3fa: {  	v61 =	vtrunc.f32 v2;
	v11 =	vmul.f32 $1.000000000e+05, v58;
	[tilespmem:s21+$0x0] =	vst v12;
	v3 =	vld.idx.msk [tilespmem:v14+s3+$0x0], $0xffff  }
0x3fb: {  	[tilespmem:s21+$0x10] =	vst v10;
	v10 =	vtrunc.f32 v22;
	v2 =	vld.idx.msk [tilespmem:v0+s3+$0x0], $0xffff;
	v0 =	vmul.f32 $1.000000000e+05, v6  }
0x3fc: {  	[tilespmem:s21+$0x20] =	vst v9;
	v5 =	vld.idx.msk [tilespmem:v57+s3+$0x0], $0xffff;
	v8 =	vtrunc.f32 v7;
	v7 =	vmul.f32 $1.000000000e+05, v59  }
0x3fd: {  	v12 =	vtrunc.f32 v11;
	v6 =	vld.idx.msk [tilespmem:v1+s3+$0x0], $0xffff;
	v1 =	vtrunc.f32 v0;
	[tilespmem:s25+$0x0] =	vst v13  }
0x3fe: {  	s18 =	simm.s32 $0x80;
	v9 =	vld.idx.msk [tilespmem:v21+s3+$0x0], $0xffff;
	v0 =	vcvt.f32.s32 v61;
	v11 =	vtrunc.f32 v7;
	[tilespmem:s25+$0xFFFFFF90] =	vst v4  }
0x3ff: {  	s16 =	smov.u32 s25;
	s15 =	smov.u32 s25;
	s19 =	sadd.s32 $0x400, s19;
	v7 =	vld.idx.msk [tilespmem:v15+s3+$0x0], $0xffff;
	v4 =	vcvt.f32.s32 v1;
	v1 =	vcvt.f32.s32 v63;
	[tilespmem:s25+$0xFFFFFFA0] =	vst v62  }
.LBB2_63:
0x400: {  	v13 =	vld [tilespmem:s19+$0x0];
	s18 =	sadd.s32 $0x80, s18;
	v14 =	vcvt.f32.s32 v8;
	v15 =	vcvt.f32.s32 v12;
	[tilespmem:s16+$0xFFFFFFB0] =	vst v3  }
0x401: {  	v16 =	vcvt.f32.s32 v10;
	v17 =	vcvt.f32.s32 v11;
	v3 =	vld [tilespmem:s19+$0xFFFFFFA0];
	p2 =	slt.u32 s18, $0x100;
	[tilespmem:s16+$0xFFFFFFC0] =	vst v2  }
0x402: {  	v2 =	vld [tilespmem:s19+$0xFFFFFFB0];
	[tilespmem:s16+$0xFFFFFFD0] =	vst v5  }
0x403: {  	s16 =	sadd.s32 $0x400, s16;
	v5 =	vld [tilespmem:s19+$0xFFFFFFC0];
	[tilespmem:s15+$0xFFFFFFE0] =	vst v6  }
0x404: {  	v6 =	vld [tilespmem:s19+$0xFFFFFFD0];
	[tilespmem:s16+$0x0] =	vst v7  }
0x405: {  	v7 =	vld [tilespmem:s19+$0xFFFFFFE0];
	v8 =	vmul.f32 $1.000000000e+05, v13;
	[tilespmem:s15+$0xFFFFFFF0] =	vst v9;
	s15 =	smov.u32 s16  }
0x406: {  	v3 =	vmul.f32 $1.000000000e+05, v3;
	v9 =	vld [tilespmem:s19+$0xFFFFFFF0]  }
0x407: {  	v10 =	vld [tilespmem:s19+$0xFFFFFF90];
	v2 =	vmul.f32 $1.000000000e+05, v2;
	v8 =	vtrunc.f32 v8  }
0x408: {  	v5 =	vmul.f32 $1.000000000e+05, v5;
	v13 =	vcvt.f32.s32 v8;
	v4 =	vld.idx.msk [tilespmem:v4+s3+$0x0], $0xffff  }
0x409: {  	v18 =	vtrunc.f32 v3;
	v6 =	vmul.f32 $1.000000000e+05, v6;
	v19 =	vld.idx.msk [tilespmem:v0+s3+$0x0], $0xffff  }
0x40a: {  	v20 =	vtrunc.f32 v2;
	v0 =	vmul.f32 $1.000000000e+05, v7;
	v3 =	vld.idx.msk [tilespmem:v1+s3+$0x0], $0xffff  }
.Ltmp36:
0x40b: {  	v8 =	vtrunc.f32 v5;
	v1 =	vmul.f32 $1.000000000e+05, v9;
	v2 =	vld.idx.msk [tilespmem:v14+s3+$0x0], $0xffff;
	(pc) =	sbr.rel @p2 .LBB2_63-.Ltmp36, $4  }
0x40c: {  	v12 =	vtrunc.f32 v6;
	v7 =	vmul.f32 $1.000000000e+05, v10;
	v5 =	vld.idx.msk [tilespmem:v15+s3+$0x0], $0xffff  }
0x40d: {  	v10 =	vtrunc.f32 v0;
	v11 =	vtrunc.f32 v1;
	v6 =	vld.idx.msk [tilespmem:v16+s3+$0x0], $0xffff  }
0x40e: {  	v0 =	vcvt.f32.s32 v18;
	v1 =	vtrunc.f32 v7;
	v7 =	vld.idx.msk [tilespmem:v13+s3+$0x0], $0xffff;
	[tilespmem:s16+$0xFFFFFF90] =	vst v4  }
0x40f: {  	s19 =	sadd.s32 $0x400, s19;
	v4 =	vcvt.f32.s32 v1;
	v1 =	vcvt.f32.s32 v20;
	[tilespmem:s16+$0xFFFFFFA0] =	vst v19;
	v9 =	vld.idx.msk [tilespmem:v17+s3+$0x0], $0xffff  }
0x410: {  	_ = 	snop  }
0x411: {  	v8 =	vcvt.f32.s32 v8  }
0x412: {  	v12 =	vcvt.f32.s32 v12  }
0x413: {  	[tilespmem:s16+$0xFFFFFFB0] =	vst v3;
	v58 =	vcvt.f32.s32 v10  }
0x414: {  	v59 =	vcvt.f32.s32 v11;
	[tilespmem:s16+$0xFFFFFFC0] =	vst v2;
	v0 =	vld.idx.msk [tilespmem:v0+s3+$0x0], $0xffff  }
0x415: {  	v60 =	vld.idx.msk [tilespmem:v4+s3+$0x0], $0xffff;
	[tilespmem:s16+$0xFFFFFFD0] =	vst v5  }
0x416: {  	s19 =	sadd.s32 $0x400, s16;
	v1 =	vld.idx.msk [tilespmem:v1+s3+$0x0], $0xffff;
	[tilespmem:s15+$0xFFFFFFE0] =	vst v6  }
0x417: {  	[tilespmem:s19+$0x0] =	vst v7;
	v61 =	vld.idx.msk [tilespmem:v8+s3+$0x0], $0xffff  }
0x418: {  	[tilespmem:s15+$0xFFFFFFF0] =	vst v9;
	v62 =	vld.idx.msk [tilespmem:v12+s3+$0x0], $0xffff  }
0x419: {  	[tilespmem:s19+$0xFFFFFFA0] =	vst v0;
	v3 =	vld.idx.msk [tilespmem:v58+s3+$0x0], $0xffff  }
0x41a: {  	p2 =	slt.u32 s13, $0x6;
	[tilespmem:s19+$0xFFFFFF90] =	vst v60;
	v63 =	vld.idx.msk [tilespmem:v59+s3+$0x0], $0xffff  }
.Ltmp37:
0x41b: {  	[tilespmem:s19+$0xFFFFFFB0] =	vst v1;
	(pc) =	sbr.rel @p2 .LBB2_60-.Ltmp37, $4  }
0x41c: {  	[tilespmem:s19+$0xFFFFFFC0] =	vst v61  }
0x41d: {  	[tilespmem:s19+$0xFFFFFFD0] =	vst v62  }
0x41e: {  	s21 =	sadd.s32 $0x2, s13;
	s5 =	sadd.s32 $0x100, s5;
	s11 =	sadd.s32 $0x100, s11;
	[tilespmem:s19+$0xFFFFFFE0] =	vst v3  }
0x41f: {  	s25 =	sadd.s32 $0x100, s25;
	s12 =	sadd.s32 $0x100, s12;
	s13 =	smov.u32 s21;
	[tilespmem:s19+$0xFFFFFFF0] =	vst v63  }
0x420: {  	s5 =	smul.u32 $0x1800, s6;
	p2 =	sne.s32 s6, $0x17  }
.Ltmp38:
0x421: {  	s11 =	rddreg [dreg:$0x12];
	(pc) =	sbr.rel @p2 .LBB2_67-.Ltmp38, $4  }
0x422: {  	s11 =	sadd.s32 s11, s5  }
0x423: {  	s11 =	sshrl.u32 s11, $0x3  }
0x424: {  	s11 =	sadd.s32 s1, s11  }
0x425: {  	[hbm4b:s11+s3] =	stream.linear.scatter [tilespmem:s17], [sflag:$0x3], $0xC00, $0x38;
	[tilespmem:$0x1FF00] =	vst v63  }
.Ltmp39:
0x426: {  	(pc) =	sbr.rel .LBB2_68-.Ltmp39, $4  }
0x427: {  	_ = 	snop  }
0x428: {  	_ =	swait.ge [sflag:s20], $0xC00  }
0x429: {  	[sflag:s20] =	ssyncset.done $0x0  }
0x42a: {  	[sflag:s20] =	ssyncadd.s32 $0xFFFFF400  }
.LBB2_67:
0x42b: {  	s11 =	sshrl.u32 s8, $0x3  }
0x42c: {  	s11 =	smul.u32 $0x3000, s11;
	_ =	sdelay $0x1  }
0x42d: {  	s11 =	sadd.s32 $0x6000, s11  }
0x42e: {  	s11 =	sshra.s32 s11, $0x2  }
0x42f: {  	s11 =	sadd.s32 s11, s2  }
.Ltmp40:
0x430: {  	s11 =	sadd.s32 $0x24000, s11;
	(pc) =	sbr.rel @p1 .LBB2_69-.Ltmp40, $4  }
0x431: {  	[tilespmem:s7], [sflag:$0x1] =	stream.linear.gather [spmem:s11], $0xC00, $0x38;
	[tilespmem:$0x1FF00] =	vst v63  }
0x432: {  	_ =	swait.ge [sflag:s20], $0xC00  }
0x433: {  	[sflag:s20] =	ssyncset.done $0x0  }
0x434: {  	[sflag:s20] =	ssyncadd.s32 $0xFFFFF400  }
.LBB2_68:
0x435: {  	_ =	swait.ge [sflag:s23], $0xC00  }
0x436: {  	[sflag:s23] =	ssyncset.done $0x0  }
0x437: {  	[sflag:s23] =	ssyncadd.s32 $0xFFFFF400  }
.LBB2_69:
0x438: {  	s15 =	simm.s32 $0x0;
	s11 =	simm.s32 $0x1AB40  }
0x439: {  	s25 =	simm.s32 $0x19340;
	s12 =	simm.s32 $0x1ABF0;
	s13 =	simm.s32 $0x193F0  }
.LBB2_70:
0x43a: {  	v0 =	vld [tilespmem:s25+$0x30]  }
0x43b: {  	v1 =	vld [tilespmem:s25+$0xFFFFFFD0]  }
0x43c: {  	v2 =	vld [tilespmem:s25+$0xFFFFFFE0]  }
0x43d: {  	v3 =	vld [tilespmem:s25+$0xFFFFFFF0]  }
0x43e: {  	v4 =	vld [tilespmem:s25+$0x0]  }
0x43f: {  	v5 =	vld [tilespmem:s25+$0x10]  }
0x440: {  	v6 =	vld [tilespmem:s25+$0xFFFFFFC0]  }
0x441: {  	v7 =	vld [tilespmem:s25+$0x20];
	s16 =	sadd.s32 $0x400, s25  }
0x442: {  	v8 =	vld [tilespmem:s16+$0x30]  }
0x443: {  	v10 =	vld [tilespmem:s16+$0xFFFFFFE0]  }
0x444: {  	v0 =	vmul.f32 $1.000000000e+05, v0;
	v1 =	vmul.f32 $1.000000000e+05, v1  }
0x445: {  	v2 =	vmul.f32 $1.000000000e+05, v2;
	v3 =	vmul.f32 $1.000000000e+05, v3  }
0x446: {  	v4 =	vmul.f32 $1.000000000e+05, v4;
	v5 =	vmul.f32 $1.000000000e+05, v5  }
0x447: {  	v6 =	vmul.f32 $1.000000000e+05, v6;
	v7 =	vmul.f32 $1.000000000e+05, v7  }
0x448: {  	v8 =	vmul.f32 $1.000000000e+05, v8;
	v10 =	vmul.f32 $1.000000000e+05, v10  }
0x449: {  	v0 =	vtrunc.f32 v0;
	v1 =	vtrunc.f32 v1  }
0x44a: {  	v2 =	vtrunc.f32 v2;
	v3 =	vtrunc.f32 v3  }
0x44b: {  	v9 =	vld [tilespmem:s16+$0xFFFFFFD0];
	v6 =	vtrunc.f32 v6;
	v0 =	vcvt.f32.s32 v0  }
0x44c: {  	v11 =	vld [tilespmem:s16+$0xFFFFFFF0];
	v4 =	vtrunc.f32 v4;
	v6 =	vcvt.f32.s32 v6  }
0x44d: {  	v12 =	vld [tilespmem:s16+$0x10];
	v5 =	vtrunc.f32 v5;
	v1 =	vcvt.f32.s32 v1  }
0x44e: {  	v15 =	vld [tilespmem:s16+$0xFFFFFFC0];
	v7 =	vtrunc.f32 v7;
	v2 =	vcvt.f32.s32 v2  }
0x44f: {  	v3 =	vcvt.f32.s32 v3;
	v13 =	vcvt.f32.s32 v4;
	v4 =	vld [tilespmem:s16+$0x0]  }
0x450: {  	v14 =	vcvt.f32.s32 v7;
	v7 =	vmul.f32 $1.000000000e+05, v9;
	v9 =	vld [tilespmem:s16+$0x20]  }
0x451: {  	v5 =	vcvt.f32.s32 v5;
	v8 =	vtrunc.f32 v8;
	v0 =	vld.idx.msk [tilespmem:v0+s3+$0x0], $0xffff  }
0x452: {  	v11 =	vmul.f32 $1.000000000e+05, v11;
	v8 =	vcvt.f32.s32 v8;
	v16 =	vld.idx.msk [tilespmem:v6+s3+$0x0], $0xffff  }
0x453: {  	v18 =	vtrunc.f32 v10;
	v10 =	vmul.f32 $1.000000000e+05, v12;
	v17 =	vld.idx.msk [tilespmem:v1+s3+$0x0], $0xffff  }
0x454: {  	v6 =	vtrunc.f32 v7;
	v7 =	vmul.f32 $1.000000000e+05, v4;
	v4 =	vld.idx.msk [tilespmem:v2+s3+$0x0], $0xffff  }
0x455: {  	v15 =	vmul.f32 $1.000000000e+05, v15;
	v9 =	vmul.f32 $1.000000000e+05, v9;
	v1 =	vld.idx.msk [tilespmem:v3+s3+$0x0], $0xffff  }
0x456: {  	v11 =	vtrunc.f32 v11;
	v10 =	vtrunc.f32 v10;
	v2 =	vld.idx.msk [tilespmem:v13+s3+$0x0], $0xffff  }
0x457: {  	v3 =	vld.idx.msk [tilespmem:v5+s3+$0x0], $0xffff;
	v5 =	vtrunc.f32 v15;
	v9 =	vtrunc.f32 v9;
	[tilespmem:s11+$0x30] =	vst v0  }
0x458: {  	s19 =	simm.s32 $0x80;
	v6 =	vcvt.f32.s32 v6;
	v12 =	vtrunc.f32 v7;
	v0 =	vld.idx.msk [tilespmem:v8+s3+$0x0], $0xffff;
	[tilespmem:s11+$0xFFFFFFC0] =	vst v16  }
0x459: {  	s18 =	smov.u32 s11;
	s21 =	sadd.s32 $0x400, s16;
	s16 =	smov.u32 s11;
	v7 =	vcvt.f32.s32 v18;
	v8 =	vcvt.f32.s32 v5;
	[tilespmem:s11+$0xFFFFFFD0] =	vst v17;
	v5 =	vld.idx.msk [tilespmem:v14+s3+$0x0], $0xffff  }
.LBB2_71:
0x45a: {  	v13 =	vld [tilespmem:s21+$0x30];
	s19 =	sadd.s32 $0x80, s19;
	v14 =	vcvt.f32.s32 v11;
	v15 =	vcvt.f32.s32 v12;
	[tilespmem:s18+$0xFFFFFFE0] =	vst v4  }
0x45b: {  	v16 =	vcvt.f32.s32 v10;
	v17 =	vcvt.f32.s32 v9;
	v4 =	vld [tilespmem:s21+$0xFFFFFFD0];
	p1 =	slt.u32 s19, $0x100;
	[tilespmem:s18+$0xFFFFFFF0] =	vst v1  }
0x45c: {  	v1 =	vld [tilespmem:s21+$0xFFFFFFE0];
	[tilespmem:s18+$0x0] =	vst v2  }
0x45d: {  	s18 =	sadd.s32 $0x400, s18;
	v2 =	vld [tilespmem:s21+$0xFFFFFFF0];
	[tilespmem:s16+$0x10] =	vst v3  }
0x45e: {  	v3 =	vld [tilespmem:s21+$0x0];
	[tilespmem:s18+$0x30] =	vst v0  }
0x45f: {  	v0 =	vld [tilespmem:s21+$0x10];
	v9 =	vmul.f32 $1.000000000e+05, v13;
	[tilespmem:s16+$0x20] =	vst v5;
	s16 =	smov.u32 s18  }
0x460: {  	v4 =	vmul.f32 $1.000000000e+05, v4;
	v5 =	vld [tilespmem:s21+$0x20]  }
0x461: {  	v10 =	vld [tilespmem:s21+$0xFFFFFFC0];
	v1 =	vmul.f32 $1.000000000e+05, v1;
	v9 =	vtrunc.f32 v9  }
0x462: {  	v2 =	vmul.f32 $1.000000000e+05, v2;
	v13 =	vcvt.f32.s32 v9;
	v8 =	vld.idx.msk [tilespmem:v8+s3+$0x0], $0xffff  }
0x463: {  	v18 =	vtrunc.f32 v4;
	v3 =	vmul.f32 $1.000000000e+05, v3;
	v19 =	vld.idx.msk [tilespmem:v6+s3+$0x0], $0xffff  }
0x464: {  	v20 =	vtrunc.f32 v1;
	v0 =	vmul.f32 $1.000000000e+05, v0;
	v4 =	vld.idx.msk [tilespmem:v7+s3+$0x0], $0xffff  }
.Ltmp41:
0x465: {  	v11 =	vtrunc.f32 v2;
	v5 =	vmul.f32 $1.000000000e+05, v5;
	v1 =	vld.idx.msk [tilespmem:v14+s3+$0x0], $0xffff;
	(pc) =	sbr.rel @p1 .LBB2_71-.Ltmp41, $4  }
0x466: {  	v12 =	vtrunc.f32 v3;
	v6 =	vmul.f32 $1.000000000e+05, v10;
	v2 =	vld.idx.msk [tilespmem:v15+s3+$0x0], $0xffff  }
0x467: {  	v10 =	vtrunc.f32 v0;
	v9 =	vtrunc.f32 v5;
	v3 =	vld.idx.msk [tilespmem:v16+s3+$0x0], $0xffff  }
0x468: {  	v5 =	vtrunc.f32 v6;
	v6 =	vcvt.f32.s32 v18;
	v0 =	vld.idx.msk [tilespmem:v13+s3+$0x0], $0xffff;
	[tilespmem:s18+$0xFFFFFFC0] =	vst v8  }
0x469: {  	s21 =	sadd.s32 $0x400, s21;
	v7 =	vcvt.f32.s32 v20;
	v8 =	vcvt.f32.s32 v5;
	[tilespmem:s18+$0xFFFFFFD0] =	vst v19;
	v5 =	vld.idx.msk [tilespmem:v17+s3+$0x0], $0xffff  }
0x46a: {  	v13 =	vld [tilespmem:s13+$0x0]  }
0x46b: {  	v14 =	vld [tilespmem:s13+$0xFFFFFFA0]  }
0x46c: {  	v15 =	vld [tilespmem:s13+$0xFFFFFFB0]  }
0x46d: {  	v16 =	vld [tilespmem:s13+$0xFFFFFFC0]  }
0x46e: {  	v17 =	vld [tilespmem:s13+$0xFFFFFFD0]  }
0x46f: {  	v18 =	vld [tilespmem:s13+$0xFFFFFFE0]  }
0x470: {  	v19 =	vld [tilespmem:s13+$0xFFFFFF90]  }
0x471: {  	v20 =	vld [tilespmem:s13+$0xFFFFFFF0]  }
0x472: {  	s21 =	sadd.s32 $0x400, s13;
	v8 =	vld.idx.msk [tilespmem:v8+s3+$0x0], $0xffff  }
0x473: {  	v11 =	vcvt.f32.s32 v11;
	v12 =	vcvt.f32.s32 v12;
	v53 =	vld [tilespmem:s21+$0x0]  }
0x474: {  	v10 =	vcvt.f32.s32 v10;
	v9 =	vcvt.f32.s32 v9;
	v56 =	vld [tilespmem:s21+$0xFFFFFFB0]  }
0x475: {  	v13 =	vmul.f32 $1.000000000e+05, v13;
	v14 =	vmul.f32 $1.000000000e+05, v14  }
0x476: {  	v6 =	vld.idx.msk [tilespmem:v6+s3+$0x0], $0xffff;
	v15 =	vmul.f32 $1.000000000e+05, v15;
	v16 =	vmul.f32 $1.000000000e+05, v16  }
0x477: {  	v7 =	vld.idx.msk [tilespmem:v7+s3+$0x0], $0xffff;
	v17 =	vmul.f32 $1.000000000e+05, v17;
	v18 =	vmul.f32 $1.000000000e+05, v18  }
0x478: {  	[tilespmem:s18+$0xFFFFFFE0] =	vst v4;
	s19 =	sadd.s32 $0x400, s18;
	v55 =	vld [tilespmem:s21+$0xFFFFFFA0];
	v19 =	vmul.f32 $1.000000000e+05, v19;
	v4 =	vmul.f32 $1.000000000e+05, v20  }
0x479: {  	v58 =	vld [tilespmem:s21+$0xFFFFFFD0];
	v20 =	vmul.f32 $1.000000000e+05, v53;
	[tilespmem:s19+$0xFFFFFFC0] =	vst v8;
	v8 =	vmul.f32 $1.000000000e+05, v56  }
0x47a: {  	v59 =	vld [tilespmem:s21+$0xFFFFFFF0];
	v13 =	vtrunc.f32 v13;
	v14 =	vtrunc.f32 v14  }
0x47b: {  	[tilespmem:s16+$0x20] =	vst v5;
	v5 =	vld [tilespmem:s21+$0xFFFFFFE0];
	v15 =	vtrunc.f32 v15;
	v16 =	vtrunc.f32 v16  }
0x47c: {  	[tilespmem:s19+$0xFFFFFFD0] =	vst v6;
	v6 =	vld [tilespmem:s21+$0xFFFFFF90];
	v54 =	vtrunc.f32 v19;
	v13 =	vcvt.f32.s32 v13  }
0x47d: {  	[tilespmem:s18+$0x0] =	vst v2;
	v11 =	vld.idx.msk [tilespmem:v11+s3+$0x0], $0xffff;
	v2 =	vtrunc.f32 v4;
	v4 =	vcvt.f32.s32 v54  }
0x47e: {  	[tilespmem:s16+$0x10] =	vst v3;
	v12 =	vld.idx.msk [tilespmem:v12+s3+$0x0], $0xffff;
	v17 =	vtrunc.f32 v17;
	v3 =	vcvt.f32.s32 v14  }
0x47f: {  	[tilespmem:s18+$0xFFFFFFF0] =	vst v1;
	v1 =	vtrunc.f32 v18;
	v14 =	vcvt.f32.s32 v15;
	v15 =	vld [tilespmem:s21+$0xFFFFFFC0]  }
0x480: {  	[tilespmem:s19+$0x30] =	vst v0;
	v10 =	vld.idx.msk [tilespmem:v10+s3+$0x0], $0xffff;
	v0 =	vcvt.f32.s32 v16;
	v57 =	vcvt.f32.s32 v17  }
0x481: {  	v9 =	vld.idx.msk [tilespmem:v9+s3+$0x0], $0xffff;
	v1 =	vcvt.f32.s32 v1;
	v21 =	vcvt.f32.s32 v2  }
0x482: {  	v2 =	vmul.f32 $1.000000000e+05, v55;
	v60 =	vtrunc.f32 v20;
	v13 =	vld.idx.msk [tilespmem:v13+s3+$0x0], $0xffff  }
0x483: {  	[tilespmem:s19+$0xFFFFFFE0] =	vst v7;
	v63 =	vtrunc.f32 v8;
	v22 =	vmul.f32 $1.000000000e+05, v5;
	v4 =	vld.idx.msk [tilespmem:v4+s3+$0x0], $0xffff  }
0x484: {  	[tilespmem:s19+$0xFFFFFFF0] =	vst v11;
	v7 =	vmul.f32 $1.000000000e+05, v15;
	v15 =	vcvt.f32.s32 v60;
	v62 =	vld.idx.msk [tilespmem:v3+s3+$0x0], $0xffff  }
0x485: {  	v61 =	vtrunc.f32 v2;
	v11 =	vmul.f32 $1.000000000e+05, v58;
	[tilespmem:s19+$0x0] =	vst v12;
	v3 =	vld.idx.msk [tilespmem:v14+s3+$0x0], $0xffff  }
0x486: {  	[tilespmem:s19+$0x10] =	vst v10;
	v10 =	vtrunc.f32 v22;
	v2 =	vld.idx.msk [tilespmem:v0+s3+$0x0], $0xffff;
	v0 =	vmul.f32 $1.000000000e+05, v6  }
0x487: {  	[tilespmem:s19+$0x20] =	vst v9;
	v5 =	vld.idx.msk [tilespmem:v57+s3+$0x0], $0xffff;
	v8 =	vtrunc.f32 v7;
	v7 =	vmul.f32 $1.000000000e+05, v59  }
0x488: {  	v12 =	vtrunc.f32 v11;
	v6 =	vld.idx.msk [tilespmem:v1+s3+$0x0], $0xffff;
	v1 =	vtrunc.f32 v0;
	[tilespmem:s12+$0x0] =	vst v13  }
0x489: {  	s18 =	smov.u32 s12;
	v9 =	vld.idx.msk [tilespmem:v21+s3+$0x0], $0xffff;
	v0 =	vcvt.f32.s32 v61;
	v11 =	vtrunc.f32 v7;
	[tilespmem:s12+$0xFFFFFF90] =	vst v4  }
0x48a: {  	s16 =	smov.u32 s12;
	s21 =	sadd.s32 $0x400, s21;
	s19 =	simm.s32 $0x80;
	v7 =	vld.idx.msk [tilespmem:v15+s3+$0x0], $0xffff;
	v4 =	vcvt.f32.s32 v1;
	v1 =	vcvt.f32.s32 v63;
	[tilespmem:s12+$0xFFFFFFA0] =	vst v62  }
.LBB2_73:
0x48b: {  	v13 =	vld [tilespmem:s21+$0x0];
	s19 =	sadd.s32 $0x80, s19;
	v14 =	vcvt.f32.s32 v8;
	v15 =	vcvt.f32.s32 v12;
	[tilespmem:s18+$0xFFFFFFB0] =	vst v3  }
0x48c: {  	v16 =	vcvt.f32.s32 v10;
	v17 =	vcvt.f32.s32 v11;
	v3 =	vld [tilespmem:s21+$0xFFFFFFA0];
	p1 =	slt.u32 s19, $0x100;
	[tilespmem:s18+$0xFFFFFFC0] =	vst v2  }
0x48d: {  	v2 =	vld [tilespmem:s21+$0xFFFFFFB0];
	[tilespmem:s18+$0xFFFFFFD0] =	vst v5  }
0x48e: {  	s18 =	sadd.s32 $0x400, s18;
	v5 =	vld [tilespmem:s21+$0xFFFFFFC0];
	[tilespmem:s16+$0xFFFFFFE0] =	vst v6  }
0x48f: {  	v6 =	vld [tilespmem:s21+$0xFFFFFFD0];
	[tilespmem:s18+$0x0] =	vst v7  }
0x490: {  	v7 =	vld [tilespmem:s21+$0xFFFFFFE0];
	v8 =	vmul.f32 $1.000000000e+05, v13;
	[tilespmem:s16+$0xFFFFFFF0] =	vst v9;
	s16 =	smov.u32 s18  }
0x491: {  	v3 =	vmul.f32 $1.000000000e+05, v3;
	v9 =	vld [tilespmem:s21+$0xFFFFFFF0]  }
0x492: {  	v10 =	vld [tilespmem:s21+$0xFFFFFF90];
	v2 =	vmul.f32 $1.000000000e+05, v2;
	v8 =	vtrunc.f32 v8  }
0x493: {  	v5 =	vmul.f32 $1.000000000e+05, v5;
	v13 =	vcvt.f32.s32 v8;
	v4 =	vld.idx.msk [tilespmem:v4+s3+$0x0], $0xffff  }
0x494: {  	v18 =	vtrunc.f32 v3;
	v6 =	vmul.f32 $1.000000000e+05, v6;
	v19 =	vld.idx.msk [tilespmem:v0+s3+$0x0], $0xffff  }
0x495: {  	v20 =	vtrunc.f32 v2;
	v0 =	vmul.f32 $1.000000000e+05, v7;
	v3 =	vld.idx.msk [tilespmem:v1+s3+$0x0], $0xffff  }
.Ltmp42:
0x496: {  	v8 =	vtrunc.f32 v5;
	v1 =	vmul.f32 $1.000000000e+05, v9;
	v2 =	vld.idx.msk [tilespmem:v14+s3+$0x0], $0xffff;
	(pc) =	sbr.rel @p1 .LBB2_73-.Ltmp42, $4  }
0x497: {  	v12 =	vtrunc.f32 v6;
	v7 =	vmul.f32 $1.000000000e+05, v10;
	v5 =	vld.idx.msk [tilespmem:v15+s3+$0x0], $0xffff  }
0x498: {  	v10 =	vtrunc.f32 v0;
	v11 =	vtrunc.f32 v1;
	v6 =	vld.idx.msk [tilespmem:v16+s3+$0x0], $0xffff  }
0x499: {  	v0 =	vcvt.f32.s32 v18;
	v1 =	vtrunc.f32 v7;
	v7 =	vld.idx.msk [tilespmem:v13+s3+$0x0], $0xffff;
	[tilespmem:s18+$0xFFFFFF90] =	vst v4  }
0x49a: {  	s21 =	sadd.s32 $0x400, s21;
	v4 =	vcvt.f32.s32 v1;
	v1 =	vcvt.f32.s32 v20;
	[tilespmem:s18+$0xFFFFFFA0] =	vst v19;
	v9 =	vld.idx.msk [tilespmem:v17+s3+$0x0], $0xffff  }
0x49b: {  	_ = 	snop  }
0x49c: {  	v8 =	vcvt.f32.s32 v8  }
0x49d: {  	v12 =	vcvt.f32.s32 v12  }
0x49e: {  	[tilespmem:s18+$0xFFFFFFB0] =	vst v3;
	v58 =	vcvt.f32.s32 v10  }
0x49f: {  	v59 =	vcvt.f32.s32 v11;
	[tilespmem:s18+$0xFFFFFFC0] =	vst v2;
	v0 =	vld.idx.msk [tilespmem:v0+s3+$0x0], $0xffff  }
0x4a0: {  	v60 =	vld.idx.msk [tilespmem:v4+s3+$0x0], $0xffff;
	[tilespmem:s18+$0xFFFFFFD0] =	vst v5  }
0x4a1: {  	s19 =	sadd.s32 $0x400, s18;
	v1 =	vld.idx.msk [tilespmem:v1+s3+$0x0], $0xffff;
	[tilespmem:s16+$0xFFFFFFE0] =	vst v6  }
0x4a2: {  	[tilespmem:s19+$0x0] =	vst v7;
	v61 =	vld.idx.msk [tilespmem:v8+s3+$0x0], $0xffff  }
0x4a3: {  	[tilespmem:s16+$0xFFFFFFF0] =	vst v9;
	v62 =	vld.idx.msk [tilespmem:v12+s3+$0x0], $0xffff  }
0x4a4: {  	[tilespmem:s19+$0xFFFFFFA0] =	vst v0;
	v3 =	vld.idx.msk [tilespmem:v58+s3+$0x0], $0xffff  }
0x4a5: {  	p1 =	slt.u32 s15, $0x6;
	[tilespmem:s19+$0xFFFFFF90] =	vst v60;
	v63 =	vld.idx.msk [tilespmem:v59+s3+$0x0], $0xffff  }
.Ltmp43:
0x4a6: {  	[tilespmem:s19+$0xFFFFFFB0] =	vst v1;
	(pc) =	sbr.rel @p1 .LBB2_70-.Ltmp43, $4  }
0x4a7: {  	[tilespmem:s19+$0xFFFFFFC0] =	vst v61  }
0x4a8: {  	[tilespmem:s19+$0xFFFFFFD0] =	vst v62  }
0x4a9: {  	s21 =	sadd.s32 $0x2, s15;
	s11 =	sadd.s32 $0x100, s11;
	s25 =	sadd.s32 $0x100, s25;
	[tilespmem:s19+$0xFFFFFFE0] =	vst v3  }
0x4aa: {  	s12 =	sadd.s32 $0x100, s12;
	s13 =	sadd.s32 $0x100, s13;
	s15 =	smov.u32 s21;
	[tilespmem:s19+$0xFFFFFFF0] =	vst v63  }
0x4ab: {  	p1 =	seq.s32 s6, $0x17  }
.Ltmp44:
0x4ac: {  	s11 =	rddreg [dreg:$0x13];
	(pc) =	sbr.rel @p1 .LBB2_77-.Ltmp44, $4  }
0x4ad: {  	s5 =	sadd.s32 s11, s5  }
0x4ae: {  	s5 =	sshrl.u32 s5, $0x3  }
0x4af: {  	s5 =	sadd.s32 s1, s5  }
0x4b0: {  	[hbm4b:s5+s3] =	stream.linear.scatter [tilespmem:s24], [sflag:$0x4], $0xC00, $0x38;
	[tilespmem:$0x1FF00] =	vst v63  }
0x4b1: {  	s5 =	sadd.s32 $0x18, s8  }
0x4b2: {  	s5 =	sshrl.u32 s5, $0x3  }
0x4b3: {  	s5 =	smul.u32 $0x3000, s5  }
.Ltmp45:
0x4b4: {  	_ = 	snop;
	(pc) =	sbr.rel .LBB2_59-.Ltmp45, $4  }
0x4b5: {  	s5 =	sshra.s32 s5, $0x2  }
0x4b6: {  	s5 =	sadd.s32 s5, s2  }
0x4b7: {  	s6 =	sadd.s32 $0x1, s6;
	s5 =	sadd.s32 $0x24000, s5  }
0x4b8: {  	[tilespmem:s10], [sflag:$0x2] =	stream.linear.gather [spmem:s5], $0xC00, $0x38;
	[tilespmem:$0x1FF00] =	vst v63  }
.LBB2_77:
0x4b9: {  	s5 =	simm.s32 $0x3  }
0x4ba: {  	_ =	swait.ge [sflag:s5], $0xC00  }
0x4bb: {  	[sflag:s5] =	ssyncset.done $0x0  }
0x4bc: {  	[sflag:s5] =	ssyncadd.s32 $0xFFFFF400  }
0x4bd: {  	_ =	swait.ge [sflag:s23], $0xC00  }
0x4be: {  	[sflag:s23] =	ssyncset.done $0x0  }
0x4bf: {  	[sflag:s23] =	ssyncadd.s32 $0xFFFFF400  }
0x4c0: {  	s5 =	simm.s32 @!p0 $0x5;
	[bflag:$0x0] =	sbarrier.arrive @p0 $0xFFFF  }
0x4c1: {  	_ =	swait.ge @!p0 [sflag:s5], $0x4800  }
0x4c2: {  	[sflag:s5] =	ssyncset.done @!p0 $0x0  }
0x4c3: {  	[sflag:s5] =	ssyncadd.s32 @!p0 $0xFFFFB800  }
0x4c4: {  	[bflag:$0x0] =	sbarrier.arrive @!p0 $0xFFFF  }
0x4c5: {  	s6 =	rddreg [dreg:$0x14]  }
0x4c6: {  	s5 =	simm.s32 @!p0 $0x1C05;
	s8 =	rddreg [dreg:$0x1a]  }
0x4c7: {  	[spmem:s8], [sflag:s5] =	dma.local @!p0 [hbm:s6], $0x4800  }
0x4c8: {  	[tilespmem:s7], [sflag:$0x1] =	stream.linear.gather [spmem:s2], $0xC00, $0x38;
	[tilespmem:$0x1FF00] =	vst v63  }
0x4c9: {  	s6 =	simm.s32 $0x0;
	s5 =	rddreg [dreg:$0x9]  }
0x4ca: {  	[tilespmem:s10], [sflag:$0x2] =	stream.linear.gather [spmem:s5], $0xC00, $0x38;
	[tilespmem:$0x1FF00] =	vst v63  }
.LBB2_78:
0x4cb: {  	_ =	swait.ge [sflag:s14], $0xC00  }
0x4cc: {  	p1 =	seq.s32 s6, $0x0;
	[sflag:s14] =	ssyncset.done $0x0  }
0x4cd: {  	s5 =	simm.s32 @!p1 $0x3;
	[sflag:s14] =	ssyncadd.s32 $0xFFFFF400  }
0x4ce: {  	s8 =	sshll.u32 s6, $0x4;
	s11 =	simm.s32 $0x18740;
	_ =	swait.ge @!p1 [sflag:s5], $0xC00  }
0x4cf: {  	s25 =	simm.s32 $0x19FF0;
	s12 =	simm.s32 $0x187F0;
	[sflag:s5] =	ssyncset.done @!p1 $0x0  }
0x4d0: {  	s13 =	simm.s32 $0x0;
	[sflag:s5] =	ssyncadd.s32 @!p1 $0xFFFFF400;
	s5 =	simm.s32 $0x19F40  }
.LBB2_79:
0x4d1: {  	v0 =	vld [tilespmem:s11+$0x30]  }
0x4d2: {  	v1 =	vld [tilespmem:s11+$0xFFFFFFD0]  }
0x4d3: {  	v2 =	vld [tilespmem:s11+$0xFFFFFFE0]  }
0x4d4: {  	v3 =	vld [tilespmem:s11+$0xFFFFFFF0]  }
0x4d5: {  	v4 =	vld [tilespmem:s11+$0x0]  }
0x4d6: {  	v5 =	vld [tilespmem:s11+$0x10]  }
0x4d7: {  	v6 =	vld [tilespmem:s11+$0xFFFFFFC0]  }
0x4d8: {  	v7 =	vld [tilespmem:s11+$0x20];
	s15 =	sadd.s32 $0x400, s11  }
0x4d9: {  	v8 =	vld [tilespmem:s15+$0x30]  }
0x4da: {  	v10 =	vld [tilespmem:s15+$0xFFFFFFE0]  }
0x4db: {  	v0 =	vmul.f32 $1.000000000e+05, v0;
	v1 =	vmul.f32 $1.000000000e+05, v1  }
0x4dc: {  	v2 =	vmul.f32 $1.000000000e+05, v2;
	v3 =	vmul.f32 $1.000000000e+05, v3  }
0x4dd: {  	v4 =	vmul.f32 $1.000000000e+05, v4;
	v5 =	vmul.f32 $1.000000000e+05, v5  }
0x4de: {  	v6 =	vmul.f32 $1.000000000e+05, v6;
	v7 =	vmul.f32 $1.000000000e+05, v7  }
0x4df: {  	v8 =	vmul.f32 $1.000000000e+05, v8;
	v10 =	vmul.f32 $1.000000000e+05, v10  }
0x4e0: {  	v0 =	vtrunc.f32 v0;
	v1 =	vtrunc.f32 v1  }
0x4e1: {  	v2 =	vtrunc.f32 v2;
	v3 =	vtrunc.f32 v3  }
0x4e2: {  	v9 =	vld [tilespmem:s15+$0xFFFFFFD0];
	v6 =	vtrunc.f32 v6;
	v0 =	vcvt.f32.s32 v0  }
0x4e3: {  	v11 =	vld [tilespmem:s15+$0xFFFFFFF0];
	v4 =	vtrunc.f32 v4;
	v6 =	vcvt.f32.s32 v6  }
0x4e4: {  	v12 =	vld [tilespmem:s15+$0x10];
	v5 =	vtrunc.f32 v5;
	v1 =	vcvt.f32.s32 v1  }
0x4e5: {  	v15 =	vld [tilespmem:s15+$0xFFFFFFC0];
	v7 =	vtrunc.f32 v7;
	v2 =	vcvt.f32.s32 v2  }
0x4e6: {  	v3 =	vcvt.f32.s32 v3;
	v13 =	vcvt.f32.s32 v4;
	v4 =	vld [tilespmem:s15+$0x0]  }
0x4e7: {  	v14 =	vcvt.f32.s32 v7;
	v7 =	vmul.f32 $1.000000000e+05, v9;
	v9 =	vld [tilespmem:s15+$0x20]  }
0x4e8: {  	v5 =	vcvt.f32.s32 v5;
	v8 =	vtrunc.f32 v8;
	v0 =	vld.idx.msk [tilespmem:v0+s3+$0x0], $0xffff  }
0x4e9: {  	v11 =	vmul.f32 $1.000000000e+05, v11;
	v8 =	vcvt.f32.s32 v8;
	v16 =	vld.idx.msk [tilespmem:v6+s3+$0x0], $0xffff  }
0x4ea: {  	v18 =	vtrunc.f32 v10;
	v10 =	vmul.f32 $1.000000000e+05, v12;
	v17 =	vld.idx.msk [tilespmem:v1+s3+$0x0], $0xffff  }
0x4eb: {  	v6 =	vtrunc.f32 v7;
	v7 =	vmul.f32 $1.000000000e+05, v4;
	v4 =	vld.idx.msk [tilespmem:v2+s3+$0x0], $0xffff  }
0x4ec: {  	v15 =	vmul.f32 $1.000000000e+05, v15;
	v9 =	vmul.f32 $1.000000000e+05, v9;
	v1 =	vld.idx.msk [tilespmem:v3+s3+$0x0], $0xffff  }
0x4ed: {  	v11 =	vtrunc.f32 v11;
	v10 =	vtrunc.f32 v10;
	v2 =	vld.idx.msk [tilespmem:v13+s3+$0x0], $0xffff  }
0x4ee: {  	v3 =	vld.idx.msk [tilespmem:v5+s3+$0x0], $0xffff;
	v5 =	vtrunc.f32 v15;
	v9 =	vtrunc.f32 v9;
	[tilespmem:s5+$0x30] =	vst v0  }
0x4ef: {  	s18 =	simm.s32 $0x80;
	v6 =	vcvt.f32.s32 v6;
	v12 =	vtrunc.f32 v7;
	v0 =	vld.idx.msk [tilespmem:v8+s3+$0x0], $0xffff;
	[tilespmem:s5+$0xFFFFFFC0] =	vst v16  }
0x4f0: {  	s16 =	smov.u32 s5;
	s19 =	sadd.s32 $0x400, s15;
	s15 =	smov.u32 s5;
	v7 =	vcvt.f32.s32 v18;
	v8 =	vcvt.f32.s32 v5;
	[tilespmem:s5+$0xFFFFFFD0] =	vst v17;
	v5 =	vld.idx.msk [tilespmem:v14+s3+$0x0], $0xffff  }
.LBB2_80:
0x4f1: {  	v13 =	vld [tilespmem:s19+$0x30];
	s18 =	sadd.s32 $0x80, s18;
	v14 =	vcvt.f32.s32 v11;
	v15 =	vcvt.f32.s32 v12;
	[tilespmem:s16+$0xFFFFFFE0] =	vst v4  }
0x4f2: {  	v16 =	vcvt.f32.s32 v10;
	v17 =	vcvt.f32.s32 v9;
	v4 =	vld [tilespmem:s19+$0xFFFFFFD0];
	p2 =	slt.u32 s18, $0x100;
	[tilespmem:s16+$0xFFFFFFF0] =	vst v1  }
0x4f3: {  	v1 =	vld [tilespmem:s19+$0xFFFFFFE0];
	[tilespmem:s16+$0x0] =	vst v2  }
0x4f4: {  	s16 =	sadd.s32 $0x400, s16;
	v2 =	vld [tilespmem:s19+$0xFFFFFFF0];
	[tilespmem:s15+$0x10] =	vst v3  }
0x4f5: {  	v3 =	vld [tilespmem:s19+$0x0];
	[tilespmem:s16+$0x30] =	vst v0  }
0x4f6: {  	v0 =	vld [tilespmem:s19+$0x10];
	v9 =	vmul.f32 $1.000000000e+05, v13;
	[tilespmem:s15+$0x20] =	vst v5;
	s15 =	smov.u32 s16  }
0x4f7: {  	v4 =	vmul.f32 $1.000000000e+05, v4;
	v5 =	vld [tilespmem:s19+$0x20]  }
0x4f8: {  	v10 =	vld [tilespmem:s19+$0xFFFFFFC0];
	v1 =	vmul.f32 $1.000000000e+05, v1;
	v9 =	vtrunc.f32 v9  }
0x4f9: {  	v2 =	vmul.f32 $1.000000000e+05, v2;
	v13 =	vcvt.f32.s32 v9;
	v8 =	vld.idx.msk [tilespmem:v8+s3+$0x0], $0xffff  }
0x4fa: {  	v18 =	vtrunc.f32 v4;
	v3 =	vmul.f32 $1.000000000e+05, v3;
	v19 =	vld.idx.msk [tilespmem:v6+s3+$0x0], $0xffff  }
0x4fb: {  	v20 =	vtrunc.f32 v1;
	v0 =	vmul.f32 $1.000000000e+05, v0;
	v4 =	vld.idx.msk [tilespmem:v7+s3+$0x0], $0xffff  }
.Ltmp46:
0x4fc: {  	v11 =	vtrunc.f32 v2;
	v5 =	vmul.f32 $1.000000000e+05, v5;
	v1 =	vld.idx.msk [tilespmem:v14+s3+$0x0], $0xffff;
	(pc) =	sbr.rel @p2 .LBB2_80-.Ltmp46, $4  }
0x4fd: {  	v12 =	vtrunc.f32 v3;
	v6 =	vmul.f32 $1.000000000e+05, v10;
	v2 =	vld.idx.msk [tilespmem:v15+s3+$0x0], $0xffff  }
0x4fe: {  	v10 =	vtrunc.f32 v0;
	v9 =	vtrunc.f32 v5;
	v3 =	vld.idx.msk [tilespmem:v16+s3+$0x0], $0xffff  }
0x4ff: {  	v5 =	vtrunc.f32 v6;
	v6 =	vcvt.f32.s32 v18;
	v0 =	vld.idx.msk [tilespmem:v13+s3+$0x0], $0xffff;
	[tilespmem:s16+$0xFFFFFFC0] =	vst v8  }
0x500: {  	s19 =	sadd.s32 $0x400, s19;
	v7 =	vcvt.f32.s32 v20;
	v8 =	vcvt.f32.s32 v5;
	[tilespmem:s16+$0xFFFFFFD0] =	vst v19;
	v5 =	vld.idx.msk [tilespmem:v17+s3+$0x0], $0xffff  }
0x501: {  	v13 =	vld [tilespmem:s12+$0x0]  }
0x502: {  	v14 =	vld [tilespmem:s12+$0xFFFFFFA0]  }
0x503: {  	v15 =	vld [tilespmem:s12+$0xFFFFFFB0]  }
0x504: {  	v16 =	vld [tilespmem:s12+$0xFFFFFFC0]  }
0x505: {  	v17 =	vld [tilespmem:s12+$0xFFFFFFD0]  }
0x506: {  	v18 =	vld [tilespmem:s12+$0xFFFFFFE0]  }
0x507: {  	v19 =	vld [tilespmem:s12+$0xFFFFFF90]  }
0x508: {  	v20 =	vld [tilespmem:s12+$0xFFFFFFF0]  }
0x509: {  	s19 =	sadd.s32 $0x400, s12;
	v8 =	vld.idx.msk [tilespmem:v8+s3+$0x0], $0xffff  }
0x50a: {  	v11 =	vcvt.f32.s32 v11;
	v12 =	vcvt.f32.s32 v12;
	v53 =	vld [tilespmem:s19+$0x0]  }
0x50b: {  	v10 =	vcvt.f32.s32 v10;
	v9 =	vcvt.f32.s32 v9;
	v56 =	vld [tilespmem:s19+$0xFFFFFFB0]  }
0x50c: {  	v13 =	vmul.f32 $1.000000000e+05, v13;
	v14 =	vmul.f32 $1.000000000e+05, v14  }
0x50d: {  	v6 =	vld.idx.msk [tilespmem:v6+s3+$0x0], $0xffff;
	v15 =	vmul.f32 $1.000000000e+05, v15;
	v16 =	vmul.f32 $1.000000000e+05, v16  }
0x50e: {  	v7 =	vld.idx.msk [tilespmem:v7+s3+$0x0], $0xffff;
	v17 =	vmul.f32 $1.000000000e+05, v17;
	v18 =	vmul.f32 $1.000000000e+05, v18  }
0x50f: {  	[tilespmem:s16+$0xFFFFFFE0] =	vst v4;
	s21 =	sadd.s32 $0x400, s16;
	v55 =	vld [tilespmem:s19+$0xFFFFFFA0];
	v19 =	vmul.f32 $1.000000000e+05, v19;
	v4 =	vmul.f32 $1.000000000e+05, v20  }
0x510: {  	v58 =	vld [tilespmem:s19+$0xFFFFFFD0];
	v20 =	vmul.f32 $1.000000000e+05, v53;
	[tilespmem:s21+$0xFFFFFFC0] =	vst v8;
	v8 =	vmul.f32 $1.000000000e+05, v56  }
0x511: {  	v59 =	vld [tilespmem:s19+$0xFFFFFFF0];
	v13 =	vtrunc.f32 v13;
	v14 =	vtrunc.f32 v14  }
0x512: {  	[tilespmem:s15+$0x20] =	vst v5;
	v5 =	vld [tilespmem:s19+$0xFFFFFFE0];
	v15 =	vtrunc.f32 v15;
	v16 =	vtrunc.f32 v16  }
0x513: {  	[tilespmem:s21+$0xFFFFFFD0] =	vst v6;
	v6 =	vld [tilespmem:s19+$0xFFFFFF90];
	v54 =	vtrunc.f32 v19;
	v13 =	vcvt.f32.s32 v13  }
0x514: {  	[tilespmem:s16+$0x0] =	vst v2;
	v11 =	vld.idx.msk [tilespmem:v11+s3+$0x0], $0xffff;
	v2 =	vtrunc.f32 v4;
	v4 =	vcvt.f32.s32 v54  }
0x515: {  	[tilespmem:s15+$0x10] =	vst v3;
	v12 =	vld.idx.msk [tilespmem:v12+s3+$0x0], $0xffff;
	v17 =	vtrunc.f32 v17;
	v3 =	vcvt.f32.s32 v14  }
0x516: {  	[tilespmem:s16+$0xFFFFFFF0] =	vst v1;
	v1 =	vtrunc.f32 v18;
	v14 =	vcvt.f32.s32 v15;
	v15 =	vld [tilespmem:s19+$0xFFFFFFC0]  }
0x517: {  	[tilespmem:s21+$0x30] =	vst v0;
	v10 =	vld.idx.msk [tilespmem:v10+s3+$0x0], $0xffff;
	v0 =	vcvt.f32.s32 v16;
	v57 =	vcvt.f32.s32 v17  }
0x518: {  	v9 =	vld.idx.msk [tilespmem:v9+s3+$0x0], $0xffff;
	v1 =	vcvt.f32.s32 v1;
	v21 =	vcvt.f32.s32 v2  }
0x519: {  	v2 =	vmul.f32 $1.000000000e+05, v55;
	v60 =	vtrunc.f32 v20;
	v13 =	vld.idx.msk [tilespmem:v13+s3+$0x0], $0xffff  }
0x51a: {  	[tilespmem:s21+$0xFFFFFFE0] =	vst v7;
	v63 =	vtrunc.f32 v8;
	v22 =	vmul.f32 $1.000000000e+05, v5;
	v4 =	vld.idx.msk [tilespmem:v4+s3+$0x0], $0xffff  }
0x51b: {  	[tilespmem:s21+$0xFFFFFFF0] =	vst v11;
	v7 =	vmul.f32 $1.000000000e+05, v15;
	v15 =	vcvt.f32.s32 v60;
	v62 =	vld.idx.msk [tilespmem:v3+s3+$0x0], $0xffff  }
0x51c: {  	v61 =	vtrunc.f32 v2;
	v11 =	vmul.f32 $1.000000000e+05, v58;
	[tilespmem:s21+$0x0] =	vst v12;
	v3 =	vld.idx.msk [tilespmem:v14+s3+$0x0], $0xffff  }
0x51d: {  	[tilespmem:s21+$0x10] =	vst v10;
	v10 =	vtrunc.f32 v22;
	v2 =	vld.idx.msk [tilespmem:v0+s3+$0x0], $0xffff;
	v0 =	vmul.f32 $1.000000000e+05, v6  }
0x51e: {  	[tilespmem:s21+$0x20] =	vst v9;
	v5 =	vld.idx.msk [tilespmem:v57+s3+$0x0], $0xffff;
	v8 =	vtrunc.f32 v7;
	v7 =	vmul.f32 $1.000000000e+05, v59  }
0x51f: {  	v12 =	vtrunc.f32 v11;
	v6 =	vld.idx.msk [tilespmem:v1+s3+$0x0], $0xffff;
	v1 =	vtrunc.f32 v0;
	[tilespmem:s25+$0x0] =	vst v13  }
0x520: {  	s18 =	simm.s32 $0x80;
	v9 =	vld.idx.msk [tilespmem:v21+s3+$0x0], $0xffff;
	v0 =	vcvt.f32.s32 v61;
	v11 =	vtrunc.f32 v7;
	[tilespmem:s25+$0xFFFFFF90] =	vst v4  }
0x521: {  	s16 =	smov.u32 s25;
	s15 =	smov.u32 s25;
	s19 =	sadd.s32 $0x400, s19;
	v7 =	vld.idx.msk [tilespmem:v15+s3+$0x0], $0xffff;
	v4 =	vcvt.f32.s32 v1;
	v1 =	vcvt.f32.s32 v63;
	[tilespmem:s25+$0xFFFFFFA0] =	vst v62  }
.LBB2_82:
0x522: {  	v13 =	vld [tilespmem:s19+$0x0];
	s18 =	sadd.s32 $0x80, s18;
	v14 =	vcvt.f32.s32 v8;
	v15 =	vcvt.f32.s32 v12;
	[tilespmem:s16+$0xFFFFFFB0] =	vst v3  }
0x523: {  	v16 =	vcvt.f32.s32 v10;
	v17 =	vcvt.f32.s32 v11;
	v3 =	vld [tilespmem:s19+$0xFFFFFFA0];
	p2 =	slt.u32 s18, $0x100;
	[tilespmem:s16+$0xFFFFFFC0] =	vst v2  }
0x524: {  	v2 =	vld [tilespmem:s19+$0xFFFFFFB0];
	[tilespmem:s16+$0xFFFFFFD0] =	vst v5  }
0x525: {  	s16 =	sadd.s32 $0x400, s16;
	v5 =	vld [tilespmem:s19+$0xFFFFFFC0];
	[tilespmem:s15+$0xFFFFFFE0] =	vst v6  }
0x526: {  	v6 =	vld [tilespmem:s19+$0xFFFFFFD0];
	[tilespmem:s16+$0x0] =	vst v7  }
0x527: {  	v7 =	vld [tilespmem:s19+$0xFFFFFFE0];
	v8 =	vmul.f32 $1.000000000e+05, v13;
	[tilespmem:s15+$0xFFFFFFF0] =	vst v9;
	s15 =	smov.u32 s16  }
0x528: {  	v3 =	vmul.f32 $1.000000000e+05, v3;
	v9 =	vld [tilespmem:s19+$0xFFFFFFF0]  }
0x529: {  	v10 =	vld [tilespmem:s19+$0xFFFFFF90];
	v2 =	vmul.f32 $1.000000000e+05, v2;
	v8 =	vtrunc.f32 v8  }
0x52a: {  	v5 =	vmul.f32 $1.000000000e+05, v5;
	v13 =	vcvt.f32.s32 v8;
	v4 =	vld.idx.msk [tilespmem:v4+s3+$0x0], $0xffff  }
0x52b: {  	v18 =	vtrunc.f32 v3;
	v6 =	vmul.f32 $1.000000000e+05, v6;
	v19 =	vld.idx.msk [tilespmem:v0+s3+$0x0], $0xffff  }
0x52c: {  	v20 =	vtrunc.f32 v2;
	v0 =	vmul.f32 $1.000000000e+05, v7;
	v3 =	vld.idx.msk [tilespmem:v1+s3+$0x0], $0xffff  }
.Ltmp47:
0x52d: {  	v8 =	vtrunc.f32 v5;
	v1 =	vmul.f32 $1.000000000e+05, v9;
	v2 =	vld.idx.msk [tilespmem:v14+s3+$0x0], $0xffff;
	(pc) =	sbr.rel @p2 .LBB2_82-.Ltmp47, $4  }
0x52e: {  	v12 =	vtrunc.f32 v6;
	v7 =	vmul.f32 $1.000000000e+05, v10;
	v5 =	vld.idx.msk [tilespmem:v15+s3+$0x0], $0xffff  }
0x52f: {  	v10 =	vtrunc.f32 v0;
	v11 =	vtrunc.f32 v1;
	v6 =	vld.idx.msk [tilespmem:v16+s3+$0x0], $0xffff  }
0x530: {  	v0 =	vcvt.f32.s32 v18;
	v1 =	vtrunc.f32 v7;
	v7 =	vld.idx.msk [tilespmem:v13+s3+$0x0], $0xffff;
	[tilespmem:s16+$0xFFFFFF90] =	vst v4  }
0x531: {  	s19 =	sadd.s32 $0x400, s19;
	v4 =	vcvt.f32.s32 v1;
	v1 =	vcvt.f32.s32 v20;
	[tilespmem:s16+$0xFFFFFFA0] =	vst v19;
	v9 =	vld.idx.msk [tilespmem:v17+s3+$0x0], $0xffff  }
0x532: {  	_ = 	snop  }
0x533: {  	v8 =	vcvt.f32.s32 v8  }
0x534: {  	v12 =	vcvt.f32.s32 v12  }
0x535: {  	[tilespmem:s16+$0xFFFFFFB0] =	vst v3;
	v58 =	vcvt.f32.s32 v10  }
0x536: {  	v59 =	vcvt.f32.s32 v11;
	[tilespmem:s16+$0xFFFFFFC0] =	vst v2;
	v0 =	vld.idx.msk [tilespmem:v0+s3+$0x0], $0xffff  }
0x537: {  	v60 =	vld.idx.msk [tilespmem:v4+s3+$0x0], $0xffff;
	[tilespmem:s16+$0xFFFFFFD0] =	vst v5  }
0x538: {  	s19 =	sadd.s32 $0x400, s16;
	v1 =	vld.idx.msk [tilespmem:v1+s3+$0x0], $0xffff;
	[tilespmem:s15+$0xFFFFFFE0] =	vst v6  }
0x539: {  	[tilespmem:s19+$0x0] =	vst v7;
	v61 =	vld.idx.msk [tilespmem:v8+s3+$0x0], $0xffff  }
0x53a: {  	[tilespmem:s15+$0xFFFFFFF0] =	vst v9;
	v62 =	vld.idx.msk [tilespmem:v12+s3+$0x0], $0xffff  }
0x53b: {  	[tilespmem:s19+$0xFFFFFFA0] =	vst v0;
	v3 =	vld.idx.msk [tilespmem:v58+s3+$0x0], $0xffff  }
0x53c: {  	p2 =	slt.u32 s13, $0x6;
	[tilespmem:s19+$0xFFFFFF90] =	vst v60;
	v63 =	vld.idx.msk [tilespmem:v59+s3+$0x0], $0xffff  }
.Ltmp48:
0x53d: {  	[tilespmem:s19+$0xFFFFFFB0] =	vst v1;
	(pc) =	sbr.rel @p2 .LBB2_79-.Ltmp48, $4  }
0x53e: {  	[tilespmem:s19+$0xFFFFFFC0] =	vst v61  }
0x53f: {  	[tilespmem:s19+$0xFFFFFFD0] =	vst v62  }
0x540: {  	s21 =	sadd.s32 $0x2, s13;
	s5 =	sadd.s32 $0x100, s5;
	s11 =	sadd.s32 $0x100, s11;
	[tilespmem:s19+$0xFFFFFFE0] =	vst v3  }
0x541: {  	s25 =	sadd.s32 $0x100, s25;
	s12 =	sadd.s32 $0x100, s12;
	s13 =	smov.u32 s21;
	[tilespmem:s19+$0xFFFFFFF0] =	vst v63  }
0x542: {  	s5 =	smul.u32 $0x1800, s6;
	p2 =	sne.s32 s6, $0x17  }
.Ltmp49:
0x543: {  	s11 =	rddreg [dreg:$0x15];
	(pc) =	sbr.rel @p2 .LBB2_86-.Ltmp49, $4  }
0x544: {  	s11 =	sadd.s32 s11, s5  }
0x545: {  	s11 =	sshrl.u32 s11, $0x3  }
0x546: {  	s11 =	sadd.s32 s1, s11  }
0x547: {  	[hbm4b:s11+s3] =	stream.linear.scatter [tilespmem:s17], [sflag:$0x3], $0xC00, $0x38;
	[tilespmem:$0x1FF00] =	vst v63  }
.Ltmp50:
0x548: {  	(pc) =	sbr.rel .LBB2_87-.Ltmp50, $4  }
0x549: {  	_ = 	snop  }
0x54a: {  	_ =	swait.ge [sflag:s20], $0xC00  }
0x54b: {  	[sflag:s20] =	ssyncset.done $0x0  }
0x54c: {  	[sflag:s20] =	ssyncadd.s32 $0xFFFFF400  }
.LBB2_86:
0x54d: {  	s11 =	sshrl.u32 s8, $0x3  }
0x54e: {  	s11 =	smul.u32 $0x3000, s11;
	_ =	sdelay $0x1  }
0x54f: {  	s11 =	sadd.s32 $0x6000, s11  }
0x550: {  	s11 =	sshra.s32 s11, $0x2  }
.Ltmp51:
0x551: {  	s11 =	sadd.s32 s11, s2;
	(pc) =	sbr.rel @p1 .LBB2_88-.Ltmp51, $4  }
0x552: {  	[tilespmem:s7], [sflag:$0x1] =	stream.linear.gather [spmem:s11], $0xC00, $0x38;
	[tilespmem:$0x1FF00] =	vst v63  }
0x553: {  	_ =	swait.ge [sflag:s20], $0xC00  }
0x554: {  	[sflag:s20] =	ssyncset.done $0x0  }
0x555: {  	[sflag:s20] =	ssyncadd.s32 $0xFFFFF400  }
.LBB2_87:
0x556: {  	_ =	swait.ge [sflag:s23], $0xC00  }
0x557: {  	[sflag:s23] =	ssyncset.done $0x0  }
0x558: {  	[sflag:s23] =	ssyncadd.s32 $0xFFFFF400  }
.LBB2_88:
0x559: {  	s15 =	simm.s32 $0x0;
	s11 =	simm.s32 $0x1AB40  }
0x55a: {  	s25 =	simm.s32 $0x19340;
	s12 =	simm.s32 $0x1ABF0;
	s13 =	simm.s32 $0x193F0  }
.LBB2_89:
0x55b: {  	v0 =	vld [tilespmem:s25+$0x30]  }
0x55c: {  	v1 =	vld [tilespmem:s25+$0xFFFFFFD0]  }
0x55d: {  	v2 =	vld [tilespmem:s25+$0xFFFFFFE0]  }
0x55e: {  	v3 =	vld [tilespmem:s25+$0xFFFFFFF0]  }
0x55f: {  	v4 =	vld [tilespmem:s25+$0x0]  }
0x560: {  	v5 =	vld [tilespmem:s25+$0x10]  }
0x561: {  	v6 =	vld [tilespmem:s25+$0xFFFFFFC0]  }
0x562: {  	v7 =	vld [tilespmem:s25+$0x20];
	s16 =	sadd.s32 $0x400, s25  }
0x563: {  	v8 =	vld [tilespmem:s16+$0x30]  }
0x564: {  	v10 =	vld [tilespmem:s16+$0xFFFFFFE0]  }
0x565: {  	v0 =	vmul.f32 $1.000000000e+05, v0;
	v1 =	vmul.f32 $1.000000000e+05, v1  }
0x566: {  	v2 =	vmul.f32 $1.000000000e+05, v2;
	v3 =	vmul.f32 $1.000000000e+05, v3  }
0x567: {  	v4 =	vmul.f32 $1.000000000e+05, v4;
	v5 =	vmul.f32 $1.000000000e+05, v5  }
0x568: {  	v6 =	vmul.f32 $1.000000000e+05, v6;
	v7 =	vmul.f32 $1.000000000e+05, v7  }
0x569: {  	v8 =	vmul.f32 $1.000000000e+05, v8;
	v10 =	vmul.f32 $1.000000000e+05, v10  }
0x56a: {  	v0 =	vtrunc.f32 v0;
	v1 =	vtrunc.f32 v1  }
0x56b: {  	v2 =	vtrunc.f32 v2;
	v3 =	vtrunc.f32 v3  }
0x56c: {  	v9 =	vld [tilespmem:s16+$0xFFFFFFD0];
	v6 =	vtrunc.f32 v6;
	v0 =	vcvt.f32.s32 v0  }
0x56d: {  	v11 =	vld [tilespmem:s16+$0xFFFFFFF0];
	v4 =	vtrunc.f32 v4;
	v6 =	vcvt.f32.s32 v6  }
0x56e: {  	v12 =	vld [tilespmem:s16+$0x10];
	v5 =	vtrunc.f32 v5;
	v1 =	vcvt.f32.s32 v1  }
0x56f: {  	v15 =	vld [tilespmem:s16+$0xFFFFFFC0];
	v7 =	vtrunc.f32 v7;
	v2 =	vcvt.f32.s32 v2  }
0x570: {  	v3 =	vcvt.f32.s32 v3;
	v13 =	vcvt.f32.s32 v4;
	v4 =	vld [tilespmem:s16+$0x0]  }
0x571: {  	v14 =	vcvt.f32.s32 v7;
	v7 =	vmul.f32 $1.000000000e+05, v9;
	v9 =	vld [tilespmem:s16+$0x20]  }
0x572: {  	v5 =	vcvt.f32.s32 v5;
	v8 =	vtrunc.f32 v8;
	v0 =	vld.idx.msk [tilespmem:v0+s3+$0x0], $0xffff  }
0x573: {  	v11 =	vmul.f32 $1.000000000e+05, v11;
	v8 =	vcvt.f32.s32 v8;
	v16 =	vld.idx.msk [tilespmem:v6+s3+$0x0], $0xffff  }
0x574: {  	v18 =	vtrunc.f32 v10;
	v10 =	vmul.f32 $1.000000000e+05, v12;
	v17 =	vld.idx.msk [tilespmem:v1+s3+$0x0], $0xffff  }
0x575: {  	v6 =	vtrunc.f32 v7;
	v7 =	vmul.f32 $1.000000000e+05, v4;
	v4 =	vld.idx.msk [tilespmem:v2+s3+$0x0], $0xffff  }
0x576: {  	v15 =	vmul.f32 $1.000000000e+05, v15;
	v9 =	vmul.f32 $1.000000000e+05, v9;
	v1 =	vld.idx.msk [tilespmem:v3+s3+$0x0], $0xffff  }
0x577: {  	v11 =	vtrunc.f32 v11;
	v10 =	vtrunc.f32 v10;
	v2 =	vld.idx.msk [tilespmem:v13+s3+$0x0], $0xffff  }
0x578: {  	v3 =	vld.idx.msk [tilespmem:v5+s3+$0x0], $0xffff;
	v5 =	vtrunc.f32 v15;
	v9 =	vtrunc.f32 v9;
	[tilespmem:s11+$0x30] =	vst v0  }
0x579: {  	s19 =	simm.s32 $0x80;
	v6 =	vcvt.f32.s32 v6;
	v12 =	vtrunc.f32 v7;
	v0 =	vld.idx.msk [tilespmem:v8+s3+$0x0], $0xffff;
	[tilespmem:s11+$0xFFFFFFC0] =	vst v16  }
0x57a: {  	s18 =	smov.u32 s11;
	s21 =	sadd.s32 $0x400, s16;
	s16 =	smov.u32 s11;
	v7 =	vcvt.f32.s32 v18;
	v8 =	vcvt.f32.s32 v5;
	[tilespmem:s11+$0xFFFFFFD0] =	vst v17;
	v5 =	vld.idx.msk [tilespmem:v14+s3+$0x0], $0xffff  }
.LBB2_90:
0x57b: {  	v13 =	vld [tilespmem:s21+$0x30];
	s19 =	sadd.s32 $0x80, s19;
	v14 =	vcvt.f32.s32 v11;
	v15 =	vcvt.f32.s32 v12;
	[tilespmem:s18+$0xFFFFFFE0] =	vst v4  }
0x57c: {  	v16 =	vcvt.f32.s32 v10;
	v17 =	vcvt.f32.s32 v9;
	v4 =	vld [tilespmem:s21+$0xFFFFFFD0];
	p1 =	slt.u32 s19, $0x100;
	[tilespmem:s18+$0xFFFFFFF0] =	vst v1  }
0x57d: {  	v1 =	vld [tilespmem:s21+$0xFFFFFFE0];
	[tilespmem:s18+$0x0] =	vst v2  }
0x57e: {  	s18 =	sadd.s32 $0x400, s18;
	v2 =	vld [tilespmem:s21+$0xFFFFFFF0];
	[tilespmem:s16+$0x10] =	vst v3  }
0x57f: {  	v3 =	vld [tilespmem:s21+$0x0];
	[tilespmem:s18+$0x30] =	vst v0  }
0x580: {  	v0 =	vld [tilespmem:s21+$0x10];
	v9 =	vmul.f32 $1.000000000e+05, v13;
	[tilespmem:s16+$0x20] =	vst v5;
	s16 =	smov.u32 s18  }
0x581: {  	v4 =	vmul.f32 $1.000000000e+05, v4;
	v5 =	vld [tilespmem:s21+$0x20]  }
0x582: {  	v10 =	vld [tilespmem:s21+$0xFFFFFFC0];
	v1 =	vmul.f32 $1.000000000e+05, v1;
	v9 =	vtrunc.f32 v9  }
0x583: {  	v2 =	vmul.f32 $1.000000000e+05, v2;
	v13 =	vcvt.f32.s32 v9;
	v8 =	vld.idx.msk [tilespmem:v8+s3+$0x0], $0xffff  }
0x584: {  	v18 =	vtrunc.f32 v4;
	v3 =	vmul.f32 $1.000000000e+05, v3;
	v19 =	vld.idx.msk [tilespmem:v6+s3+$0x0], $0xffff  }
0x585: {  	v20 =	vtrunc.f32 v1;
	v0 =	vmul.f32 $1.000000000e+05, v0;
	v4 =	vld.idx.msk [tilespmem:v7+s3+$0x0], $0xffff  }
.Ltmp52:
0x586: {  	v11 =	vtrunc.f32 v2;
	v5 =	vmul.f32 $1.000000000e+05, v5;
	v1 =	vld.idx.msk [tilespmem:v14+s3+$0x0], $0xffff;
	(pc) =	sbr.rel @p1 .LBB2_90-.Ltmp52, $4  }
0x587: {  	v12 =	vtrunc.f32 v3;
	v6 =	vmul.f32 $1.000000000e+05, v10;
	v2 =	vld.idx.msk [tilespmem:v15+s3+$0x0], $0xffff  }
0x588: {  	v10 =	vtrunc.f32 v0;
	v9 =	vtrunc.f32 v5;
	v3 =	vld.idx.msk [tilespmem:v16+s3+$0x0], $0xffff  }
0x589: {  	v5 =	vtrunc.f32 v6;
	v6 =	vcvt.f32.s32 v18;
	v0 =	vld.idx.msk [tilespmem:v13+s3+$0x0], $0xffff;
	[tilespmem:s18+$0xFFFFFFC0] =	vst v8  }
0x58a: {  	s21 =	sadd.s32 $0x400, s21;
	v7 =	vcvt.f32.s32 v20;
	v8 =	vcvt.f32.s32 v5;
	[tilespmem:s18+$0xFFFFFFD0] =	vst v19;
	v5 =	vld.idx.msk [tilespmem:v17+s3+$0x0], $0xffff  }
0x58b: {  	v13 =	vld [tilespmem:s13+$0x0]  }
0x58c: {  	v14 =	vld [tilespmem:s13+$0xFFFFFFA0]  }
0x58d: {  	v15 =	vld [tilespmem:s13+$0xFFFFFFB0]  }
0x58e: {  	v16 =	vld [tilespmem:s13+$0xFFFFFFC0]  }
0x58f: {  	v17 =	vld [tilespmem:s13+$0xFFFFFFD0]  }
0x590: {  	v18 =	vld [tilespmem:s13+$0xFFFFFFE0]  }
0x591: {  	v19 =	vld [tilespmem:s13+$0xFFFFFF90]  }
0x592: {  	v20 =	vld [tilespmem:s13+$0xFFFFFFF0]  }
0x593: {  	s21 =	sadd.s32 $0x400, s13;
	v8 =	vld.idx.msk [tilespmem:v8+s3+$0x0], $0xffff  }
0x594: {  	v11 =	vcvt.f32.s32 v11;
	v12 =	vcvt.f32.s32 v12;
	v53 =	vld [tilespmem:s21+$0x0]  }
0x595: {  	v10 =	vcvt.f32.s32 v10;
	v9 =	vcvt.f32.s32 v9;
	v56 =	vld [tilespmem:s21+$0xFFFFFFB0]  }
0x596: {  	v13 =	vmul.f32 $1.000000000e+05, v13;
	v14 =	vmul.f32 $1.000000000e+05, v14  }
0x597: {  	v6 =	vld.idx.msk [tilespmem:v6+s3+$0x0], $0xffff;
	v15 =	vmul.f32 $1.000000000e+05, v15;
	v16 =	vmul.f32 $1.000000000e+05, v16  }
0x598: {  	v7 =	vld.idx.msk [tilespmem:v7+s3+$0x0], $0xffff;
	v17 =	vmul.f32 $1.000000000e+05, v17;
	v18 =	vmul.f32 $1.000000000e+05, v18  }
0x599: {  	[tilespmem:s18+$0xFFFFFFE0] =	vst v4;
	s19 =	sadd.s32 $0x400, s18;
	v55 =	vld [tilespmem:s21+$0xFFFFFFA0];
	v19 =	vmul.f32 $1.000000000e+05, v19;
	v4 =	vmul.f32 $1.000000000e+05, v20  }
0x59a: {  	v58 =	vld [tilespmem:s21+$0xFFFFFFD0];
	v20 =	vmul.f32 $1.000000000e+05, v53;
	[tilespmem:s19+$0xFFFFFFC0] =	vst v8;
	v8 =	vmul.f32 $1.000000000e+05, v56  }
0x59b: {  	v59 =	vld [tilespmem:s21+$0xFFFFFFF0];
	v13 =	vtrunc.f32 v13;
	v14 =	vtrunc.f32 v14  }
0x59c: {  	[tilespmem:s16+$0x20] =	vst v5;
	v5 =	vld [tilespmem:s21+$0xFFFFFFE0];
	v15 =	vtrunc.f32 v15;
	v16 =	vtrunc.f32 v16  }
0x59d: {  	[tilespmem:s19+$0xFFFFFFD0] =	vst v6;
	v6 =	vld [tilespmem:s21+$0xFFFFFF90];
	v54 =	vtrunc.f32 v19;
	v13 =	vcvt.f32.s32 v13  }
0x59e: {  	[tilespmem:s18+$0x0] =	vst v2;
	v11 =	vld.idx.msk [tilespmem:v11+s3+$0x0], $0xffff;
	v2 =	vtrunc.f32 v4;
	v4 =	vcvt.f32.s32 v54  }
0x59f: {  	[tilespmem:s16+$0x10] =	vst v3;
	v12 =	vld.idx.msk [tilespmem:v12+s3+$0x0], $0xffff;
	v17 =	vtrunc.f32 v17;
	v3 =	vcvt.f32.s32 v14  }
0x5a0: {  	[tilespmem:s18+$0xFFFFFFF0] =	vst v1;
	v1 =	vtrunc.f32 v18;
	v14 =	vcvt.f32.s32 v15;
	v15 =	vld [tilespmem:s21+$0xFFFFFFC0]  }
0x5a1: {  	[tilespmem:s19+$0x30] =	vst v0;
	v10 =	vld.idx.msk [tilespmem:v10+s3+$0x0], $0xffff;
	v0 =	vcvt.f32.s32 v16;
	v57 =	vcvt.f32.s32 v17  }
0x5a2: {  	v9 =	vld.idx.msk [tilespmem:v9+s3+$0x0], $0xffff;
	v1 =	vcvt.f32.s32 v1;
	v21 =	vcvt.f32.s32 v2  }
0x5a3: {  	v2 =	vmul.f32 $1.000000000e+05, v55;
	v60 =	vtrunc.f32 v20;
	v13 =	vld.idx.msk [tilespmem:v13+s3+$0x0], $0xffff  }
0x5a4: {  	[tilespmem:s19+$0xFFFFFFE0] =	vst v7;
	v63 =	vtrunc.f32 v8;
	v22 =	vmul.f32 $1.000000000e+05, v5;
	v4 =	vld.idx.msk [tilespmem:v4+s3+$0x0], $0xffff  }
0x5a5: {  	[tilespmem:s19+$0xFFFFFFF0] =	vst v11;
	v7 =	vmul.f32 $1.000000000e+05, v15;
	v15 =	vcvt.f32.s32 v60;
	v62 =	vld.idx.msk [tilespmem:v3+s3+$0x0], $0xffff  }
0x5a6: {  	v61 =	vtrunc.f32 v2;
	v11 =	vmul.f32 $1.000000000e+05, v58;
	[tilespmem:s19+$0x0] =	vst v12;
	v3 =	vld.idx.msk [tilespmem:v14+s3+$0x0], $0xffff  }
0x5a7: {  	[tilespmem:s19+$0x10] =	vst v10;
	v10 =	vtrunc.f32 v22;
	v2 =	vld.idx.msk [tilespmem:v0+s3+$0x0], $0xffff;
	v0 =	vmul.f32 $1.000000000e+05, v6  }
0x5a8: {  	[tilespmem:s19+$0x20] =	vst v9;
	v5 =	vld.idx.msk [tilespmem:v57+s3+$0x0], $0xffff;
	v8 =	vtrunc.f32 v7;
	v7 =	vmul.f32 $1.000000000e+05, v59  }
0x5a9: {  	v12 =	vtrunc.f32 v11;
	v6 =	vld.idx.msk [tilespmem:v1+s3+$0x0], $0xffff;
	v1 =	vtrunc.f32 v0;
	[tilespmem:s12+$0x0] =	vst v13  }
0x5aa: {  	s18 =	smov.u32 s12;
	v9 =	vld.idx.msk [tilespmem:v21+s3+$0x0], $0xffff;
	v0 =	vcvt.f32.s32 v61;
	v11 =	vtrunc.f32 v7;
	[tilespmem:s12+$0xFFFFFF90] =	vst v4  }
0x5ab: {  	s16 =	smov.u32 s12;
	s21 =	sadd.s32 $0x400, s21;
	s19 =	simm.s32 $0x80;
	v7 =	vld.idx.msk [tilespmem:v15+s3+$0x0], $0xffff;
	v4 =	vcvt.f32.s32 v1;
	v1 =	vcvt.f32.s32 v63;
	[tilespmem:s12+$0xFFFFFFA0] =	vst v62  }
.LBB2_92:
0x5ac: {  	v13 =	vld [tilespmem:s21+$0x0];
	s19 =	sadd.s32 $0x80, s19;
	v14 =	vcvt.f32.s32 v8;
	v15 =	vcvt.f32.s32 v12;
	[tilespmem:s18+$0xFFFFFFB0] =	vst v3  }
0x5ad: {  	v16 =	vcvt.f32.s32 v10;
	v17 =	vcvt.f32.s32 v11;
	v3 =	vld [tilespmem:s21+$0xFFFFFFA0];
	p1 =	slt.u32 s19, $0x100;
	[tilespmem:s18+$0xFFFFFFC0] =	vst v2  }
0x5ae: {  	v2 =	vld [tilespmem:s21+$0xFFFFFFB0];
	[tilespmem:s18+$0xFFFFFFD0] =	vst v5  }
0x5af: {  	s18 =	sadd.s32 $0x400, s18;
	v5 =	vld [tilespmem:s21+$0xFFFFFFC0];
	[tilespmem:s16+$0xFFFFFFE0] =	vst v6  }
0x5b0: {  	v6 =	vld [tilespmem:s21+$0xFFFFFFD0];
	[tilespmem:s18+$0x0] =	vst v7  }
0x5b1: {  	v7 =	vld [tilespmem:s21+$0xFFFFFFE0];
	v8 =	vmul.f32 $1.000000000e+05, v13;
	[tilespmem:s16+$0xFFFFFFF0] =	vst v9;
	s16 =	smov.u32 s18  }
0x5b2: {  	v3 =	vmul.f32 $1.000000000e+05, v3;
	v9 =	vld [tilespmem:s21+$0xFFFFFFF0]  }
0x5b3: {  	v10 =	vld [tilespmem:s21+$0xFFFFFF90];
	v2 =	vmul.f32 $1.000000000e+05, v2;
	v8 =	vtrunc.f32 v8  }
0x5b4: {  	v5 =	vmul.f32 $1.000000000e+05, v5;
	v13 =	vcvt.f32.s32 v8;
	v4 =	vld.idx.msk [tilespmem:v4+s3+$0x0], $0xffff  }
0x5b5: {  	v18 =	vtrunc.f32 v3;
	v6 =	vmul.f32 $1.000000000e+05, v6;
	v19 =	vld.idx.msk [tilespmem:v0+s3+$0x0], $0xffff  }
0x5b6: {  	v20 =	vtrunc.f32 v2;
	v0 =	vmul.f32 $1.000000000e+05, v7;
	v3 =	vld.idx.msk [tilespmem:v1+s3+$0x0], $0xffff  }
.Ltmp53:
0x5b7: {  	v8 =	vtrunc.f32 v5;
	v1 =	vmul.f32 $1.000000000e+05, v9;
	v2 =	vld.idx.msk [tilespmem:v14+s3+$0x0], $0xffff;
	(pc) =	sbr.rel @p1 .LBB2_92-.Ltmp53, $4  }
0x5b8: {  	v12 =	vtrunc.f32 v6;
	v7 =	vmul.f32 $1.000000000e+05, v10;
	v5 =	vld.idx.msk [tilespmem:v15+s3+$0x0], $0xffff  }
0x5b9: {  	v10 =	vtrunc.f32 v0;
	v11 =	vtrunc.f32 v1;
	v6 =	vld.idx.msk [tilespmem:v16+s3+$0x0], $0xffff  }
0x5ba: {  	v0 =	vcvt.f32.s32 v18;
	v1 =	vtrunc.f32 v7;
	v7 =	vld.idx.msk [tilespmem:v13+s3+$0x0], $0xffff;
	[tilespmem:s18+$0xFFFFFF90] =	vst v4  }
0x5bb: {  	s21 =	sadd.s32 $0x400, s21;
	v4 =	vcvt.f32.s32 v1;
	v1 =	vcvt.f32.s32 v20;
	[tilespmem:s18+$0xFFFFFFA0] =	vst v19;
	v9 =	vld.idx.msk [tilespmem:v17+s3+$0x0], $0xffff  }
0x5bc: {  	_ = 	snop  }
0x5bd: {  	v8 =	vcvt.f32.s32 v8  }
0x5be: {  	v12 =	vcvt.f32.s32 v12  }
0x5bf: {  	[tilespmem:s18+$0xFFFFFFB0] =	vst v3;
	v58 =	vcvt.f32.s32 v10  }
0x5c0: {  	v59 =	vcvt.f32.s32 v11;
	[tilespmem:s18+$0xFFFFFFC0] =	vst v2;
	v0 =	vld.idx.msk [tilespmem:v0+s3+$0x0], $0xffff  }
0x5c1: {  	v60 =	vld.idx.msk [tilespmem:v4+s3+$0x0], $0xffff;
	[tilespmem:s18+$0xFFFFFFD0] =	vst v5  }
0x5c2: {  	s19 =	sadd.s32 $0x400, s18;
	v1 =	vld.idx.msk [tilespmem:v1+s3+$0x0], $0xffff;
	[tilespmem:s16+$0xFFFFFFE0] =	vst v6  }
0x5c3: {  	[tilespmem:s19+$0x0] =	vst v7;
	v61 =	vld.idx.msk [tilespmem:v8+s3+$0x0], $0xffff  }
0x5c4: {  	[tilespmem:s16+$0xFFFFFFF0] =	vst v9;
	v62 =	vld.idx.msk [tilespmem:v12+s3+$0x0], $0xffff  }
0x5c5: {  	[tilespmem:s19+$0xFFFFFFA0] =	vst v0;
	v3 =	vld.idx.msk [tilespmem:v58+s3+$0x0], $0xffff  }
0x5c6: {  	p1 =	slt.u32 s15, $0x6;
	[tilespmem:s19+$0xFFFFFF90] =	vst v60;
	v63 =	vld.idx.msk [tilespmem:v59+s3+$0x0], $0xffff  }
.Ltmp54:
0x5c7: {  	[tilespmem:s19+$0xFFFFFFB0] =	vst v1;
	(pc) =	sbr.rel @p1 .LBB2_89-.Ltmp54, $4  }
0x5c8: {  	[tilespmem:s19+$0xFFFFFFC0] =	vst v61  }
0x5c9: {  	[tilespmem:s19+$0xFFFFFFD0] =	vst v62  }
0x5ca: {  	s21 =	sadd.s32 $0x2, s15;
	s11 =	sadd.s32 $0x100, s11;
	s25 =	sadd.s32 $0x100, s25;
	[tilespmem:s19+$0xFFFFFFE0] =	vst v3  }
0x5cb: {  	s12 =	sadd.s32 $0x100, s12;
	s13 =	sadd.s32 $0x100, s13;
	s15 =	smov.u32 s21;
	[tilespmem:s19+$0xFFFFFFF0] =	vst v63  }
0x5cc: {  	p1 =	seq.s32 s6, $0x17  }
.Ltmp55:
0x5cd: {  	_ = 	snop;
	(pc) =	sbr.rel @p1 .LBB2_96-.Ltmp55, $4  }
0x5ce: {  	s5 =	sadd.s32 s22, s5  }
0x5cf: {  	s5 =	sshrl.u32 s5, $0x3  }
0x5d0: {  	s5 =	sadd.s32 s1, s5  }
0x5d1: {  	[hbm4b:s5+s3] =	stream.linear.scatter [tilespmem:s24], [sflag:$0x4], $0xC00, $0x38;
	[tilespmem:$0x1FF00] =	vst v63  }
0x5d2: {  	s5 =	sadd.s32 $0x18, s8  }
0x5d3: {  	s5 =	sshrl.u32 s5, $0x3  }
0x5d4: {  	s5 =	smul.u32 $0x3000, s5  }
.Ltmp56:
0x5d5: {  	_ = 	snop;
	(pc) =	sbr.rel .LBB2_78-.Ltmp56, $4  }
0x5d6: {  	_ = 	snop  }
0x5d7: {  	s5 =	sshra.s32 s5, $0x2  }
0x5d8: {  	s6 =	sadd.s32 $0x1, s6;
	s5 =	sadd.s32 s5, s2  }
0x5d9: {  	[tilespmem:s10], [sflag:$0x2] =	stream.linear.gather [spmem:s5], $0xC00, $0x38;
	[tilespmem:$0x1FF00] =	vst v63  }
.LBB2_96:
0x5da: {  	s5 =	simm.s32 $0x3  }
0x5db: {  	_ =	swait.ge [sflag:s5], $0xC00  }
0x5dc: {  	[sflag:s5] =	ssyncset.done $0x0  }
0x5dd: {  	[sflag:s5] =	ssyncadd.s32 $0xFFFFF400  }
0x5de: {  	_ =	swait.ge [sflag:s23], $0xC00  }
0x5df: {  	[sflag:s23] =	ssyncset.done $0x0  }
0x5e0: {  	[sflag:s23] =	ssyncadd.s32 $0xFFFFF400  }
0x5e1: {  	s5 =	simm.s32 @!p0 $0x5;
	[bflag:$0x0] =	sbarrier.arrive @p0 $0xFFFF  }
0x5e2: {  	_ =	swait.ge @!p0 [sflag:s5], $0x4800  }
0x5e3: {  	[sflag:s5] =	ssyncset.done @!p0 $0x0  }
0x5e4: {  	[sflag:s5] =	ssyncadd.s32 @!p0 $0xFFFFB800  }
0x5e5: {  	[bflag:$0x0] =	sbarrier.arrive @!p0 $0xFFFF  }
0x5e6: {  	s6 =	rddreg [dreg:$0x16]  }
0x5e7: {  	s5 =	simm.s32 @!p0 $0x1C05;
	s8 =	rddreg [dreg:$0x1b]  }
0x5e8: {  	[spmem:s8], [sflag:s5] =	dma.local @!p0 [hbm:s6], $0x4800  }
0x5e9: {  	s5 =	rddreg [dreg:$0x7]  }
0x5ea: {  	[tilespmem:s7], [sflag:$0x1] =	stream.linear.gather [spmem:s5], $0xC00, $0x38;
	[tilespmem:$0x1FF00] =	vst v63  }
0x5eb: {  	s6 =	simm.s32 $0x0;
	s25 =	rddreg [dreg:$0xb]  }
0x5ec: {  	[tilespmem:s10], [sflag:$0x2] =	stream.linear.gather [spmem:s25], $0xC00, $0x38;
	[tilespmem:$0x1FF00] =	vst v63  }
.LBB2_97:
0x5ed: {  	_ =	swait.ge [sflag:s14], $0xC00  }
0x5ee: {  	p1 =	seq.s32 s6, $0x0;
	[sflag:s14] =	ssyncset.done $0x0  }
0x5ef: {  	s5 =	simm.s32 @!p1 $0x3;
	[sflag:s14] =	ssyncadd.s32 $0xFFFFF400  }
0x5f0: {  	s8 =	sshll.u32 s6, $0x4;
	s11 =	simm.s32 $0x18740;
	_ =	swait.ge @!p1 [sflag:s5], $0xC00  }
0x5f1: {  	s25 =	simm.s32 $0x19FF0;
	s12 =	simm.s32 $0x187F0;
	[sflag:s5] =	ssyncset.done @!p1 $0x0  }
0x5f2: {  	s13 =	simm.s32 $0x0;
	[sflag:s5] =	ssyncadd.s32 @!p1 $0xFFFFF400;
	s5 =	simm.s32 $0x19F40  }
.LBB2_98:
0x5f3: {  	v0 =	vld [tilespmem:s11+$0x30]  }
0x5f4: {  	v1 =	vld [tilespmem:s11+$0xFFFFFFD0]  }
0x5f5: {  	v2 =	vld [tilespmem:s11+$0xFFFFFFE0]  }
0x5f6: {  	v3 =	vld [tilespmem:s11+$0xFFFFFFF0]  }
0x5f7: {  	v4 =	vld [tilespmem:s11+$0x0]  }
0x5f8: {  	v5 =	vld [tilespmem:s11+$0x10]  }
0x5f9: {  	v6 =	vld [tilespmem:s11+$0xFFFFFFC0]  }
0x5fa: {  	v7 =	vld [tilespmem:s11+$0x20];
	s15 =	sadd.s32 $0x400, s11  }
0x5fb: {  	v8 =	vld [tilespmem:s15+$0x30]  }
0x5fc: {  	v10 =	vld [tilespmem:s15+$0xFFFFFFE0]  }
0x5fd: {  	v0 =	vmul.f32 $1.000000000e+05, v0;
	v1 =	vmul.f32 $1.000000000e+05, v1  }
0x5fe: {  	v2 =	vmul.f32 $1.000000000e+05, v2;
	v3 =	vmul.f32 $1.000000000e+05, v3  }
0x5ff: {  	v4 =	vmul.f32 $1.000000000e+05, v4;
	v5 =	vmul.f32 $1.000000000e+05, v5  }
0x600: {  	v6 =	vmul.f32 $1.000000000e+05, v6;
	v7 =	vmul.f32 $1.000000000e+05, v7  }
0x601: {  	v8 =	vmul.f32 $1.000000000e+05, v8;
	v10 =	vmul.f32 $1.000000000e+05, v10  }
0x602: {  	v0 =	vtrunc.f32 v0;
	v1 =	vtrunc.f32 v1  }
0x603: {  	v2 =	vtrunc.f32 v2;
	v3 =	vtrunc.f32 v3  }
0x604: {  	v9 =	vld [tilespmem:s15+$0xFFFFFFD0];
	v6 =	vtrunc.f32 v6;
	v0 =	vcvt.f32.s32 v0  }
0x605: {  	v11 =	vld [tilespmem:s15+$0xFFFFFFF0];
	v4 =	vtrunc.f32 v4;
	v6 =	vcvt.f32.s32 v6  }
0x606: {  	v12 =	vld [tilespmem:s15+$0x10];
	v5 =	vtrunc.f32 v5;
	v1 =	vcvt.f32.s32 v1  }
0x607: {  	v15 =	vld [tilespmem:s15+$0xFFFFFFC0];
	v7 =	vtrunc.f32 v7;
	v2 =	vcvt.f32.s32 v2  }
0x608: {  	v3 =	vcvt.f32.s32 v3;
	v13 =	vcvt.f32.s32 v4;
	v4 =	vld [tilespmem:s15+$0x0]  }
0x609: {  	v14 =	vcvt.f32.s32 v7;
	v7 =	vmul.f32 $1.000000000e+05, v9;
	v9 =	vld [tilespmem:s15+$0x20]  }
0x60a: {  	v5 =	vcvt.f32.s32 v5;
	v8 =	vtrunc.f32 v8;
	v0 =	vld.idx.msk [tilespmem:v0+s3+$0x0], $0xffff  }
0x60b: {  	v11 =	vmul.f32 $1.000000000e+05, v11;
	v8 =	vcvt.f32.s32 v8;
	v16 =	vld.idx.msk [tilespmem:v6+s3+$0x0], $0xffff  }
0x60c: {  	v18 =	vtrunc.f32 v10;
	v10 =	vmul.f32 $1.000000000e+05, v12;
	v17 =	vld.idx.msk [tilespmem:v1+s3+$0x0], $0xffff  }
0x60d: {  	v6 =	vtrunc.f32 v7;
	v7 =	vmul.f32 $1.000000000e+05, v4;
	v4 =	vld.idx.msk [tilespmem:v2+s3+$0x0], $0xffff  }
0x60e: {  	v15 =	vmul.f32 $1.000000000e+05, v15;
	v9 =	vmul.f32 $1.000000000e+05, v9;
	v1 =	vld.idx.msk [tilespmem:v3+s3+$0x0], $0xffff  }
0x60f: {  	v11 =	vtrunc.f32 v11;
	v10 =	vtrunc.f32 v10;
	v2 =	vld.idx.msk [tilespmem:v13+s3+$0x0], $0xffff  }
0x610: {  	v3 =	vld.idx.msk [tilespmem:v5+s3+$0x0], $0xffff;
	v5 =	vtrunc.f32 v15;
	v9 =	vtrunc.f32 v9;
	[tilespmem:s5+$0x30] =	vst v0  }
0x611: {  	s18 =	simm.s32 $0x80;
	v6 =	vcvt.f32.s32 v6;
	v12 =	vtrunc.f32 v7;
	v0 =	vld.idx.msk [tilespmem:v8+s3+$0x0], $0xffff;
	[tilespmem:s5+$0xFFFFFFC0] =	vst v16  }
0x612: {  	s16 =	smov.u32 s5;
	s19 =	sadd.s32 $0x400, s15;
	s15 =	smov.u32 s5;
	v7 =	vcvt.f32.s32 v18;
	v8 =	vcvt.f32.s32 v5;
	[tilespmem:s5+$0xFFFFFFD0] =	vst v17;
	v5 =	vld.idx.msk [tilespmem:v14+s3+$0x0], $0xffff  }
.LBB2_99:
0x613: {  	v13 =	vld [tilespmem:s19+$0x30];
	s18 =	sadd.s32 $0x80, s18;
	v14 =	vcvt.f32.s32 v11;
	v15 =	vcvt.f32.s32 v12;
	[tilespmem:s16+$0xFFFFFFE0] =	vst v4  }
0x614: {  	v16 =	vcvt.f32.s32 v10;
	v17 =	vcvt.f32.s32 v9;
	v4 =	vld [tilespmem:s19+$0xFFFFFFD0];
	p2 =	slt.u32 s18, $0x100;
	[tilespmem:s16+$0xFFFFFFF0] =	vst v1  }
0x615: {  	v1 =	vld [tilespmem:s19+$0xFFFFFFE0];
	[tilespmem:s16+$0x0] =	vst v2  }
0x616: {  	s16 =	sadd.s32 $0x400, s16;
	v2 =	vld [tilespmem:s19+$0xFFFFFFF0];
	[tilespmem:s15+$0x10] =	vst v3  }
0x617: {  	v3 =	vld [tilespmem:s19+$0x0];
	[tilespmem:s16+$0x30] =	vst v0  }
0x618: {  	v0 =	vld [tilespmem:s19+$0x10];
	v9 =	vmul.f32 $1.000000000e+05, v13;
	[tilespmem:s15+$0x20] =	vst v5;
	s15 =	smov.u32 s16  }
0x619: {  	v4 =	vmul.f32 $1.000000000e+05, v4;
	v5 =	vld [tilespmem:s19+$0x20]  }
0x61a: {  	v10 =	vld [tilespmem:s19+$0xFFFFFFC0];
	v1 =	vmul.f32 $1.000000000e+05, v1;
	v9 =	vtrunc.f32 v9  }
0x61b: {  	v2 =	vmul.f32 $1.000000000e+05, v2;
	v13 =	vcvt.f32.s32 v9;
	v8 =	vld.idx.msk [tilespmem:v8+s3+$0x0], $0xffff  }
0x61c: {  	v18 =	vtrunc.f32 v4;
	v3 =	vmul.f32 $1.000000000e+05, v3;
	v19 =	vld.idx.msk [tilespmem:v6+s3+$0x0], $0xffff  }
0x61d: {  	v20 =	vtrunc.f32 v1;
	v0 =	vmul.f32 $1.000000000e+05, v0;
	v4 =	vld.idx.msk [tilespmem:v7+s3+$0x0], $0xffff  }
.Ltmp57:
0x61e: {  	v11 =	vtrunc.f32 v2;
	v5 =	vmul.f32 $1.000000000e+05, v5;
	v1 =	vld.idx.msk [tilespmem:v14+s3+$0x0], $0xffff;
	(pc) =	sbr.rel @p2 .LBB2_99-.Ltmp57, $4  }
0x61f: {  	v12 =	vtrunc.f32 v3;
	v6 =	vmul.f32 $1.000000000e+05, v10;
	v2 =	vld.idx.msk [tilespmem:v15+s3+$0x0], $0xffff  }
0x620: {  	v10 =	vtrunc.f32 v0;
	v9 =	vtrunc.f32 v5;
	v3 =	vld.idx.msk [tilespmem:v16+s3+$0x0], $0xffff  }
0x621: {  	v5 =	vtrunc.f32 v6;
	v6 =	vcvt.f32.s32 v18;
	v0 =	vld.idx.msk [tilespmem:v13+s3+$0x0], $0xffff;
	[tilespmem:s16+$0xFFFFFFC0] =	vst v8  }
0x622: {  	s19 =	sadd.s32 $0x400, s19;
	v7 =	vcvt.f32.s32 v20;
	v8 =	vcvt.f32.s32 v5;
	[tilespmem:s16+$0xFFFFFFD0] =	vst v19;
	v5 =	vld.idx.msk [tilespmem:v17+s3+$0x0], $0xffff  }
0x623: {  	v13 =	vld [tilespmem:s12+$0x0]  }
0x624: {  	v14 =	vld [tilespmem:s12+$0xFFFFFFA0]  }
0x625: {  	v15 =	vld [tilespmem:s12+$0xFFFFFFB0]  }
0x626: {  	v16 =	vld [tilespmem:s12+$0xFFFFFFC0]  }
0x627: {  	v17 =	vld [tilespmem:s12+$0xFFFFFFD0]  }
0x628: {  	v18 =	vld [tilespmem:s12+$0xFFFFFFE0]  }
0x629: {  	v19 =	vld [tilespmem:s12+$0xFFFFFF90]  }
0x62a: {  	v20 =	vld [tilespmem:s12+$0xFFFFFFF0]  }
0x62b: {  	s19 =	sadd.s32 $0x400, s12;
	v8 =	vld.idx.msk [tilespmem:v8+s3+$0x0], $0xffff  }
0x62c: {  	v11 =	vcvt.f32.s32 v11;
	v12 =	vcvt.f32.s32 v12;
	v53 =	vld [tilespmem:s19+$0x0]  }
0x62d: {  	v10 =	vcvt.f32.s32 v10;
	v9 =	vcvt.f32.s32 v9;
	v56 =	vld [tilespmem:s19+$0xFFFFFFB0]  }
0x62e: {  	v13 =	vmul.f32 $1.000000000e+05, v13;
	v14 =	vmul.f32 $1.000000000e+05, v14  }
0x62f: {  	v6 =	vld.idx.msk [tilespmem:v6+s3+$0x0], $0xffff;
	v15 =	vmul.f32 $1.000000000e+05, v15;
	v16 =	vmul.f32 $1.000000000e+05, v16  }
0x630: {  	v7 =	vld.idx.msk [tilespmem:v7+s3+$0x0], $0xffff;
	v17 =	vmul.f32 $1.000000000e+05, v17;
	v18 =	vmul.f32 $1.000000000e+05, v18  }
0x631: {  	[tilespmem:s16+$0xFFFFFFE0] =	vst v4;
	s21 =	sadd.s32 $0x400, s16;
	v55 =	vld [tilespmem:s19+$0xFFFFFFA0];
	v19 =	vmul.f32 $1.000000000e+05, v19;
	v4 =	vmul.f32 $1.000000000e+05, v20  }
0x632: {  	v58 =	vld [tilespmem:s19+$0xFFFFFFD0];
	v20 =	vmul.f32 $1.000000000e+05, v53;
	[tilespmem:s21+$0xFFFFFFC0] =	vst v8;
	v8 =	vmul.f32 $1.000000000e+05, v56  }
0x633: {  	v59 =	vld [tilespmem:s19+$0xFFFFFFF0];
	v13 =	vtrunc.f32 v13;
	v14 =	vtrunc.f32 v14  }
0x634: {  	[tilespmem:s15+$0x20] =	vst v5;
	v5 =	vld [tilespmem:s19+$0xFFFFFFE0];
	v15 =	vtrunc.f32 v15;
	v16 =	vtrunc.f32 v16  }
0x635: {  	[tilespmem:s21+$0xFFFFFFD0] =	vst v6;
	v6 =	vld [tilespmem:s19+$0xFFFFFF90];
	v54 =	vtrunc.f32 v19;
	v13 =	vcvt.f32.s32 v13  }
0x636: {  	[tilespmem:s16+$0x0] =	vst v2;
	v11 =	vld.idx.msk [tilespmem:v11+s3+$0x0], $0xffff;
	v2 =	vtrunc.f32 v4;
	v4 =	vcvt.f32.s32 v54  }
0x637: {  	[tilespmem:s15+$0x10] =	vst v3;
	v12 =	vld.idx.msk [tilespmem:v12+s3+$0x0], $0xffff;
	v17 =	vtrunc.f32 v17;
	v3 =	vcvt.f32.s32 v14  }
0x638: {  	[tilespmem:s16+$0xFFFFFFF0] =	vst v1;
	v1 =	vtrunc.f32 v18;
	v14 =	vcvt.f32.s32 v15;
	v15 =	vld [tilespmem:s19+$0xFFFFFFC0]  }
0x639: {  	[tilespmem:s21+$0x30] =	vst v0;
	v10 =	vld.idx.msk [tilespmem:v10+s3+$0x0], $0xffff;
	v0 =	vcvt.f32.s32 v16;
	v57 =	vcvt.f32.s32 v17  }
0x63a: {  	v9 =	vld.idx.msk [tilespmem:v9+s3+$0x0], $0xffff;
	v1 =	vcvt.f32.s32 v1;
	v21 =	vcvt.f32.s32 v2  }
0x63b: {  	v2 =	vmul.f32 $1.000000000e+05, v55;
	v60 =	vtrunc.f32 v20;
	v13 =	vld.idx.msk [tilespmem:v13+s3+$0x0], $0xffff  }
0x63c: {  	[tilespmem:s21+$0xFFFFFFE0] =	vst v7;
	v63 =	vtrunc.f32 v8;
	v22 =	vmul.f32 $1.000000000e+05, v5;
	v4 =	vld.idx.msk [tilespmem:v4+s3+$0x0], $0xffff  }
0x63d: {  	[tilespmem:s21+$0xFFFFFFF0] =	vst v11;
	v7 =	vmul.f32 $1.000000000e+05, v15;
	v15 =	vcvt.f32.s32 v60;
	v62 =	vld.idx.msk [tilespmem:v3+s3+$0x0], $0xffff  }
0x63e: {  	v61 =	vtrunc.f32 v2;
	v11 =	vmul.f32 $1.000000000e+05, v58;
	[tilespmem:s21+$0x0] =	vst v12;
	v3 =	vld.idx.msk [tilespmem:v14+s3+$0x0], $0xffff  }
0x63f: {  	[tilespmem:s21+$0x10] =	vst v10;
	v10 =	vtrunc.f32 v22;
	v2 =	vld.idx.msk [tilespmem:v0+s3+$0x0], $0xffff;
	v0 =	vmul.f32 $1.000000000e+05, v6  }
0x640: {  	[tilespmem:s21+$0x20] =	vst v9;
	v5 =	vld.idx.msk [tilespmem:v57+s3+$0x0], $0xffff;
	v8 =	vtrunc.f32 v7;
	v7 =	vmul.f32 $1.000000000e+05, v59  }
0x641: {  	v12 =	vtrunc.f32 v11;
	v6 =	vld.idx.msk [tilespmem:v1+s3+$0x0], $0xffff;
	v1 =	vtrunc.f32 v0;
	[tilespmem:s25+$0x0] =	vst v13  }
0x642: {  	s18 =	simm.s32 $0x80;
	v9 =	vld.idx.msk [tilespmem:v21+s3+$0x0], $0xffff;
	v0 =	vcvt.f32.s32 v61;
	v11 =	vtrunc.f32 v7;
	[tilespmem:s25+$0xFFFFFF90] =	vst v4  }
0x643: {  	s16 =	smov.u32 s25;
	s15 =	smov.u32 s25;
	s19 =	sadd.s32 $0x400, s19;
	v7 =	vld.idx.msk [tilespmem:v15+s3+$0x0], $0xffff;
	v4 =	vcvt.f32.s32 v1;
	v1 =	vcvt.f32.s32 v63;
	[tilespmem:s25+$0xFFFFFFA0] =	vst v62  }
.LBB2_101:
0x644: {  	v13 =	vld [tilespmem:s19+$0x0];
	s18 =	sadd.s32 $0x80, s18;
	v14 =	vcvt.f32.s32 v8;
	v15 =	vcvt.f32.s32 v12;
	[tilespmem:s16+$0xFFFFFFB0] =	vst v3  }
0x645: {  	v16 =	vcvt.f32.s32 v10;
	v17 =	vcvt.f32.s32 v11;
	v3 =	vld [tilespmem:s19+$0xFFFFFFA0];
	p2 =	slt.u32 s18, $0x100;
	[tilespmem:s16+$0xFFFFFFC0] =	vst v2  }
0x646: {  	v2 =	vld [tilespmem:s19+$0xFFFFFFB0];
	[tilespmem:s16+$0xFFFFFFD0] =	vst v5  }
0x647: {  	s16 =	sadd.s32 $0x400, s16;
	v5 =	vld [tilespmem:s19+$0xFFFFFFC0];
	[tilespmem:s15+$0xFFFFFFE0] =	vst v6  }
0x648: {  	v6 =	vld [tilespmem:s19+$0xFFFFFFD0];
	[tilespmem:s16+$0x0] =	vst v7  }
0x649: {  	v7 =	vld [tilespmem:s19+$0xFFFFFFE0];
	v8 =	vmul.f32 $1.000000000e+05, v13;
	[tilespmem:s15+$0xFFFFFFF0] =	vst v9;
	s15 =	smov.u32 s16  }
0x64a: {  	v3 =	vmul.f32 $1.000000000e+05, v3;
	v9 =	vld [tilespmem:s19+$0xFFFFFFF0]  }
0x64b: {  	v10 =	vld [tilespmem:s19+$0xFFFFFF90];
	v2 =	vmul.f32 $1.000000000e+05, v2;
	v8 =	vtrunc.f32 v8  }
0x64c: {  	v5 =	vmul.f32 $1.000000000e+05, v5;
	v13 =	vcvt.f32.s32 v8;
	v4 =	vld.idx.msk [tilespmem:v4+s3+$0x0], $0xffff  }
0x64d: {  	v18 =	vtrunc.f32 v3;
	v6 =	vmul.f32 $1.000000000e+05, v6;
	v19 =	vld.idx.msk [tilespmem:v0+s3+$0x0], $0xffff  }
0x64e: {  	v20 =	vtrunc.f32 v2;
	v0 =	vmul.f32 $1.000000000e+05, v7;
	v3 =	vld.idx.msk [tilespmem:v1+s3+$0x0], $0xffff  }
.Ltmp58:
0x64f: {  	v8 =	vtrunc.f32 v5;
	v1 =	vmul.f32 $1.000000000e+05, v9;
	v2 =	vld.idx.msk [tilespmem:v14+s3+$0x0], $0xffff;
	(pc) =	sbr.rel @p2 .LBB2_101-.Ltmp58, $4  }
0x650: {  	v12 =	vtrunc.f32 v6;
	v7 =	vmul.f32 $1.000000000e+05, v10;
	v5 =	vld.idx.msk [tilespmem:v15+s3+$0x0], $0xffff  }
0x651: {  	v10 =	vtrunc.f32 v0;
	v11 =	vtrunc.f32 v1;
	v6 =	vld.idx.msk [tilespmem:v16+s3+$0x0], $0xffff  }
0x652: {  	v0 =	vcvt.f32.s32 v18;
	v1 =	vtrunc.f32 v7;
	v7 =	vld.idx.msk [tilespmem:v13+s3+$0x0], $0xffff;
	[tilespmem:s16+$0xFFFFFF90] =	vst v4  }
0x653: {  	s19 =	sadd.s32 $0x400, s19;
	v4 =	vcvt.f32.s32 v1;
	v1 =	vcvt.f32.s32 v20;
	[tilespmem:s16+$0xFFFFFFA0] =	vst v19;
	v9 =	vld.idx.msk [tilespmem:v17+s3+$0x0], $0xffff  }
0x654: {  	_ = 	snop  }
0x655: {  	v8 =	vcvt.f32.s32 v8  }
0x656: {  	v12 =	vcvt.f32.s32 v12  }
0x657: {  	[tilespmem:s16+$0xFFFFFFB0] =	vst v3;
	v58 =	vcvt.f32.s32 v10  }
0x658: {  	v59 =	vcvt.f32.s32 v11;
	[tilespmem:s16+$0xFFFFFFC0] =	vst v2;
	v0 =	vld.idx.msk [tilespmem:v0+s3+$0x0], $0xffff  }
0x659: {  	v60 =	vld.idx.msk [tilespmem:v4+s3+$0x0], $0xffff;
	[tilespmem:s16+$0xFFFFFFD0] =	vst v5  }
0x65a: {  	s19 =	sadd.s32 $0x400, s16;
	v1 =	vld.idx.msk [tilespmem:v1+s3+$0x0], $0xffff;
	[tilespmem:s15+$0xFFFFFFE0] =	vst v6  }
0x65b: {  	[tilespmem:s19+$0x0] =	vst v7;
	v61 =	vld.idx.msk [tilespmem:v8+s3+$0x0], $0xffff  }
0x65c: {  	[tilespmem:s15+$0xFFFFFFF0] =	vst v9;
	v62 =	vld.idx.msk [tilespmem:v12+s3+$0x0], $0xffff  }
0x65d: {  	[tilespmem:s19+$0xFFFFFFA0] =	vst v0;
	v3 =	vld.idx.msk [tilespmem:v58+s3+$0x0], $0xffff  }
0x65e: {  	p2 =	slt.u32 s13, $0x6;
	[tilespmem:s19+$0xFFFFFF90] =	vst v60;
	v63 =	vld.idx.msk [tilespmem:v59+s3+$0x0], $0xffff  }
.Ltmp59:
0x65f: {  	[tilespmem:s19+$0xFFFFFFB0] =	vst v1;
	(pc) =	sbr.rel @p2 .LBB2_98-.Ltmp59, $4  }
0x660: {  	[tilespmem:s19+$0xFFFFFFC0] =	vst v61  }
0x661: {  	[tilespmem:s19+$0xFFFFFFD0] =	vst v62  }
0x662: {  	s21 =	sadd.s32 $0x2, s13;
	s5 =	sadd.s32 $0x100, s5;
	s11 =	sadd.s32 $0x100, s11;
	[tilespmem:s19+$0xFFFFFFE0] =	vst v3  }
0x663: {  	s25 =	sadd.s32 $0x100, s25;
	s12 =	sadd.s32 $0x100, s12;
	s13 =	smov.u32 s21;
	[tilespmem:s19+$0xFFFFFFF0] =	vst v63  }
0x664: {  	s5 =	smul.u32 $0x1800, s6;
	p2 =	sne.s32 s6, $0x17  }
.Ltmp60:
0x665: {  	_ = 	snop;
	(pc) =	sbr.rel @p2 .LBB2_105-.Ltmp60, $4  }
0x666: {  	s11 =	sadd.s32 s26, s5  }
0x667: {  	s11 =	sshrl.u32 s11, $0x3  }
0x668: {  	s11 =	sadd.s32 s1, s11  }
0x669: {  	[hbm4b:s11+s3] =	stream.linear.scatter [tilespmem:s17], [sflag:$0x3], $0xC00, $0x38;
	[tilespmem:$0x1FF00] =	vst v63  }
.Ltmp61:
0x66a: {  	(pc) =	sbr.rel .LBB2_106-.Ltmp61, $4  }
0x66b: {  	_ = 	snop  }
0x66c: {  	_ =	swait.ge [sflag:s20], $0xC00  }
0x66d: {  	[sflag:s20] =	ssyncset.done $0x0  }
0x66e: {  	[sflag:s20] =	ssyncadd.s32 $0xFFFFF400  }
.LBB2_105:
0x66f: {  	s11 =	sshrl.u32 s8, $0x3  }
0x670: {  	s11 =	smul.u32 $0x3000, s11;
	_ =	sdelay $0x1  }
0x671: {  	s11 =	sadd.s32 $0x6000, s11  }
0x672: {  	s11 =	sshra.s32 s11, $0x2  }
0x673: {  	s11 =	sadd.s32 s11, s2  }
.Ltmp62:
0x674: {  	s11 =	sadd.s32 $0x24000, s11;
	(pc) =	sbr.rel @p1 .LBB2_107-.Ltmp62, $4  }
0x675: {  	[tilespmem:s7], [sflag:$0x1] =	stream.linear.gather [spmem:s11], $0xC00, $0x38;
	[tilespmem:$0x1FF00] =	vst v63  }
0x676: {  	_ =	swait.ge [sflag:s20], $0xC00  }
0x677: {  	[sflag:s20] =	ssyncset.done $0x0  }
0x678: {  	[sflag:s20] =	ssyncadd.s32 $0xFFFFF400  }
.LBB2_106:
0x679: {  	_ =	swait.ge [sflag:s23], $0xC00  }
0x67a: {  	[sflag:s23] =	ssyncset.done $0x0  }
0x67b: {  	[sflag:s23] =	ssyncadd.s32 $0xFFFFF400  }
.LBB2_107:
0x67c: {  	s15 =	simm.s32 $0x0;
	s11 =	simm.s32 $0x1AB40  }
0x67d: {  	s25 =	simm.s32 $0x19340;
	s12 =	simm.s32 $0x1ABF0;
	s13 =	simm.s32 $0x193F0  }
.LBB2_108:
0x67e: {  	v0 =	vld [tilespmem:s25+$0x30]  }
0x67f: {  	v1 =	vld [tilespmem:s25+$0xFFFFFFD0]  }
0x680: {  	v2 =	vld [tilespmem:s25+$0xFFFFFFE0]  }
0x681: {  	v3 =	vld [tilespmem:s25+$0xFFFFFFF0]  }
0x682: {  	v4 =	vld [tilespmem:s25+$0x0]  }
0x683: {  	v5 =	vld [tilespmem:s25+$0x10]  }
0x684: {  	v6 =	vld [tilespmem:s25+$0xFFFFFFC0]  }
0x685: {  	v7 =	vld [tilespmem:s25+$0x20];
	s16 =	sadd.s32 $0x400, s25  }
0x686: {  	v8 =	vld [tilespmem:s16+$0x30]  }
0x687: {  	v10 =	vld [tilespmem:s16+$0xFFFFFFE0]  }
0x688: {  	v0 =	vmul.f32 $1.000000000e+05, v0;
	v1 =	vmul.f32 $1.000000000e+05, v1  }
0x689: {  	v2 =	vmul.f32 $1.000000000e+05, v2;
	v3 =	vmul.f32 $1.000000000e+05, v3  }
0x68a: {  	v4 =	vmul.f32 $1.000000000e+05, v4;
	v5 =	vmul.f32 $1.000000000e+05, v5  }
0x68b: {  	v6 =	vmul.f32 $1.000000000e+05, v6;
	v7 =	vmul.f32 $1.000000000e+05, v7  }
0x68c: {  	v8 =	vmul.f32 $1.000000000e+05, v8;
	v10 =	vmul.f32 $1.000000000e+05, v10  }
0x68d: {  	v0 =	vtrunc.f32 v0;
	v1 =	vtrunc.f32 v1  }
0x68e: {  	v2 =	vtrunc.f32 v2;
	v3 =	vtrunc.f32 v3  }
0x68f: {  	v9 =	vld [tilespmem:s16+$0xFFFFFFD0];
	v6 =	vtrunc.f32 v6;
	v0 =	vcvt.f32.s32 v0  }
0x690: {  	v11 =	vld [tilespmem:s16+$0xFFFFFFF0];
	v4 =	vtrunc.f32 v4;
	v6 =	vcvt.f32.s32 v6  }
0x691: {  	v12 =	vld [tilespmem:s16+$0x10];
	v5 =	vtrunc.f32 v5;
	v1 =	vcvt.f32.s32 v1  }
0x692: {  	v15 =	vld [tilespmem:s16+$0xFFFFFFC0];
	v7 =	vtrunc.f32 v7;
	v2 =	vcvt.f32.s32 v2  }
0x693: {  	v3 =	vcvt.f32.s32 v3;
	v13 =	vcvt.f32.s32 v4;
	v4 =	vld [tilespmem:s16+$0x0]  }
0x694: {  	v14 =	vcvt.f32.s32 v7;
	v7 =	vmul.f32 $1.000000000e+05, v9;
	v9 =	vld [tilespmem:s16+$0x20]  }
0x695: {  	v5 =	vcvt.f32.s32 v5;
	v8 =	vtrunc.f32 v8;
	v0 =	vld.idx.msk [tilespmem:v0+s3+$0x0], $0xffff  }
0x696: {  	v11 =	vmul.f32 $1.000000000e+05, v11;
	v8 =	vcvt.f32.s32 v8;
	v16 =	vld.idx.msk [tilespmem:v6+s3+$0x0], $0xffff  }
0x697: {  	v18 =	vtrunc.f32 v10;
	v10 =	vmul.f32 $1.000000000e+05, v12;
	v17 =	vld.idx.msk [tilespmem:v1+s3+$0x0], $0xffff  }
0x698: {  	v6 =	vtrunc.f32 v7;
	v7 =	vmul.f32 $1.000000000e+05, v4;
	v4 =	vld.idx.msk [tilespmem:v2+s3+$0x0], $0xffff  }
0x699: {  	v15 =	vmul.f32 $1.000000000e+05, v15;
	v9 =	vmul.f32 $1.000000000e+05, v9;
	v1 =	vld.idx.msk [tilespmem:v3+s3+$0x0], $0xffff  }
0x69a: {  	v11 =	vtrunc.f32 v11;
	v10 =	vtrunc.f32 v10;
	v2 =	vld.idx.msk [tilespmem:v13+s3+$0x0], $0xffff  }
0x69b: {  	v3 =	vld.idx.msk [tilespmem:v5+s3+$0x0], $0xffff;
	v5 =	vtrunc.f32 v15;
	v9 =	vtrunc.f32 v9;
	[tilespmem:s11+$0x30] =	vst v0  }
0x69c: {  	s19 =	simm.s32 $0x80;
	v6 =	vcvt.f32.s32 v6;
	v12 =	vtrunc.f32 v7;
	v0 =	vld.idx.msk [tilespmem:v8+s3+$0x0], $0xffff;
	[tilespmem:s11+$0xFFFFFFC0] =	vst v16  }
0x69d: {  	s18 =	smov.u32 s11;
	s21 =	sadd.s32 $0x400, s16;
	s16 =	smov.u32 s11;
	v7 =	vcvt.f32.s32 v18;
	v8 =	vcvt.f32.s32 v5;
	[tilespmem:s11+$0xFFFFFFD0] =	vst v17;
	v5 =	vld.idx.msk [tilespmem:v14+s3+$0x0], $0xffff  }
.LBB2_109:
0x69e: {  	v13 =	vld [tilespmem:s21+$0x30];
	s19 =	sadd.s32 $0x80, s19;
	v14 =	vcvt.f32.s32 v11;
	v15 =	vcvt.f32.s32 v12;
	[tilespmem:s18+$0xFFFFFFE0] =	vst v4  }
0x69f: {  	v16 =	vcvt.f32.s32 v10;
	v17 =	vcvt.f32.s32 v9;
	v4 =	vld [tilespmem:s21+$0xFFFFFFD0];
	p1 =	slt.u32 s19, $0x100;
	[tilespmem:s18+$0xFFFFFFF0] =	vst v1  }
0x6a0: {  	v1 =	vld [tilespmem:s21+$0xFFFFFFE0];
	[tilespmem:s18+$0x0] =	vst v2  }
0x6a1: {  	s18 =	sadd.s32 $0x400, s18;
	v2 =	vld [tilespmem:s21+$0xFFFFFFF0];
	[tilespmem:s16+$0x10] =	vst v3  }
0x6a2: {  	v3 =	vld [tilespmem:s21+$0x0];
	[tilespmem:s18+$0x30] =	vst v0  }
0x6a3: {  	v0 =	vld [tilespmem:s21+$0x10];
	v9 =	vmul.f32 $1.000000000e+05, v13;
	[tilespmem:s16+$0x20] =	vst v5;
	s16 =	smov.u32 s18  }
0x6a4: {  	v4 =	vmul.f32 $1.000000000e+05, v4;
	v5 =	vld [tilespmem:s21+$0x20]  }
0x6a5: {  	v10 =	vld [tilespmem:s21+$0xFFFFFFC0];
	v1 =	vmul.f32 $1.000000000e+05, v1;
	v9 =	vtrunc.f32 v9  }
0x6a6: {  	v2 =	vmul.f32 $1.000000000e+05, v2;
	v13 =	vcvt.f32.s32 v9;
	v8 =	vld.idx.msk [tilespmem:v8+s3+$0x0], $0xffff  }
0x6a7: {  	v18 =	vtrunc.f32 v4;
	v3 =	vmul.f32 $1.000000000e+05, v3;
	v19 =	vld.idx.msk [tilespmem:v6+s3+$0x0], $0xffff  }
0x6a8: {  	v20 =	vtrunc.f32 v1;
	v0 =	vmul.f32 $1.000000000e+05, v0;
	v4 =	vld.idx.msk [tilespmem:v7+s3+$0x0], $0xffff  }
.Ltmp63:
0x6a9: {  	v11 =	vtrunc.f32 v2;
	v5 =	vmul.f32 $1.000000000e+05, v5;
	v1 =	vld.idx.msk [tilespmem:v14+s3+$0x0], $0xffff;
	(pc) =	sbr.rel @p1 .LBB2_109-.Ltmp63, $4  }
0x6aa: {  	v12 =	vtrunc.f32 v3;
	v6 =	vmul.f32 $1.000000000e+05, v10;
	v2 =	vld.idx.msk [tilespmem:v15+s3+$0x0], $0xffff  }
0x6ab: {  	v10 =	vtrunc.f32 v0;
	v9 =	vtrunc.f32 v5;
	v3 =	vld.idx.msk [tilespmem:v16+s3+$0x0], $0xffff  }
0x6ac: {  	v5 =	vtrunc.f32 v6;
	v6 =	vcvt.f32.s32 v18;
	v0 =	vld.idx.msk [tilespmem:v13+s3+$0x0], $0xffff;
	[tilespmem:s18+$0xFFFFFFC0] =	vst v8  }
0x6ad: {  	s21 =	sadd.s32 $0x400, s21;
	v7 =	vcvt.f32.s32 v20;
	v8 =	vcvt.f32.s32 v5;
	[tilespmem:s18+$0xFFFFFFD0] =	vst v19;
	v5 =	vld.idx.msk [tilespmem:v17+s3+$0x0], $0xffff  }
0x6ae: {  	v13 =	vld [tilespmem:s13+$0x0]  }
0x6af: {  	v14 =	vld [tilespmem:s13+$0xFFFFFFA0]  }
0x6b0: {  	v15 =	vld [tilespmem:s13+$0xFFFFFFB0]  }
0x6b1: {  	v16 =	vld [tilespmem:s13+$0xFFFFFFC0]  }
0x6b2: {  	v17 =	vld [tilespmem:s13+$0xFFFFFFD0]  }
0x6b3: {  	v18 =	vld [tilespmem:s13+$0xFFFFFFE0]  }
0x6b4: {  	v19 =	vld [tilespmem:s13+$0xFFFFFF90]  }
0x6b5: {  	v20 =	vld [tilespmem:s13+$0xFFFFFFF0]  }
0x6b6: {  	s21 =	sadd.s32 $0x400, s13;
	v8 =	vld.idx.msk [tilespmem:v8+s3+$0x0], $0xffff  }
0x6b7: {  	v11 =	vcvt.f32.s32 v11;
	v12 =	vcvt.f32.s32 v12;
	v53 =	vld [tilespmem:s21+$0x0]  }
0x6b8: {  	v10 =	vcvt.f32.s32 v10;
	v9 =	vcvt.f32.s32 v9;
	v56 =	vld [tilespmem:s21+$0xFFFFFFB0]  }
0x6b9: {  	v13 =	vmul.f32 $1.000000000e+05, v13;
	v14 =	vmul.f32 $1.000000000e+05, v14  }
0x6ba: {  	v6 =	vld.idx.msk [tilespmem:v6+s3+$0x0], $0xffff;
	v15 =	vmul.f32 $1.000000000e+05, v15;
	v16 =	vmul.f32 $1.000000000e+05, v16  }
0x6bb: {  	v7 =	vld.idx.msk [tilespmem:v7+s3+$0x0], $0xffff;
	v17 =	vmul.f32 $1.000000000e+05, v17;
	v18 =	vmul.f32 $1.000000000e+05, v18  }
0x6bc: {  	[tilespmem:s18+$0xFFFFFFE0] =	vst v4;
	s19 =	sadd.s32 $0x400, s18;
	v55 =	vld [tilespmem:s21+$0xFFFFFFA0];
	v19 =	vmul.f32 $1.000000000e+05, v19;
	v4 =	vmul.f32 $1.000000000e+05, v20  }
0x6bd: {  	v58 =	vld [tilespmem:s21+$0xFFFFFFD0];
	v20 =	vmul.f32 $1.000000000e+05, v53;
	[tilespmem:s19+$0xFFFFFFC0] =	vst v8;
	v8 =	vmul.f32 $1.000000000e+05, v56  }
0x6be: {  	v59 =	vld [tilespmem:s21+$0xFFFFFFF0];
	v13 =	vtrunc.f32 v13;
	v14 =	vtrunc.f32 v14  }
0x6bf: {  	[tilespmem:s16+$0x20] =	vst v5;
	v5 =	vld [tilespmem:s21+$0xFFFFFFE0];
	v15 =	vtrunc.f32 v15;
	v16 =	vtrunc.f32 v16  }
0x6c0: {  	[tilespmem:s19+$0xFFFFFFD0] =	vst v6;
	v6 =	vld [tilespmem:s21+$0xFFFFFF90];
	v54 =	vtrunc.f32 v19;
	v13 =	vcvt.f32.s32 v13  }
0x6c1: {  	[tilespmem:s18+$0x0] =	vst v2;
	v11 =	vld.idx.msk [tilespmem:v11+s3+$0x0], $0xffff;
	v2 =	vtrunc.f32 v4;
	v4 =	vcvt.f32.s32 v54  }
0x6c2: {  	[tilespmem:s16+$0x10] =	vst v3;
	v12 =	vld.idx.msk [tilespmem:v12+s3+$0x0], $0xffff;
	v17 =	vtrunc.f32 v17;
	v3 =	vcvt.f32.s32 v14  }
0x6c3: {  	[tilespmem:s18+$0xFFFFFFF0] =	vst v1;
	v1 =	vtrunc.f32 v18;
	v14 =	vcvt.f32.s32 v15;
	v15 =	vld [tilespmem:s21+$0xFFFFFFC0]  }
0x6c4: {  	[tilespmem:s19+$0x30] =	vst v0;
	v10 =	vld.idx.msk [tilespmem:v10+s3+$0x0], $0xffff;
	v0 =	vcvt.f32.s32 v16;
	v57 =	vcvt.f32.s32 v17  }
0x6c5: {  	v9 =	vld.idx.msk [tilespmem:v9+s3+$0x0], $0xffff;
	v1 =	vcvt.f32.s32 v1;
	v21 =	vcvt.f32.s32 v2  }
0x6c6: {  	v2 =	vmul.f32 $1.000000000e+05, v55;
	v60 =	vtrunc.f32 v20;
	v13 =	vld.idx.msk [tilespmem:v13+s3+$0x0], $0xffff  }
0x6c7: {  	[tilespmem:s19+$0xFFFFFFE0] =	vst v7;
	v63 =	vtrunc.f32 v8;
	v22 =	vmul.f32 $1.000000000e+05, v5;
	v4 =	vld.idx.msk [tilespmem:v4+s3+$0x0], $0xffff  }
0x6c8: {  	[tilespmem:s19+$0xFFFFFFF0] =	vst v11;
	v7 =	vmul.f32 $1.000000000e+05, v15;
	v15 =	vcvt.f32.s32 v60;
	v62 =	vld.idx.msk [tilespmem:v3+s3+$0x0], $0xffff  }
0x6c9: {  	v61 =	vtrunc.f32 v2;
	v11 =	vmul.f32 $1.000000000e+05, v58;
	[tilespmem:s19+$0x0] =	vst v12;
	v3 =	vld.idx.msk [tilespmem:v14+s3+$0x0], $0xffff  }
0x6ca: {  	[tilespmem:s19+$0x10] =	vst v10;
	v10 =	vtrunc.f32 v22;
	v2 =	vld.idx.msk [tilespmem:v0+s3+$0x0], $0xffff;
	v0 =	vmul.f32 $1.000000000e+05, v6  }
0x6cb: {  	[tilespmem:s19+$0x20] =	vst v9;
	v5 =	vld.idx.msk [tilespmem:v57+s3+$0x0], $0xffff;
	v8 =	vtrunc.f32 v7;
	v7 =	vmul.f32 $1.000000000e+05, v59  }
0x6cc: {  	v12 =	vtrunc.f32 v11;
	v6 =	vld.idx.msk [tilespmem:v1+s3+$0x0], $0xffff;
	v1 =	vtrunc.f32 v0;
	[tilespmem:s12+$0x0] =	vst v13  }
0x6cd: {  	s18 =	smov.u32 s12;
	v9 =	vld.idx.msk [tilespmem:v21+s3+$0x0], $0xffff;
	v0 =	vcvt.f32.s32 v61;
	v11 =	vtrunc.f32 v7;
	[tilespmem:s12+$0xFFFFFF90] =	vst v4  }
0x6ce: {  	s16 =	smov.u32 s12;
	s21 =	sadd.s32 $0x400, s21;
	s19 =	simm.s32 $0x80;
	v7 =	vld.idx.msk [tilespmem:v15+s3+$0x0], $0xffff;
	v4 =	vcvt.f32.s32 v1;
	v1 =	vcvt.f32.s32 v63;
	[tilespmem:s12+$0xFFFFFFA0] =	vst v62  }
.LBB2_111:
0x6cf: {  	v13 =	vld [tilespmem:s21+$0x0];
	s19 =	sadd.s32 $0x80, s19;
	v14 =	vcvt.f32.s32 v8;
	v15 =	vcvt.f32.s32 v12;
	[tilespmem:s18+$0xFFFFFFB0] =	vst v3  }
0x6d0: {  	v16 =	vcvt.f32.s32 v10;
	v17 =	vcvt.f32.s32 v11;
	v3 =	vld [tilespmem:s21+$0xFFFFFFA0];
	p1 =	slt.u32 s19, $0x100;
	[tilespmem:s18+$0xFFFFFFC0] =	vst v2  }
0x6d1: {  	v2 =	vld [tilespmem:s21+$0xFFFFFFB0];
	[tilespmem:s18+$0xFFFFFFD0] =	vst v5  }
0x6d2: {  	s18 =	sadd.s32 $0x400, s18;
	v5 =	vld [tilespmem:s21+$0xFFFFFFC0];
	[tilespmem:s16+$0xFFFFFFE0] =	vst v6  }
0x6d3: {  	v6 =	vld [tilespmem:s21+$0xFFFFFFD0];
	[tilespmem:s18+$0x0] =	vst v7  }
0x6d4: {  	v7 =	vld [tilespmem:s21+$0xFFFFFFE0];
	v8 =	vmul.f32 $1.000000000e+05, v13;
	[tilespmem:s16+$0xFFFFFFF0] =	vst v9;
	s16 =	smov.u32 s18  }
0x6d5: {  	v3 =	vmul.f32 $1.000000000e+05, v3;
	v9 =	vld [tilespmem:s21+$0xFFFFFFF0]  }
0x6d6: {  	v10 =	vld [tilespmem:s21+$0xFFFFFF90];
	v2 =	vmul.f32 $1.000000000e+05, v2;
	v8 =	vtrunc.f32 v8  }
0x6d7: {  	v5 =	vmul.f32 $1.000000000e+05, v5;
	v13 =	vcvt.f32.s32 v8;
	v4 =	vld.idx.msk [tilespmem:v4+s3+$0x0], $0xffff  }
0x6d8: {  	v18 =	vtrunc.f32 v3;
	v6 =	vmul.f32 $1.000000000e+05, v6;
	v19 =	vld.idx.msk [tilespmem:v0+s3+$0x0], $0xffff  }
0x6d9: {  	v20 =	vtrunc.f32 v2;
	v0 =	vmul.f32 $1.000000000e+05, v7;
	v3 =	vld.idx.msk [tilespmem:v1+s3+$0x0], $0xffff  }
.Ltmp64:
0x6da: {  	v8 =	vtrunc.f32 v5;
	v1 =	vmul.f32 $1.000000000e+05, v9;
	v2 =	vld.idx.msk [tilespmem:v14+s3+$0x0], $0xffff;
	(pc) =	sbr.rel @p1 .LBB2_111-.Ltmp64, $4  }
0x6db: {  	v12 =	vtrunc.f32 v6;
	v7 =	vmul.f32 $1.000000000e+05, v10;
	v5 =	vld.idx.msk [tilespmem:v15+s3+$0x0], $0xffff  }
0x6dc: {  	v10 =	vtrunc.f32 v0;
	v11 =	vtrunc.f32 v1;
	v6 =	vld.idx.msk [tilespmem:v16+s3+$0x0], $0xffff  }
0x6dd: {  	v0 =	vcvt.f32.s32 v18;
	v1 =	vtrunc.f32 v7;
	v7 =	vld.idx.msk [tilespmem:v13+s3+$0x0], $0xffff;
	[tilespmem:s18+$0xFFFFFF90] =	vst v4  }
0x6de: {  	s21 =	sadd.s32 $0x400, s21;
	v4 =	vcvt.f32.s32 v1;
	v1 =	vcvt.f32.s32 v20;
	[tilespmem:s18+$0xFFFFFFA0] =	vst v19;
	v9 =	vld.idx.msk [tilespmem:v17+s3+$0x0], $0xffff  }
0x6df: {  	_ = 	snop  }
0x6e0: {  	v8 =	vcvt.f32.s32 v8  }
0x6e1: {  	v12 =	vcvt.f32.s32 v12  }
0x6e2: {  	[tilespmem:s18+$0xFFFFFFB0] =	vst v3;
	v58 =	vcvt.f32.s32 v10  }
0x6e3: {  	v59 =	vcvt.f32.s32 v11;
	[tilespmem:s18+$0xFFFFFFC0] =	vst v2;
	v0 =	vld.idx.msk [tilespmem:v0+s3+$0x0], $0xffff  }
0x6e4: {  	v60 =	vld.idx.msk [tilespmem:v4+s3+$0x0], $0xffff;
	[tilespmem:s18+$0xFFFFFFD0] =	vst v5  }
0x6e5: {  	s19 =	sadd.s32 $0x400, s18;
	v1 =	vld.idx.msk [tilespmem:v1+s3+$0x0], $0xffff;
	[tilespmem:s16+$0xFFFFFFE0] =	vst v6  }
0x6e6: {  	[tilespmem:s19+$0x0] =	vst v7;
	v61 =	vld.idx.msk [tilespmem:v8+s3+$0x0], $0xffff  }
0x6e7: {  	[tilespmem:s16+$0xFFFFFFF0] =	vst v9;
	v62 =	vld.idx.msk [tilespmem:v12+s3+$0x0], $0xffff  }
0x6e8: {  	[tilespmem:s19+$0xFFFFFFA0] =	vst v0;
	v3 =	vld.idx.msk [tilespmem:v58+s3+$0x0], $0xffff  }
0x6e9: {  	p1 =	slt.u32 s15, $0x6;
	[tilespmem:s19+$0xFFFFFF90] =	vst v60;
	v63 =	vld.idx.msk [tilespmem:v59+s3+$0x0], $0xffff  }
.Ltmp65:
0x6ea: {  	[tilespmem:s19+$0xFFFFFFB0] =	vst v1;
	(pc) =	sbr.rel @p1 .LBB2_108-.Ltmp65, $4  }
0x6eb: {  	[tilespmem:s19+$0xFFFFFFC0] =	vst v61  }
0x6ec: {  	[tilespmem:s19+$0xFFFFFFD0] =	vst v62  }
0x6ed: {  	s21 =	sadd.s32 $0x2, s15;
	s11 =	sadd.s32 $0x100, s11;
	s25 =	sadd.s32 $0x100, s25;
	[tilespmem:s19+$0xFFFFFFE0] =	vst v3  }
0x6ee: {  	s12 =	sadd.s32 $0x100, s12;
	s13 =	sadd.s32 $0x100, s13;
	s15 =	smov.u32 s21;
	[tilespmem:s19+$0xFFFFFFF0] =	vst v63  }
0x6ef: {  	p1 =	seq.s32 s6, $0x17  }
.Ltmp66:
0x6f0: {  	_ = 	snop;
	(pc) =	sbr.rel @p1 .LBB2_115-.Ltmp66, $4  }
0x6f1: {  	s5 =	sadd.s32 s29, s5  }
0x6f2: {  	s5 =	sshrl.u32 s5, $0x3  }
0x6f3: {  	s5 =	sadd.s32 s1, s5  }
0x6f4: {  	[hbm4b:s5+s3] =	stream.linear.scatter [tilespmem:s24], [sflag:$0x4], $0xC00, $0x38;
	[tilespmem:$0x1FF00] =	vst v63  }
0x6f5: {  	s5 =	sadd.s32 $0x18, s8  }
0x6f6: {  	s5 =	sshrl.u32 s5, $0x3  }
0x6f7: {  	s5 =	smul.u32 $0x3000, s5  }
.Ltmp67:
0x6f8: {  	_ = 	snop;
	(pc) =	sbr.rel .LBB2_97-.Ltmp67, $4  }
0x6f9: {  	s5 =	sshra.s32 s5, $0x2  }
0x6fa: {  	s5 =	sadd.s32 s5, s2  }
0x6fb: {  	s6 =	sadd.s32 $0x1, s6;
	s5 =	sadd.s32 $0x24000, s5  }
0x6fc: {  	[tilespmem:s10], [sflag:$0x2] =	stream.linear.gather [spmem:s5], $0xC00, $0x38;
	[tilespmem:$0x1FF00] =	vst v63  }
.LBB2_115:
0x6fd: {  	s5 =	simm.s32 $0x3  }
0x6fe: {  	_ =	swait.ge [sflag:s5], $0xC00  }
0x6ff: {  	[sflag:s5] =	ssyncset.done $0x0  }
0x700: {  	[sflag:s5] =	ssyncadd.s32 $0xFFFFF400  }
0x701: {  	_ =	swait.ge [sflag:s23], $0xC00  }
0x702: {  	[sflag:s23] =	ssyncset.done $0x0  }
0x703: {  	[sflag:s23] =	ssyncadd.s32 $0xFFFFF400  }
0x704: {  	s5 =	simm.s32 @!p0 $0x5;
	[bflag:$0x0] =	sbarrier.arrive @p0 $0xFFFF  }
0x705: {  	_ =	swait.ge @!p0 [sflag:s5], $0x4800  }
0x706: {  	[sflag:s5] =	ssyncset.done @!p0 $0x0  }
0x707: {  	[sflag:s5] =	ssyncadd.s32 @!p0 $0xFFFFB800  }
0x708: {  	[bflag:$0x0] =	sbarrier.arrive @!p0 $0xFFFF  }
0x709: {  	s6 =	rddreg [dreg:$0x17]  }
0x70a: {  	s5 =	simm.s32 @!p0 $0x1C05;
	s8 =	rddreg [dreg:$0x1a]  }
0x70b: {  	[spmem:s8], [sflag:s5] =	dma.local @!p0 [hbm:s6], $0x4800  }
0x70c: {  	[tilespmem:s7], [sflag:$0x1] =	stream.linear.gather [spmem:s2], $0xC00, $0x38;
	[tilespmem:$0x1FF00] =	vst v63  }
0x70d: {  	s6 =	simm.s32 $0x0;
	s5 =	rddreg [dreg:$0x9]  }
0x70e: {  	[tilespmem:s10], [sflag:$0x2] =	stream.linear.gather [spmem:s5], $0xC00, $0x38;
	[tilespmem:$0x1FF00] =	vst v63  }
.LBB2_116:
0x70f: {  	_ =	swait.ge [sflag:s14], $0xC00  }
0x710: {  	p1 =	seq.s32 s6, $0x0;
	[sflag:s14] =	ssyncset.done $0x0  }
0x711: {  	s5 =	simm.s32 @!p1 $0x3;
	[sflag:s14] =	ssyncadd.s32 $0xFFFFF400  }
0x712: {  	s8 =	sshll.u32 s6, $0x4;
	s11 =	simm.s32 $0x18740;
	_ =	swait.ge @!p1 [sflag:s5], $0xC00  }
0x713: {  	s25 =	simm.s32 $0x19FF0;
	s12 =	simm.s32 $0x187F0;
	[sflag:s5] =	ssyncset.done @!p1 $0x0  }
0x714: {  	s13 =	simm.s32 $0x0;
	[sflag:s5] =	ssyncadd.s32 @!p1 $0xFFFFF400;
	s5 =	simm.s32 $0x19F40  }
.LBB2_117:
0x715: {  	v0 =	vld [tilespmem:s11+$0x30]  }
0x716: {  	v1 =	vld [tilespmem:s11+$0xFFFFFFD0]  }
0x717: {  	v2 =	vld [tilespmem:s11+$0xFFFFFFE0]  }
0x718: {  	v3 =	vld [tilespmem:s11+$0xFFFFFFF0]  }
0x719: {  	v4 =	vld [tilespmem:s11+$0x0]  }
0x71a: {  	v5 =	vld [tilespmem:s11+$0x10]  }
0x71b: {  	v6 =	vld [tilespmem:s11+$0xFFFFFFC0]  }
0x71c: {  	v7 =	vld [tilespmem:s11+$0x20];
	s15 =	sadd.s32 $0x400, s11  }
0x71d: {  	v8 =	vld [tilespmem:s15+$0x30]  }
0x71e: {  	v10 =	vld [tilespmem:s15+$0xFFFFFFE0]  }
0x71f: {  	v0 =	vmul.f32 $1.000000000e+05, v0;
	v1 =	vmul.f32 $1.000000000e+05, v1  }
0x720: {  	v2 =	vmul.f32 $1.000000000e+05, v2;
	v3 =	vmul.f32 $1.000000000e+05, v3  }
0x721: {  	v4 =	vmul.f32 $1.000000000e+05, v4;
	v5 =	vmul.f32 $1.000000000e+05, v5  }
0x722: {  	v6 =	vmul.f32 $1.000000000e+05, v6;
	v7 =	vmul.f32 $1.000000000e+05, v7  }
0x723: {  	v8 =	vmul.f32 $1.000000000e+05, v8;
	v10 =	vmul.f32 $1.000000000e+05, v10  }
0x724: {  	v0 =	vtrunc.f32 v0;
	v1 =	vtrunc.f32 v1  }
0x725: {  	v2 =	vtrunc.f32 v2;
	v3 =	vtrunc.f32 v3  }
0x726: {  	v9 =	vld [tilespmem:s15+$0xFFFFFFD0];
	v6 =	vtrunc.f32 v6;
	v0 =	vcvt.f32.s32 v0  }
0x727: {  	v11 =	vld [tilespmem:s15+$0xFFFFFFF0];
	v4 =	vtrunc.f32 v4;
	v6 =	vcvt.f32.s32 v6  }
0x728: {  	v12 =	vld [tilespmem:s15+$0x10];
	v5 =	vtrunc.f32 v5;
	v1 =	vcvt.f32.s32 v1  }
0x729: {  	v15 =	vld [tilespmem:s15+$0xFFFFFFC0];
	v7 =	vtrunc.f32 v7;
	v2 =	vcvt.f32.s32 v2  }
0x72a: {  	v3 =	vcvt.f32.s32 v3;
	v13 =	vcvt.f32.s32 v4;
	v4 =	vld [tilespmem:s15+$0x0]  }
0x72b: {  	v14 =	vcvt.f32.s32 v7;
	v7 =	vmul.f32 $1.000000000e+05, v9;
	v9 =	vld [tilespmem:s15+$0x20]  }
0x72c: {  	v5 =	vcvt.f32.s32 v5;
	v8 =	vtrunc.f32 v8;
	v0 =	vld.idx.msk [tilespmem:v0+s3+$0x0], $0xffff  }
0x72d: {  	v11 =	vmul.f32 $1.000000000e+05, v11;
	v8 =	vcvt.f32.s32 v8;
	v16 =	vld.idx.msk [tilespmem:v6+s3+$0x0], $0xffff  }
0x72e: {  	v18 =	vtrunc.f32 v10;
	v10 =	vmul.f32 $1.000000000e+05, v12;
	v17 =	vld.idx.msk [tilespmem:v1+s3+$0x0], $0xffff  }
0x72f: {  	v6 =	vtrunc.f32 v7;
	v7 =	vmul.f32 $1.000000000e+05, v4;
	v4 =	vld.idx.msk [tilespmem:v2+s3+$0x0], $0xffff  }
0x730: {  	v15 =	vmul.f32 $1.000000000e+05, v15;
	v9 =	vmul.f32 $1.000000000e+05, v9;
	v1 =	vld.idx.msk [tilespmem:v3+s3+$0x0], $0xffff  }
0x731: {  	v11 =	vtrunc.f32 v11;
	v10 =	vtrunc.f32 v10;
	v2 =	vld.idx.msk [tilespmem:v13+s3+$0x0], $0xffff  }
0x732: {  	v3 =	vld.idx.msk [tilespmem:v5+s3+$0x0], $0xffff;
	v5 =	vtrunc.f32 v15;
	v9 =	vtrunc.f32 v9;
	[tilespmem:s5+$0x30] =	vst v0  }
0x733: {  	s18 =	simm.s32 $0x80;
	v6 =	vcvt.f32.s32 v6;
	v12 =	vtrunc.f32 v7;
	v0 =	vld.idx.msk [tilespmem:v8+s3+$0x0], $0xffff;
	[tilespmem:s5+$0xFFFFFFC0] =	vst v16  }
0x734: {  	s16 =	smov.u32 s5;
	s19 =	sadd.s32 $0x400, s15;
	s15 =	smov.u32 s5;
	v7 =	vcvt.f32.s32 v18;
	v8 =	vcvt.f32.s32 v5;
	[tilespmem:s5+$0xFFFFFFD0] =	vst v17;
	v5 =	vld.idx.msk [tilespmem:v14+s3+$0x0], $0xffff  }
.LBB2_118:
0x735: {  	v13 =	vld [tilespmem:s19+$0x30];
	s18 =	sadd.s32 $0x80, s18;
	v14 =	vcvt.f32.s32 v11;
	v15 =	vcvt.f32.s32 v12;
	[tilespmem:s16+$0xFFFFFFE0] =	vst v4  }
0x736: {  	v16 =	vcvt.f32.s32 v10;
	v17 =	vcvt.f32.s32 v9;
	v4 =	vld [tilespmem:s19+$0xFFFFFFD0];
	p2 =	slt.u32 s18, $0x100;
	[tilespmem:s16+$0xFFFFFFF0] =	vst v1  }
0x737: {  	v1 =	vld [tilespmem:s19+$0xFFFFFFE0];
	[tilespmem:s16+$0x0] =	vst v2  }
0x738: {  	s16 =	sadd.s32 $0x400, s16;
	v2 =	vld [tilespmem:s19+$0xFFFFFFF0];
	[tilespmem:s15+$0x10] =	vst v3  }
0x739: {  	v3 =	vld [tilespmem:s19+$0x0];
	[tilespmem:s16+$0x30] =	vst v0  }
0x73a: {  	v0 =	vld [tilespmem:s19+$0x10];
	v9 =	vmul.f32 $1.000000000e+05, v13;
	[tilespmem:s15+$0x20] =	vst v5;
	s15 =	smov.u32 s16  }
0x73b: {  	v4 =	vmul.f32 $1.000000000e+05, v4;
	v5 =	vld [tilespmem:s19+$0x20]  }
0x73c: {  	v10 =	vld [tilespmem:s19+$0xFFFFFFC0];
	v1 =	vmul.f32 $1.000000000e+05, v1;
	v9 =	vtrunc.f32 v9  }
0x73d: {  	v2 =	vmul.f32 $1.000000000e+05, v2;
	v13 =	vcvt.f32.s32 v9;
	v8 =	vld.idx.msk [tilespmem:v8+s3+$0x0], $0xffff  }
0x73e: {  	v18 =	vtrunc.f32 v4;
	v3 =	vmul.f32 $1.000000000e+05, v3;
	v19 =	vld.idx.msk [tilespmem:v6+s3+$0x0], $0xffff  }
0x73f: {  	v20 =	vtrunc.f32 v1;
	v0 =	vmul.f32 $1.000000000e+05, v0;
	v4 =	vld.idx.msk [tilespmem:v7+s3+$0x0], $0xffff  }
.Ltmp68:
0x740: {  	v11 =	vtrunc.f32 v2;
	v5 =	vmul.f32 $1.000000000e+05, v5;
	v1 =	vld.idx.msk [tilespmem:v14+s3+$0x0], $0xffff;
	(pc) =	sbr.rel @p2 .LBB2_118-.Ltmp68, $4  }
0x741: {  	v12 =	vtrunc.f32 v3;
	v6 =	vmul.f32 $1.000000000e+05, v10;
	v2 =	vld.idx.msk [tilespmem:v15+s3+$0x0], $0xffff  }
0x742: {  	v10 =	vtrunc.f32 v0;
	v9 =	vtrunc.f32 v5;
	v3 =	vld.idx.msk [tilespmem:v16+s3+$0x0], $0xffff  }
0x743: {  	v5 =	vtrunc.f32 v6;
	v6 =	vcvt.f32.s32 v18;
	v0 =	vld.idx.msk [tilespmem:v13+s3+$0x0], $0xffff;
	[tilespmem:s16+$0xFFFFFFC0] =	vst v8  }
0x744: {  	s19 =	sadd.s32 $0x400, s19;
	v7 =	vcvt.f32.s32 v20;
	v8 =	vcvt.f32.s32 v5;
	[tilespmem:s16+$0xFFFFFFD0] =	vst v19;
	v5 =	vld.idx.msk [tilespmem:v17+s3+$0x0], $0xffff  }
0x745: {  	v13 =	vld [tilespmem:s12+$0x0]  }
0x746: {  	v14 =	vld [tilespmem:s12+$0xFFFFFFA0]  }
0x747: {  	v15 =	vld [tilespmem:s12+$0xFFFFFFB0]  }
0x748: {  	v16 =	vld [tilespmem:s12+$0xFFFFFFC0]  }
0x749: {  	v17 =	vld [tilespmem:s12+$0xFFFFFFD0]  }
0x74a: {  	v18 =	vld [tilespmem:s12+$0xFFFFFFE0]  }
0x74b: {  	v19 =	vld [tilespmem:s12+$0xFFFFFF90]  }
0x74c: {  	v20 =	vld [tilespmem:s12+$0xFFFFFFF0]  }
0x74d: {  	s19 =	sadd.s32 $0x400, s12;
	v8 =	vld.idx.msk [tilespmem:v8+s3+$0x0], $0xffff  }
0x74e: {  	v11 =	vcvt.f32.s32 v11;
	v12 =	vcvt.f32.s32 v12;
	v53 =	vld [tilespmem:s19+$0x0]  }
0x74f: {  	v10 =	vcvt.f32.s32 v10;
	v9 =	vcvt.f32.s32 v9;
	v56 =	vld [tilespmem:s19+$0xFFFFFFB0]  }
0x750: {  	v13 =	vmul.f32 $1.000000000e+05, v13;
	v14 =	vmul.f32 $1.000000000e+05, v14  }
0x751: {  	v6 =	vld.idx.msk [tilespmem:v6+s3+$0x0], $0xffff;
	v15 =	vmul.f32 $1.000000000e+05, v15;
	v16 =	vmul.f32 $1.000000000e+05, v16  }
0x752: {  	v7 =	vld.idx.msk [tilespmem:v7+s3+$0x0], $0xffff;
	v17 =	vmul.f32 $1.000000000e+05, v17;
	v18 =	vmul.f32 $1.000000000e+05, v18  }
0x753: {  	[tilespmem:s16+$0xFFFFFFE0] =	vst v4;
	s21 =	sadd.s32 $0x400, s16;
	v55 =	vld [tilespmem:s19+$0xFFFFFFA0];
	v19 =	vmul.f32 $1.000000000e+05, v19;
	v4 =	vmul.f32 $1.000000000e+05, v20  }
0x754: {  	v58 =	vld [tilespmem:s19+$0xFFFFFFD0];
	v20 =	vmul.f32 $1.000000000e+05, v53;
	[tilespmem:s21+$0xFFFFFFC0] =	vst v8;
	v8 =	vmul.f32 $1.000000000e+05, v56  }
0x755: {  	v59 =	vld [tilespmem:s19+$0xFFFFFFF0];
	v13 =	vtrunc.f32 v13;
	v14 =	vtrunc.f32 v14  }
0x756: {  	[tilespmem:s15+$0x20] =	vst v5;
	v5 =	vld [tilespmem:s19+$0xFFFFFFE0];
	v15 =	vtrunc.f32 v15;
	v16 =	vtrunc.f32 v16  }
0x757: {  	[tilespmem:s21+$0xFFFFFFD0] =	vst v6;
	v6 =	vld [tilespmem:s19+$0xFFFFFF90];
	v54 =	vtrunc.f32 v19;
	v13 =	vcvt.f32.s32 v13  }
0x758: {  	[tilespmem:s16+$0x0] =	vst v2;
	v11 =	vld.idx.msk [tilespmem:v11+s3+$0x0], $0xffff;
	v2 =	vtrunc.f32 v4;
	v4 =	vcvt.f32.s32 v54  }
0x759: {  	[tilespmem:s15+$0x10] =	vst v3;
	v12 =	vld.idx.msk [tilespmem:v12+s3+$0x0], $0xffff;
	v17 =	vtrunc.f32 v17;
	v3 =	vcvt.f32.s32 v14  }
0x75a: {  	[tilespmem:s16+$0xFFFFFFF0] =	vst v1;
	v1 =	vtrunc.f32 v18;
	v14 =	vcvt.f32.s32 v15;
	v15 =	vld [tilespmem:s19+$0xFFFFFFC0]  }
0x75b: {  	[tilespmem:s21+$0x30] =	vst v0;
	v10 =	vld.idx.msk [tilespmem:v10+s3+$0x0], $0xffff;
	v0 =	vcvt.f32.s32 v16;
	v57 =	vcvt.f32.s32 v17  }
0x75c: {  	v9 =	vld.idx.msk [tilespmem:v9+s3+$0x0], $0xffff;
	v1 =	vcvt.f32.s32 v1;
	v21 =	vcvt.f32.s32 v2  }
0x75d: {  	v2 =	vmul.f32 $1.000000000e+05, v55;
	v60 =	vtrunc.f32 v20;
	v13 =	vld.idx.msk [tilespmem:v13+s3+$0x0], $0xffff  }
0x75e: {  	[tilespmem:s21+$0xFFFFFFE0] =	vst v7;
	v63 =	vtrunc.f32 v8;
	v22 =	vmul.f32 $1.000000000e+05, v5;
	v4 =	vld.idx.msk [tilespmem:v4+s3+$0x0], $0xffff  }
0x75f: {  	[tilespmem:s21+$0xFFFFFFF0] =	vst v11;
	v7 =	vmul.f32 $1.000000000e+05, v15;
	v15 =	vcvt.f32.s32 v60;
	v62 =	vld.idx.msk [tilespmem:v3+s3+$0x0], $0xffff  }
0x760: {  	v61 =	vtrunc.f32 v2;
	v11 =	vmul.f32 $1.000000000e+05, v58;
	[tilespmem:s21+$0x0] =	vst v12;
	v3 =	vld.idx.msk [tilespmem:v14+s3+$0x0], $0xffff  }
0x761: {  	[tilespmem:s21+$0x10] =	vst v10;
	v10 =	vtrunc.f32 v22;
	v2 =	vld.idx.msk [tilespmem:v0+s3+$0x0], $0xffff;
	v0 =	vmul.f32 $1.000000000e+05, v6  }
0x762: {  	[tilespmem:s21+$0x20] =	vst v9;
	v5 =	vld.idx.msk [tilespmem:v57+s3+$0x0], $0xffff;
	v8 =	vtrunc.f32 v7;
	v7 =	vmul.f32 $1.000000000e+05, v59  }
0x763: {  	v12 =	vtrunc.f32 v11;
	v6 =	vld.idx.msk [tilespmem:v1+s3+$0x0], $0xffff;
	v1 =	vtrunc.f32 v0;
	[tilespmem:s25+$0x0] =	vst v13  }
0x764: {  	s18 =	simm.s32 $0x80;
	v9 =	vld.idx.msk [tilespmem:v21+s3+$0x0], $0xffff;
	v0 =	vcvt.f32.s32 v61;
	v11 =	vtrunc.f32 v7;
	[tilespmem:s25+$0xFFFFFF90] =	vst v4  }
0x765: {  	s16 =	smov.u32 s25;
	s15 =	smov.u32 s25;
	s19 =	sadd.s32 $0x400, s19;
	v7 =	vld.idx.msk [tilespmem:v15+s3+$0x0], $0xffff;
	v4 =	vcvt.f32.s32 v1;
	v1 =	vcvt.f32.s32 v63;
	[tilespmem:s25+$0xFFFFFFA0] =	vst v62  }
.LBB2_120:
0x766: {  	v13 =	vld [tilespmem:s19+$0x0];
	s18 =	sadd.s32 $0x80, s18;
	v14 =	vcvt.f32.s32 v8;
	v15 =	vcvt.f32.s32 v12;
	[tilespmem:s16+$0xFFFFFFB0] =	vst v3  }
0x767: {  	v16 =	vcvt.f32.s32 v10;
	v17 =	vcvt.f32.s32 v11;
	v3 =	vld [tilespmem:s19+$0xFFFFFFA0];
	p2 =	slt.u32 s18, $0x100;
	[tilespmem:s16+$0xFFFFFFC0] =	vst v2  }
0x768: {  	v2 =	vld [tilespmem:s19+$0xFFFFFFB0];
	[tilespmem:s16+$0xFFFFFFD0] =	vst v5  }
0x769: {  	s16 =	sadd.s32 $0x400, s16;
	v5 =	vld [tilespmem:s19+$0xFFFFFFC0];
	[tilespmem:s15+$0xFFFFFFE0] =	vst v6  }
0x76a: {  	v6 =	vld [tilespmem:s19+$0xFFFFFFD0];
	[tilespmem:s16+$0x0] =	vst v7  }
0x76b: {  	v7 =	vld [tilespmem:s19+$0xFFFFFFE0];
	v8 =	vmul.f32 $1.000000000e+05, v13;
	[tilespmem:s15+$0xFFFFFFF0] =	vst v9;
	s15 =	smov.u32 s16  }
0x76c: {  	v3 =	vmul.f32 $1.000000000e+05, v3;
	v9 =	vld [tilespmem:s19+$0xFFFFFFF0]  }
0x76d: {  	v10 =	vld [tilespmem:s19+$0xFFFFFF90];
	v2 =	vmul.f32 $1.000000000e+05, v2;
	v8 =	vtrunc.f32 v8  }
0x76e: {  	v5 =	vmul.f32 $1.000000000e+05, v5;
	v13 =	vcvt.f32.s32 v8;
	v4 =	vld.idx.msk [tilespmem:v4+s3+$0x0], $0xffff  }
0x76f: {  	v18 =	vtrunc.f32 v3;
	v6 =	vmul.f32 $1.000000000e+05, v6;
	v19 =	vld.idx.msk [tilespmem:v0+s3+$0x0], $0xffff  }
0x770: {  	v20 =	vtrunc.f32 v2;
	v0 =	vmul.f32 $1.000000000e+05, v7;
	v3 =	vld.idx.msk [tilespmem:v1+s3+$0x0], $0xffff  }
.Ltmp69:
0x771: {  	v8 =	vtrunc.f32 v5;
	v1 =	vmul.f32 $1.000000000e+05, v9;
	v2 =	vld.idx.msk [tilespmem:v14+s3+$0x0], $0xffff;
	(pc) =	sbr.rel @p2 .LBB2_120-.Ltmp69, $4  }
0x772: {  	v12 =	vtrunc.f32 v6;
	v7 =	vmul.f32 $1.000000000e+05, v10;
	v5 =	vld.idx.msk [tilespmem:v15+s3+$0x0], $0xffff  }
0x773: {  	v10 =	vtrunc.f32 v0;
	v11 =	vtrunc.f32 v1;
	v6 =	vld.idx.msk [tilespmem:v16+s3+$0x0], $0xffff  }
0x774: {  	v0 =	vcvt.f32.s32 v18;
	v1 =	vtrunc.f32 v7;
	v7 =	vld.idx.msk [tilespmem:v13+s3+$0x0], $0xffff;
	[tilespmem:s16+$0xFFFFFF90] =	vst v4  }
0x775: {  	s19 =	sadd.s32 $0x400, s19;
	v4 =	vcvt.f32.s32 v1;
	v1 =	vcvt.f32.s32 v20;
	[tilespmem:s16+$0xFFFFFFA0] =	vst v19;
	v9 =	vld.idx.msk [tilespmem:v17+s3+$0x0], $0xffff  }
0x776: {  	_ = 	snop  }
0x777: {  	v8 =	vcvt.f32.s32 v8  }
0x778: {  	v12 =	vcvt.f32.s32 v12  }
0x779: {  	[tilespmem:s16+$0xFFFFFFB0] =	vst v3;
	v58 =	vcvt.f32.s32 v10  }
0x77a: {  	v59 =	vcvt.f32.s32 v11;
	[tilespmem:s16+$0xFFFFFFC0] =	vst v2;
	v0 =	vld.idx.msk [tilespmem:v0+s3+$0x0], $0xffff  }
0x77b: {  	v60 =	vld.idx.msk [tilespmem:v4+s3+$0x0], $0xffff;
	[tilespmem:s16+$0xFFFFFFD0] =	vst v5  }
0x77c: {  	s19 =	sadd.s32 $0x400, s16;
	v1 =	vld.idx.msk [tilespmem:v1+s3+$0x0], $0xffff;
	[tilespmem:s15+$0xFFFFFFE0] =	vst v6  }
0x77d: {  	[tilespmem:s19+$0x0] =	vst v7;
	v61 =	vld.idx.msk [tilespmem:v8+s3+$0x0], $0xffff  }
0x77e: {  	[tilespmem:s15+$0xFFFFFFF0] =	vst v9;
	v62 =	vld.idx.msk [tilespmem:v12+s3+$0x0], $0xffff  }
0x77f: {  	[tilespmem:s19+$0xFFFFFFA0] =	vst v0;
	v3 =	vld.idx.msk [tilespmem:v58+s3+$0x0], $0xffff  }
0x780: {  	p2 =	slt.u32 s13, $0x6;
	[tilespmem:s19+$0xFFFFFF90] =	vst v60;
	v63 =	vld.idx.msk [tilespmem:v59+s3+$0x0], $0xffff  }
.Ltmp70:
0x781: {  	[tilespmem:s19+$0xFFFFFFB0] =	vst v1;
	(pc) =	sbr.rel @p2 .LBB2_117-.Ltmp70, $4  }
0x782: {  	[tilespmem:s19+$0xFFFFFFC0] =	vst v61  }
0x783: {  	[tilespmem:s19+$0xFFFFFFD0] =	vst v62  }
0x784: {  	s21 =	sadd.s32 $0x2, s13;
	s5 =	sadd.s32 $0x100, s5;
	s11 =	sadd.s32 $0x100, s11;
	[tilespmem:s19+$0xFFFFFFE0] =	vst v3  }
0x785: {  	s25 =	sadd.s32 $0x100, s25;
	s12 =	sadd.s32 $0x100, s12;
	s13 =	smov.u32 s21;
	[tilespmem:s19+$0xFFFFFFF0] =	vst v63  }
0x786: {  	s5 =	smul.u32 $0x1800, s6;
	p2 =	sne.s32 s6, $0x17  }
.Ltmp71:
0x787: {  	_ = 	snop;
	(pc) =	sbr.rel @p2 .LBB2_124-.Ltmp71, $4  }
0x788: {  	s11 =	sadd.s32 s31, s5  }
0x789: {  	s11 =	sshrl.u32 s11, $0x3  }
0x78a: {  	s11 =	sadd.s32 s1, s11  }
0x78b: {  	[hbm4b:s11+s3] =	stream.linear.scatter [tilespmem:s17], [sflag:$0x3], $0xC00, $0x38;
	[tilespmem:$0x1FF00] =	vst v63  }
.Ltmp72:
0x78c: {  	(pc) =	sbr.rel .LBB2_125-.Ltmp72, $4  }
0x78d: {  	_ = 	snop  }
0x78e: {  	_ =	swait.ge [sflag:s20], $0xC00  }
0x78f: {  	[sflag:s20] =	ssyncset.done $0x0  }
0x790: {  	[sflag:s20] =	ssyncadd.s32 $0xFFFFF400  }
.LBB2_124:
0x791: {  	s11 =	sshrl.u32 s8, $0x3  }
0x792: {  	s11 =	smul.u32 $0x3000, s11;
	_ =	sdelay $0x1  }
0x793: {  	s11 =	sadd.s32 $0x6000, s11  }
0x794: {  	s11 =	sshra.s32 s11, $0x2  }
.Ltmp73:
0x795: {  	s11 =	sadd.s32 s11, s2;
	(pc) =	sbr.rel @p1 .LBB2_126-.Ltmp73, $4  }
0x796: {  	[tilespmem:s7], [sflag:$0x1] =	stream.linear.gather [spmem:s11], $0xC00, $0x38;
	[tilespmem:$0x1FF00] =	vst v63  }
0x797: {  	_ =	swait.ge [sflag:s20], $0xC00  }
0x798: {  	[sflag:s20] =	ssyncset.done $0x0  }
0x799: {  	[sflag:s20] =	ssyncadd.s32 $0xFFFFF400  }
.LBB2_125:
0x79a: {  	_ =	swait.ge [sflag:s23], $0xC00  }
0x79b: {  	[sflag:s23] =	ssyncset.done $0x0  }
0x79c: {  	[sflag:s23] =	ssyncadd.s32 $0xFFFFF400  }
.LBB2_126:
0x79d: {  	s15 =	simm.s32 $0x0;
	s11 =	simm.s32 $0x1AB40  }
0x79e: {  	s25 =	simm.s32 $0x19340;
	s12 =	simm.s32 $0x1ABF0;
	s13 =	simm.s32 $0x193F0  }
.LBB2_127:
0x79f: {  	v0 =	vld [tilespmem:s25+$0x30]  }
0x7a0: {  	v1 =	vld [tilespmem:s25+$0xFFFFFFD0]  }
0x7a1: {  	v2 =	vld [tilespmem:s25+$0xFFFFFFE0]  }
0x7a2: {  	v3 =	vld [tilespmem:s25+$0xFFFFFFF0]  }
0x7a3: {  	v4 =	vld [tilespmem:s25+$0x0]  }
0x7a4: {  	v5 =	vld [tilespmem:s25+$0x10]  }
0x7a5: {  	v6 =	vld [tilespmem:s25+$0xFFFFFFC0]  }
0x7a6: {  	v7 =	vld [tilespmem:s25+$0x20];
	s16 =	sadd.s32 $0x400, s25  }
0x7a7: {  	v8 =	vld [tilespmem:s16+$0x30]  }
0x7a8: {  	v10 =	vld [tilespmem:s16+$0xFFFFFFE0]  }
0x7a9: {  	v0 =	vmul.f32 $1.000000000e+05, v0;
	v1 =	vmul.f32 $1.000000000e+05, v1  }
0x7aa: {  	v2 =	vmul.f32 $1.000000000e+05, v2;
	v3 =	vmul.f32 $1.000000000e+05, v3  }
0x7ab: {  	v4 =	vmul.f32 $1.000000000e+05, v4;
	v5 =	vmul.f32 $1.000000000e+05, v5  }
0x7ac: {  	v6 =	vmul.f32 $1.000000000e+05, v6;
	v7 =	vmul.f32 $1.000000000e+05, v7  }
0x7ad: {  	v8 =	vmul.f32 $1.000000000e+05, v8;
	v10 =	vmul.f32 $1.000000000e+05, v10  }
0x7ae: {  	v0 =	vtrunc.f32 v0;
	v1 =	vtrunc.f32 v1  }
0x7af: {  	v2 =	vtrunc.f32 v2;
	v3 =	vtrunc.f32 v3  }
0x7b0: {  	v9 =	vld [tilespmem:s16+$0xFFFFFFD0];
	v6 =	vtrunc.f32 v6;
	v0 =	vcvt.f32.s32 v0  }
0x7b1: {  	v11 =	vld [tilespmem:s16+$0xFFFFFFF0];
	v4 =	vtrunc.f32 v4;
	v6 =	vcvt.f32.s32 v6  }
0x7b2: {  	v12 =	vld [tilespmem:s16+$0x10];
	v5 =	vtrunc.f32 v5;
	v1 =	vcvt.f32.s32 v1  }
0x7b3: {  	v15 =	vld [tilespmem:s16+$0xFFFFFFC0];
	v7 =	vtrunc.f32 v7;
	v2 =	vcvt.f32.s32 v2  }
0x7b4: {  	v3 =	vcvt.f32.s32 v3;
	v13 =	vcvt.f32.s32 v4;
	v4 =	vld [tilespmem:s16+$0x0]  }
0x7b5: {  	v14 =	vcvt.f32.s32 v7;
	v7 =	vmul.f32 $1.000000000e+05, v9;
	v9 =	vld [tilespmem:s16+$0x20]  }
0x7b6: {  	v5 =	vcvt.f32.s32 v5;
	v8 =	vtrunc.f32 v8;
	v0 =	vld.idx.msk [tilespmem:v0+s3+$0x0], $0xffff  }
0x7b7: {  	v11 =	vmul.f32 $1.000000000e+05, v11;
	v8 =	vcvt.f32.s32 v8;
	v16 =	vld.idx.msk [tilespmem:v6+s3+$0x0], $0xffff  }
0x7b8: {  	v18 =	vtrunc.f32 v10;
	v10 =	vmul.f32 $1.000000000e+05, v12;
	v17 =	vld.idx.msk [tilespmem:v1+s3+$0x0], $0xffff  }
0x7b9: {  	v6 =	vtrunc.f32 v7;
	v7 =	vmul.f32 $1.000000000e+05, v4;
	v4 =	vld.idx.msk [tilespmem:v2+s3+$0x0], $0xffff  }
0x7ba: {  	v15 =	vmul.f32 $1.000000000e+05, v15;
	v9 =	vmul.f32 $1.000000000e+05, v9;
	v1 =	vld.idx.msk [tilespmem:v3+s3+$0x0], $0xffff  }
0x7bb: {  	v11 =	vtrunc.f32 v11;
	v10 =	vtrunc.f32 v10;
	v2 =	vld.idx.msk [tilespmem:v13+s3+$0x0], $0xffff  }
0x7bc: {  	v3 =	vld.idx.msk [tilespmem:v5+s3+$0x0], $0xffff;
	v5 =	vtrunc.f32 v15;
	v9 =	vtrunc.f32 v9;
	[tilespmem:s11+$0x30] =	vst v0  }
0x7bd: {  	s19 =	simm.s32 $0x80;
	v6 =	vcvt.f32.s32 v6;
	v12 =	vtrunc.f32 v7;
	v0 =	vld.idx.msk [tilespmem:v8+s3+$0x0], $0xffff;
	[tilespmem:s11+$0xFFFFFFC0] =	vst v16  }
0x7be: {  	s18 =	smov.u32 s11;
	s21 =	sadd.s32 $0x400, s16;
	s16 =	smov.u32 s11;
	v7 =	vcvt.f32.s32 v18;
	v8 =	vcvt.f32.s32 v5;
	[tilespmem:s11+$0xFFFFFFD0] =	vst v17;
	v5 =	vld.idx.msk [tilespmem:v14+s3+$0x0], $0xffff  }
.LBB2_128:
0x7bf: {  	v13 =	vld [tilespmem:s21+$0x30];
	s19 =	sadd.s32 $0x80, s19;
	v14 =	vcvt.f32.s32 v11;
	v15 =	vcvt.f32.s32 v12;
	[tilespmem:s18+$0xFFFFFFE0] =	vst v4  }
0x7c0: {  	v16 =	vcvt.f32.s32 v10;
	v17 =	vcvt.f32.s32 v9;
	v4 =	vld [tilespmem:s21+$0xFFFFFFD0];
	p1 =	slt.u32 s19, $0x100;
	[tilespmem:s18+$0xFFFFFFF0] =	vst v1  }
0x7c1: {  	v1 =	vld [tilespmem:s21+$0xFFFFFFE0];
	[tilespmem:s18+$0x0] =	vst v2  }
0x7c2: {  	s18 =	sadd.s32 $0x400, s18;
	v2 =	vld [tilespmem:s21+$0xFFFFFFF0];
	[tilespmem:s16+$0x10] =	vst v3  }
0x7c3: {  	v3 =	vld [tilespmem:s21+$0x0];
	[tilespmem:s18+$0x30] =	vst v0  }
0x7c4: {  	v0 =	vld [tilespmem:s21+$0x10];
	v9 =	vmul.f32 $1.000000000e+05, v13;
	[tilespmem:s16+$0x20] =	vst v5;
	s16 =	smov.u32 s18  }
0x7c5: {  	v4 =	vmul.f32 $1.000000000e+05, v4;
	v5 =	vld [tilespmem:s21+$0x20]  }
0x7c6: {  	v10 =	vld [tilespmem:s21+$0xFFFFFFC0];
	v1 =	vmul.f32 $1.000000000e+05, v1;
	v9 =	vtrunc.f32 v9  }
0x7c7: {  	v2 =	vmul.f32 $1.000000000e+05, v2;
	v13 =	vcvt.f32.s32 v9;
	v8 =	vld.idx.msk [tilespmem:v8+s3+$0x0], $0xffff  }
0x7c8: {  	v18 =	vtrunc.f32 v4;
	v3 =	vmul.f32 $1.000000000e+05, v3;
	v19 =	vld.idx.msk [tilespmem:v6+s3+$0x0], $0xffff  }
0x7c9: {  	v20 =	vtrunc.f32 v1;
	v0 =	vmul.f32 $1.000000000e+05, v0;
	v4 =	vld.idx.msk [tilespmem:v7+s3+$0x0], $0xffff  }
.Ltmp74:
0x7ca: {  	v11 =	vtrunc.f32 v2;
	v5 =	vmul.f32 $1.000000000e+05, v5;
	v1 =	vld.idx.msk [tilespmem:v14+s3+$0x0], $0xffff;
	(pc) =	sbr.rel @p1 .LBB2_128-.Ltmp74, $4  }
0x7cb: {  	v12 =	vtrunc.f32 v3;
	v6 =	vmul.f32 $1.000000000e+05, v10;
	v2 =	vld.idx.msk [tilespmem:v15+s3+$0x0], $0xffff  }
0x7cc: {  	v10 =	vtrunc.f32 v0;
	v9 =	vtrunc.f32 v5;
	v3 =	vld.idx.msk [tilespmem:v16+s3+$0x0], $0xffff  }
0x7cd: {  	v5 =	vtrunc.f32 v6;
	v6 =	vcvt.f32.s32 v18;
	v0 =	vld.idx.msk [tilespmem:v13+s3+$0x0], $0xffff;
	[tilespmem:s18+$0xFFFFFFC0] =	vst v8  }
0x7ce: {  	s21 =	sadd.s32 $0x400, s21;
	v7 =	vcvt.f32.s32 v20;
	v8 =	vcvt.f32.s32 v5;
	[tilespmem:s18+$0xFFFFFFD0] =	vst v19;
	v5 =	vld.idx.msk [tilespmem:v17+s3+$0x0], $0xffff  }
0x7cf: {  	v13 =	vld [tilespmem:s13+$0x0]  }
0x7d0: {  	v14 =	vld [tilespmem:s13+$0xFFFFFFA0]  }
0x7d1: {  	v15 =	vld [tilespmem:s13+$0xFFFFFFB0]  }
0x7d2: {  	v16 =	vld [tilespmem:s13+$0xFFFFFFC0]  }
0x7d3: {  	v17 =	vld [tilespmem:s13+$0xFFFFFFD0]  }
0x7d4: {  	v18 =	vld [tilespmem:s13+$0xFFFFFFE0]  }
0x7d5: {  	v19 =	vld [tilespmem:s13+$0xFFFFFF90]  }
0x7d6: {  	v20 =	vld [tilespmem:s13+$0xFFFFFFF0]  }
0x7d7: {  	s21 =	sadd.s32 $0x400, s13;
	v8 =	vld.idx.msk [tilespmem:v8+s3+$0x0], $0xffff  }
0x7d8: {  	v11 =	vcvt.f32.s32 v11;
	v12 =	vcvt.f32.s32 v12;
	v53 =	vld [tilespmem:s21+$0x0]  }
0x7d9: {  	v10 =	vcvt.f32.s32 v10;
	v9 =	vcvt.f32.s32 v9;
	v56 =	vld [tilespmem:s21+$0xFFFFFFB0]  }
0x7da: {  	v13 =	vmul.f32 $1.000000000e+05, v13;
	v14 =	vmul.f32 $1.000000000e+05, v14  }
0x7db: {  	v6 =	vld.idx.msk [tilespmem:v6+s3+$0x0], $0xffff;
	v15 =	vmul.f32 $1.000000000e+05, v15;
	v16 =	vmul.f32 $1.000000000e+05, v16  }
0x7dc: {  	v7 =	vld.idx.msk [tilespmem:v7+s3+$0x0], $0xffff;
	v17 =	vmul.f32 $1.000000000e+05, v17;
	v18 =	vmul.f32 $1.000000000e+05, v18  }
0x7dd: {  	[tilespmem:s18+$0xFFFFFFE0] =	vst v4;
	s19 =	sadd.s32 $0x400, s18;
	v55 =	vld [tilespmem:s21+$0xFFFFFFA0];
	v19 =	vmul.f32 $1.000000000e+05, v19;
	v4 =	vmul.f32 $1.000000000e+05, v20  }
0x7de: {  	v58 =	vld [tilespmem:s21+$0xFFFFFFD0];
	v20 =	vmul.f32 $1.000000000e+05, v53;
	[tilespmem:s19+$0xFFFFFFC0] =	vst v8;
	v8 =	vmul.f32 $1.000000000e+05, v56  }
0x7df: {  	v59 =	vld [tilespmem:s21+$0xFFFFFFF0];
	v13 =	vtrunc.f32 v13;
	v14 =	vtrunc.f32 v14  }
0x7e0: {  	[tilespmem:s16+$0x20] =	vst v5;
	v5 =	vld [tilespmem:s21+$0xFFFFFFE0];
	v15 =	vtrunc.f32 v15;
	v16 =	vtrunc.f32 v16  }
0x7e1: {  	[tilespmem:s19+$0xFFFFFFD0] =	vst v6;
	v6 =	vld [tilespmem:s21+$0xFFFFFF90];
	v54 =	vtrunc.f32 v19;
	v13 =	vcvt.f32.s32 v13  }
0x7e2: {  	[tilespmem:s18+$0x0] =	vst v2;
	v11 =	vld.idx.msk [tilespmem:v11+s3+$0x0], $0xffff;
	v2 =	vtrunc.f32 v4;
	v4 =	vcvt.f32.s32 v54  }
0x7e3: {  	[tilespmem:s16+$0x10] =	vst v3;
	v12 =	vld.idx.msk [tilespmem:v12+s3+$0x0], $0xffff;
	v17 =	vtrunc.f32 v17;
	v3 =	vcvt.f32.s32 v14  }
0x7e4: {  	[tilespmem:s18+$0xFFFFFFF0] =	vst v1;
	v1 =	vtrunc.f32 v18;
	v14 =	vcvt.f32.s32 v15;
	v15 =	vld [tilespmem:s21+$0xFFFFFFC0]  }
0x7e5: {  	[tilespmem:s19+$0x30] =	vst v0;
	v10 =	vld.idx.msk [tilespmem:v10+s3+$0x0], $0xffff;
	v0 =	vcvt.f32.s32 v16;
	v57 =	vcvt.f32.s32 v17  }
0x7e6: {  	v9 =	vld.idx.msk [tilespmem:v9+s3+$0x0], $0xffff;
	v1 =	vcvt.f32.s32 v1;
	v21 =	vcvt.f32.s32 v2  }
0x7e7: {  	v2 =	vmul.f32 $1.000000000e+05, v55;
	v60 =	vtrunc.f32 v20;
	v13 =	vld.idx.msk [tilespmem:v13+s3+$0x0], $0xffff  }
0x7e8: {  	[tilespmem:s19+$0xFFFFFFE0] =	vst v7;
	v63 =	vtrunc.f32 v8;
	v22 =	vmul.f32 $1.000000000e+05, v5;
	v4 =	vld.idx.msk [tilespmem:v4+s3+$0x0], $0xffff  }
0x7e9: {  	[tilespmem:s19+$0xFFFFFFF0] =	vst v11;
	v7 =	vmul.f32 $1.000000000e+05, v15;
	v15 =	vcvt.f32.s32 v60;
	v62 =	vld.idx.msk [tilespmem:v3+s3+$0x0], $0xffff  }
0x7ea: {  	v61 =	vtrunc.f32 v2;
	v11 =	vmul.f32 $1.000000000e+05, v58;
	[tilespmem:s19+$0x0] =	vst v12;
	v3 =	vld.idx.msk [tilespmem:v14+s3+$0x0], $0xffff  }
0x7eb: {  	[tilespmem:s19+$0x10] =	vst v10;
	v10 =	vtrunc.f32 v22;
	v2 =	vld.idx.msk [tilespmem:v0+s3+$0x0], $0xffff;
	v0 =	vmul.f32 $1.000000000e+05, v6  }
0x7ec: {  	[tilespmem:s19+$0x20] =	vst v9;
	v5 =	vld.idx.msk [tilespmem:v57+s3+$0x0], $0xffff;
	v8 =	vtrunc.f32 v7;
	v7 =	vmul.f32 $1.000000000e+05, v59  }
0x7ed: {  	v12 =	vtrunc.f32 v11;
	v6 =	vld.idx.msk [tilespmem:v1+s3+$0x0], $0xffff;
	v1 =	vtrunc.f32 v0;
	[tilespmem:s12+$0x0] =	vst v13  }
0x7ee: {  	s18 =	smov.u32 s12;
	v9 =	vld.idx.msk [tilespmem:v21+s3+$0x0], $0xffff;
	v0 =	vcvt.f32.s32 v61;
	v11 =	vtrunc.f32 v7;
	[tilespmem:s12+$0xFFFFFF90] =	vst v4  }
0x7ef: {  	s16 =	smov.u32 s12;
	s21 =	sadd.s32 $0x400, s21;
	s19 =	simm.s32 $0x80;
	v7 =	vld.idx.msk [tilespmem:v15+s3+$0x0], $0xffff;
	v4 =	vcvt.f32.s32 v1;
	v1 =	vcvt.f32.s32 v63;
	[tilespmem:s12+$0xFFFFFFA0] =	vst v62  }
.LBB2_130:
0x7f0: {  	v13 =	vld [tilespmem:s21+$0x0];
	s19 =	sadd.s32 $0x80, s19;
	v14 =	vcvt.f32.s32 v8;
	v15 =	vcvt.f32.s32 v12;
	[tilespmem:s18+$0xFFFFFFB0] =	vst v3  }
0x7f1: {  	v16 =	vcvt.f32.s32 v10;
	v17 =	vcvt.f32.s32 v11;
	v3 =	vld [tilespmem:s21+$0xFFFFFFA0];
	p1 =	slt.u32 s19, $0x100;
	[tilespmem:s18+$0xFFFFFFC0] =	vst v2  }
0x7f2: {  	v2 =	vld [tilespmem:s21+$0xFFFFFFB0];
	[tilespmem:s18+$0xFFFFFFD0] =	vst v5  }
0x7f3: {  	s18 =	sadd.s32 $0x400, s18;
	v5 =	vld [tilespmem:s21+$0xFFFFFFC0];
	[tilespmem:s16+$0xFFFFFFE0] =	vst v6  }
0x7f4: {  	v6 =	vld [tilespmem:s21+$0xFFFFFFD0];
	[tilespmem:s18+$0x0] =	vst v7  }
0x7f5: {  	v7 =	vld [tilespmem:s21+$0xFFFFFFE0];
	v8 =	vmul.f32 $1.000000000e+05, v13;
	[tilespmem:s16+$0xFFFFFFF0] =	vst v9;
	s16 =	smov.u32 s18  }
0x7f6: {  	v3 =	vmul.f32 $1.000000000e+05, v3;
	v9 =	vld [tilespmem:s21+$0xFFFFFFF0]  }
0x7f7: {  	v10 =	vld [tilespmem:s21+$0xFFFFFF90];
	v2 =	vmul.f32 $1.000000000e+05, v2;
	v8 =	vtrunc.f32 v8  }
0x7f8: {  	v5 =	vmul.f32 $1.000000000e+05, v5;
	v13 =	vcvt.f32.s32 v8;
	v4 =	vld.idx.msk [tilespmem:v4+s3+$0x0], $0xffff  }
0x7f9: {  	v18 =	vtrunc.f32 v3;
	v6 =	vmul.f32 $1.000000000e+05, v6;
	v19 =	vld.idx.msk [tilespmem:v0+s3+$0x0], $0xffff  }
0x7fa: {  	v20 =	vtrunc.f32 v2;
	v0 =	vmul.f32 $1.000000000e+05, v7;
	v3 =	vld.idx.msk [tilespmem:v1+s3+$0x0], $0xffff  }
.Ltmp75:
0x7fb: {  	v8 =	vtrunc.f32 v5;
	v1 =	vmul.f32 $1.000000000e+05, v9;
	v2 =	vld.idx.msk [tilespmem:v14+s3+$0x0], $0xffff;
	(pc) =	sbr.rel @p1 .LBB2_130-.Ltmp75, $4  }
0x7fc: {  	v12 =	vtrunc.f32 v6;
	v7 =	vmul.f32 $1.000000000e+05, v10;
	v5 =	vld.idx.msk [tilespmem:v15+s3+$0x0], $0xffff  }
0x7fd: {  	v10 =	vtrunc.f32 v0;
	v11 =	vtrunc.f32 v1;
	v6 =	vld.idx.msk [tilespmem:v16+s3+$0x0], $0xffff  }
0x7fe: {  	v0 =	vcvt.f32.s32 v18;
	v1 =	vtrunc.f32 v7;
	v7 =	vld.idx.msk [tilespmem:v13+s3+$0x0], $0xffff;
	[tilespmem:s18+$0xFFFFFF90] =	vst v4  }
0x7ff: {  	s21 =	sadd.s32 $0x400, s21;
	v4 =	vcvt.f32.s32 v1;
	v1 =	vcvt.f32.s32 v20;
	[tilespmem:s18+$0xFFFFFFA0] =	vst v19;
	v9 =	vld.idx.msk [tilespmem:v17+s3+$0x0], $0xffff  }
0x800: {  	_ = 	snop  }
0x801: {  	v8 =	vcvt.f32.s32 v8  }
0x802: {  	v12 =	vcvt.f32.s32 v12  }
0x803: {  	[tilespmem:s18+$0xFFFFFFB0] =	vst v3;
	v58 =	vcvt.f32.s32 v10  }
0x804: {  	v59 =	vcvt.f32.s32 v11;
	[tilespmem:s18+$0xFFFFFFC0] =	vst v2;
	v0 =	vld.idx.msk [tilespmem:v0+s3+$0x0], $0xffff  }
0x805: {  	v60 =	vld.idx.msk [tilespmem:v4+s3+$0x0], $0xffff;
	[tilespmem:s18+$0xFFFFFFD0] =	vst v5  }
0x806: {  	s19 =	sadd.s32 $0x400, s18;
	v1 =	vld.idx.msk [tilespmem:v1+s3+$0x0], $0xffff;
	[tilespmem:s16+$0xFFFFFFE0] =	vst v6  }
0x807: {  	[tilespmem:s19+$0x0] =	vst v7;
	v61 =	vld.idx.msk [tilespmem:v8+s3+$0x0], $0xffff  }
0x808: {  	[tilespmem:s16+$0xFFFFFFF0] =	vst v9;
	v62 =	vld.idx.msk [tilespmem:v12+s3+$0x0], $0xffff  }
0x809: {  	[tilespmem:s19+$0xFFFFFFA0] =	vst v0;
	v3 =	vld.idx.msk [tilespmem:v58+s3+$0x0], $0xffff  }
0x80a: {  	p1 =	slt.u32 s15, $0x6;
	[tilespmem:s19+$0xFFFFFF90] =	vst v60;
	v63 =	vld.idx.msk [tilespmem:v59+s3+$0x0], $0xffff  }
.Ltmp76:
0x80b: {  	[tilespmem:s19+$0xFFFFFFB0] =	vst v1;
	(pc) =	sbr.rel @p1 .LBB2_127-.Ltmp76, $4  }
0x80c: {  	[tilespmem:s19+$0xFFFFFFC0] =	vst v61  }
0x80d: {  	[tilespmem:s19+$0xFFFFFFD0] =	vst v62  }
0x80e: {  	s21 =	sadd.s32 $0x2, s15;
	s11 =	sadd.s32 $0x100, s11;
	s25 =	sadd.s32 $0x100, s25;
	[tilespmem:s19+$0xFFFFFFE0] =	vst v3  }
0x80f: {  	s12 =	sadd.s32 $0x100, s12;
	s13 =	sadd.s32 $0x100, s13;
	s15 =	smov.u32 s21;
	[tilespmem:s19+$0xFFFFFFF0] =	vst v63  }
0x810: {  	p1 =	seq.s32 s6, $0x17  }
.Ltmp77:
0x811: {  	_ = 	snop;
	(pc) =	sbr.rel @p1 .LBB2_134-.Ltmp77, $4  }
0x812: {  	s5 =	sadd.s32 s30, s5  }
0x813: {  	s5 =	sshrl.u32 s5, $0x3  }
0x814: {  	s5 =	sadd.s32 s1, s5  }
0x815: {  	[hbm4b:s5+s3] =	stream.linear.scatter [tilespmem:s24], [sflag:$0x4], $0xC00, $0x38;
	[tilespmem:$0x1FF00] =	vst v63  }
0x816: {  	s5 =	sadd.s32 $0x18, s8  }
0x817: {  	s5 =	sshrl.u32 s5, $0x3  }
0x818: {  	s5 =	smul.u32 $0x3000, s5  }
.Ltmp78:
0x819: {  	_ = 	snop;
	(pc) =	sbr.rel .LBB2_116-.Ltmp78, $4  }
0x81a: {  	_ = 	snop  }
0x81b: {  	s5 =	sshra.s32 s5, $0x2  }
0x81c: {  	s6 =	sadd.s32 $0x1, s6;
	s5 =	sadd.s32 s5, s2  }
0x81d: {  	[tilespmem:s10], [sflag:$0x2] =	stream.linear.gather [spmem:s5], $0xC00, $0x38;
	[tilespmem:$0x1FF00] =	vst v63  }
.LBB2_134:
0x81e: {  	s5 =	simm.s32 $0x3  }
0x81f: {  	_ =	swait.ge [sflag:s5], $0xC00  }
0x820: {  	[sflag:s5] =	ssyncset.done $0x0  }
0x821: {  	[sflag:s5] =	ssyncadd.s32 $0xFFFFF400  }
0x822: {  	_ =	swait.ge [sflag:s23], $0xC00  }
0x823: {  	[sflag:s23] =	ssyncset.done $0x0  }
0x824: {  	s5 =	simm.s32 @!p0 $0x5;
	[sflag:s23] =	ssyncadd.s32 $0xFFFFF400  }
0x825: {  	_ =	swait.ge @!p0 [sflag:s5], $0x4800  }
0x826: {  	[sflag:s5] =	ssyncset.done @!p0 $0x0  }
0x827: {  	[sflag:s5] =	ssyncadd.s32 @!p0 $0xFFFFB800  }
0x828: {  	[bflag:$0x0] =	sbarrier.arrive $0xFFFF  }
0x829: {  	s21 =	rddreg [dreg:$0x7]  }
0x82a: {  	[tilespmem:s7], [sflag:$0x1] =	stream.linear.gather [spmem:s21], $0xC00, $0x38;
	[tilespmem:$0x1FF00] =	vst v63  }
0x82b: {  	s6 =	simm.s32 $0x0;
	s25 =	rddreg [dreg:$0xb]  }
0x82c: {  	[tilespmem:s10], [sflag:$0x2] =	stream.linear.gather [spmem:s25], $0xC00, $0x38;
	[tilespmem:$0x1FF00] =	vst v63  }
.LBB2_135:
0x82d: {  	_ =	swait.ge [sflag:s14], $0xC00  }
0x82e: {  	p1 =	seq.s32 s6, $0x0;
	[sflag:s14] =	ssyncset.done $0x0  }
0x82f: {  	s5 =	simm.s32 @!p1 $0x3;
	[sflag:s14] =	ssyncadd.s32 $0xFFFFF400  }
0x830: {  	s8 =	sshll.u32 s6, $0x4;
	s11 =	simm.s32 $0x18740;
	_ =	swait.ge @!p1 [sflag:s5], $0xC00  }
0x831: {  	s25 =	simm.s32 $0x19FF0;
	s12 =	simm.s32 $0x187F0;
	[sflag:s5] =	ssyncset.done @!p1 $0x0  }
0x832: {  	s13 =	simm.s32 $0x0;
	[sflag:s5] =	ssyncadd.s32 @!p1 $0xFFFFF400;
	s5 =	simm.s32 $0x19F40  }
.LBB2_136:
0x833: {  	v0 =	vld [tilespmem:s11+$0x30]  }
0x834: {  	v1 =	vld [tilespmem:s11+$0xFFFFFFD0]  }
0x835: {  	v2 =	vld [tilespmem:s11+$0xFFFFFFE0]  }
0x836: {  	v3 =	vld [tilespmem:s11+$0xFFFFFFF0]  }
0x837: {  	v4 =	vld [tilespmem:s11+$0x0]  }
0x838: {  	v5 =	vld [tilespmem:s11+$0x10]  }
0x839: {  	v6 =	vld [tilespmem:s11+$0xFFFFFFC0]  }
0x83a: {  	v7 =	vld [tilespmem:s11+$0x20];
	s15 =	sadd.s32 $0x400, s11  }
0x83b: {  	v8 =	vld [tilespmem:s15+$0x30]  }
0x83c: {  	v10 =	vld [tilespmem:s15+$0xFFFFFFE0]  }
0x83d: {  	v0 =	vmul.f32 $1.000000000e+05, v0;
	v1 =	vmul.f32 $1.000000000e+05, v1  }
0x83e: {  	v2 =	vmul.f32 $1.000000000e+05, v2;
	v3 =	vmul.f32 $1.000000000e+05, v3  }
0x83f: {  	v4 =	vmul.f32 $1.000000000e+05, v4;
	v5 =	vmul.f32 $1.000000000e+05, v5  }
0x840: {  	v6 =	vmul.f32 $1.000000000e+05, v6;
	v7 =	vmul.f32 $1.000000000e+05, v7  }
0x841: {  	v8 =	vmul.f32 $1.000000000e+05, v8;
	v10 =	vmul.f32 $1.000000000e+05, v10  }
0x842: {  	v0 =	vtrunc.f32 v0;
	v1 =	vtrunc.f32 v1  }
0x843: {  	v2 =	vtrunc.f32 v2;
	v3 =	vtrunc.f32 v3  }
0x844: {  	v9 =	vld [tilespmem:s15+$0xFFFFFFD0];
	v6 =	vtrunc.f32 v6;
	v0 =	vcvt.f32.s32 v0  }
0x845: {  	v11 =	vld [tilespmem:s15+$0xFFFFFFF0];
	v4 =	vtrunc.f32 v4;
	v6 =	vcvt.f32.s32 v6  }
0x846: {  	v12 =	vld [tilespmem:s15+$0x10];
	v5 =	vtrunc.f32 v5;
	v1 =	vcvt.f32.s32 v1  }
0x847: {  	v15 =	vld [tilespmem:s15+$0xFFFFFFC0];
	v7 =	vtrunc.f32 v7;
	v2 =	vcvt.f32.s32 v2  }
0x848: {  	v3 =	vcvt.f32.s32 v3;
	v13 =	vcvt.f32.s32 v4;
	v4 =	vld [tilespmem:s15+$0x0]  }
0x849: {  	v14 =	vcvt.f32.s32 v7;
	v7 =	vmul.f32 $1.000000000e+05, v9;
	v9 =	vld [tilespmem:s15+$0x20]  }
0x84a: {  	v5 =	vcvt.f32.s32 v5;
	v8 =	vtrunc.f32 v8;
	v0 =	vld.idx.msk [tilespmem:v0+s3+$0x0], $0xffff  }
0x84b: {  	v11 =	vmul.f32 $1.000000000e+05, v11;
	v8 =	vcvt.f32.s32 v8;
	v16 =	vld.idx.msk [tilespmem:v6+s3+$0x0], $0xffff  }
0x84c: {  	v18 =	vtrunc.f32 v10;
	v10 =	vmul.f32 $1.000000000e+05, v12;
	v17 =	vld.idx.msk [tilespmem:v1+s3+$0x0], $0xffff  }
0x84d: {  	v6 =	vtrunc.f32 v7;
	v7 =	vmul.f32 $1.000000000e+05, v4;
	v4 =	vld.idx.msk [tilespmem:v2+s3+$0x0], $0xffff  }
0x84e: {  	v15 =	vmul.f32 $1.000000000e+05, v15;
	v9 =	vmul.f32 $1.000000000e+05, v9;
	v1 =	vld.idx.msk [tilespmem:v3+s3+$0x0], $0xffff  }
0x84f: {  	v11 =	vtrunc.f32 v11;
	v10 =	vtrunc.f32 v10;
	v2 =	vld.idx.msk [tilespmem:v13+s3+$0x0], $0xffff  }
0x850: {  	v3 =	vld.idx.msk [tilespmem:v5+s3+$0x0], $0xffff;
	v5 =	vtrunc.f32 v15;
	v9 =	vtrunc.f32 v9;
	[tilespmem:s5+$0x30] =	vst v0  }
0x851: {  	s18 =	simm.s32 $0x80;
	v6 =	vcvt.f32.s32 v6;
	v12 =	vtrunc.f32 v7;
	v0 =	vld.idx.msk [tilespmem:v8+s3+$0x0], $0xffff;
	[tilespmem:s5+$0xFFFFFFC0] =	vst v16  }
0x852: {  	s16 =	smov.u32 s5;
	s19 =	sadd.s32 $0x400, s15;
	s15 =	smov.u32 s5;
	v7 =	vcvt.f32.s32 v18;
	v8 =	vcvt.f32.s32 v5;
	[tilespmem:s5+$0xFFFFFFD0] =	vst v17;
	v5 =	vld.idx.msk [tilespmem:v14+s3+$0x0], $0xffff  }
.LBB2_137:
0x853: {  	v13 =	vld [tilespmem:s19+$0x30];
	s18 =	sadd.s32 $0x80, s18;
	v14 =	vcvt.f32.s32 v11;
	v15 =	vcvt.f32.s32 v12;
	[tilespmem:s16+$0xFFFFFFE0] =	vst v4  }
0x854: {  	v16 =	vcvt.f32.s32 v10;
	v17 =	vcvt.f32.s32 v9;
	v4 =	vld [tilespmem:s19+$0xFFFFFFD0];
	p2 =	slt.u32 s18, $0x100;
	[tilespmem:s16+$0xFFFFFFF0] =	vst v1  }
0x855: {  	v1 =	vld [tilespmem:s19+$0xFFFFFFE0];
	[tilespmem:s16+$0x0] =	vst v2  }
0x856: {  	s16 =	sadd.s32 $0x400, s16;
	v2 =	vld [tilespmem:s19+$0xFFFFFFF0];
	[tilespmem:s15+$0x10] =	vst v3  }
0x857: {  	v3 =	vld [tilespmem:s19+$0x0];
	[tilespmem:s16+$0x30] =	vst v0  }
0x858: {  	v0 =	vld [tilespmem:s19+$0x10];
	v9 =	vmul.f32 $1.000000000e+05, v13;
	[tilespmem:s15+$0x20] =	vst v5;
	s15 =	smov.u32 s16  }
0x859: {  	v4 =	vmul.f32 $1.000000000e+05, v4;
	v5 =	vld [tilespmem:s19+$0x20]  }
0x85a: {  	v10 =	vld [tilespmem:s19+$0xFFFFFFC0];
	v1 =	vmul.f32 $1.000000000e+05, v1;
	v9 =	vtrunc.f32 v9  }
0x85b: {  	v2 =	vmul.f32 $1.000000000e+05, v2;
	v13 =	vcvt.f32.s32 v9;
	v8 =	vld.idx.msk [tilespmem:v8+s3+$0x0], $0xffff  }
0x85c: {  	v18 =	vtrunc.f32 v4;
	v3 =	vmul.f32 $1.000000000e+05, v3;
	v19 =	vld.idx.msk [tilespmem:v6+s3+$0x0], $0xffff  }
0x85d: {  	v20 =	vtrunc.f32 v1;
	v0 =	vmul.f32 $1.000000000e+05, v0;
	v4 =	vld.idx.msk [tilespmem:v7+s3+$0x0], $0xffff  }
.Ltmp79:
0x85e: {  	v11 =	vtrunc.f32 v2;
	v5 =	vmul.f32 $1.000000000e+05, v5;
	v1 =	vld.idx.msk [tilespmem:v14+s3+$0x0], $0xffff;
	(pc) =	sbr.rel @p2 .LBB2_137-.Ltmp79, $4  }
0x85f: {  	v12 =	vtrunc.f32 v3;
	v6 =	vmul.f32 $1.000000000e+05, v10;
	v2 =	vld.idx.msk [tilespmem:v15+s3+$0x0], $0xffff  }
0x860: {  	v10 =	vtrunc.f32 v0;
	v9 =	vtrunc.f32 v5;
	v3 =	vld.idx.msk [tilespmem:v16+s3+$0x0], $0xffff  }
0x861: {  	v5 =	vtrunc.f32 v6;
	v6 =	vcvt.f32.s32 v18;
	v0 =	vld.idx.msk [tilespmem:v13+s3+$0x0], $0xffff;
	[tilespmem:s16+$0xFFFFFFC0] =	vst v8  }
0x862: {  	s19 =	sadd.s32 $0x400, s19;
	v7 =	vcvt.f32.s32 v20;
	v8 =	vcvt.f32.s32 v5;
	[tilespmem:s16+$0xFFFFFFD0] =	vst v19;
	v5 =	vld.idx.msk [tilespmem:v17+s3+$0x0], $0xffff  }
0x863: {  	v13 =	vld [tilespmem:s12+$0x0]  }
0x864: {  	v14 =	vld [tilespmem:s12+$0xFFFFFFA0]  }
0x865: {  	v15 =	vld [tilespmem:s12+$0xFFFFFFB0]  }
0x866: {  	v16 =	vld [tilespmem:s12+$0xFFFFFFC0]  }
0x867: {  	v17 =	vld [tilespmem:s12+$0xFFFFFFD0]  }
0x868: {  	v18 =	vld [tilespmem:s12+$0xFFFFFFE0]  }
0x869: {  	v19 =	vld [tilespmem:s12+$0xFFFFFF90]  }
0x86a: {  	v20 =	vld [tilespmem:s12+$0xFFFFFFF0]  }
0x86b: {  	s19 =	sadd.s32 $0x400, s12;
	v8 =	vld.idx.msk [tilespmem:v8+s3+$0x0], $0xffff  }
0x86c: {  	v11 =	vcvt.f32.s32 v11;
	v12 =	vcvt.f32.s32 v12;
	v53 =	vld [tilespmem:s19+$0x0]  }
0x86d: {  	v10 =	vcvt.f32.s32 v10;
	v9 =	vcvt.f32.s32 v9;
	v56 =	vld [tilespmem:s19+$0xFFFFFFB0]  }
0x86e: {  	v13 =	vmul.f32 $1.000000000e+05, v13;
	v14 =	vmul.f32 $1.000000000e+05, v14  }
0x86f: {  	v6 =	vld.idx.msk [tilespmem:v6+s3+$0x0], $0xffff;
	v15 =	vmul.f32 $1.000000000e+05, v15;
	v16 =	vmul.f32 $1.000000000e+05, v16  }
0x870: {  	v7 =	vld.idx.msk [tilespmem:v7+s3+$0x0], $0xffff;
	v17 =	vmul.f32 $1.000000000e+05, v17;
	v18 =	vmul.f32 $1.000000000e+05, v18  }
0x871: {  	[tilespmem:s16+$0xFFFFFFE0] =	vst v4;
	s21 =	sadd.s32 $0x400, s16;
	v55 =	vld [tilespmem:s19+$0xFFFFFFA0];
	v19 =	vmul.f32 $1.000000000e+05, v19;
	v4 =	vmul.f32 $1.000000000e+05, v20  }
0x872: {  	v58 =	vld [tilespmem:s19+$0xFFFFFFD0];
	v20 =	vmul.f32 $1.000000000e+05, v53;
	[tilespmem:s21+$0xFFFFFFC0] =	vst v8;
	v8 =	vmul.f32 $1.000000000e+05, v56  }
0x873: {  	v59 =	vld [tilespmem:s19+$0xFFFFFFF0];
	v13 =	vtrunc.f32 v13;
	v14 =	vtrunc.f32 v14  }
0x874: {  	[tilespmem:s15+$0x20] =	vst v5;
	v5 =	vld [tilespmem:s19+$0xFFFFFFE0];
	v15 =	vtrunc.f32 v15;
	v16 =	vtrunc.f32 v16  }
0x875: {  	[tilespmem:s21+$0xFFFFFFD0] =	vst v6;
	v6 =	vld [tilespmem:s19+$0xFFFFFF90];
	v54 =	vtrunc.f32 v19;
	v13 =	vcvt.f32.s32 v13  }
0x876: {  	[tilespmem:s16+$0x0] =	vst v2;
	v11 =	vld.idx.msk [tilespmem:v11+s3+$0x0], $0xffff;
	v2 =	vtrunc.f32 v4;
	v4 =	vcvt.f32.s32 v54  }
0x877: {  	[tilespmem:s15+$0x10] =	vst v3;
	v12 =	vld.idx.msk [tilespmem:v12+s3+$0x0], $0xffff;
	v17 =	vtrunc.f32 v17;
	v3 =	vcvt.f32.s32 v14  }
0x878: {  	[tilespmem:s16+$0xFFFFFFF0] =	vst v1;
	v1 =	vtrunc.f32 v18;
	v14 =	vcvt.f32.s32 v15;
	v15 =	vld [tilespmem:s19+$0xFFFFFFC0]  }
0x879: {  	[tilespmem:s21+$0x30] =	vst v0;
	v10 =	vld.idx.msk [tilespmem:v10+s3+$0x0], $0xffff;
	v0 =	vcvt.f32.s32 v16;
	v57 =	vcvt.f32.s32 v17  }
0x87a: {  	v9 =	vld.idx.msk [tilespmem:v9+s3+$0x0], $0xffff;
	v1 =	vcvt.f32.s32 v1;
	v21 =	vcvt.f32.s32 v2  }
0x87b: {  	v2 =	vmul.f32 $1.000000000e+05, v55;
	v60 =	vtrunc.f32 v20;
	v13 =	vld.idx.msk [tilespmem:v13+s3+$0x0], $0xffff  }
0x87c: {  	[tilespmem:s21+$0xFFFFFFE0] =	vst v7;
	v63 =	vtrunc.f32 v8;
	v22 =	vmul.f32 $1.000000000e+05, v5;
	v4 =	vld.idx.msk [tilespmem:v4+s3+$0x0], $0xffff  }
0x87d: {  	[tilespmem:s21+$0xFFFFFFF0] =	vst v11;
	v7 =	vmul.f32 $1.000000000e+05, v15;
	v15 =	vcvt.f32.s32 v60;
	v62 =	vld.idx.msk [tilespmem:v3+s3+$0x0], $0xffff  }
0x87e: {  	v61 =	vtrunc.f32 v2;
	v11 =	vmul.f32 $1.000000000e+05, v58;
	[tilespmem:s21+$0x0] =	vst v12;
	v3 =	vld.idx.msk [tilespmem:v14+s3+$0x0], $0xffff  }
0x87f: {  	[tilespmem:s21+$0x10] =	vst v10;
	v10 =	vtrunc.f32 v22;
	v2 =	vld.idx.msk [tilespmem:v0+s3+$0x0], $0xffff;
	v0 =	vmul.f32 $1.000000000e+05, v6  }
0x880: {  	[tilespmem:s21+$0x20] =	vst v9;
	v5 =	vld.idx.msk [tilespmem:v57+s3+$0x0], $0xffff;
	v8 =	vtrunc.f32 v7;
	v7 =	vmul.f32 $1.000000000e+05, v59  }
0x881: {  	v12 =	vtrunc.f32 v11;
	v6 =	vld.idx.msk [tilespmem:v1+s3+$0x0], $0xffff;
	v1 =	vtrunc.f32 v0;
	[tilespmem:s25+$0x0] =	vst v13  }
0x882: {  	s18 =	simm.s32 $0x80;
	v9 =	vld.idx.msk [tilespmem:v21+s3+$0x0], $0xffff;
	v0 =	vcvt.f32.s32 v61;
	v11 =	vtrunc.f32 v7;
	[tilespmem:s25+$0xFFFFFF90] =	vst v4  }
0x883: {  	s16 =	smov.u32 s25;
	s15 =	smov.u32 s25;
	s19 =	sadd.s32 $0x400, s19;
	v7 =	vld.idx.msk [tilespmem:v15+s3+$0x0], $0xffff;
	v4 =	vcvt.f32.s32 v1;
	v1 =	vcvt.f32.s32 v63;
	[tilespmem:s25+$0xFFFFFFA0] =	vst v62  }
.LBB2_139:
0x884: {  	v13 =	vld [tilespmem:s19+$0x0];
	s18 =	sadd.s32 $0x80, s18;
	v14 =	vcvt.f32.s32 v8;
	v15 =	vcvt.f32.s32 v12;
	[tilespmem:s16+$0xFFFFFFB0] =	vst v3  }
0x885: {  	v16 =	vcvt.f32.s32 v10;
	v17 =	vcvt.f32.s32 v11;
	v3 =	vld [tilespmem:s19+$0xFFFFFFA0];
	p2 =	slt.u32 s18, $0x100;
	[tilespmem:s16+$0xFFFFFFC0] =	vst v2  }
0x886: {  	v2 =	vld [tilespmem:s19+$0xFFFFFFB0];
	[tilespmem:s16+$0xFFFFFFD0] =	vst v5  }
0x887: {  	s16 =	sadd.s32 $0x400, s16;
	v5 =	vld [tilespmem:s19+$0xFFFFFFC0];
	[tilespmem:s15+$0xFFFFFFE0] =	vst v6  }
0x888: {  	v6 =	vld [tilespmem:s19+$0xFFFFFFD0];
	[tilespmem:s16+$0x0] =	vst v7  }
0x889: {  	v7 =	vld [tilespmem:s19+$0xFFFFFFE0];
	v8 =	vmul.f32 $1.000000000e+05, v13;
	[tilespmem:s15+$0xFFFFFFF0] =	vst v9;
	s15 =	smov.u32 s16  }
0x88a: {  	v3 =	vmul.f32 $1.000000000e+05, v3;
	v9 =	vld [tilespmem:s19+$0xFFFFFFF0]  }
0x88b: {  	v10 =	vld [tilespmem:s19+$0xFFFFFF90];
	v2 =	vmul.f32 $1.000000000e+05, v2;
	v8 =	vtrunc.f32 v8  }
0x88c: {  	v5 =	vmul.f32 $1.000000000e+05, v5;
	v13 =	vcvt.f32.s32 v8;
	v4 =	vld.idx.msk [tilespmem:v4+s3+$0x0], $0xffff  }
0x88d: {  	v18 =	vtrunc.f32 v3;
	v6 =	vmul.f32 $1.000000000e+05, v6;
	v19 =	vld.idx.msk [tilespmem:v0+s3+$0x0], $0xffff  }
0x88e: {  	v20 =	vtrunc.f32 v2;
	v0 =	vmul.f32 $1.000000000e+05, v7;
	v3 =	vld.idx.msk [tilespmem:v1+s3+$0x0], $0xffff  }
.Ltmp80:
0x88f: {  	v8 =	vtrunc.f32 v5;
	v1 =	vmul.f32 $1.000000000e+05, v9;
	v2 =	vld.idx.msk [tilespmem:v14+s3+$0x0], $0xffff;
	(pc) =	sbr.rel @p2 .LBB2_139-.Ltmp80, $4  }
0x890: {  	v12 =	vtrunc.f32 v6;
	v7 =	vmul.f32 $1.000000000e+05, v10;
	v5 =	vld.idx.msk [tilespmem:v15+s3+$0x0], $0xffff  }
0x891: {  	v10 =	vtrunc.f32 v0;
	v11 =	vtrunc.f32 v1;
	v6 =	vld.idx.msk [tilespmem:v16+s3+$0x0], $0xffff  }
0x892: {  	v0 =	vcvt.f32.s32 v18;
	v1 =	vtrunc.f32 v7;
	v7 =	vld.idx.msk [tilespmem:v13+s3+$0x0], $0xffff;
	[tilespmem:s16+$0xFFFFFF90] =	vst v4  }
0x893: {  	s19 =	sadd.s32 $0x400, s19;
	v4 =	vcvt.f32.s32 v1;
	v1 =	vcvt.f32.s32 v20;
	[tilespmem:s16+$0xFFFFFFA0] =	vst v19;
	v9 =	vld.idx.msk [tilespmem:v17+s3+$0x0], $0xffff  }
0x894: {  	_ = 	snop  }
0x895: {  	v8 =	vcvt.f32.s32 v8  }
0x896: {  	v12 =	vcvt.f32.s32 v12  }
0x897: {  	[tilespmem:s16+$0xFFFFFFB0] =	vst v3;
	v58 =	vcvt.f32.s32 v10  }
0x898: {  	v59 =	vcvt.f32.s32 v11;
	[tilespmem:s16+$0xFFFFFFC0] =	vst v2;
	v0 =	vld.idx.msk [tilespmem:v0+s3+$0x0], $0xffff  }
0x899: {  	v60 =	vld.idx.msk [tilespmem:v4+s3+$0x0], $0xffff;
	[tilespmem:s16+$0xFFFFFFD0] =	vst v5  }
0x89a: {  	s19 =	sadd.s32 $0x400, s16;
	v1 =	vld.idx.msk [tilespmem:v1+s3+$0x0], $0xffff;
	[tilespmem:s15+$0xFFFFFFE0] =	vst v6  }
0x89b: {  	[tilespmem:s19+$0x0] =	vst v7;
	v61 =	vld.idx.msk [tilespmem:v8+s3+$0x0], $0xffff  }
0x89c: {  	[tilespmem:s15+$0xFFFFFFF0] =	vst v9;
	v62 =	vld.idx.msk [tilespmem:v12+s3+$0x0], $0xffff  }
0x89d: {  	[tilespmem:s19+$0xFFFFFFA0] =	vst v0;
	v3 =	vld.idx.msk [tilespmem:v58+s3+$0x0], $0xffff  }
0x89e: {  	p2 =	slt.u32 s13, $0x6;
	[tilespmem:s19+$0xFFFFFF90] =	vst v60;
	v63 =	vld.idx.msk [tilespmem:v59+s3+$0x0], $0xffff  }
.Ltmp81:
0x89f: {  	[tilespmem:s19+$0xFFFFFFB0] =	vst v1;
	(pc) =	sbr.rel @p2 .LBB2_136-.Ltmp81, $4  }
0x8a0: {  	[tilespmem:s19+$0xFFFFFFC0] =	vst v61  }
0x8a1: {  	[tilespmem:s19+$0xFFFFFFD0] =	vst v62  }
0x8a2: {  	s21 =	sadd.s32 $0x2, s13;
	s5 =	sadd.s32 $0x100, s5;
	s11 =	sadd.s32 $0x100, s11;
	[tilespmem:s19+$0xFFFFFFE0] =	vst v3  }
0x8a3: {  	s25 =	sadd.s32 $0x100, s25;
	s12 =	sadd.s32 $0x100, s12;
	s13 =	smov.u32 s21;
	[tilespmem:s19+$0xFFFFFFF0] =	vst v63  }
0x8a4: {  	s5 =	smul.u32 $0x1800, s6;
	p2 =	sne.s32 s6, $0x17  }
.Ltmp82:
0x8a5: {  	_ = 	snop;
	(pc) =	sbr.rel @p2 .LBB2_143-.Ltmp82, $4  }
0x8a6: {  	s11 =	sadd.s32 s0, s5  }
0x8a7: {  	s11 =	sshrl.u32 s11, $0x3  }
0x8a8: {  	s11 =	sadd.s32 s1, s11  }
0x8a9: {  	[hbm4b:s11+s3] =	stream.linear.scatter [tilespmem:s17], [sflag:$0x3], $0xC00, $0x38;
	[tilespmem:$0x1FF00] =	vst v63  }
.Ltmp83:
0x8aa: {  	(pc) =	sbr.rel .LBB2_144-.Ltmp83, $4  }
0x8ab: {  	_ = 	snop  }
0x8ac: {  	_ =	swait.ge [sflag:s20], $0xC00  }
0x8ad: {  	[sflag:s20] =	ssyncset.done $0x0  }
0x8ae: {  	[sflag:s20] =	ssyncadd.s32 $0xFFFFF400  }
.LBB2_143:
0x8af: {  	s11 =	sshrl.u32 s8, $0x3  }
0x8b0: {  	s11 =	smul.u32 $0x3000, s11;
	_ =	sdelay $0x1  }
0x8b1: {  	s11 =	sadd.s32 $0x6000, s11  }
0x8b2: {  	s11 =	sshra.s32 s11, $0x2  }
0x8b3: {  	s11 =	sadd.s32 s11, s2  }
.Ltmp84:
0x8b4: {  	s11 =	sadd.s32 $0x24000, s11;
	(pc) =	sbr.rel @p1 .LBB2_145-.Ltmp84, $4  }
0x8b5: {  	[tilespmem:s7], [sflag:$0x1] =	stream.linear.gather [spmem:s11], $0xC00, $0x38;
	[tilespmem:$0x1FF00] =	vst v63  }
0x8b6: {  	_ =	swait.ge [sflag:s20], $0xC00  }
0x8b7: {  	[sflag:s20] =	ssyncset.done $0x0  }
0x8b8: {  	[sflag:s20] =	ssyncadd.s32 $0xFFFFF400  }
.LBB2_144:
0x8b9: {  	_ =	swait.ge [sflag:s23], $0xC00  }
0x8ba: {  	[sflag:s23] =	ssyncset.done $0x0  }
0x8bb: {  	[sflag:s23] =	ssyncadd.s32 $0xFFFFF400  }
.LBB2_145:
0x8bc: {  	s15 =	simm.s32 $0x0;
	s11 =	simm.s32 $0x1AB40  }
0x8bd: {  	s25 =	simm.s32 $0x19340;
	s12 =	simm.s32 $0x1ABF0;
	s13 =	simm.s32 $0x193F0  }
.LBB2_146:
0x8be: {  	v0 =	vld [tilespmem:s25+$0x30]  }
0x8bf: {  	v1 =	vld [tilespmem:s25+$0xFFFFFFD0]  }
0x8c0: {  	v2 =	vld [tilespmem:s25+$0xFFFFFFE0]  }
0x8c1: {  	v3 =	vld [tilespmem:s25+$0xFFFFFFF0]  }
0x8c2: {  	v4 =	vld [tilespmem:s25+$0x0]  }
0x8c3: {  	v5 =	vld [tilespmem:s25+$0x10]  }
0x8c4: {  	v6 =	vld [tilespmem:s25+$0xFFFFFFC0]  }
0x8c5: {  	v7 =	vld [tilespmem:s25+$0x20];
	s16 =	sadd.s32 $0x400, s25  }
0x8c6: {  	v8 =	vld [tilespmem:s16+$0x30]  }
0x8c7: {  	v10 =	vld [tilespmem:s16+$0xFFFFFFE0]  }
0x8c8: {  	v0 =	vmul.f32 $1.000000000e+05, v0;
	v1 =	vmul.f32 $1.000000000e+05, v1  }
0x8c9: {  	v2 =	vmul.f32 $1.000000000e+05, v2;
	v3 =	vmul.f32 $1.000000000e+05, v3  }
0x8ca: {  	v4 =	vmul.f32 $1.000000000e+05, v4;
	v5 =	vmul.f32 $1.000000000e+05, v5  }
0x8cb: {  	v6 =	vmul.f32 $1.000000000e+05, v6;
	v7 =	vmul.f32 $1.000000000e+05, v7  }
0x8cc: {  	v8 =	vmul.f32 $1.000000000e+05, v8;
	v10 =	vmul.f32 $1.000000000e+05, v10  }
0x8cd: {  	v0 =	vtrunc.f32 v0;
	v1 =	vtrunc.f32 v1  }
0x8ce: {  	v2 =	vtrunc.f32 v2;
	v3 =	vtrunc.f32 v3  }
0x8cf: {  	v9 =	vld [tilespmem:s16+$0xFFFFFFD0];
	v6 =	vtrunc.f32 v6;
	v0 =	vcvt.f32.s32 v0  }
0x8d0: {  	v11 =	vld [tilespmem:s16+$0xFFFFFFF0];
	v4 =	vtrunc.f32 v4;
	v6 =	vcvt.f32.s32 v6  }
0x8d1: {  	v12 =	vld [tilespmem:s16+$0x10];
	v5 =	vtrunc.f32 v5;
	v1 =	vcvt.f32.s32 v1  }
0x8d2: {  	v15 =	vld [tilespmem:s16+$0xFFFFFFC0];
	v7 =	vtrunc.f32 v7;
	v2 =	vcvt.f32.s32 v2  }
0x8d3: {  	v3 =	vcvt.f32.s32 v3;
	v13 =	vcvt.f32.s32 v4;
	v4 =	vld [tilespmem:s16+$0x0]  }
0x8d4: {  	v14 =	vcvt.f32.s32 v7;
	v7 =	vmul.f32 $1.000000000e+05, v9;
	v9 =	vld [tilespmem:s16+$0x20]  }
0x8d5: {  	v5 =	vcvt.f32.s32 v5;
	v8 =	vtrunc.f32 v8;
	v0 =	vld.idx.msk [tilespmem:v0+s3+$0x0], $0xffff  }
0x8d6: {  	v11 =	vmul.f32 $1.000000000e+05, v11;
	v8 =	vcvt.f32.s32 v8;
	v16 =	vld.idx.msk [tilespmem:v6+s3+$0x0], $0xffff  }
0x8d7: {  	v18 =	vtrunc.f32 v10;
	v10 =	vmul.f32 $1.000000000e+05, v12;
	v17 =	vld.idx.msk [tilespmem:v1+s3+$0x0], $0xffff  }
0x8d8: {  	v6 =	vtrunc.f32 v7;
	v7 =	vmul.f32 $1.000000000e+05, v4;
	v4 =	vld.idx.msk [tilespmem:v2+s3+$0x0], $0xffff  }
0x8d9: {  	v15 =	vmul.f32 $1.000000000e+05, v15;
	v9 =	vmul.f32 $1.000000000e+05, v9;
	v1 =	vld.idx.msk [tilespmem:v3+s3+$0x0], $0xffff  }
0x8da: {  	v11 =	vtrunc.f32 v11;
	v10 =	vtrunc.f32 v10;
	v2 =	vld.idx.msk [tilespmem:v13+s3+$0x0], $0xffff  }
0x8db: {  	v3 =	vld.idx.msk [tilespmem:v5+s3+$0x0], $0xffff;
	v5 =	vtrunc.f32 v15;
	v9 =	vtrunc.f32 v9;
	[tilespmem:s11+$0x30] =	vst v0  }
0x8dc: {  	s19 =	simm.s32 $0x80;
	v6 =	vcvt.f32.s32 v6;
	v12 =	vtrunc.f32 v7;
	v0 =	vld.idx.msk [tilespmem:v8+s3+$0x0], $0xffff;
	[tilespmem:s11+$0xFFFFFFC0] =	vst v16  }
0x8dd: {  	s18 =	smov.u32 s11;
	s21 =	sadd.s32 $0x400, s16;
	s16 =	smov.u32 s11;
	v7 =	vcvt.f32.s32 v18;
	v8 =	vcvt.f32.s32 v5;
	[tilespmem:s11+$0xFFFFFFD0] =	vst v17;
	v5 =	vld.idx.msk [tilespmem:v14+s3+$0x0], $0xffff  }
.LBB2_147:
0x8de: {  	v13 =	vld [tilespmem:s21+$0x30];
	s19 =	sadd.s32 $0x80, s19;
	v14 =	vcvt.f32.s32 v11;
	v15 =	vcvt.f32.s32 v12;
	[tilespmem:s18+$0xFFFFFFE0] =	vst v4  }
0x8df: {  	v16 =	vcvt.f32.s32 v10;
	v17 =	vcvt.f32.s32 v9;
	v4 =	vld [tilespmem:s21+$0xFFFFFFD0];
	p1 =	slt.u32 s19, $0x100;
	[tilespmem:s18+$0xFFFFFFF0] =	vst v1  }
0x8e0: {  	v1 =	vld [tilespmem:s21+$0xFFFFFFE0];
	[tilespmem:s18+$0x0] =	vst v2  }
0x8e1: {  	s18 =	sadd.s32 $0x400, s18;
	v2 =	vld [tilespmem:s21+$0xFFFFFFF0];
	[tilespmem:s16+$0x10] =	vst v3  }
0x8e2: {  	v3 =	vld [tilespmem:s21+$0x0];
	[tilespmem:s18+$0x30] =	vst v0  }
0x8e3: {  	v0 =	vld [tilespmem:s21+$0x10];
	v9 =	vmul.f32 $1.000000000e+05, v13;
	[tilespmem:s16+$0x20] =	vst v5;
	s16 =	smov.u32 s18  }
0x8e4: {  	v4 =	vmul.f32 $1.000000000e+05, v4;
	v5 =	vld [tilespmem:s21+$0x20]  }
0x8e5: {  	v10 =	vld [tilespmem:s21+$0xFFFFFFC0];
	v1 =	vmul.f32 $1.000000000e+05, v1;
	v9 =	vtrunc.f32 v9  }
0x8e6: {  	v2 =	vmul.f32 $1.000000000e+05, v2;
	v13 =	vcvt.f32.s32 v9;
	v8 =	vld.idx.msk [tilespmem:v8+s3+$0x0], $0xffff  }
0x8e7: {  	v18 =	vtrunc.f32 v4;
	v3 =	vmul.f32 $1.000000000e+05, v3;
	v19 =	vld.idx.msk [tilespmem:v6+s3+$0x0], $0xffff  }
0x8e8: {  	v20 =	vtrunc.f32 v1;
	v0 =	vmul.f32 $1.000000000e+05, v0;
	v4 =	vld.idx.msk [tilespmem:v7+s3+$0x0], $0xffff  }
.Ltmp85:
0x8e9: {  	v11 =	vtrunc.f32 v2;
	v5 =	vmul.f32 $1.000000000e+05, v5;
	v1 =	vld.idx.msk [tilespmem:v14+s3+$0x0], $0xffff;
	(pc) =	sbr.rel @p1 .LBB2_147-.Ltmp85, $4  }
0x8ea: {  	v12 =	vtrunc.f32 v3;
	v6 =	vmul.f32 $1.000000000e+05, v10;
	v2 =	vld.idx.msk [tilespmem:v15+s3+$0x0], $0xffff  }
0x8eb: {  	v10 =	vtrunc.f32 v0;
	v9 =	vtrunc.f32 v5;
	v3 =	vld.idx.msk [tilespmem:v16+s3+$0x0], $0xffff  }
0x8ec: {  	v5 =	vtrunc.f32 v6;
	v6 =	vcvt.f32.s32 v18;
	v0 =	vld.idx.msk [tilespmem:v13+s3+$0x0], $0xffff;
	[tilespmem:s18+$0xFFFFFFC0] =	vst v8  }
0x8ed: {  	s21 =	sadd.s32 $0x400, s21;
	v7 =	vcvt.f32.s32 v20;
	v8 =	vcvt.f32.s32 v5;
	[tilespmem:s18+$0xFFFFFFD0] =	vst v19;
	v5 =	vld.idx.msk [tilespmem:v17+s3+$0x0], $0xffff  }
0x8ee: {  	v13 =	vld [tilespmem:s13+$0x0]  }
0x8ef: {  	v14 =	vld [tilespmem:s13+$0xFFFFFFA0]  }
0x8f0: {  	v15 =	vld [tilespmem:s13+$0xFFFFFFB0]  }
0x8f1: {  	v16 =	vld [tilespmem:s13+$0xFFFFFFC0]  }
0x8f2: {  	v17 =	vld [tilespmem:s13+$0xFFFFFFD0]  }
0x8f3: {  	v18 =	vld [tilespmem:s13+$0xFFFFFFE0]  }
0x8f4: {  	v19 =	vld [tilespmem:s13+$0xFFFFFF90]  }
0x8f5: {  	v20 =	vld [tilespmem:s13+$0xFFFFFFF0]  }
0x8f6: {  	s21 =	sadd.s32 $0x400, s13;
	v8 =	vld.idx.msk [tilespmem:v8+s3+$0x0], $0xffff  }
0x8f7: {  	v11 =	vcvt.f32.s32 v11;
	v12 =	vcvt.f32.s32 v12;
	v53 =	vld [tilespmem:s21+$0x0]  }
0x8f8: {  	v10 =	vcvt.f32.s32 v10;
	v9 =	vcvt.f32.s32 v9;
	v56 =	vld [tilespmem:s21+$0xFFFFFFB0]  }
0x8f9: {  	v13 =	vmul.f32 $1.000000000e+05, v13;
	v14 =	vmul.f32 $1.000000000e+05, v14  }
0x8fa: {  	v6 =	vld.idx.msk [tilespmem:v6+s3+$0x0], $0xffff;
	v15 =	vmul.f32 $1.000000000e+05, v15;
	v16 =	vmul.f32 $1.000000000e+05, v16  }
0x8fb: {  	v7 =	vld.idx.msk [tilespmem:v7+s3+$0x0], $0xffff;
	v17 =	vmul.f32 $1.000000000e+05, v17;
	v18 =	vmul.f32 $1.000000000e+05, v18  }
0x8fc: {  	[tilespmem:s18+$0xFFFFFFE0] =	vst v4;
	s19 =	sadd.s32 $0x400, s18;
	v55 =	vld [tilespmem:s21+$0xFFFFFFA0];
	v19 =	vmul.f32 $1.000000000e+05, v19;
	v4 =	vmul.f32 $1.000000000e+05, v20  }
0x8fd: {  	v58 =	vld [tilespmem:s21+$0xFFFFFFD0];
	v20 =	vmul.f32 $1.000000000e+05, v53;
	[tilespmem:s19+$0xFFFFFFC0] =	vst v8;
	v8 =	vmul.f32 $1.000000000e+05, v56  }
0x8fe: {  	v59 =	vld [tilespmem:s21+$0xFFFFFFF0];
	v13 =	vtrunc.f32 v13;
	v14 =	vtrunc.f32 v14  }
0x8ff: {  	[tilespmem:s16+$0x20] =	vst v5;
	v5 =	vld [tilespmem:s21+$0xFFFFFFE0];
	v15 =	vtrunc.f32 v15;
	v16 =	vtrunc.f32 v16  }
0x900: {  	[tilespmem:s19+$0xFFFFFFD0] =	vst v6;
	v6 =	vld [tilespmem:s21+$0xFFFFFF90];
	v54 =	vtrunc.f32 v19;
	v13 =	vcvt.f32.s32 v13  }
0x901: {  	[tilespmem:s18+$0x0] =	vst v2;
	v11 =	vld.idx.msk [tilespmem:v11+s3+$0x0], $0xffff;
	v2 =	vtrunc.f32 v4;
	v4 =	vcvt.f32.s32 v54  }
0x902: {  	[tilespmem:s16+$0x10] =	vst v3;
	v12 =	vld.idx.msk [tilespmem:v12+s3+$0x0], $0xffff;
	v17 =	vtrunc.f32 v17;
	v3 =	vcvt.f32.s32 v14  }
0x903: {  	[tilespmem:s18+$0xFFFFFFF0] =	vst v1;
	v1 =	vtrunc.f32 v18;
	v14 =	vcvt.f32.s32 v15;
	v15 =	vld [tilespmem:s21+$0xFFFFFFC0]  }
0x904: {  	[tilespmem:s19+$0x30] =	vst v0;
	v10 =	vld.idx.msk [tilespmem:v10+s3+$0x0], $0xffff;
	v0 =	vcvt.f32.s32 v16;
	v57 =	vcvt.f32.s32 v17  }
0x905: {  	v9 =	vld.idx.msk [tilespmem:v9+s3+$0x0], $0xffff;
	v1 =	vcvt.f32.s32 v1;
	v21 =	vcvt.f32.s32 v2  }
0x906: {  	v2 =	vmul.f32 $1.000000000e+05, v55;
	v60 =	vtrunc.f32 v20;
	v13 =	vld.idx.msk [tilespmem:v13+s3+$0x0], $0xffff  }
0x907: {  	[tilespmem:s19+$0xFFFFFFE0] =	vst v7;
	v63 =	vtrunc.f32 v8;
	v22 =	vmul.f32 $1.000000000e+05, v5;
	v4 =	vld.idx.msk [tilespmem:v4+s3+$0x0], $0xffff  }
0x908: {  	[tilespmem:s19+$0xFFFFFFF0] =	vst v11;
	v7 =	vmul.f32 $1.000000000e+05, v15;
	v15 =	vcvt.f32.s32 v60;
	v62 =	vld.idx.msk [tilespmem:v3+s3+$0x0], $0xffff  }
0x909: {  	v61 =	vtrunc.f32 v2;
	v11 =	vmul.f32 $1.000000000e+05, v58;
	[tilespmem:s19+$0x0] =	vst v12;
	v3 =	vld.idx.msk [tilespmem:v14+s3+$0x0], $0xffff  }
0x90a: {  	[tilespmem:s19+$0x10] =	vst v10;
	v10 =	vtrunc.f32 v22;
	v2 =	vld.idx.msk [tilespmem:v0+s3+$0x0], $0xffff;
	v0 =	vmul.f32 $1.000000000e+05, v6  }
0x90b: {  	[tilespmem:s19+$0x20] =	vst v9;
	v5 =	vld.idx.msk [tilespmem:v57+s3+$0x0], $0xffff;
	v8 =	vtrunc.f32 v7;
	v7 =	vmul.f32 $1.000000000e+05, v59  }
0x90c: {  	v12 =	vtrunc.f32 v11;
	v6 =	vld.idx.msk [tilespmem:v1+s3+$0x0], $0xffff;
	v1 =	vtrunc.f32 v0;
	[tilespmem:s12+$0x0] =	vst v13  }
0x90d: {  	s18 =	smov.u32 s12;
	v9 =	vld.idx.msk [tilespmem:v21+s3+$0x0], $0xffff;
	v0 =	vcvt.f32.s32 v61;
	v11 =	vtrunc.f32 v7;
	[tilespmem:s12+$0xFFFFFF90] =	vst v4  }
0x90e: {  	s16 =	smov.u32 s12;
	s21 =	sadd.s32 $0x400, s21;
	s19 =	simm.s32 $0x80;
	v7 =	vld.idx.msk [tilespmem:v15+s3+$0x0], $0xffff;
	v4 =	vcvt.f32.s32 v1;
	v1 =	vcvt.f32.s32 v63;
	[tilespmem:s12+$0xFFFFFFA0] =	vst v62  }
.LBB2_149:
0x90f: {  	v13 =	vld [tilespmem:s21+$0x0];
	s19 =	sadd.s32 $0x80, s19;
	v14 =	vcvt.f32.s32 v8;
	v15 =	vcvt.f32.s32 v12;
	[tilespmem:s18+$0xFFFFFFB0] =	vst v3  }
0x910: {  	v16 =	vcvt.f32.s32 v10;
	v17 =	vcvt.f32.s32 v11;
	v3 =	vld [tilespmem:s21+$0xFFFFFFA0];
	p1 =	slt.u32 s19, $0x100;
	[tilespmem:s18+$0xFFFFFFC0] =	vst v2  }
0x911: {  	v2 =	vld [tilespmem:s21+$0xFFFFFFB0];
	[tilespmem:s18+$0xFFFFFFD0] =	vst v5  }
0x912: {  	s18 =	sadd.s32 $0x400, s18;
	v5 =	vld [tilespmem:s21+$0xFFFFFFC0];
	[tilespmem:s16+$0xFFFFFFE0] =	vst v6  }
0x913: {  	v6 =	vld [tilespmem:s21+$0xFFFFFFD0];
	[tilespmem:s18+$0x0] =	vst v7  }
0x914: {  	v7 =	vld [tilespmem:s21+$0xFFFFFFE0];
	v8 =	vmul.f32 $1.000000000e+05, v13;
	[tilespmem:s16+$0xFFFFFFF0] =	vst v9;
	s16 =	smov.u32 s18  }
0x915: {  	v3 =	vmul.f32 $1.000000000e+05, v3;
	v9 =	vld [tilespmem:s21+$0xFFFFFFF0]  }
0x916: {  	v10 =	vld [tilespmem:s21+$0xFFFFFF90];
	v2 =	vmul.f32 $1.000000000e+05, v2;
	v8 =	vtrunc.f32 v8  }
0x917: {  	v5 =	vmul.f32 $1.000000000e+05, v5;
	v13 =	vcvt.f32.s32 v8;
	v4 =	vld.idx.msk [tilespmem:v4+s3+$0x0], $0xffff  }
0x918: {  	v18 =	vtrunc.f32 v3;
	v6 =	vmul.f32 $1.000000000e+05, v6;
	v19 =	vld.idx.msk [tilespmem:v0+s3+$0x0], $0xffff  }
0x919: {  	v20 =	vtrunc.f32 v2;
	v0 =	vmul.f32 $1.000000000e+05, v7;
	v3 =	vld.idx.msk [tilespmem:v1+s3+$0x0], $0xffff  }
.Ltmp86:
0x91a: {  	v8 =	vtrunc.f32 v5;
	v1 =	vmul.f32 $1.000000000e+05, v9;
	v2 =	vld.idx.msk [tilespmem:v14+s3+$0x0], $0xffff;
	(pc) =	sbr.rel @p1 .LBB2_149-.Ltmp86, $4  }
0x91b: {  	v12 =	vtrunc.f32 v6;
	v7 =	vmul.f32 $1.000000000e+05, v10;
	v5 =	vld.idx.msk [tilespmem:v15+s3+$0x0], $0xffff  }
0x91c: {  	v10 =	vtrunc.f32 v0;
	v11 =	vtrunc.f32 v1;
	v6 =	vld.idx.msk [tilespmem:v16+s3+$0x0], $0xffff  }
0x91d: {  	v0 =	vcvt.f32.s32 v18;
	v1 =	vtrunc.f32 v7;
	v7 =	vld.idx.msk [tilespmem:v13+s3+$0x0], $0xffff;
	[tilespmem:s18+$0xFFFFFF90] =	vst v4  }
0x91e: {  	s21 =	sadd.s32 $0x400, s21;
	v4 =	vcvt.f32.s32 v1;
	v1 =	vcvt.f32.s32 v20;
	[tilespmem:s18+$0xFFFFFFA0] =	vst v19;
	v9 =	vld.idx.msk [tilespmem:v17+s3+$0x0], $0xffff  }
0x91f: {  	_ = 	snop  }
0x920: {  	v8 =	vcvt.f32.s32 v8  }
0x921: {  	v12 =	vcvt.f32.s32 v12  }
0x922: {  	[tilespmem:s18+$0xFFFFFFB0] =	vst v3;
	v58 =	vcvt.f32.s32 v10  }
0x923: {  	v59 =	vcvt.f32.s32 v11;
	[tilespmem:s18+$0xFFFFFFC0] =	vst v2;
	v0 =	vld.idx.msk [tilespmem:v0+s3+$0x0], $0xffff  }
0x924: {  	v60 =	vld.idx.msk [tilespmem:v4+s3+$0x0], $0xffff;
	[tilespmem:s18+$0xFFFFFFD0] =	vst v5  }
0x925: {  	s19 =	sadd.s32 $0x400, s18;
	v1 =	vld.idx.msk [tilespmem:v1+s3+$0x0], $0xffff;
	[tilespmem:s16+$0xFFFFFFE0] =	vst v6  }
0x926: {  	[tilespmem:s19+$0x0] =	vst v7;
	v61 =	vld.idx.msk [tilespmem:v8+s3+$0x0], $0xffff  }
0x927: {  	[tilespmem:s16+$0xFFFFFFF0] =	vst v9;
	v62 =	vld.idx.msk [tilespmem:v12+s3+$0x0], $0xffff  }
0x928: {  	[tilespmem:s19+$0xFFFFFFA0] =	vst v0;
	v3 =	vld.idx.msk [tilespmem:v58+s3+$0x0], $0xffff  }
0x929: {  	p1 =	slt.u32 s15, $0x6;
	[tilespmem:s19+$0xFFFFFF90] =	vst v60;
	v63 =	vld.idx.msk [tilespmem:v59+s3+$0x0], $0xffff  }
.Ltmp87:
0x92a: {  	[tilespmem:s19+$0xFFFFFFB0] =	vst v1;
	(pc) =	sbr.rel @p1 .LBB2_146-.Ltmp87, $4  }
0x92b: {  	[tilespmem:s19+$0xFFFFFFC0] =	vst v61  }
0x92c: {  	[tilespmem:s19+$0xFFFFFFD0] =	vst v62  }
0x92d: {  	s21 =	sadd.s32 $0x2, s15;
	s11 =	sadd.s32 $0x100, s11;
	s25 =	sadd.s32 $0x100, s25;
	[tilespmem:s19+$0xFFFFFFE0] =	vst v3  }
0x92e: {  	s12 =	sadd.s32 $0x100, s12;
	s13 =	sadd.s32 $0x100, s13;
	s15 =	smov.u32 s21;
	[tilespmem:s19+$0xFFFFFFF0] =	vst v63  }
0x92f: {  	p1 =	seq.s32 s6, $0x17  }
.Ltmp88:
0x930: {  	_ = 	snop;
	(pc) =	sbr.rel @p1 .LBB2_153-.Ltmp88, $4  }
0x931: {  	s5 =	sadd.s32 s4, s5  }
0x932: {  	s5 =	sshrl.u32 s5, $0x3  }
0x933: {  	s5 =	sadd.s32 s1, s5  }
0x934: {  	[hbm4b:s5+s3] =	stream.linear.scatter [tilespmem:s24], [sflag:$0x4], $0xC00, $0x38;
	[tilespmem:$0x1FF00] =	vst v63  }
0x935: {  	s5 =	sadd.s32 $0x18, s8  }
0x936: {  	s5 =	sshrl.u32 s5, $0x3  }
0x937: {  	s5 =	smul.u32 $0x3000, s5  }
.Ltmp89:
0x938: {  	_ = 	snop;
	(pc) =	sbr.rel .LBB2_135-.Ltmp89, $4  }
0x939: {  	s5 =	sshra.s32 s5, $0x2  }
0x93a: {  	s5 =	sadd.s32 s5, s2  }
0x93b: {  	s6 =	sadd.s32 $0x1, s6;
	s5 =	sadd.s32 $0x24000, s5  }
0x93c: {  	[tilespmem:s10], [sflag:$0x2] =	stream.linear.gather [spmem:s5], $0xC00, $0x38;
	[tilespmem:$0x1FF00] =	vst v63  }
.LBB2_154:
0x93d: {  	_ =	sfence.sel $0x180000  }
0x93e: {  	[bflag:$0x0] =	sbarrier.arrive $0xFFFF  }
0x93f: {  	_ =	strace $0x90000047  }
0x940: {  	[bflag:$0x2] =	sbarrier.arrive $0xFFFF  }
0x941: {  	s0 =	rddreg [dreg:$0x4]  }
0x942: {  	s0 =	sadd.s32 @!p0 $0x100000, s0  }
0x943: {  	[sflag:s0] =	ssyncadd.tile.s32 @!p0 $0x1;
	_ =	shalt  }
.Lfunc_end2:
_tile_overlayer_lowered:
.L_overlay_start_2:
0x944: {  	(tag) =	ssettag $0x2  }
0x945: {  	s0 =	rddreg [dreg:$0x0];
	s2 =	stileid.u32  }
0x946: {  	s1 =	rddreg [dreg:$0x1];
	p0 =	sne.s32 s2, $0x0  }
0x947: {  	s3 =	rddreg [dreg:$0x2];
	[bflag:$0x3] =	sbarrier.arrive $0xFFFF;
	s2 =	simm.s32 @!p0 $0x1C06  }
0x948: {  	[timem:s3], [sflag:s2] =	dma.local @!p0 [hbm:s0], s1  }
0x949: {  	s0 =	simm.s32 @!p0 $0x6  }
0x94a: {  	_ =	swait.ge @!p0 [sflag:s0], s1  }
0x94b: {  	s1 =	ssub.s32 @!p0 $0x0, s1;
	[sflag:s0] =	ssyncset.done @!p0 $0x0  }
0x94c: {  	[sflag:s0] =	ssyncadd.s32 @!p0 s1  }
0x94d: {  	[bflag:$0x3] =	sbarrier.arrive $0xFFFF  }
0x94e: {  	_ =	shalt  }

</sc_bundles>
